<compile_context>
chip_gen: v7x
topology: tpu7x:2x2x1
jax: 0.10.2.dev20260603
libtpu: 0.0.44.dev20260713+nightly
codegen_flags: <defaults>
</compile_context>

<pallas_src>
import dataclasses
import functools

import jax
import jax.numpy as jnp
import numpy as np
from jax import lax
from jax.experimental import pallas as pl
from jax.experimental.pallas import tpu as pltpu
from jax.experimental.pallas import tpu_sc as plsc

B = 4096
L = 200
D = 128
DW = D // 2
VOCAB = 100000
OUT = 2
NC = 2
NS = 16
NW = NC * NS
BPW = B // NW
SP1 = 104
SP2 = L - SP1
LANES = 16
NG = DW // LANES
UNROLL = 8


def _pack_table(table):
    ROWS = 10000

    def body(t_ref, o_ref):
        u = lax.bitcast_convert_type(
            t_ref[...].astype(jnp.bfloat16), jnp.uint16)
        v = u.reshape(ROWS // 2, 2 * D)
        def pack(lo, hi):
            return lo.astype(jnp.uint32) | (hi.astype(jnp.uint32) << 16)
        w_even = pack(v[:, 0:DW], v[:, DW:D])
        w_odd = pack(v[:, D:D + DW], v[:, D + DW:2 * D])
        out2 = jnp.concatenate([w_even, w_odd], axis=1)
        o_ref[...] = lax.bitcast_convert_type(out2, jnp.int32).reshape(-1)

    return pl.pallas_call(
        body,
        grid=(VOCAB // ROWS,),
        in_specs=[pl.BlockSpec((ROWS, D), lambda i: (i, 0))],
        out_specs=pl.BlockSpec((ROWS * DW,), lambda i: (i,)),
        out_shape=jax.ShapeDtypeStruct((VOCAB * DW,), jnp.int32),
    )(table)


def _pool_sums(x_flat, table_i32):
    mesh = plsc.VectorSubcoreMesh(core_axis_name="c", subcore_axis_name="s")
    cp = pltpu.CompilerParams()
    if "needs_layout_passes" in pltpu.CompilerParams.__dataclass_fields__:
        cp = dataclasses.replace(cp, needs_layout_passes=False)
    if "use_tc_tiling_on_sc" in pltpu.CompilerParams.__dataclass_fields__:
        cp = dataclasses.replace(cp, use_tc_tiling_on_sc=False)

    @functools.partial(
        pl.kernel,
        out_type=jax.ShapeDtypeStruct((B * D,), jnp.float32),
        mesh=mesh,
        compiler_params=cp,
        scratch_types=[
            pltpu.VMEM((BPW * L,), jnp.int32),
            pltpu.VMEM((4, L, DW), jnp.int32),
            pltpu.VMEM((BPW * D,), jnp.float32),
            pltpu.SemaphoreType.DMA,
            pltpu.SemaphoreType.DMA,
            pltpu.SemaphoreType.DMA,
            pltpu.SemaphoreType.DMA,
        ],
    )
    def k(x_hbm, table_hbm, out_hbm, idx_v, rows_v, acc_v,
          sem0, sem1, sem2, sem3):
        wid = lax.axis_index("s") * NC + lax.axis_index("c")
        base = wid * BPW
        pltpu.sync_copy(x_hbm.at[pl.ds(base * L, BPW * L)], idx_v)
        sems = (sem0, sem1, sem2, sem3)
        mask_hi = jnp.full((LANES,), -65536, jnp.int32)

        def start(r, buf):
            off = r * L
            pltpu.async_copy(
                table_hbm.at[idx_v.at[pl.ds(off, SP1)]],
                rows_v.at[buf, pl.ds(0, SP1)], sems[buf])
            pltpu.async_copy(
                table_hbm.at[idx_v.at[pl.ds(off + SP1, SP2)]],
                rows_v.at[buf, pl.ds(SP1, SP2)], sems[buf])

        def wait(buf):
            pltpu.make_async_copy(
                table_hbm.at[pl.ds(0, L)], rows_v.at[buf], sems[buf]).wait()

        def process(r, buf):
            rv = rows_v.at[buf]

            def body(i, accs):
                t0 = i * UNROLL
                for u in range(UNROLL):
                    accs = tuple(
                        accs[c] + plsc.bitcast(
                            rv[t0 + u, pl.ds(c * LANES, LANES)],
                            jnp.bfloat16)
                        for c in range(NG))
                return accs

            accs = lax.fori_loop(
                0, L // UNROLL, body,
                tuple(jnp.zeros((2 * LANES,), jnp.bfloat16)
                      for _ in range(NG)))
            for c in range(NG):
                w = plsc.bitcast(accs[c], jnp.int32)
                lo = plsc.bitcast(w << 16, jnp.float32)
                hi = plsc.bitcast(w & mask_hi, jnp.float32)
                acc_v[pl.ds(r * D + 2 * c * LANES, LANES)] = lo
                acc_v[pl.ds(r * D + (2 * c + 1) * LANES, LANES)] = hi

        NBUF = 4
        MAIN = ((BPW - NBUF) // NBUF) * NBUF
        for b in range(NBUF):
            start(b, b)

        @pl.loop(0, MAIN, step=NBUF)
        def _(i):
            for b in range(NBUF):
                wait(b)
                process(i + b, b)
                start(i + NBUF + b, b)

        for r in range(MAIN, BPW):
            b = (r - MAIN) % NBUF
            wait(b)
            process(r, b)
            if r + NBUF < BPW:
                start(r + NBUF, b)

        pltpu.sync_copy(acc_v, out_hbm.at[pl.ds(base * D, BPW * D)])

    return k(x_flat, table_i32)


def _head(sums, length2d, w_pad, b_pad):
    BLK = 512

    def body(p_ref, l_ref, w_ref, b_ref, o_ref):
        p = p_ref[...] / l_ref[...]
        z = jnp.dot(p, w_ref[...], preferred_element_type=jnp.float32)
        o_ref[...] = 1.0 / (1.0 + jnp.exp(-(z + b_ref[...])))

    return pl.pallas_call(
        body,
        grid=(B // BLK,),
        in_specs=[
            pl.BlockSpec((BLK, D), lambda i: (i, 0)),
            pl.BlockSpec((BLK, 1), lambda i: (i, 0)),
            pl.BlockSpec((D, D), lambda i: (0, 0)),
            pl.BlockSpec((1, D), lambda i: (0, 0)),
        ],
        out_specs=pl.BlockSpec((BLK, D), lambda i: (i, 0)),
        out_shape=jax.ShapeDtypeStruct((B, D), jnp.float32),
    )(sums, length2d, w_pad, b_pad)


PERM = np.empty((D,), np.int32)
for _c in range(NG):
    for _j in range(LANES):
        PERM[32 * _c + _j] = 16 * _c + _j
        PERM[32 * _c + LANES + _j] = 64 + 16 * _c + _j


def kernel(x, length, embed_table, W, b):
    x_flat = x.reshape(-1)
    table_i32 = _pack_table(embed_table).reshape(VOCAB, DW)
    sums = _pool_sums(x_flat, table_i32).reshape(B, D)
    w_pad = jnp.zeros((D, D), jnp.float32).at[:, :OUT].set(W.T)
    w_perm = w_pad[PERM, :]
    b_pad = jnp.zeros((1, D), jnp.float32).at[0, :OUT].set(b)
    out = _head(sums, length.reshape(B, 1), w_perm, b_pad)
    return out[:, :OUT]

# --- scband reference (transcript-rebuilt; emitter-appended) ---
"""Pipeline reference for scband-embedding-32126355374879 (READ-ONLY COPY).

The authoritative reference and input builder live on the scoring server;
editing this copy changes nothing except your own understanding.
"""

import jax, jax.numpy as jnp
import numpy as np

VOCAB = 100000
D = 128
B = 4096
L = 200
CLASS_OUT = 2

def setup_inputs(seed: int = 0) -> dict:
    key = jax.random.key(seed)
    k_x, k_len, k_emb, k_w, k_b = jax.random.split(key, 5)
    x = jax.random.randint(k_x, (B, L), 0, VOCAB, dtype=jnp.int64 if jax.config.jax_enable_x64 else jnp.int32).astype(jnp.int32)
    # lengths: positive floats (avoid div-by-zero); scaled to realistic sentence lengths
    length = jax.random.uniform(k_len, (B,), dtype=jnp.float32) * (L - 1) + 1.0
    embed_table = jax.random.normal(k_emb, (VOCAB, D), dtype=jnp.float32) * 0.02
    # padding_idx=0 -> zero row, matching nn.Embedding(padding_idx=0)
    embed_table = embed_table.at[0].set(0.0)
    W = jax.random.normal(k_w, (CLASS_OUT, D), dtype=jnp.float32) * (1.0 / np.sqrt(D))
    b = jnp.zeros((CLASS_OUT,), dtype=jnp.float32)
    return {"x": x, "length": length, "embed_table": embed_table, "W": W, "b": b}

def reference(x, length, embed_table, W, b):
    # word embeddings -> sum over time -> divide by length (average pooling)
    embed_word = jnp.take(embed_table, x, axis=0)          # [B, L, D] gather
    out = jnp.sum(embed_word, axis=1)                      # [B, D]
    length_s = length[:, None]                             # [B, 1] broadcast like expand
    out = out / length_s                                   # average pooling
    out = out.reshape((x.shape[0], -1))                    # [B, D]
    out = out @ W.T + b                                    # Linear(word_vec_dim, 2)
    out = jax.nn.sigmoid(out)                              # Sigmoid
    return out

if __name__ == "__main__":
    import jax
    _d = setup_inputs()
    print(jax.jit(kernel)(*tuple(_d.values())))

</pallas_src>

<mosaic_0001>
#map = affine_map<(d0, d1) -> (0)>
#map1 = affine_map<(d0, d1) -> (0, 0)>
module attributes {stable_mosaic.version = 14 : i64} {
  func.func @k(%arg0: i32, %arg1: i32, %arg2: memref<819200xi32, #tpu.memory_space<hbm>>, %arg3: memref<100000x64xi32, #tpu.memory_space<hbm>>, %arg4: memref<524288xf32, #tpu.memory_space<hbm>>, %arg5: memref<25600xi32, #tpu.memory_space<vmem>>, %arg6: memref<4x200x64xi32, #tpu.memory_space<vmem>>, %arg7: memref<16384xf32, #tpu.memory_space<vmem>>, %arg8: memref<!tpu.dma_semaphore, #tpu.memory_space<semaphore_mem>>, %arg9: memref<!tpu.dma_semaphore, #tpu.memory_space<semaphore_mem>>, %arg10: memref<!tpu.dma_semaphore, #tpu.memory_space<semaphore_mem>>, %arg11: memref<!tpu.dma_semaphore, #tpu.memory_space<semaphore_mem>>) attributes {dimension_semantics = [#tpu.dimension_semantics<core_parallel>, #tpu.dimension_semantics<subcore_parallel>], iteration_bounds = array<i64: 2, 16>, scalar_prefetch = 0 : i64, scratch_operands = 7 : i64, tpu.core_type = #tpu.core_type<sc_vector_subcore>, window_params = [{transform_indices = #map}, {transform_indices = #map1}, {transform_indices = #map}]} {
    %mul3A = arith.constant 2 : i32
    %mul3A_0 = arith.muli %arg1, %mul3A : i32
    %add3A = arith.addi %mul3A_0, %arg0 : i32
    %mul3A_1 = arith.constant 128 : i32
    %mul3A_2 = arith.muli %add3A, %mul3A_1 : i32
    %mul3A_3 = arith.constant 200 : i32
    %mul3A_4 = arith.muli %mul3A_2, %mul3A_3 : i32
    "tpu.region"() ({
      %run_scoped3A = tpu.sem_alloc : memref<!tpu.dma_semaphore, #tpu.memory_space<semaphore_mem>>
      %dma_start3A_382 = tpu.memref_slice %arg2[%mul3A_4] : memref<819200xi32, #tpu.memory_space<hbm>> -> memref<25600xi32, #tpu.memory_space<hbm>>
      %dma_start3A_383 = tpu.memref_slice %arg2[%mul3A_4] : memref<819200xi32, #tpu.memory_space<hbm>> -> memref<25600xi32, #tpu.memory_space<hbm>>
      tpu.enqueue_dma source(%dma_start3A_383 : memref<25600xi32, #tpu.memory_space<hbm>>) target(%arg5 : memref<25600xi32, #tpu.memory_space<vmem>>) target_semaphore(%run_scoped3A : memref<!tpu.dma_semaphore, #tpu.memory_space<semaphore_mem>>)
      %dma_wait3A_384 = tpu.memref_slice %arg2[%mul3A_4] : memref<819200xi32, #tpu.memory_space<hbm>> -> memref<25600xi32, #tpu.memory_space<hbm>>
      %dma_wait3A_385 = tpu.memref_slice %arg2[%mul3A_4] : memref<819200xi32, #tpu.memory_space<hbm>> -> memref<25600xi32, #tpu.memory_space<hbm>>
      tpu.wait_dma2 semaphore(%run_scoped3A : memref<!tpu.dma_semaphore, #tpu.memory_space<semaphore_mem>>) src(%dma_wait3A_385 : memref<25600xi32, #tpu.memory_space<hbm>>) dst(%arg5 : memref<25600xi32, #tpu.memory_space<vmem>>)
      tpu.yield
    }) : () -> ()
    %broadcast_in_dim3A = arith.constant -65536 : i32
    %broadcast_in_dim3A_5 = vector.broadcast %broadcast_in_dim3A : i32 to vector<16xi32>
    %dma_start3A = arith.constant 0 : i32
    %dma_start3A_6 = arith.constant 0 : i32
    %dma_start3A_7 = arith.constant 0 : i32
    %dma_start3A_8 = tpu.memref_slice %arg6[%dma_start3A, %dma_start3A_6, %dma_start3A_7] : memref<4x200x64xi32, #tpu.memory_space<vmem>> -> memref<1x104x64xi32, #tpu.memory_space<vmem>>
    %dma_start3A_9 = tpu.memref_squeeze %dma_start3A_8 : memref<1x104x64xi32, #tpu.memory_space<vmem>> -> memref<104x64xi32, #tpu.memory_space<vmem>>
    %dma_start3A_10 = arith.constant 0 : i32
    %dma_start3A_11 = tpu.memref_slice %arg5[%dma_start3A_10] : memref<25600xi32, #tpu.memory_space<vmem>> -> memref<104xi32, #tpu.memory_space<vmem>>
    %dma_start3A_12 = arith.constant 0 : i32
    %dma_start3A_13 = arith.constant 0 : i32
    %dma_start3A_14 = tpu.memref_slice %arg3[%dma_start3A_12, %dma_start3A_13] : memref<100000x64xi32, #tpu.memory_space<hbm>> -> memref<100000x64xi32, #tpu.memory_space<hbm>>
    tpu.enqueue_indirect_dma source(%dma_start3A_14 : memref<100000x64xi32, #tpu.memory_space<hbm>>) target(%dma_start3A_9 : memref<104x64xi32, #tpu.memory_space<vmem>>) offsets(%dma_start3A_11 : memref<104xi32, #tpu.memory_space<vmem>>) semaphore(%arg8 : memref<!tpu.dma_semaphore, #tpu.memory_space<semaphore_mem>>)
    %dma_start3A_15 = arith.constant 0 : i32
    %dma_start3A_16 = arith.constant 104 : i32
    %dma_start3A_17 = arith.constant 0 : i32
    %dma_start3A_18 = tpu.memref_slice %arg6[%dma_start3A_15, %dma_start3A_16, %dma_start3A_17] : memref<4x200x64xi32, #tpu.memory_space<vmem>> -> memref<1x96x64xi32, #tpu.memory_space<vmem>>
    %dma_start3A_19 = tpu.memref_squeeze %dma_start3A_18 : memref<1x96x64xi32, #tpu.memory_space<vmem>> -> memref<96x64xi32, #tpu.memory_space<vmem>>
    %dma_start3A_20 = arith.constant 104 : i32
    %dma_start3A_21 = tpu.memref_slice %arg5[%dma_start3A_20] : memref<25600xi32, #tpu.memory_space<vmem>> -> memref<96xi32, #tpu.memory_space<vmem>>
    %dma_start3A_22 = arith.constant 0 : i32
    %dma_start3A_23 = arith.constant 0 : i32
    %dma_start3A_24 = tpu.memref_slice %arg3[%dma_start3A_22, %dma_start3A_23] : memref<100000x64xi32, #tpu.memory_space<hbm>> -> memref<100000x64xi32, #tpu.memory_space<hbm>>
    tpu.enqueue_indirect_dma source(%dma_start3A_24 : memref<100000x64xi32, #tpu.memory_space<hbm>>) target(%dma_start3A_19 : memref<96x64xi32, #tpu.memory_space<vmem>>) offsets(%dma_start3A_21 : memref<96xi32, #tpu.memory_space<vmem>>) semaphore(%arg8 : memref<!tpu.dma_semaphore, #tpu.memory_space<semaphore_mem>>)
    %dma_start3A_25 = arith.constant 1 : i32
    %dma_start3A_26 = arith.constant 0 : i32
    %dma_start3A_27 = arith.constant 0 : i32
    %dma_start3A_28 = tpu.memref_slice %arg6[%dma_start3A_25, %dma_start3A_26, %dma_start3A_27] : memref<4x200x64xi32, #tpu.memory_space<vmem>> -> memref<1x104x64xi32, #tpu.memory_space<vmem>>
    %dma_start3A_29 = tpu.memref_squeeze %dma_start3A_28 : memref<1x104x64xi32, #tpu.memory_space<vmem>> -> memref<104x64xi32, #tpu.memory_space<vmem>>
    %dma_start3A_30 = arith.constant 200 : i32
    %dma_start3A_31 = tpu.memref_slice %arg5[%dma_start3A_30] : memref<25600xi32, #tpu.memory_space<vmem>> -> memref<104xi32, #tpu.memory_space<vmem>>
    %dma_start3A_32 = arith.constant 0 : i32
    %dma_start3A_33 = arith.constant 0 : i32
    %dma_start3A_34 = tpu.memref_slice %arg3[%dma_start3A_32, %dma_start3A_33] : memref<100000x64xi32, #tpu.memory_space<hbm>> -> memref<100000x64xi32, #tpu.memory_space<hbm>>
    tpu.enqueue_indirect_dma source(%dma_start3A_34 : memref<100000x64xi32, #tpu.memory_space<hbm>>) target(%dma_start3A_29 : memref<104x64xi32, #tpu.memory_space<vmem>>) offsets(%dma_start3A_31 : memref<104xi32, #tpu.memory_space<vmem>>) semaphore(%arg9 : memref<!tpu.dma_semaphore, #tpu.memory_space<semaphore_mem>>)
    %dma_start3A_35 = arith.constant 1 : i32
    %dma_start3A_36 = arith.constant 104 : i32
    %dma_start3A_37 = arith.constant 0 : i32
    %dma_start3A_38 = tpu.memref_slice %arg6[%dma_start3A_35, %dma_start3A_36, %dma_start3A_37] : memref<4x200x64xi32, #tpu.memory_space<vmem>> -> memref<1x96x64xi32, #tpu.memory_space<vmem>>
    %dma_start3A_39 = tpu.memref_squeeze %dma_start3A_38 : memref<1x96x64xi32, #tpu.memory_space<vmem>> -> memref<96x64xi32, #tpu.memory_space<vmem>>
    %dma_start3A_40 = arith.constant 304 : i32
    %dma_start3A_41 = tpu.memref_slice %arg5[%dma_start3A_40] : memref<25600xi32, #tpu.memory_space<vmem>> -> memref<96xi32, #tpu.memory_space<vmem>>
    %dma_start3A_42 = arith.constant 0 : i32
    %dma_start3A_43 = arith.constant 0 : i32
    %dma_start3A_44 = tpu.memref_slice %arg3[%dma_start3A_42, %dma_start3A_43] : memref<100000x64xi32, #tpu.memory_space<hbm>> -> memref<100000x64xi32, #tpu.memory_space<hbm>>
    tpu.enqueue_indirect_dma source(%dma_start3A_44 : memref<100000x64xi32, #tpu.memory_space<hbm>>) target(%dma_start3A_39 : memref<96x64xi32, #tpu.memory_space<vmem>>) offsets(%dma_start3A_41 : memref<96xi32, #tpu.memory_space<vmem>>) semaphore(%arg9 : memref<!tpu.dma_semaphore, #tpu.memory_space<semaphore_mem>>)
    %dma_start3A_45 = arith.constant 2 : i32
    %dma_start3A_46 = arith.constant 0 : i32
    %dma_start3A_47 = arith.constant 0 : i32
    %dma_start3A_48 = tpu.memref_slice %arg6[%dma_start3A_45, %dma_start3A_46, %dma_start3A_47] : memref<4x200x64xi32, #tpu.memory_space<vmem>> -> memref<1x104x64xi32, #tpu.memory_space<vmem>>
    %dma_start3A_49 = tpu.memref_squeeze %dma_start3A_48 : memref<1x104x64xi32, #tpu.memory_space<vmem>> -> memref<104x64xi32, #tpu.memory_space<vmem>>
    %dma_start3A_50 = arith.constant 400 : i32
    %dma_start3A_51 = tpu.memref_slice %arg5[%dma_start3A_50] : memref<25600xi32, #tpu.memory_space<vmem>> -> memref<104xi32, #tpu.memory_space<vmem>>
    %dma_start3A_52 = arith.constant 0 : i32
    %dma_start3A_53 = arith.constant 0 : i32
    %dma_start3A_54 = tpu.memref_slice %arg3[%dma_start3A_52, %dma_start3A_53] : memref<100000x64xi32, #tpu.memory_space<hbm>> -> memref<100000x64xi32, #tpu.memory_space<hbm>>
    tpu.enqueue_indirect_dma source(%dma_start3A_54 : memref<100000x64xi32, #tpu.memory_space<hbm>>) target(%dma_start3A_49 : memref<104x64xi32, #tpu.memory_space<vmem>>) offsets(%dma_start3A_51 : memref<104xi32, #tpu.memory_space<vmem>>) semaphore(%arg10 : memref<!tpu.dma_semaphore, #tpu.memory_space<semaphore_mem>>)
    %dma_start3A_55 = arith.constant 2 : i32
    %dma_start3A_56 = arith.constant 104 : i32
    %dma_start3A_57 = arith.constant 0 : i32
    %dma_start3A_58 = tpu.memref_slice %arg6[%dma_start3A_55, %dma_start3A_56, %dma_start3A_57] : memref<4x200x64xi32, #tpu.memory_space<vmem>> -> memref<1x96x64xi32, #tpu.memory_space<vmem>>
    %dma_start3A_59 = tpu.memref_squeeze %dma_start3A_58 : memref<1x96x64xi32, #tpu.memory_space<vmem>> -> memref<96x64xi32, #tpu.memory_space<vmem>>
    %dma_start3A_60 = arith.constant 504 : i32
    %dma_start3A_61 = tpu.memref_slice %arg5[%dma_start3A_60] : memref<25600xi32, #tpu.memory_space<vmem>> -> memref<96xi32, #tpu.memory_space<vmem>>
    %dma_start3A_62 = arith.constant 0 : i32
    %dma_start3A_63 = arith.constant 0 : i32
    %dma_start3A_64 = tpu.memref_slice %arg3[%dma_start3A_62, %dma_start3A_63] : memref<100000x64xi32, #tpu.memory_space<hbm>> -> memref<100000x64xi32, #tpu.memory_space<hbm>>
    tpu.enqueue_indirect_dma source(%dma_start3A_64 : memref<100000x64xi32, #tpu.memory_space<hbm>>) target(%dma_start3A_59 : memref<96x64xi32, #tpu.memory_space<vmem>>) offsets(%dma_start3A_61 : memref<96xi32, #tpu.memory_space<vmem>>) semaphore(%arg10 : memref<!tpu.dma_semaphore, #tpu.memory_space<semaphore_mem>>)
    %dma_start3A_65 = arith.constant 3 : i32
    %dma_start3A_66 = arith.constant 0 : i32
    %dma_start3A_67 = arith.constant 0 : i32
    %dma_start3A_68 = tpu.memref_slice %arg6[%dma_start3A_65, %dma_start3A_66, %dma_start3A_67] : memref<4x200x64xi32, #tpu.memory_space<vmem>> -> memref<1x104x64xi32, #tpu.memory_space<vmem>>
    %dma_start3A_69 = tpu.memref_squeeze %dma_start3A_68 : memref<1x104x64xi32, #tpu.memory_space<vmem>> -> memref<104x64xi32, #tpu.memory_space<vmem>>
    %dma_start3A_70 = arith.constant 600 : i32
    %dma_start3A_71 = tpu.memref_slice %arg5[%dma_start3A_70] : memref<25600xi32, #tpu.memory_space<vmem>> -> memref<104xi32, #tpu.memory_space<vmem>>
    %dma_start3A_72 = arith.constant 0 : i32
    %dma_start3A_73 = arith.constant 0 : i32
    %dma_start3A_74 = tpu.memref_slice %arg3[%dma_start3A_72, %dma_start3A_73] : memref<100000x64xi32, #tpu.memory_space<hbm>> -> memref<100000x64xi32, #tpu.memory_space<hbm>>
    tpu.enqueue_indirect_dma source(%dma_start3A_74 : memref<100000x64xi32, #tpu.memory_space<hbm>>) target(%dma_start3A_69 : memref<104x64xi32, #tpu.memory_space<vmem>>) offsets(%dma_start3A_71 : memref<104xi32, #tpu.memory_space<vmem>>) semaphore(%arg11 : memref<!tpu.dma_semaphore, #tpu.memory_space<semaphore_mem>>)
    %dma_start3A_75 = arith.constant 3 : i32
    %dma_start3A_76 = arith.constant 104 : i32
    %dma_start3A_77 = arith.constant 0 : i32
    %dma_start3A_78 = tpu.memref_slice %arg6[%dma_start3A_75, %dma_start3A_76, %dma_start3A_77] : memref<4x200x64xi32, #tpu.memory_space<vmem>> -> memref<1x96x64xi32, #tpu.memory_space<vmem>>
    %dma_start3A_79 = tpu.memref_squeeze %dma_start3A_78 : memref<1x96x64xi32, #tpu.memory_space<vmem>> -> memref<96x64xi32, #tpu.memory_space<vmem>>
    %dma_start3A_80 = arith.constant 704 : i32
    %dma_start3A_81 = tpu.memref_slice %arg5[%dma_start3A_80] : memref<25600xi32, #tpu.memory_space<vmem>> -> memref<96xi32, #tpu.memory_space<vmem>>
    %dma_start3A_82 = arith.constant 0 : i32
    %dma_start3A_83 = arith.constant 0 : i32
    %dma_start3A_84 = tpu.memref_slice %arg3[%dma_start3A_82, %dma_start3A_83] : memref<100000x64xi32, #tpu.memory_space<hbm>> -> memref<100000x64xi32, #tpu.memory_space<hbm>>
    tpu.enqueue_indirect_dma source(%dma_start3A_84 : memref<100000x64xi32, #tpu.memory_space<hbm>>) target(%dma_start3A_79 : memref<96x64xi32, #tpu.memory_space<vmem>>) offsets(%dma_start3A_81 : memref<96xi32, #tpu.memory_space<vmem>>) semaphore(%arg11 : memref<!tpu.dma_semaphore, #tpu.memory_space<semaphore_mem>>)
    %scan3A = arith.constant 0 : i32
    %scan3A_85 = arith.constant 31 : i32
    %scan3A_86 = arith.addi %scan3A, %scan3A_85 : i32
    %scan3A_87 = arith.constant 1 : i32
    scf.for %scan3A_382 = %scan3A to %scan3A_86 step %scan3A_87  : i32 {
      %mul3A_383 = arith.constant 4 : i32
      %mul3A_384 = arith.muli %scan3A_382, %mul3A_383 : i32
      %add3A_385 = arith.constant 0 : i32
      %add3A_386 = arith.addi %add3A_385, %mul3A_384 : i32
      %dma_wait3A_387 = arith.constant 0 : i32
      %dma_wait3A_388 = arith.constant 0 : i32
      %dma_wait3A_389 = arith.constant 0 : i32
      %dma_wait3A_390 = tpu.memref_slice %arg6[%dma_wait3A_387, %dma_wait3A_388, %dma_wait3A_389] : memref<4x200x64xi32, #tpu.memory_space<vmem>> -> memref<1x200x64xi32, #tpu.memory_space<vmem>>
      %dma_wait3A_391 = tpu.memref_squeeze %dma_wait3A_390 : memref<1x200x64xi32, #tpu.memory_space<vmem>> -> memref<200x64xi32, #tpu.memory_space<vmem>>
      %dma_wait3A_392 = arith.constant 0 : i32
      %dma_wait3A_393 = arith.constant 0 : i32
      %dma_wait3A_394 = tpu.memref_slice %arg3[%dma_wait3A_392, %dma_wait3A_393] : memref<100000x64xi32, #tpu.memory_space<hbm>> -> memref<200x64xi32, #tpu.memory_space<hbm>>
      %dma_wait3A_395 = arith.constant 0 : i32
      %dma_wait3A_396 = arith.constant 0 : i32
      %dma_wait3A_397 = tpu.memref_slice %arg6[%dma_wait3A_387, %dma_wait3A_395, %dma_wait3A_396] : memref<4x200x64xi32, #tpu.memory_space<vmem>> -> memref<1x200x64xi32, #tpu.memory_space<vmem>>
      %dma_wait3A_398 = tpu.memref_squeeze %dma_wait3A_397 : memref<1x200x64xi32, #tpu.memory_space<vmem>> -> memref<200x64xi32, #tpu.memory_space<vmem>>
      %dma_wait3A_399 = arith.constant 0 : i32
      %dma_wait3A_400 = arith.constant 0 : i32
      %dma_wait3A_401 = tpu.memref_slice %arg3[%dma_wait3A_399, %dma_wait3A_400] : memref<100000x64xi32, #tpu.memory_space<hbm>> -> memref<200x64xi32, #tpu.memory_space<hbm>>
      tpu.wait_dma2 semaphore(%arg8 : memref<!tpu.dma_semaphore, #tpu.memory_space<semaphore_mem>>) src(%dma_wait3A_401 : memref<200x64xi32, #tpu.memory_space<hbm>>) dst(%dma_wait3A_398 : memref<200x64xi32, #tpu.memory_space<vmem>>)
      %add3A_402 = arith.constant 0 : i32
      %add3A_403 = arith.addi %add3A_386, %add3A_402 : i32
      %broadcast_in_dim3A_404 = arith.constant 0.000000e+00 : bf16
      %broadcast_in_dim3A_405 = vector.broadcast %broadcast_in_dim3A_404 : bf16 to vector<32xbf16>
      %broadcast_in_dim3A_406 = arith.constant 0.000000e+00 : bf16
      %broadcast_in_dim3A_407 = vector.broadcast %broadcast_in_dim3A_406 : bf16 to vector<32xbf16>
      %broadcast_in_dim3A_408 = arith.constant 0.000000e+00 : bf16
      %broadcast_in_dim3A_409 = vector.broadcast %broadcast_in_dim3A_408 : bf16 to vector<32xbf16>
      %broadcast_in_dim3A_410 = arith.constant 0.000000e+00 : bf16
      %broadcast_in_dim3A_411 = vector.broadcast %broadcast_in_dim3A_410 : bf16 to vector<32xbf16>
      %scan3A_412 = arith.constant 0 : i32
      %scan3A_413 = arith.constant 0 : i32
      %scan3A_414 = arith.constant 25 : i32
      %scan3A_415 = arith.addi %scan3A_413, %scan3A_414 : i32
      %scan3A_416 = arith.constant 1 : i32
      %scan3A_417:4 = scf.for %scan3A_923 = %scan3A_413 to %scan3A_415 step %scan3A_416 iter_args(%scan3A_924 = %broadcast_in_dim3A_405, %scan3A_925 = %broadcast_in_dim3A_407, %scan3A_926 = %broadcast_in_dim3A_409, %scan3A_927 = %broadcast_in_dim3A_411) -> (vector<32xbf16>, vector<32xbf16>, vector<32xbf16>, vector<32xbf16>)  : i32 {
        %mul3A_928 = arith.constant 8 : i32
        %mul3A_929 = arith.muli %scan3A_923, %mul3A_928 : i32
        %add3A_930 = arith.constant 0 : i32
        %add3A_931 = arith.addi %mul3A_929, %add3A_930 : i32
        %get3A = arith.constant 0 : i32
        %get3A_932 = arith.constant 0 : i32
        %get3A_933 = tpu.memref_slice %arg6[%scan3A_412, %get3A, %get3A_932] : memref<4x200x64xi32, #tpu.memory_space<vmem>> -> memref<1x200x64xi32, #tpu.memory_space<vmem>>
        %get3A_934 = tpu.memref_squeeze %get3A_933 : memref<1x200x64xi32, #tpu.memory_space<vmem>> -> memref<200x64xi32, #tpu.memory_space<vmem>>
        %get3A_935 = arith.index_cast %add3A_931 : i32 to index
        %get3A_936 = arith.constant 0 : index
        %get3A_937 = tpu.vector_load %get3A_934[%get3A_935, %get3A_936] {strides = array<i32>} : memref<200x64xi32, #tpu.memory_space<vmem>>, vector<16xi32>,
        %bitcast3A_938 = vector.bitcast %get3A_937 : vector<16xi32> to vector<32xbf16>
        %add3A_939 = arith.addf %scan3A_924, %bitcast3A_938 : vector<32xbf16>
        %add3A_940 = arith.constant 0 : i32
        %add3A_941 = arith.addi %mul3A_929, %add3A_940 : i32
        %get3A_942 = arith.constant 0 : i32
        %get3A_943 = arith.constant 0 : i32
        %get3A_944 = tpu.memref_slice %arg6[%scan3A_412, %get3A_942, %get3A_943] : memref<4x200x64xi32, #tpu.memory_space<vmem>> -> memref<1x200x64xi32, #tpu.memory_space<vmem>>
        %get3A_945 = tpu.memref_squeeze %get3A_944 : memref<1x200x64xi32, #tpu.memory_space<vmem>> -> memref<200x64xi32, #tpu.memory_space<vmem>>
        %get3A_946 = arith.index_cast %add3A_941 : i32 to index
        %get3A_947 = arith.constant 16 : index
        %get3A_948 = tpu.vector_load %get3A_945[%get3A_946, %get3A_947] {strides = array<i32>} : memref<200x64xi32, #tpu.memory_space<vmem>>, vector<16xi32>,
        %bitcast3A_949 = vector.bitcast %get3A_948 : vector<16xi32> to vector<32xbf16>
        %add3A_950 = arith.addf %scan3A_925, %bitcast3A_949 : vector<32xbf16>
        %add3A_951 = arith.constant 0 : i32
        %add3A_952 = arith.addi %mul3A_929, %add3A_951 : i32
        %get3A_953 = arith.constant 0 : i32
        %get3A_954 = arith.constant 0 : i32
        %get3A_955 = tpu.memref_slice %arg6[%scan3A_412, %get3A_953, %get3A_954] : memref<4x200x64xi32, #tpu.memory_space<vmem>> -> memref<1x200x64xi32, #tpu.memory_space<vmem>>
        %get3A_956 = tpu.memref_squeeze %get3A_955 : memref<1x200x64xi32, #tpu.memory_space<vmem>> -> memref<200x64xi32, #tpu.memory_space<vmem>>
        %get3A_957 = arith.index_cast %add3A_952 : i32 to index
        %get3A_958 = arith.constant 32 : index
        %get3A_959 = tpu.vector_load %get3A_956[%get3A_957, %get3A_958] {strides = array<i32>} : memref<200x64xi32, #tpu.memory_space<vmem>>, vector<16xi32>,
        %bitcast3A_960 = vector.bitcast %get3A_959 : vector<16xi32> to vector<32xbf16>
        %add3A_961 = arith.addf %scan3A_926, %bitcast3A_960 : vector<32xbf16>
        %add3A_962 = arith.constant 0 : i32
        %add3A_963 = arith.addi %mul3A_929, %add3A_962 : i32
        %get3A_964 = arith.constant 0 : i32
        %get3A_965 = arith.constant 0 : i32
        %get3A_966 = tpu.memref_slice %arg6[%scan3A_412, %get3A_964, %get3A_965] : memref<4x200x64xi32, #tpu.memory_space<vmem>> -> memref<1x200x64xi32, #tpu.memory_space<vmem>>
        %get3A_967 = tpu.memref_squeeze %get3A_966 : memref<1x200x64xi32, #tpu.memory_space<vmem>> -> memref<200x64xi32, #tpu.memory_space<vmem>>
        %get3A_968 = arith.index_cast %add3A_963 : i32 to index
        %get3A_969 = arith.constant 48 : index
        %get3A_970 = tpu.vector_load %get3A_967[%get3A_968, %get3A_969] {strides = array<i32>} : memref<200x64xi32, #tpu.memory_space<vmem>>, vector<16xi32>,
        %bitcast3A_971 = vector.bitcast %get3A_970 : vector<16xi32> to vector<32xbf16>
        %add3A_972 = arith.addf %scan3A_927, %bitcast3A_971 : vector<32xbf16>
        %add3A_973 = arith.constant 1 : i32
        %add3A_974 = arith.addi %mul3A_929, %add3A_973 : i32
        %get3A_975 = arith.constant 0 : i32
        %get3A_976 = arith.constant 0 : i32
        %get3A_977 = tpu.memref_slice %arg6[%scan3A_412, %get3A_975, %get3A_976] : memref<4x200x64xi32, #tpu.memory_space<vmem>> -> memref<1x200x64xi32, #tpu.memory_space<vmem>>
        %get3A_978 = tpu.memref_squeeze %get3A_977 : memref<1x200x64xi32, #tpu.memory_space<vmem>> -> memref<200x64xi32, #tpu.memory_space<vmem>>
        %get3A_979 = arith.index_cast %add3A_974 : i32 to index
        %get3A_980 = arith.constant 0 : index
        %get3A_981 = tpu.vector_load %get3A_978[%get3A_979, %get3A_980] {strides = array<i32>} : memref<200x64xi32, #tpu.memory_space<vmem>>, vector<16xi32>,
        %bitcast3A_982 = vector.bitcast %get3A_981 : vector<16xi32> to vector<32xbf16>
        %add3A_983 = arith.addf %add3A_939, %bitcast3A_982 : vector<32xbf16>
        %add3A_984 = arith.constant 1 : i32
        %add3A_985 = arith.addi %mul3A_929, %add3A_984 : i32
        %get3A_986 = arith.constant 0 : i32
        %get3A_987 = arith.constant 0 : i32
        %get3A_988 = tpu.memref_slice %arg6[%scan3A_412, %get3A_986, %get3A_987] : memref<4x200x64xi32, #tpu.memory_space<vmem>> -> memref<1x200x64xi32, #tpu.memory_space<vmem>>
        %get3A_989 = tpu.memref_squeeze %get3A_988 : memref<1x200x64xi32, #tpu.memory_space<vmem>> -> memref<200x64xi32, #tpu.memory_space<vmem>>
        %get3A_990 = arith.index_cast %add3A_985 : i32 to index
        %get3A_991 = arith.constant 16 : index
        %get3A_992 = tpu.vector_load %get3A_989[%get3A_990, %get3A_991] {strides = array<i32>} : memref<200x64xi32, #tpu.memory_space<vmem>>, vector<16xi32>,
        %bitcast3A_993 = vector.bitcast %get3A_992 : vector<16xi32> to vector<32xbf16>
        %add3A_994 = arith.addf %add3A_950, %bitcast3A_993 : vector<32xbf16>
        %add3A_995 = arith.constant 1 : i32
        %add3A_996 = arith.addi %mul3A_929, %add3A_995 : i32
        %get3A_997 = arith.constant 0 : i32
        %get3A_998 = arith.constant 0 : i32
        %get3A_999 = tpu.memref_slice %arg6[%scan3A_412, %get3A_997, %get3A_998] : memref<4x200x64xi32, #tpu.memory_space<vmem>> -> memref<1x200x64xi32, #tpu.memory_space<vmem>>
        %get3A_1000 = tpu.memref_squeeze %get3A_999 : memref<1x200x64xi32, #tpu.memory_space<vmem>> -> memref<200x64xi32, #tpu.memory_space<vmem>>
        %get3A_1001 = arith.index_cast %add3A_996 : i32 to index
        %get3A_1002 = arith.constant 32 : index
        %get3A_1003 = tpu.vector_load %get3A_1000[%get3A_1001, %get3A_1002] {strides = array<i32>} : memref<200x64xi32, #tpu.memory_space<vmem>>, vector<16xi32>,
        %bitcast3A_1004 = vector.bitcast %get3A_1003 : vector<16xi32> to vector<32xbf16>
        %add3A_1005 = arith.addf %add3A_961, %bitcast3A_1004 : vector<32xbf16>
        %add3A_1006 = arith.constant 1 : i32
        %add3A_1007 = arith.addi %mul3A_929, %add3A_1006 : i32
        %get3A_1008 = arith.constant 0 : i32
        %get3A_1009 = arith.constant 0 : i32
        %get3A_1010 = tpu.memref_slice %arg6[%scan3A_412, %get3A_1008, %get3A_1009] : memref<4x200x64xi32, #tpu.memory_space<vmem>> -> memref<1x200x64xi32, #tpu.memory_space<vmem>>
        %get3A_1011 = tpu.memref_squeeze %get3A_1010 : memref<1x200x64xi32, #tpu.memory_space<vmem>> -> memref<200x64xi32, #tpu.memory_space<vmem>>
        %get3A_1012 = arith.index_cast %add3A_1007 : i32 to index
        %get3A_1013 = arith.constant 48 : index
        %get3A_1014 = tpu.vector_load %get3A_1011[%get3A_1012, %get3A_1013] {strides = array<i32>} : memref<200x64xi32, #tpu.memory_space<vmem>>, vector<16xi32>,
        %bitcast3A_1015 = vector.bitcast %get3A_1014 : vector<16xi32> to vector<32xbf16>
        %add3A_1016 = arith.addf %add3A_972, %bitcast3A_1015 : vector<32xbf16>
        %add3A_1017 = arith.constant 2 : i32
        %add3A_1018 = arith.addi %mul3A_929, %add3A_1017 : i32
        %get3A_1019 = arith.constant 0 : i32
        %get3A_1020 = arith.constant 0 : i32
        %get3A_1021 = tpu.memref_slice %arg6[%scan3A_412, %get3A_1019, %get3A_1020] : memref<4x200x64xi32, #tpu.memory_space<vmem>> -> memref<1x200x64xi32, #tpu.memory_space<vmem>>
        %get3A_1022 = tpu.memref_squeeze %get3A_1021 : memref<1x200x64xi32, #tpu.memory_space<vmem>> -> memref<200x64xi32, #tpu.memory_space<vmem>>
        %get3A_1023 = arith.index_cast %add3A_1018 : i32 to index
        %get3A_1024 = arith.constant 0 : index
        %get3A_1025 = tpu.vector_load %get3A_1022[%get3A_1023, %get3A_1024] {strides = array<i32>} : memref<200x64xi32, #tpu.memory_space<vmem>>, vector<16xi32>,
        %bitcast3A_1026 = vector.bitcast %get3A_1025 : vector<16xi32> to vector<32xbf16>
        %add3A_1027 = arith.addf %add3A_983, %bitcast3A_1026 : vector<32xbf16>
        %add3A_1028 = arith.constant 2 : i32
        %add3A_1029 = arith.addi %mul3A_929, %add3A_1028 : i32
        %get3A_1030 = arith.constant 0 : i32
        %get3A_1031 = arith.constant 0 : i32
        %get3A_1032 = tpu.memref_slice %arg6[%scan3A_412, %get3A_1030, %get3A_1031] : memref<4x200x64xi32, #tpu.memory_space<vmem>> -> memref<1x200x64xi32, #tpu.memory_space<vmem>>
        %get3A_1033 = tpu.memref_squeeze %get3A_1032 : memref<1x200x64xi32, #tpu.memory_space<vmem>> -> memref<200x64xi32, #tpu.memory_space<vmem>>
        %get3A_1034 = arith.index_cast %add3A_1029 : i32 to index
        %get3A_1035 = arith.constant 16 : index
        %get3A_1036 = tpu.vector_load %get3A_1033[%get3A_1034, %get3A_1035] {strides = array<i32>} : memref<200x64xi32, #tpu.memory_space<vmem>>, vector<16xi32>,
        %bitcast3A_1037 = vector.bitcast %get3A_1036 : vector<16xi32> to vector<32xbf16>
        %add3A_1038 = arith.addf %add3A_994, %bitcast3A_1037 : vector<32xbf16>
        %add3A_1039 = arith.constant 2 : i32
        %add3A_1040 = arith.addi %mul3A_929, %add3A_1039 : i32
        %get3A_1041 = arith.constant 0 : i32
        %get3A_1042 = arith.constant 0 : i32
        %get3A_1043 = tpu.memref_slice %arg6[%scan3A_412, %get3A_1041, %get3A_1042] : memref<4x200x64xi32, #tpu.memory_space<vmem>> -> memref<1x200x64xi32, #tpu.memory_space<vmem>>
        %get3A_1044 = tpu.memref_squeeze %get3A_1043 : memref<1x200x64xi32, #tpu.memory_space<vmem>> -> memref<200x64xi32, #tpu.memory_space<vmem>>
        %get3A_1045 = arith.index_cast %add3A_1040 : i32 to index
        %get3A_1046 = arith.constant 32 : index
        %get3A_1047 = tpu.vector_load %get3A_1044[%get3A_1045, %get3A_1046] {strides = array<i32>} : memref<200x64xi32, #tpu.memory_space<vmem>>, vector<16xi32>,
        %bitcast3A_1048 = vector.bitcast %get3A_1047 : vector<16xi32> to vector<32xbf16>
        %add3A_1049 = arith.addf %add3A_1005, %bitcast3A_1048 : vector<32xbf16>
        %add3A_1050 = arith.constant 2 : i32
        %add3A_1051 = arith.addi %mul3A_929, %add3A_1050 : i32
        %get3A_1052 = arith.constant 0 : i32
        %get3A_1053 = arith.constant 0 : i32
        %get3A_1054 = tpu.memref_slice %arg6[%scan3A_412, %get3A_1052, %get3A_1053] : memref<4x200x64xi32, #tpu.memory_space<vmem>> -> memref<1x200x64xi32, #tpu.memory_space<vmem>>
        %get3A_1055 = tpu.memref_squeeze %get3A_1054 : memref<1x200x64xi32, #tpu.memory_space<vmem>> -> memref<200x64xi32, #tpu.memory_space<vmem>>
        %get3A_1056 = arith.index_cast %add3A_1051 : i32 to index
        %get3A_1057 = arith.constant 48 : index
        %get3A_1058 = tpu.vector_load %get3A_1055[%get3A_1056, %get3A_1057] {strides = array<i32>} : memref<200x64xi32, #tpu.memory_space<vmem>>, vector<16xi32>,
        %bitcast3A_1059 = vector.bitcast %get3A_1058 : vector<16xi32> to vector<32xbf16>
        %add3A_1060 = arith.addf %add3A_1016, %bitcast3A_1059 : vector<32xbf16>
        %add3A_1061 = arith.constant 3 : i32
        %add3A_1062 = arith.addi %mul3A_929, %add3A_1061 : i32
        %get3A_1063 = arith.constant 0 : i32
        %get3A_1064 = arith.constant 0 : i32
        %get3A_1065 = tpu.memref_slice %arg6[%scan3A_412, %get3A_1063, %get3A_1064] : memref<4x200x64xi32, #tpu.memory_space<vmem>> -> memref<1x200x64xi32, #tpu.memory_space<vmem>>
        %get3A_1066 = tpu.memref_squeeze %get3A_1065 : memref<1x200x64xi32, #tpu.memory_space<vmem>> -> memref<200x64xi32, #tpu.memory_space<vmem>>
        %get3A_1067 = arith.index_cast %add3A_1062 : i32 to index
        %get3A_1068 = arith.constant 0 : index
        %get3A_1069 = tpu.vector_load %get3A_1066[%get3A_1067, %get3A_1068] {strides = array<i32>} : memref<200x64xi32, #tpu.memory_space<vmem>>, vector<16xi32>,
        %bitcast3A_1070 = vector.bitcast %get3A_1069 : vector<16xi32> to vector<32xbf16>
        %add3A_1071 = arith.addf %add3A_1027, %bitcast3A_1070 : vector<32xbf16>
        %add3A_1072 = arith.constant 3 : i32
        %add3A_1073 = arith.addi %mul3A_929, %add3A_1072 : i32
        %get3A_1074 = arith.constant 0 : i32
        %get3A_1075 = arith.constant 0 : i32
        %get3A_1076 = tpu.memref_slice %arg6[%scan3A_412, %get3A_1074, %get3A_1075] : memref<4x200x64xi32, #tpu.memory_space<vmem>> -> memref<1x200x64xi32, #tpu.memory_space<vmem>>
        %get3A_1077 = tpu.memref_squeeze %get3A_1076 : memref<1x200x64xi32, #tpu.memory_space<vmem>> -> memref<200x64xi32, #tpu.memory_space<vmem>>
        %get3A_1078 = arith.index_cast %add3A_1073 : i32 to index
        %get3A_1079 = arith.constant 16 : index
        %get3A_1080 = tpu.vector_load %get3A_1077[%get3A_1078, %get3A_1079] {strides = array<i32>} : memref<200x64xi32, #tpu.memory_space<vmem>>, vector<16xi32>,
        %bitcast3A_1081 = vector.bitcast %get3A_1080 : vector<16xi32> to vector<32xbf16>
        %add3A_1082 = arith.addf %add3A_1038, %bitcast3A_1081 : vector<32xbf16>
        %add3A_1083 = arith.constant 3 : i32
        %add3A_1084 = arith.addi %mul3A_929, %add3A_1083 : i32
        %get3A_1085 = arith.constant 0 : i32
        %get3A_1086 = arith.constant 0 : i32
        %get3A_1087 = tpu.memref_slice %arg6[%scan3A_412, %get3A_1085, %get3A_1086] : memref<4x200x64xi32, #tpu.memory_space<vmem>> -> memref<1x200x64xi32, #tpu.memory_space<vmem>>
        %get3A_1088 = tpu.memref_squeeze %get3A_1087 : memref<1x200x64xi32, #tpu.memory_space<vmem>> -> memref<200x64xi32, #tpu.memory_space<vmem>>
        %get3A_1089 = arith.index_cast %add3A_1084 : i32 to index
        %get3A_1090 = arith.constant 32 : index
        %get3A_1091 = tpu.vector_load %get3A_1088[%get3A_1089, %get3A_1090] {strides = array<i32>} : memref<200x64xi32, #tpu.memory_space<vmem>>, vector<16xi32>,
        %bitcast3A_1092 = vector.bitcast %get3A_1091 : vector<16xi32> to vector<32xbf16>
        %add3A_1093 = arith.addf %add3A_1049, %bitcast3A_1092 : vector<32xbf16>
        %add3A_1094 = arith.constant 3 : i32
        %add3A_1095 = arith.addi %mul3A_929, %add3A_1094 : i32
        %get3A_1096 = arith.constant 0 : i32
        %get3A_1097 = arith.constant 0 : i32
        %get3A_1098 = tpu.memref_slice %arg6[%scan3A_412, %get3A_1096, %get3A_1097] : memref<4x200x64xi32, #tpu.memory_space<vmem>> -> memref<1x200x64xi32, #tpu.memory_space<vmem>>
        %get3A_1099 = tpu.memref_squeeze %get3A_1098 : memref<1x200x64xi32, #tpu.memory_space<vmem>> -> memref<200x64xi32, #tpu.memory_space<vmem>>
        %get3A_1100 = arith.index_cast %add3A_1095 : i32 to index
        %get3A_1101 = arith.constant 48 : index
        %get3A_1102 = tpu.vector_load %get3A_1099[%get3A_1100, %get3A_1101] {strides = array<i32>} : memref<200x64xi32, #tpu.memory_space<vmem>>, vector<16xi32>,
        %bitcast3A_1103 = vector.bitcast %get3A_1102 : vector<16xi32> to vector<32xbf16>
        %add3A_1104 = arith.addf %add3A_1060, %bitcast3A_1103 : vector<32xbf16>
        %add3A_1105 = arith.constant 4 : i32
        %add3A_1106 = arith.addi %mul3A_929, %add3A_1105 : i32
        %get3A_1107 = arith.constant 0 : i32
        %get3A_1108 = arith.constant 0 : i32
        %get3A_1109 = tpu.memref_slice %arg6[%scan3A_412, %get3A_1107, %get3A_1108] : memref<4x200x64xi32, #tpu.memory_space<vmem>> -> memref<1x200x64xi32, #tpu.memory_space<vmem>>
        %get3A_1110 = tpu.memref_squeeze %get3A_1109 : memref<1x200x64xi32, #tpu.memory_space<vmem>> -> memref<200x64xi32, #tpu.memory_space<vmem>>
        %get3A_1111 = arith.index_cast %add3A_1106 : i32 to index
        %get3A_1112 = arith.constant 0 : index
        %get3A_1113 = tpu.vector_load %get3A_1110[%get3A_1111, %get3A_1112] {strides = array<i32>} : memref<200x64xi32, #tpu.memory_space<vmem>>, vector<16xi32>,
        %bitcast3A_1114 = vector.bitcast %get3A_1113 : vector<16xi32> to vector<32xbf16>
        %add3A_1115 = arith.addf %add3A_1071, %bitcast3A_1114 : vector<32xbf16>
        %add3A_1116 = arith.constant 4 : i32
        %add3A_1117 = arith.addi %mul3A_929, %add3A_1116 : i32
        %get3A_1118 = arith.constant 0 : i32
        %get3A_1119 = arith.constant 0 : i32
        %get3A_1120 = tpu.memref_slice %arg6[%scan3A_412, %get3A_1118, %get3A_1119] : memref<4x200x64xi32, #tpu.memory_space<vmem>> -> memref<1x200x64xi32, #tpu.memory_space<vmem>>
        %get3A_1121 = tpu.memref_squeeze %get3A_1120 : memref<1x200x64xi32, #tpu.memory_space<vmem>> -> memref<200x64xi32, #tpu.memory_space<vmem>>
        %get3A_1122 = arith.index_cast %add3A_1117 : i32 to index
        %get3A_1123 = arith.constant 16 : index
        %get3A_1124 = tpu.vector_load %get3A_1121[%get3A_1122, %get3A_1123] {strides = array<i32>} : memref<200x64xi32, #tpu.memory_space<vmem>>, vector<16xi32>,
        %bitcast3A_1125 = vector.bitcast %get3A_1124 : vector<16xi32> to vector<32xbf16>
        %add3A_1126 = arith.addf %add3A_1082, %bitcast3A_1125 : vector<32xbf16>
        %add3A_1127 = arith.constant 4 : i32
        %add3A_1128 = arith.addi %mul3A_929, %add3A_1127 : i32
        %get3A_1129 = arith.constant 0 : i32
        %get3A_1130 = arith.constant 0 : i32
        %get3A_1131 = tpu.memref_slice %arg6[%scan3A_412, %get3A_1129, %get3A_1130] : memref<4x200x64xi32, #tpu.memory_space<vmem>> -> memref<1x200x64xi32, #tpu.memory_space<vmem>>
        %get3A_1132 = tpu.memref_squeeze %get3A_1131 : memref<1x200x64xi32, #tpu.memory_space<vmem>> -> memref<200x64xi32, #tpu.memory_space<vmem>>
        %get3A_1133 = arith.index_cast %add3A_1128 : i32 to index
        %get3A_1134 = arith.constant 32 : index
        %get3A_1135 = tpu.vector_load %get3A_1132[%get3A_1133, %get3A_1134] {strides = array<i32>} : memref<200x64xi32, #tpu.memory_space<vmem>>, vector<16xi32>,
        %bitcast3A_1136 = vector.bitcast %get3A_1135 : vector<16xi32> to vector<32xbf16>
        %add3A_1137 = arith.addf %add3A_1093, %bitcast3A_1136 : vector<32xbf16>
        %add3A_1138 = arith.constant 4 : i32
        %add3A_1139 = arith.addi %mul3A_929, %add3A_1138 : i32
        %get3A_1140 = arith.constant 0 : i32
        %get3A_1141 = arith.constant 0 : i32
        %get3A_1142 = tpu.memref_slice %arg6[%scan3A_412, %get3A_1140, %get3A_1141] : memref<4x200x64xi32, #tpu.memory_space<vmem>> -> memref<1x200x64xi32, #tpu.memory_space<vmem>>
        %get3A_1143 = tpu.memref_squeeze %get3A_1142 : memref<1x200x64xi32, #tpu.memory_space<vmem>> -> memref<200x64xi32, #tpu.memory_space<vmem>>
        %get3A_1144 = arith.index_cast %add3A_1139 : i32 to index
        %get3A_1145 = arith.constant 48 : index
        %get3A_1146 = tpu.vector_load %get3A_1143[%get3A_1144, %get3A_1145] {strides = array<i32>} : memref<200x64xi32, #tpu.memory_space<vmem>>, vector<16xi32>,
        %bitcast3A_1147 = vector.bitcast %get3A_1146 : vector<16xi32> to vector<32xbf16>
        %add3A_1148 = arith.addf %add3A_1104, %bitcast3A_1147 : vector<32xbf16>
        %add3A_1149 = arith.constant 5 : i32
        %add3A_1150 = arith.addi %mul3A_929, %add3A_1149 : i32
        %get3A_1151 = arith.constant 0 : i32
        %get3A_1152 = arith.constant 0 : i32
        %get3A_1153 = tpu.memref_slice %arg6[%scan3A_412, %get3A_1151, %get3A_1152] : memref<4x200x64xi32, #tpu.memory_space<vmem>> -> memref<1x200x64xi32, #tpu.memory_space<vmem>>
        %get3A_1154 = tpu.memref_squeeze %get3A_1153 : memref<1x200x64xi32, #tpu.memory_space<vmem>> -> memref<200x64xi32, #tpu.memory_space<vmem>>
        %get3A_1155 = arith.index_cast %add3A_1150 : i32 to index
        %get3A_1156 = arith.constant 0 : index
        %get3A_1157 = tpu.vector_load %get3A_1154[%get3A_1155, %get3A_1156] {strides = array<i32>} : memref<200x64xi32, #tpu.memory_space<vmem>>, vector<16xi32>,
        %bitcast3A_1158 = vector.bitcast %get3A_1157 : vector<16xi32> to vector<32xbf16>
        %add3A_1159 = arith.addf %add3A_1115, %bitcast3A_1158 : vector<32xbf16>
        %add3A_1160 = arith.constant 5 : i32
        %add3A_1161 = arith.addi %mul3A_929, %add3A_1160 : i32
        %get3A_1162 = arith.constant 0 : i32
        %get3A_1163 = arith.constant 0 : i32
        %get3A_1164 = tpu.memref_slice %arg6[%scan3A_412, %get3A_1162, %get3A_1163] : memref<4x200x64xi32, #tpu.memory_space<vmem>> -> memref<1x200x64xi32, #tpu.memory_space<vmem>>
        %get3A_1165 = tpu.memref_squeeze %get3A_1164 : memref<1x200x64xi32, #tpu.memory_space<vmem>> -> memref<200x64xi32, #tpu.memory_space<vmem>>
        %get3A_1166 = arith.index_cast %add3A_1161 : i32 to index
        %get3A_1167 = arith.constant 16 : index
        %get3A_1168 = tpu.vector_load %get3A_1165[%get3A_1166, %get3A_1167] {strides = array<i32>} : memref<200x64xi32, #tpu.memory_space<vmem>>, vector<16xi32>,
        %bitcast3A_1169 = vector.bitcast %get3A_1168 : vector<16xi32> to vector<32xbf16>
        %add3A_1170 = arith.addf %add3A_1126, %bitcast3A_1169 : vector<32xbf16>
        %add3A_1171 = arith.constant 5 : i32
        %add3A_1172 = arith.addi %mul3A_929, %add3A_1171 : i32
        %get3A_1173 = arith.constant 0 : i32
        %get3A_1174 = arith.constant 0 : i32
        %get3A_1175 = tpu.memref_slice %arg6[%scan3A_412, %get3A_1173, %get3A_1174] : memref<4x200x64xi32, #tpu.memory_space<vmem>> -> memref<1x200x64xi32, #tpu.memory_space<vmem>>
        %get3A_1176 = tpu.memref_squeeze %get3A_1175 : memref<1x200x64xi32, #tpu.memory_space<vmem>> -> memref<200x64xi32, #tpu.memory_space<vmem>>
        %get3A_1177 = arith.index_cast %add3A_1172 : i32 to index
        %get3A_1178 = arith.constant 32 : index
        %get3A_1179 = tpu.vector_load %get3A_1176[%get3A_1177, %get3A_1178] {strides = array<i32>} : memref<200x64xi32, #tpu.memory_space<vmem>>, vector<16xi32>,
        %bitcast3A_1180 = vector.bitcast %get3A_1179 : vector<16xi32> to vector<32xbf16>
        %add3A_1181 = arith.addf %add3A_1137, %bitcast3A_1180 : vector<32xbf16>
        %add3A_1182 = arith.constant 5 : i32
        %add3A_1183 = arith.addi %mul3A_929, %add3A_1182 : i32
        %get3A_1184 = arith.constant 0 : i32
        %get3A_1185 = arith.constant 0 : i32
        %get3A_1186 = tpu.memref_slice %arg6[%scan3A_412, %get3A_1184, %get3A_1185] : memref<4x200x64xi32, #tpu.memory_space<vmem>> -> memref<1x200x64xi32, #tpu.memory_space<vmem>>
        %get3A_1187 = tpu.memref_squeeze %get3A_1186 : memref<1x200x64xi32, #tpu.memory_space<vmem>> -> memref<200x64xi32, #tpu.memory_space<vmem>>
        %get3A_1188 = arith.index_cast %add3A_1183 : i32 to index
        %get3A_1189 = arith.constant 48 : index
        %get3A_1190 = tpu.vector_load %get3A_1187[%get3A_1188, %get3A_1189] {strides = array<i32>} : memref<200x64xi32, #tpu.memory_space<vmem>>, vector<16xi32>,
        %bitcast3A_1191 = vector.bitcast %get3A_1190 : vector<16xi32> to vector<32xbf16>
        %add3A_1192 = arith.addf %add3A_1148, %bitcast3A_1191 : vector<32xbf16>
        %add3A_1193 = arith.constant 6 : i32
        %add3A_1194 = arith.addi %mul3A_929, %add3A_1193 : i32
        %get3A_1195 = arith.constant 0 : i32
        %get3A_1196 = arith.constant 0 : i32
        %get3A_1197 = tpu.memref_slice %arg6[%scan3A_412, %get3A_1195, %get3A_1196] : memref<4x200x64xi32, #tpu.memory_space<vmem>> -> memref<1x200x64xi32, #tpu.memory_space<vmem>>
        %get3A_1198 = tpu.memref_squeeze %get3A_1197 : memref<1x200x64xi32, #tpu.memory_space<vmem>> -> memref<200x64xi32, #tpu.memory_space<vmem>>
        %get3A_1199 = arith.index_cast %add3A_1194 : i32 to index
        %get3A_1200 = arith.constant 0 : index
        %get3A_1201 = tpu.vector_load %get3A_1198[%get3A_1199, %get3A_1200] {strides = array<i32>} : memref<200x64xi32, #tpu.memory_space<vmem>>, vector<16xi32>,
        %bitcast3A_1202 = vector.bitcast %get3A_1201 : vector<16xi32> to vector<32xbf16>
        %add3A_1203 = arith.addf %add3A_1159, %bitcast3A_1202 : vector<32xbf16>
        %add3A_1204 = arith.constant 6 : i32
        %add3A_1205 = arith.addi %mul3A_929, %add3A_1204 : i32
        %get3A_1206 = arith.constant 0 : i32
        %get3A_1207 = arith.constant 0 : i32
        %get3A_1208 = tpu.memref_slice %arg6[%scan3A_412, %get3A_1206, %get3A_1207] : memref<4x200x64xi32, #tpu.memory_space<vmem>> -> memref<1x200x64xi32, #tpu.memory_space<vmem>>
        %get3A_1209 = tpu.memref_squeeze %get3A_1208 : memref<1x200x64xi32, #tpu.memory_space<vmem>> -> memref<200x64xi32, #tpu.memory_space<vmem>>
        %get3A_1210 = arith.index_cast %add3A_1205 : i32 to index
        %get3A_1211 = arith.constant 16 : index
        %get3A_1212 = tpu.vector_load %get3A_1209[%get3A_1210, %get3A_1211] {strides = array<i32>} : memref<200x64xi32, #tpu.memory_space<vmem>>, vector<16xi32>,
        %bitcast3A_1213 = vector.bitcast %get3A_1212 : vector<16xi32> to vector<32xbf16>
        %add3A_1214 = arith.addf %add3A_1170, %bitcast3A_1213 : vector<32xbf16>
        %add3A_1215 = arith.constant 6 : i32
        %add3A_1216 = arith.addi %mul3A_929, %add3A_1215 : i32
        %get3A_1217 = arith.constant 0 : i32
        %get3A_1218 = arith.constant 0 : i32
        %get3A_1219 = tpu.memref_slice %arg6[%scan3A_412, %get3A_1217, %get3A_1218] : memref<4x200x64xi32, #tpu.memory_space<vmem>> -> memref<1x200x64xi32, #tpu.memory_space<vmem>>
        %get3A_1220 = tpu.memref_squeeze %get3A_1219 : memref<1x200x64xi32, #tpu.memory_space<vmem>> -> memref<200x64xi32, #tpu.memory_space<vmem>>
        %get3A_1221 = arith.index_cast %add3A_1216 : i32 to index
        %get3A_1222 = arith.constant 32 : index
        %get3A_1223 = tpu.vector_load %get3A_1220[%get3A_1221, %get3A_1222] {strides = array<i32>} : memref<200x64xi32, #tpu.memory_space<vmem>>, vector<16xi32>,
        %bitcast3A_1224 = vector.bitcast %get3A_1223 : vector<16xi32> to vector<32xbf16>
        %add3A_1225 = arith.addf %add3A_1181, %bitcast3A_1224 : vector<32xbf16>
        %add3A_1226 = arith.constant 6 : i32
        %add3A_1227 = arith.addi %mul3A_929, %add3A_1226 : i32
        %get3A_1228 = arith.constant 0 : i32
        %get3A_1229 = arith.constant 0 : i32
        %get3A_1230 = tpu.memref_slice %arg6[%scan3A_412, %get3A_1228, %get3A_1229] : memref<4x200x64xi32, #tpu.memory_space<vmem>> -> memref<1x200x64xi32, #tpu.memory_space<vmem>>
        %get3A_1231 = tpu.memref_squeeze %get3A_1230 : memref<1x200x64xi32, #tpu.memory_space<vmem>> -> memref<200x64xi32, #tpu.memory_space<vmem>>
        %get3A_1232 = arith.index_cast %add3A_1227 : i32 to index
        %get3A_1233 = arith.constant 48 : index
        %get3A_1234 = tpu.vector_load %get3A_1231[%get3A_1232, %get3A_1233] {strides = array<i32>} : memref<200x64xi32, #tpu.memory_space<vmem>>, vector<16xi32>,
        %bitcast3A_1235 = vector.bitcast %get3A_1234 : vector<16xi32> to vector<32xbf16>
        %add3A_1236 = arith.addf %add3A_1192, %bitcast3A_1235 : vector<32xbf16>
        %add3A_1237 = arith.constant 7 : i32
        %add3A_1238 = arith.addi %mul3A_929, %add3A_1237 : i32
        %get3A_1239 = arith.constant 0 : i32
        %get3A_1240 = arith.constant 0 : i32
        %get3A_1241 = tpu.memref_slice %arg6[%scan3A_412, %get3A_1239, %get3A_1240] : memref<4x200x64xi32, #tpu.memory_space<vmem>> -> memref<1x200x64xi32, #tpu.memory_space<vmem>>
        %get3A_1242 = tpu.memref_squeeze %get3A_1241 : memref<1x200x64xi32, #tpu.memory_space<vmem>> -> memref<200x64xi32, #tpu.memory_space<vmem>>
        %get3A_1243 = arith.index_cast %add3A_1238 : i32 to index
        %get3A_1244 = arith.constant 0 : index
        %get3A_1245 = tpu.vector_load %get3A_1242[%get3A_1243, %get3A_1244] {strides = array<i32>} : memref<200x64xi32, #tpu.memory_space<vmem>>, vector<16xi32>,
        %bitcast3A_1246 = vector.bitcast %get3A_1245 : vector<16xi32> to vector<32xbf16>
        %add3A_1247 = arith.addf %add3A_1203, %bitcast3A_1246 : vector<32xbf16>
        %add3A_1248 = arith.constant 7 : i32
        %add3A_1249 = arith.addi %mul3A_929, %add3A_1248 : i32
        %get3A_1250 = arith.constant 0 : i32
        %get3A_1251 = arith.constant 0 : i32
        %get3A_1252 = tpu.memref_slice %arg6[%scan3A_412, %get3A_1250, %get3A_1251] : memref<4x200x64xi32, #tpu.memory_space<vmem>> -> memref<1x200x64xi32, #tpu.memory_space<vmem>>
        %get3A_1253 = tpu.memref_squeeze %get3A_1252 : memref<1x200x64xi32, #tpu.memory_space<vmem>> -> memref<200x64xi32, #tpu.memory_space<vmem>>
        %get3A_1254 = arith.index_cast %add3A_1249 : i32 to index
        %get3A_1255 = arith.constant 16 : index
        %get3A_1256 = tpu.vector_load %get3A_1253[%get3A_1254, %get3A_1255] {strides = array<i32>} : memref<200x64xi32, #tpu.memory_space<vmem>>, vector<16xi32>,
        %bitcast3A_1257 = vector.bitcast %get3A_1256 : vector<16xi32> to vector<32xbf16>
        %add3A_1258 = arith.addf %add3A_1214, %bitcast3A_1257 : vector<32xbf16>
        %add3A_1259 = arith.constant 7 : i32
        %add3A_1260 = arith.addi %mul3A_929, %add3A_1259 : i32
        %get3A_1261 = arith.constant 0 : i32
        %get3A_1262 = arith.constant 0 : i32
        %get3A_1263 = tpu.memref_slice %arg6[%scan3A_412, %get3A_1261, %get3A_1262] : memref<4x200x64xi32, #tpu.memory_space<vmem>> -> memref<1x200x64xi32, #tpu.memory_space<vmem>>
        %get3A_1264 = tpu.memref_squeeze %get3A_1263 : memref<1x200x64xi32, #tpu.memory_space<vmem>> -> memref<200x64xi32, #tpu.memory_space<vmem>>
        %get3A_1265 = arith.index_cast %add3A_1260 : i32 to index
        %get3A_1266 = arith.constant 32 : index
        %get3A_1267 = tpu.vector_load %get3A_1264[%get3A_1265, %get3A_1266] {strides = array<i32>} : memref<200x64xi32, #tpu.memory_space<vmem>>, vector<16xi32>,
        %bitcast3A_1268 = vector.bitcast %get3A_1267 : vector<16xi32> to vector<32xbf16>
        %add3A_1269 = arith.addf %add3A_1225, %bitcast3A_1268 : vector<32xbf16>
        %add3A_1270 = arith.constant 7 : i32
        %add3A_1271 = arith.addi %mul3A_929, %add3A_1270 : i32
        %get3A_1272 = arith.constant 0 : i32
        %get3A_1273 = arith.constant 0 : i32
        %get3A_1274 = tpu.memref_slice %arg6[%scan3A_412, %get3A_1272, %get3A_1273] : memref<4x200x64xi32, #tpu.memory_space<vmem>> -> memref<1x200x64xi32, #tpu.memory_space<vmem>>
        %get3A_1275 = tpu.memref_squeeze %get3A_1274 : memref<1x200x64xi32, #tpu.memory_space<vmem>> -> memref<200x64xi32, #tpu.memory_space<vmem>>
        %get3A_1276 = arith.index_cast %add3A_1271 : i32 to index
        %get3A_1277 = arith.constant 48 : index
        %get3A_1278 = tpu.vector_load %get3A_1275[%get3A_1276, %get3A_1277] {strides = array<i32>} : memref<200x64xi32, #tpu.memory_space<vmem>>, vector<16xi32>,
        %bitcast3A_1279 = vector.bitcast %get3A_1278 : vector<16xi32> to vector<32xbf16>
        %add3A_1280 = arith.addf %add3A_1236, %bitcast3A_1279 : vector<32xbf16>
        scf.yield %add3A_1247, %add3A_1258, %add3A_1269, %add3A_1280 : vector<32xbf16>, vector<32xbf16>, vector<32xbf16>, vector<32xbf16>
      }
      %scan3A_418 = arith.constant 25 : i32
      %bitcast3A_419 = vector.bitcast %scan3A_417#0 : vector<32xbf16> to vector<16xi32>
      %shift_left3A_420 = arith.constant 16 : i32
      %shift_left3A_421 = vector.broadcast %shift_left3A_420 : i32 to vector<16xi32>
      %shift_left3A_422 = arith.shli %bitcast3A_419, %shift_left3A_421 : vector<16xi32>
      %bitcast3A_423 = vector.bitcast %shift_left3A_422 : vector<16xi32> to vector<16xf32>
      %and3A_424 = arith.andi %bitcast3A_419, %broadcast_in_dim3A_5 : vector<16xi32>
      %bitcast3A_425 = vector.bitcast %and3A_424 : vector<16xi32> to vector<16xf32>
      %mul3A_426 = arith.constant 128 : i32
      %mul3A_427 = arith.muli %add3A_403, %mul3A_426 : i32
      %add3A_428 = arith.constant 0 : i32
      %add3A_429 = arith.addi %mul3A_427, %add3A_428 : i32
      %swap3A_430 = arith.index_cast %add3A_429 : i32 to index
      %swap3A_431 = tpu.vector_load %arg7[%swap3A_430] {strides = array<i32>} : memref<16384xf32, #tpu.memory_space<vmem>>, vector<16xf32>,
      tpu.vector_store %arg7[%swap3A_430], %bitcast3A_423 {strides = array<i32>} : memref<16384xf32, #tpu.memory_space<vmem>>, vector<16xf32>,
      %mul3A_432 = arith.constant 128 : i32
      %mul3A_433 = arith.muli %add3A_403, %mul3A_432 : i32
      %add3A_434 = arith.constant 16 : i32
      %add3A_435 = arith.addi %mul3A_433, %add3A_434 : i32
      %swap3A_436 = arith.index_cast %add3A_435 : i32 to index
      %swap3A_437 = tpu.vector_load %arg7[%swap3A_436] {strides = array<i32>} : memref<16384xf32, #tpu.memory_space<vmem>>, vector<16xf32>,
      tpu.vector_store %arg7[%swap3A_436], %bitcast3A_425 {strides = array<i32>} : memref<16384xf32, #tpu.memory_space<vmem>>, vector<16xf32>,
      %bitcast3A_438 = vector.bitcast %scan3A_417#1 : vector<32xbf16> to vector<16xi32>
      %shift_left3A_439 = arith.constant 16 : i32
      %shift_left3A_440 = vector.broadcast %shift_left3A_439 : i32 to vector<16xi32>
      %shift_left3A_441 = arith.shli %bitcast3A_438, %shift_left3A_440 : vector<16xi32>
      %bitcast3A_442 = vector.bitcast %shift_left3A_441 : vector<16xi32> to vector<16xf32>
      %and3A_443 = arith.andi %bitcast3A_438, %broadcast_in_dim3A_5 : vector<16xi32>
      %bitcast3A_444 = vector.bitcast %and3A_443 : vector<16xi32> to vector<16xf32>
      %mul3A_445 = arith.constant 128 : i32
      %mul3A_446 = arith.muli %add3A_403, %mul3A_445 : i32
      %add3A_447 = arith.constant 32 : i32
      %add3A_448 = arith.addi %mul3A_446, %add3A_447 : i32
      %swap3A_449 = arith.index_cast %add3A_448 : i32 to index
      %swap3A_450 = tpu.vector_load %arg7[%swap3A_449] {strides = array<i32>} : memref<16384xf32, #tpu.memory_space<vmem>>, vector<16xf32>,
      tpu.vector_store %arg7[%swap3A_449], %bitcast3A_442 {strides = array<i32>} : memref<16384xf32, #tpu.memory_space<vmem>>, vector<16xf32>,
      %mul3A_451 = arith.constant 128 : i32
      %mul3A_452 = arith.muli %add3A_403, %mul3A_451 : i32
      %add3A_453 = arith.constant 48 : i32
      %add3A_454 = arith.addi %mul3A_452, %add3A_453 : i32
      %swap3A_455 = arith.index_cast %add3A_454 : i32 to index
      %swap3A_456 = tpu.vector_load %arg7[%swap3A_455] {strides = array<i32>} : memref<16384xf32, #tpu.memory_space<vmem>>, vector<16xf32>,
      tpu.vector_store %arg7[%swap3A_455], %bitcast3A_444 {strides = array<i32>} : memref<16384xf32, #tpu.memory_space<vmem>>, vector<16xf32>,
      %bitcast3A_457 = vector.bitcast %scan3A_417#2 : vector<32xbf16> to vector<16xi32>
      %shift_left3A_458 = arith.constant 16 : i32
      %shift_left3A_459 = vector.broadcast %shift_left3A_458 : i32 to vector<16xi32>
      %shift_left3A_460 = arith.shli %bitcast3A_457, %shift_left3A_459 : vector<16xi32>
      %bitcast3A_461 = vector.bitcast %shift_left3A_460 : vector<16xi32> to vector<16xf32>
      %and3A_462 = arith.andi %bitcast3A_457, %broadcast_in_dim3A_5 : vector<16xi32>
      %bitcast3A_463 = vector.bitcast %and3A_462 : vector<16xi32> to vector<16xf32>
      %mul3A_464 = arith.constant 128 : i32
      %mul3A_465 = arith.muli %add3A_403, %mul3A_464 : i32
      %add3A_466 = arith.constant 64 : i32
      %add3A_467 = arith.addi %mul3A_465, %add3A_466 : i32
      %swap3A_468 = arith.index_cast %add3A_467 : i32 to index
      %swap3A_469 = tpu.vector_load %arg7[%swap3A_468] {strides = array<i32>} : memref<16384xf32, #tpu.memory_space<vmem>>, vector<16xf32>,
      tpu.vector_store %arg7[%swap3A_468], %bitcast3A_461 {strides = array<i32>} : memref<16384xf32, #tpu.memory_space<vmem>>, vector<16xf32>,
      %mul3A_470 = arith.constant 128 : i32
      %mul3A_471 = arith.muli %add3A_403, %mul3A_470 : i32
      %add3A_472 = arith.constant 80 : i32
      %add3A_473 = arith.addi %mul3A_471, %add3A_472 : i32
      %swap3A_474 = arith.index_cast %add3A_473 : i32 to index
      %swap3A_475 = tpu.vector_load %arg7[%swap3A_474] {strides = array<i32>} : memref<16384xf32, #tpu.memory_space<vmem>>, vector<16xf32>,
      tpu.vector_store %arg7[%swap3A_474], %bitcast3A_463 {strides = array<i32>} : memref<16384xf32, #tpu.memory_space<vmem>>, vector<16xf32>,
      %bitcast3A_476 = vector.bitcast %scan3A_417#3 : vector<32xbf16> to vector<16xi32>
      %shift_left3A_477 = arith.constant 16 : i32
      %shift_left3A_478 = vector.broadcast %shift_left3A_477 : i32 to vector<16xi32>
      %shift_left3A_479 = arith.shli %bitcast3A_476, %shift_left3A_478 : vector<16xi32>
      %bitcast3A_480 = vector.bitcast %shift_left3A_479 : vector<16xi32> to vector<16xf32>
      %and3A_481 = arith.andi %bitcast3A_476, %broadcast_in_dim3A_5 : vector<16xi32>
      %bitcast3A_482 = vector.bitcast %and3A_481 : vector<16xi32> to vector<16xf32>
      %mul3A_483 = arith.constant 128 : i32
      %mul3A_484 = arith.muli %add3A_403, %mul3A_483 : i32
      %add3A_485 = arith.constant 96 : i32
      %add3A_486 = arith.addi %mul3A_484, %add3A_485 : i32
      %swap3A_487 = arith.index_cast %add3A_486 : i32 to index
      %swap3A_488 = tpu.vector_load %arg7[%swap3A_487] {strides = array<i32>} : memref<16384xf32, #tpu.memory_space<vmem>>, vector<16xf32>,
      tpu.vector_store %arg7[%swap3A_487], %bitcast3A_480 {strides = array<i32>} : memref<16384xf32, #tpu.memory_space<vmem>>, vector<16xf32>,
      %mul3A_489 = arith.constant 128 : i32
      %mul3A_490 = arith.muli %add3A_403, %mul3A_489 : i32
      %add3A_491 = arith.constant 112 : i32
      %add3A_492 = arith.addi %mul3A_490, %add3A_491 : i32
      %swap3A_493 = arith.index_cast %add3A_492 : i32 to index
      %swap3A_494 = tpu.vector_load %arg7[%swap3A_493] {strides = array<i32>} : memref<16384xf32, #tpu.memory_space<vmem>>, vector<16xf32>,
      tpu.vector_store %arg7[%swap3A_493], %bitcast3A_482 {strides = array<i32>} : memref<16384xf32, #tpu.memory_space<vmem>>, vector<16xf32>,
      %add3A_495 = arith.constant 4 : i32
      %add3A_496 = arith.addi %add3A_386, %add3A_495 : i32
      %add3A_497 = arith.constant 0 : i32
      %add3A_498 = arith.addi %add3A_496, %add3A_497 : i32
      %mul3A_499 = arith.constant 200 : i32
      %mul3A_500 = arith.muli %add3A_498, %mul3A_499 : i32
      %dma_start3A_501 = arith.constant 0 : i32
      %dma_start3A_502 = arith.constant 0 : i32
      %dma_start3A_503 = arith.constant 0 : i32
      %dma_start3A_504 = tpu.memref_slice %arg6[%dma_start3A_501, %dma_start3A_502, %dma_start3A_503] : memref<4x200x64xi32, #tpu.memory_space<vmem>> -> memref<1x104x64xi32, #tpu.memory_space<vmem>>
      %dma_start3A_505 = tpu.memref_squeeze %dma_start3A_504 : memref<1x104x64xi32, #tpu.memory_space<vmem>> -> memref<104x64xi32, #tpu.memory_space<vmem>>
      %dma_start3A_506 = tpu.memref_slice %arg5[%mul3A_500] : memref<25600xi32, #tpu.memory_space<vmem>> -> memref<104xi32, #tpu.memory_space<vmem>>
      %dma_start3A_507 = arith.constant 0 : i32
      %dma_start3A_508 = arith.constant 0 : i32
      %dma_start3A_509 = tpu.memref_slice %arg3[%dma_start3A_507, %dma_start3A_508] : memref<100000x64xi32, #tpu.memory_space<hbm>> -> memref<100000x64xi32, #tpu.memory_space<hbm>>
      tpu.enqueue_indirect_dma source(%dma_start3A_509 : memref<100000x64xi32, #tpu.memory_space<hbm>>) target(%dma_start3A_505 : memref<104x64xi32, #tpu.memory_space<vmem>>) offsets(%dma_start3A_506 : memref<104xi32, #tpu.memory_space<vmem>>) semaphore(%arg8 : memref<!tpu.dma_semaphore, #tpu.memory_space<semaphore_mem>>)
      %add3A_510 = arith.constant 104 : i32
      %add3A_511 = arith.addi %mul3A_500, %add3A_510 : i32
      %dma_start3A_512 = arith.constant 0 : i32
      %dma_start3A_513 = arith.constant 104 : i32
      %dma_start3A_514 = arith.constant 0 : i32
      %dma_start3A_515 = tpu.memref_slice %arg6[%dma_start3A_512, %dma_start3A_513, %dma_start3A_514] : memref<4x200x64xi32, #tpu.memory_space<vmem>> -> memref<1x96x64xi32, #tpu.memory_space<vmem>>
      %dma_start3A_516 = tpu.memref_squeeze %dma_start3A_515 : memref<1x96x64xi32, #tpu.memory_space<vmem>> -> memref<96x64xi32, #tpu.memory_space<vmem>>
      %dma_start3A_517 = tpu.memref_slice %arg5[%add3A_511] : memref<25600xi32, #tpu.memory_space<vmem>> -> memref<96xi32, #tpu.memory_space<vmem>>
      %dma_start3A_518 = arith.constant 0 : i32
      %dma_start3A_519 = arith.constant 0 : i32
      %dma_start3A_520 = tpu.memref_slice %arg3[%dma_start3A_518, %dma_start3A_519] : memref<100000x64xi32, #tpu.memory_space<hbm>> -> memref<100000x64xi32, #tpu.memory_space<hbm>>
      tpu.enqueue_indirect_dma source(%dma_start3A_520 : memref<100000x64xi32, #tpu.memory_space<hbm>>) target(%dma_start3A_516 : memref<96x64xi32, #tpu.memory_space<vmem>>) offsets(%dma_start3A_517 : memref<96xi32, #tpu.memory_space<vmem>>) semaphore(%arg8 : memref<!tpu.dma_semaphore, #tpu.memory_space<semaphore_mem>>)
      %dma_wait3A_521 = arith.constant 1 : i32
      %dma_wait3A_522 = arith.constant 0 : i32
      %dma_wait3A_523 = arith.constant 0 : i32
      %dma_wait3A_524 = tpu.memref_slice %arg6[%dma_wait3A_521, %dma_wait3A_522, %dma_wait3A_523] : memref<4x200x64xi32, #tpu.memory_space<vmem>> -> memref<1x200x64xi32, #tpu.memory_space<vmem>>
      %dma_wait3A_525 = tpu.memref_squeeze %dma_wait3A_524 : memref<1x200x64xi32, #tpu.memory_space<vmem>> -> memref<200x64xi32, #tpu.memory_space<vmem>>
      %dma_wait3A_526 = arith.constant 0 : i32
      %dma_wait3A_527 = arith.constant 0 : i32
      %dma_wait3A_528 = tpu.memref_slice %arg3[%dma_wait3A_526, %dma_wait3A_527] : memref<100000x64xi32, #tpu.memory_space<hbm>> -> memref<200x64xi32, #tpu.memory_space<hbm>>
      %dma_wait3A_529 = arith.constant 0 : i32
      %dma_wait3A_530 = arith.constant 0 : i32
      %dma_wait3A_531 = tpu.memref_slice %arg6[%dma_wait3A_521, %dma_wait3A_529, %dma_wait3A_530] : memref<4x200x64xi32, #tpu.memory_space<vmem>> -> memref<1x200x64xi32, #tpu.memory_space<vmem>>
      %dma_wait3A_532 = tpu.memref_squeeze %dma_wait3A_531 : memref<1x200x64xi32, #tpu.memory_space<vmem>> -> memref<200x64xi32, #tpu.memory_space<vmem>>
      %dma_wait3A_533 = arith.constant 0 : i32
      %dma_wait3A_534 = arith.constant 0 : i32
      %dma_wait3A_535 = tpu.memref_slice %arg3[%dma_wait3A_533, %dma_wait3A_534] : memref<100000x64xi32, #tpu.memory_space<hbm>> -> memref<200x64xi32, #tpu.memory_space<hbm>>
      tpu.wait_dma2 semaphore(%arg9 : memref<!tpu.dma_semaphore, #tpu.memory_space<semaphore_mem>>) src(%dma_wait3A_535 : memref<200x64xi32, #tpu.memory_space<hbm>>) dst(%dma_wait3A_532 : memref<200x64xi32, #tpu.memory_space<vmem>>)
      %add3A_536 = arith.constant 1 : i32
      %add3A_537 = arith.addi %add3A_386, %add3A_536 : i32
      %broadcast_in_dim3A_538 = arith.constant 0.000000e+00 : bf16
      %broadcast_in_dim3A_539 = vector.broadcast %broadcast_in_dim3A_538 : bf16 to vector<32xbf16>
      %broadcast_in_dim3A_540 = arith.constant 0.000000e+00 : bf16
      %broadcast_in_dim3A_541 = vector.broadcast %broadcast_in_dim3A_540 : bf16 to vector<32xbf16>
      %broadcast_in_dim3A_542 = arith.constant 0.000000e+00 : bf16
      %broadcast_in_dim3A_543 = vector.broadcast %broadcast_in_dim3A_542 : bf16 to vector<32xbf16>
      %broadcast_in_dim3A_544 = arith.constant 0.000000e+00 : bf16
      %broadcast_in_dim3A_545 = vector.broadcast %broadcast_in_dim3A_544 : bf16 to vector<32xbf16>
      %scan3A_546 = arith.constant 1 : i32
      %scan3A_547 = arith.constant 0 : i32
      %scan3A_548 = arith.constant 25 : i32
      %scan3A_549 = arith.addi %scan3A_547, %scan3A_548 : i32
      %scan3A_550 = arith.constant 1 : i32
      %scan3A_551:4 = scf.for %scan3A_923 = %scan3A_547 to %scan3A_549 step %scan3A_550 iter_args(%scan3A_924 = %broadcast_in_dim3A_539, %scan3A_925 = %broadcast_in_dim3A_541, %scan3A_926 = %broadcast_in_dim3A_543, %scan3A_927 = %broadcast_in_dim3A_545) -> (vector<32xbf16>, vector<32xbf16>, vector<32xbf16>, vector<32xbf16>)  : i32 {
        %mul3A_928 = arith.constant 8 : i32
        %mul3A_929 = arith.muli %scan3A_923, %mul3A_928 : i32
        %add3A_930 = arith.constant 0 : i32
        %add3A_931 = arith.addi %mul3A_929, %add3A_930 : i32
        %get3A = arith.constant 0 : i32
        %get3A_932 = arith.constant 0 : i32
        %get3A_933 = tpu.memref_slice %arg6[%scan3A_546, %get3A, %get3A_932] : memref<4x200x64xi32, #tpu.memory_space<vmem>> -> memref<1x200x64xi32, #tpu.memory_space<vmem>>
        %get3A_934 = tpu.memref_squeeze %get3A_933 : memref<1x200x64xi32, #tpu.memory_space<vmem>> -> memref<200x64xi32, #tpu.memory_space<vmem>>
        %get3A_935 = arith.index_cast %add3A_931 : i32 to index
        %get3A_936 = arith.constant 0 : index
        %get3A_937 = tpu.vector_load %get3A_934[%get3A_935, %get3A_936] {strides = array<i32>} : memref<200x64xi32, #tpu.memory_space<vmem>>, vector<16xi32>,
        %bitcast3A_938 = vector.bitcast %get3A_937 : vector<16xi32> to vector<32xbf16>
        %add3A_939 = arith.addf %scan3A_924, %bitcast3A_938 : vector<32xbf16>
        %add3A_940 = arith.constant 0 : i32
        %add3A_941 = arith.addi %mul3A_929, %add3A_940 : i32
        %get3A_942 = arith.constant 0 : i32
        %get3A_943 = arith.constant 0 : i32
        %get3A_944 = tpu.memref_slice %arg6[%scan3A_546, %get3A_942, %get3A_943] : memref<4x200x64xi32, #tpu.memory_space<vmem>> -> memref<1x200x64xi32, #tpu.memory_space<vmem>>
        %get3A_945 = tpu.memref_squeeze %get3A_944 : memref<1x200x64xi32, #tpu.memory_space<vmem>> -> memref<200x64xi32, #tpu.memory_space<vmem>>
        %get3A_946 = arith.index_cast %add3A_941 : i32 to index
        %get3A_947 = arith.constant 16 : index
        %get3A_948 = tpu.vector_load %get3A_945[%get3A_946, %get3A_947] {strides = array<i32>} : memref<200x64xi32, #tpu.memory_space<vmem>>, vector<16xi32>,
        %bitcast3A_949 = vector.bitcast %get3A_948 : vector<16xi32> to vector<32xbf16>
        %add3A_950 = arith.addf %scan3A_925, %bitcast3A_949 : vector<32xbf16>
        %add3A_951 = arith.constant 0 : i32
        %add3A_952 = arith.addi %mul3A_929, %add3A_951 : i32
        %get3A_953 = arith.constant 0 : i32
        %get3A_954 = arith.constant 0 : i32
        %get3A_955 = tpu.memref_slice %arg6[%scan3A_546, %get3A_953, %get3A_954] : memref<4x200x64xi32, #tpu.memory_space<vmem>> -> memref<1x200x64xi32, #tpu.memory_space<vmem>>
        %get3A_956 = tpu.memref_squeeze %get3A_955 : memref<1x200x64xi32, #tpu.memory_space<vmem>> -> memref<200x64xi32, #tpu.memory_space<vmem>>
        %get3A_957 = arith.index_cast %add3A_952 : i32 to index
        %get3A_958 = arith.constant 32 : index
        %get3A_959 = tpu.vector_load %get3A_956[%get3A_957, %get3A_958] {strides = array<i32>} : memref<200x64xi32, #tpu.memory_space<vmem>>, vector<16xi32>,
        %bitcast3A_960 = vector.bitcast %get3A_959 : vector<16xi32> to vector<32xbf16>
        %add3A_961 = arith.addf %scan3A_926, %bitcast3A_960 : vector<32xbf16>
        %add3A_962 = arith.constant 0 : i32
        %add3A_963 = arith.addi %mul3A_929, %add3A_962 : i32
        %get3A_964 = arith.constant 0 : i32
        %get3A_965 = arith.constant 0 : i32
        %get3A_966 = tpu.memref_slice %arg6[%scan3A_546, %get3A_964, %get3A_965] : memref<4x200x64xi32, #tpu.memory_space<vmem>> -> memref<1x200x64xi32, #tpu.memory_space<vmem>>
        %get3A_967 = tpu.memref_squeeze %get3A_966 : memref<1x200x64xi32, #tpu.memory_space<vmem>> -> memref<200x64xi32, #tpu.memory_space<vmem>>
        %get3A_968 = arith.index_cast %add3A_963 : i32 to index
        %get3A_969 = arith.constant 48 : index
        %get3A_970 = tpu.vector_load %get3A_967[%get3A_968, %get3A_969] {strides = array<i32>} : memref<200x64xi32, #tpu.memory_space<vmem>>, vector<16xi32>,
        %bitcast3A_971 = vector.bitcast %get3A_970 : vector<16xi32> to vector<32xbf16>
        %add3A_972 = arith.addf %scan3A_927, %bitcast3A_971 : vector<32xbf16>
        %add3A_973 = arith.constant 1 : i32
        %add3A_974 = arith.addi %mul3A_929, %add3A_973 : i32
        %get3A_975 = arith.constant 0 : i32
        %get3A_976 = arith.constant 0 : i32
        %get3A_977 = tpu.memref_slice %arg6[%scan3A_546, %get3A_975, %get3A_976] : memref<4x200x64xi32, #tpu.memory_space<vmem>> -> memref<1x200x64xi32, #tpu.memory_space<vmem>>
        %get3A_978 = tpu.memref_squeeze %get3A_977 : memref<1x200x64xi32, #tpu.memory_space<vmem>> -> memref<200x64xi32, #tpu.memory_space<vmem>>
        %get3A_979 = arith.index_cast %add3A_974 : i32 to index
        %get3A_980 = arith.constant 0 : index
        %get3A_981 = tpu.vector_load %get3A_978[%get3A_979, %get3A_980] {strides = array<i32>} : memref<200x64xi32, #tpu.memory_space<vmem>>, vector<16xi32>,
        %bitcast3A_982 = vector.bitcast %get3A_981 : vector<16xi32> to vector<32xbf16>
        %add3A_983 = arith.addf %add3A_939, %bitcast3A_982 : vector<32xbf16>
        %add3A_984 = arith.constant 1 : i32
        %add3A_985 = arith.addi %mul3A_929, %add3A_984 : i32
        %get3A_986 = arith.constant 0 : i32
        %get3A_987 = arith.constant 0 : i32
        %get3A_988 = tpu.memref_slice %arg6[%scan3A_546, %get3A_986, %get3A_987] : memref<4x200x64xi32, #tpu.memory_space<vmem>> -> memref<1x200x64xi32, #tpu.memory_space<vmem>>
        %get3A_989 = tpu.memref_squeeze %get3A_988 : memref<1x200x64xi32, #tpu.memory_space<vmem>> -> memref<200x64xi32, #tpu.memory_space<vmem>>
        %get3A_990 = arith.index_cast %add3A_985 : i32 to index
        %get3A_991 = arith.constant 16 : index
        %get3A_992 = tpu.vector_load %get3A_989[%get3A_990, %get3A_991] {strides = array<i32>} : memref<200x64xi32, #tpu.memory_space<vmem>>, vector<16xi32>,
        %bitcast3A_993 = vector.bitcast %get3A_992 : vector<16xi32> to vector<32xbf16>
        %add3A_994 = arith.addf %add3A_950, %bitcast3A_993 : vector<32xbf16>
        %add3A_995 = arith.constant 1 : i32
        %add3A_996 = arith.addi %mul3A_929, %add3A_995 : i32
        %get3A_997 = arith.constant 0 : i32
        %get3A_998 = arith.constant 0 : i32
        %get3A_999 = tpu.memref_slice %arg6[%scan3A_546, %get3A_997, %get3A_998] : memref<4x200x64xi32, #tpu.memory_space<vmem>> -> memref<1x200x64xi32, #tpu.memory_space<vmem>>
        %get3A_1000 = tpu.memref_squeeze %get3A_999 : memref<1x200x64xi32, #tpu.memory_space<vmem>> -> memref<200x64xi32, #tpu.memory_space<vmem>>
        %get3A_1001 = arith.index_cast %add3A_996 : i32 to index
        %get3A_1002 = arith.constant 32 : index
        %get3A_1003 = tpu.vector_load %get3A_1000[%get3A_1001, %get3A_1002] {strides = array<i32>} : memref<200x64xi32, #tpu.memory_space<vmem>>, vector<16xi32>,
        %bitcast3A_1004 = vector.bitcast %get3A_1003 : vector<16xi32> to vector<32xbf16>
        %add3A_1005 = arith.addf %add3A_961, %bitcast3A_1004 : vector<32xbf16>
        %add3A_1006 = arith.constant 1 : i32
        %add3A_1007 = arith.addi %mul3A_929, %add3A_1006 : i32
        %get3A_1008 = arith.constant 0 : i32
        %get3A_1009 = arith.constant 0 : i32
        %get3A_1010 = tpu.memref_slice %arg6[%scan3A_546, %get3A_1008, %get3A_1009] : memref<4x200x64xi32, #tpu.memory_space<vmem>> -> memref<1x200x64xi32, #tpu.memory_space<vmem>>
        %get3A_1011 = tpu.memref_squeeze %get3A_1010 : memref<1x200x64xi32, #tpu.memory_space<vmem>> -> memref<200x64xi32, #tpu.memory_space<vmem>>
        %get3A_1012 = arith.index_cast %add3A_1007 : i32 to index
        %get3A_1013 = arith.constant 48 : index
        %get3A_1014 = tpu.vector_load %get3A_1011[%get3A_1012, %get3A_1013] {strides = array<i32>} : memref<200x64xi32, #tpu.memory_space<vmem>>, vector<16xi32>,
        %bitcast3A_1015 = vector.bitcast %get3A_1014 : vector<16xi32> to vector<32xbf16>
        %add3A_1016 = arith.addf %add3A_972, %bitcast3A_1015 : vector<32xbf16>
        %add3A_1017 = arith.constant 2 : i32
        %add3A_1018 = arith.addi %mul3A_929, %add3A_1017 : i32
        %get3A_1019 = arith.constant 0 : i32
        %get3A_1020 = arith.constant 0 : i32
        %get3A_1021 = tpu.memref_slice %arg6[%scan3A_546, %get3A_1019, %get3A_1020] : memref<4x200x64xi32, #tpu.memory_space<vmem>> -> memref<1x200x64xi32, #tpu.memory_space<vmem>>
        %get3A_1022 = tpu.memref_squeeze %get3A_1021 : memref<1x200x64xi32, #tpu.memory_space<vmem>> -> memref<200x64xi32, #tpu.memory_space<vmem>>
        %get3A_1023 = arith.index_cast %add3A_1018 : i32 to index
        %get3A_1024 = arith.constant 0 : index
        %get3A_1025 = tpu.vector_load %get3A_1022[%get3A_1023, %get3A_1024] {strides = array<i32>} : memref<200x64xi32, #tpu.memory_space<vmem>>, vector<16xi32>,
        %bitcast3A_1026 = vector.bitcast %get3A_1025 : vector<16xi32> to vector<32xbf16>
        %add3A_1027 = arith.addf %add3A_983, %bitcast3A_1026 : vector<32xbf16>
        %add3A_1028 = arith.constant 2 : i32
        %add3A_1029 = arith.addi %mul3A_929, %add3A_1028 : i32
        %get3A_1030 = arith.constant 0 : i32
        %get3A_1031 = arith.constant 0 : i32
        %get3A_1032 = tpu.memref_slice %arg6[%scan3A_546, %get3A_1030, %get3A_1031] : memref<4x200x64xi32, #tpu.memory_space<vmem>> -> memref<1x200x64xi32, #tpu.memory_space<vmem>>
        %get3A_1033 = tpu.memref_squeeze %get3A_1032 : memref<1x200x64xi32, #tpu.memory_space<vmem>> -> memref<200x64xi32, #tpu.memory_space<vmem>>
        %get3A_1034 = arith.index_cast %add3A_1029 : i32 to index
        %get3A_1035 = arith.constant 16 : index
        %get3A_1036 = tpu.vector_load %get3A_1033[%get3A_1034, %get3A_1035] {strides = array<i32>} : memref<200x64xi32, #tpu.memory_space<vmem>>, vector<16xi32>,
        %bitcast3A_1037 = vector.bitcast %get3A_1036 : vector<16xi32> to vector<32xbf16>
        %add3A_1038 = arith.addf %add3A_994, %bitcast3A_1037 : vector<32xbf16>
        %add3A_1039 = arith.constant 2 : i32
        %add3A_1040 = arith.addi %mul3A_929, %add3A_1039 : i32
        %get3A_1041 = arith.constant 0 : i32
        %get3A_1042 = arith.constant 0 : i32
        %get3A_1043 = tpu.memref_slice %arg6[%scan3A_546, %get3A_1041, %get3A_1042] : memref<4x200x64xi32, #tpu.memory_space<vmem>> -> memref<1x200x64xi32, #tpu.memory_space<vmem>>
        %get3A_1044 = tpu.memref_squeeze %get3A_1043 : memref<1x200x64xi32, #tpu.memory_space<vmem>> -> memref<200x64xi32, #tpu.memory_space<vmem>>
        %get3A_1045 = arith.index_cast %add3A_1040 : i32 to index
        %get3A_1046 = arith.constant 32 : index
        %get3A_1047 = tpu.vector_load %get3A_1044[%get3A_1045, %get3A_1046] {strides = array<i32>} : memref<200x64xi32, #tpu.memory_space<vmem>>, vector<16xi32>,
        %bitcast3A_1048 = vector.bitcast %get3A_1047 : vector<16xi32> to vector<32xbf16>
        %add3A_1049 = arith.addf %add3A_1005, %bitcast3A_1048 : vector<32xbf16>
        %add3A_1050 = arith.constant 2 : i32
        %add3A_1051 = arith.addi %mul3A_929, %add3A_1050 : i32
        %get3A_1052 = arith.constant 0 : i32
        %get3A_1053 = arith.constant 0 : i32
        %get3A_1054 = tpu.memref_slice %arg6[%scan3A_546, %get3A_1052, %get3A_1053] : memref<4x200x64xi32, #tpu.memory_space<vmem>> -> memref<1x200x64xi32, #tpu.memory_space<vmem>>
        %get3A_1055 = tpu.memref_squeeze %get3A_1054 : memref<1x200x64xi32, #tpu.memory_space<vmem>> -> memref<200x64xi32, #tpu.memory_space<vmem>>
        %get3A_1056 = arith.index_cast %add3A_1051 : i32 to index
        %get3A_1057 = arith.constant 48 : index
        %get3A_1058 = tpu.vector_load %get3A_1055[%get3A_1056, %get3A_1057] {strides = array<i32>} : memref<200x64xi32, #tpu.memory_space<vmem>>, vector<16xi32>,
        %bitcast3A_1059 = vector.bitcast %get3A_1058 : vector<16xi32> to vector<32xbf16>
        %add3A_1060 = arith.addf %add3A_1016, %bitcast3A_1059 : vector<32xbf16>
        %add3A_1061 = arith.constant 3 : i32
        %add3A_1062 = arith.addi %mul3A_929, %add3A_1061 : i32
        %get3A_1063 = arith.constant 0 : i32
        %get3A_1064 = arith.constant 0 : i32
        %get3A_1065 = tpu.memref_slice %arg6[%scan3A_546, %get3A_1063, %get3A_1064] : memref<4x200x64xi32, #tpu.memory_space<vmem>> -> memref<1x200x64xi32, #tpu.memory_space<vmem>>
        %get3A_1066 = tpu.memref_squeeze %get3A_1065 : memref<1x200x64xi32, #tpu.memory_space<vmem>> -> memref<200x64xi32, #tpu.memory_space<vmem>>
        %get3A_1067 = arith.index_cast %add3A_1062 : i32 to index
        %get3A_1068 = arith.constant 0 : index
        %get3A_1069 = tpu.vector_load %get3A_1066[%get3A_1067, %get3A_1068] {strides = array<i32>} : memref<200x64xi32, #tpu.memory_space<vmem>>, vector<16xi32>,
        %bitcast3A_1070 = vector.bitcast %get3A_1069 : vector<16xi32> to vector<32xbf16>
        %add3A_1071 = arith.addf %add3A_1027, %bitcast3A_1070 : vector<32xbf16>
        %add3A_1072 = arith.constant 3 : i32
        %add3A_1073 = arith.addi %mul3A_929, %add3A_1072 : i32
        %get3A_1074 = arith.constant 0 : i32
        %get3A_1075 = arith.constant 0 : i32
        %get3A_1076 = tpu.memref_slice %arg6[%scan3A_546, %get3A_1074, %get3A_1075] : memref<4x200x64xi32, #tpu.memory_space<vmem>> -> memref<1x200x64xi32, #tpu.memory_space<vmem>>
        %get3A_1077 = tpu.memref_squeeze %get3A_1076 : memref<1x200x64xi32, #tpu.memory_space<vmem>> -> memref<200x64xi32, #tpu.memory_space<vmem>>
        %get3A_1078 = arith.index_cast %add3A_1073 : i32 to index
        %get3A_1079 = arith.constant 16 : index
        %get3A_1080 = tpu.vector_load %get3A_1077[%get3A_1078, %get3A_1079] {strides = array<i32>} : memref<200x64xi32, #tpu.memory_space<vmem>>, vector<16xi32>,
        %bitcast3A_1081 = vector.bitcast %get3A_1080 : vector<16xi32> to vector<32xbf16>
        %add3A_1082 = arith.addf %add3A_1038, %bitcast3A_1081 : vector<32xbf16>
        %add3A_1083 = arith.constant 3 : i32
        %add3A_1084 = arith.addi %mul3A_929, %add3A_1083 : i32
        %get3A_1085 = arith.constant 0 : i32
        %get3A_1086 = arith.constant 0 : i32
        %get3A_1087 = tpu.memref_slice %arg6[%scan3A_546, %get3A_1085, %get3A_1086] : memref<4x200x64xi32, #tpu.memory_space<vmem>> -> memref<1x200x64xi32, #tpu.memory_space<vmem>>
        %get3A_1088 = tpu.memref_squeeze %get3A_1087 : memref<1x200x64xi32, #tpu.memory_space<vmem>> -> memref<200x64xi32, #tpu.memory_space<vmem>>
        %get3A_1089 = arith.index_cast %add3A_1084 : i32 to index
        %get3A_1090 = arith.constant 32 : index
        %get3A_1091 = tpu.vector_load %get3A_1088[%get3A_1089, %get3A_1090] {strides = array<i32>} : memref<200x64xi32, #tpu.memory_space<vmem>>, vector<16xi32>,
        %bitcast3A_1092 = vector.bitcast %get3A_1091 : vector<16xi32> to vector<32xbf16>
        %add3A_1093 = arith.addf %add3A_1049, %bitcast3A_1092 : vector<32xbf16>
        %add3A_1094 = arith.constant 3 : i32
        %add3A_1095 = arith.addi %mul3A_929, %add3A_1094 : i32
        %get3A_1096 = arith.constant 0 : i32
        %get3A_1097 = arith.constant 0 : i32
        %get3A_1098 = tpu.memref_slice %arg6[%scan3A_546, %get3A_1096, %get3A_1097] : memref<4x200x64xi32, #tpu.memory_space<vmem>> -> memref<1x200x64xi32, #tpu.memory_space<vmem>>
        %get3A_1099 = tpu.memref_squeeze %get3A_1098 : memref<1x200x64xi32, #tpu.memory_space<vmem>> -> memref<200x64xi32, #tpu.memory_space<vmem>>
        %get3A_1100 = arith.index_cast %add3A_1095 : i32 to index
        %get3A_1101 = arith.constant 48 : index
        %get3A_1102 = tpu.vector_load %get3A_1099[%get3A_1100, %get3A_1101] {strides = array<i32>} : memref<200x64xi32, #tpu.memory_space<vmem>>, vector<16xi32>,
        %bitcast3A_1103 = vector.bitcast %get3A_1102 : vector<16xi32> to vector<32xbf16>
        %add3A_1104 = arith.addf %add3A_1060, %bitcast3A_1103 : vector<32xbf16>
        %add3A_1105 = arith.constant 4 : i32
        %add3A_1106 = arith.addi %mul3A_929, %add3A_1105 : i32
        %get3A_1107 = arith.constant 0 : i32
        %get3A_1108 = arith.constant 0 : i32
        %get3A_1109 = tpu.memref_slice %arg6[%scan3A_546, %get3A_1107, %get3A_1108] : memref<4x200x64xi32, #tpu.memory_space<vmem>> -> memref<1x200x64xi32, #tpu.memory_space<vmem>>
        %get3A_1110 = tpu.memref_squeeze %get3A_1109 : memref<1x200x64xi32, #tpu.memory_space<vmem>> -> memref<200x64xi32, #tpu.memory_space<vmem>>
        %get3A_1111 = arith.index_cast %add3A_1106 : i32 to index
        %get3A_1112 = arith.constant 0 : index
        %get3A_1113 = tpu.vector_load %get3A_1110[%get3A_1111, %get3A_1112] {strides = array<i32>} : memref<200x64xi32, #tpu.memory_space<vmem>>, vector<16xi32>,
        %bitcast3A_1114 = vector.bitcast %get3A_1113 : vector<16xi32> to vector<32xbf16>
        %add3A_1115 = arith.addf %add3A_1071, %bitcast3A_1114 : vector<32xbf16>
        %add3A_1116 = arith.constant 4 : i32
        %add3A_1117 = arith.addi %mul3A_929, %add3A_1116 : i32
        %get3A_1118 = arith.constant 0 : i32
        %get3A_1119 = arith.constant 0 : i32
        %get3A_1120 = tpu.memref_slice %arg6[%scan3A_546, %get3A_1118, %get3A_1119] : memref<4x200x64xi32, #tpu.memory_space<vmem>> -> memref<1x200x64xi32, #tpu.memory_space<vmem>>
        %get3A_1121 = tpu.memref_squeeze %get3A_1120 : memref<1x200x64xi32, #tpu.memory_space<vmem>> -> memref<200x64xi32, #tpu.memory_space<vmem>>
        %get3A_1122 = arith.index_cast %add3A_1117 : i32 to index
        %get3A_1123 = arith.constant 16 : index
        %get3A_1124 = tpu.vector_load %get3A_1121[%get3A_1122, %get3A_1123] {strides = array<i32>} : memref<200x64xi32, #tpu.memory_space<vmem>>, vector<16xi32>,
        %bitcast3A_1125 = vector.bitcast %get3A_1124 : vector<16xi32> to vector<32xbf16>
        %add3A_1126 = arith.addf %add3A_1082, %bitcast3A_1125 : vector<32xbf16>
        %add3A_1127 = arith.constant 4 : i32
        %add3A_1128 = arith.addi %mul3A_929, %add3A_1127 : i32
        %get3A_1129 = arith.constant 0 : i32
        %get3A_1130 = arith.constant 0 : i32
        %get3A_1131 = tpu.memref_slice %arg6[%scan3A_546, %get3A_1129, %get3A_1130] : memref<4x200x64xi32, #tpu.memory_space<vmem>> -> memref<1x200x64xi32, #tpu.memory_space<vmem>>
        %get3A_1132 = tpu.memref_squeeze %get3A_1131 : memref<1x200x64xi32, #tpu.memory_space<vmem>> -> memref<200x64xi32, #tpu.memory_space<vmem>>
        %get3A_1133 = arith.index_cast %add3A_1128 : i32 to index
        %get3A_1134 = arith.constant 32 : index
        %get3A_1135 = tpu.vector_load %get3A_1132[%get3A_1133, %get3A_1134] {strides = array<i32>} : memref<200x64xi32, #tpu.memory_space<vmem>>, vector<16xi32>,
        %bitcast3A_1136 = vector.bitcast %get3A_1135 : vector<16xi32> to vector<32xbf16>
        %add3A_1137 = arith.addf %add3A_1093, %bitcast3A_1136 : vector<32xbf16>
        %add3A_1138 = arith.constant 4 : i32
        %add3A_1139 = arith.addi %mul3A_929, %add3A_1138 : i32
        %get3A_1140 = arith.constant 0 : i32
        %get3A_1141 = arith.constant 0 : i32
        %get3A_1142 = tpu.memref_slice %arg6[%scan3A_546, %get3A_1140, %get3A_1141] : memref<4x200x64xi32, #tpu.memory_space<vmem>> -> memref<1x200x64xi32, #tpu.memory_space<vmem>>
        %get3A_1143 = tpu.memref_squeeze %get3A_1142 : memref<1x200x64xi32, #tpu.memory_space<vmem>> -> memref<200x64xi32, #tpu.memory_space<vmem>>
        %get3A_1144 = arith.index_cast %add3A_1139 : i32 to index
        %get3A_1145 = arith.constant 48 : index
        %get3A_1146 = tpu.vector_load %get3A_1143[%get3A_1144, %get3A_1145] {strides = array<i32>} : memref<200x64xi32, #tpu.memory_space<vmem>>, vector<16xi32>,
        %bitcast3A_1147 = vector.bitcast %get3A_1146 : vector<16xi32> to vector<32xbf16>
        %add3A_1148 = arith.addf %add3A_1104, %bitcast3A_1147 : vector<32xbf16>
        %add3A_1149 = arith.constant 5 : i32
        %add3A_1150 = arith.addi %mul3A_929, %add3A_1149 : i32
        %get3A_1151 = arith.constant 0 : i32
        %get3A_1152 = arith.constant 0 : i32
        %get3A_1153 = tpu.memref_slice %arg6[%scan3A_546, %get3A_1151, %get3A_1152] : memref<4x200x64xi32, #tpu.memory_space<vmem>> -> memref<1x200x64xi32, #tpu.memory_space<vmem>>
        %get3A_1154 = tpu.memref_squeeze %get3A_1153 : memref<1x200x64xi32, #tpu.memory_space<vmem>> -> memref<200x64xi32, #tpu.memory_space<vmem>>
        %get3A_1155 = arith.index_cast %add3A_1150 : i32 to index
        %get3A_1156 = arith.constant 0 : index
        %get3A_1157 = tpu.vector_load %get3A_1154[%get3A_1155, %get3A_1156] {strides = array<i32>} : memref<200x64xi32, #tpu.memory_space<vmem>>, vector<16xi32>,
        %bitcast3A_1158 = vector.bitcast %get3A_1157 : vector<16xi32> to vector<32xbf16>
        %add3A_1159 = arith.addf %add3A_1115, %bitcast3A_1158 : vector<32xbf16>
        %add3A_1160 = arith.constant 5 : i32
        %add3A_1161 = arith.addi %mul3A_929, %add3A_1160 : i32
        %get3A_1162 = arith.constant 0 : i32
        %get3A_1163 = arith.constant 0 : i32
        %get3A_1164 = tpu.memref_slice %arg6[%scan3A_546, %get3A_1162, %get3A_1163] : memref<4x200x64xi32, #tpu.memory_space<vmem>> -> memref<1x200x64xi32, #tpu.memory_space<vmem>>
        %get3A_1165 = tpu.memref_squeeze %get3A_1164 : memref<1x200x64xi32, #tpu.memory_space<vmem>> -> memref<200x64xi32, #tpu.memory_space<vmem>>
        %get3A_1166 = arith.index_cast %add3A_1161 : i32 to index
        %get3A_1167 = arith.constant 16 : index
        %get3A_1168 = tpu.vector_load %get3A_1165[%get3A_1166, %get3A_1167] {strides = array<i32>} : memref<200x64xi32, #tpu.memory_space<vmem>>, vector<16xi32>,
        %bitcast3A_1169 = vector.bitcast %get3A_1168 : vector<16xi32> to vector<32xbf16>
        %add3A_1170 = arith.addf %add3A_1126, %bitcast3A_1169 : vector<32xbf16>
        %add3A_1171 = arith.constant 5 : i32
        %add3A_1172 = arith.addi %mul3A_929, %add3A_1171 : i32
        %get3A_1173 = arith.constant 0 : i32
        %get3A_1174 = arith.constant 0 : i32
        %get3A_1175 = tpu.memref_slice %arg6[%scan3A_546, %get3A_1173, %get3A_1174] : memref<4x200x64xi32, #tpu.memory_space<vmem>> -> memref<1x200x64xi32, #tpu.memory_space<vmem>>
        %get3A_1176 = tpu.memref_squeeze %get3A_1175 : memref<1x200x64xi32, #tpu.memory_space<vmem>> -> memref<200x64xi32, #tpu.memory_space<vmem>>
        %get3A_1177 = arith.index_cast %add3A_1172 : i32 to index
        %get3A_1178 = arith.constant 32 : index
        %get3A_1179 = tpu.vector_load %get3A_1176[%get3A_1177, %get3A_1178] {strides = array<i32>} : memref<200x64xi32, #tpu.memory_space<vmem>>, vector<16xi32>,
        %bitcast3A_1180 = vector.bitcast %get3A_1179 : vector<16xi32> to vector<32xbf16>
        %add3A_1181 = arith.addf %add3A_1137, %bitcast3A_1180 : vector<32xbf16>
        %add3A_1182 = arith.constant 5 : i32
        %add3A_1183 = arith.addi %mul3A_929, %add3A_1182 : i32
        %get3A_1184 = arith.constant 0 : i32
        %get3A_1185 = arith.constant 0 : i32
        %get3A_1186 = tpu.memref_slice %arg6[%scan3A_546, %get3A_1184, %get3A_1185] : memref<4x200x64xi32, #tpu.memory_space<vmem>> -> memref<1x200x64xi32, #tpu.memory_space<vmem>>
        %get3A_1187 = tpu.memref_squeeze %get3A_1186 : memref<1x200x64xi32, #tpu.memory_space<vmem>> -> memref<200x64xi32, #tpu.memory_space<vmem>>
        %get3A_1188 = arith.index_cast %add3A_1183 : i32 to index
        %get3A_1189 = arith.constant 48 : index
        %get3A_1190 = tpu.vector_load %get3A_1187[%get3A_1188, %get3A_1189] {strides = array<i32>} : memref<200x64xi32, #tpu.memory_space<vmem>>, vector<16xi32>,
        %bitcast3A_1191 = vector.bitcast %get3A_1190 : vector<16xi32> to vector<32xbf16>
        %add3A_1192 = arith.addf %add3A_1148, %bitcast3A_1191 : vector<32xbf16>
        %add3A_1193 = arith.constant 6 : i32
        %add3A_1194 = arith.addi %mul3A_929, %add3A_1193 : i32
        %get3A_1195 = arith.constant 0 : i32
        %get3A_1196 = arith.constant 0 : i32
        %get3A_1197 = tpu.memref_slice %arg6[%scan3A_546, %get3A_1195, %get3A_1196] : memref<4x200x64xi32, #tpu.memory_space<vmem>> -> memref<1x200x64xi32, #tpu.memory_space<vmem>>
        %get3A_1198 = tpu.memref_squeeze %get3A_1197 : memref<1x200x64xi32, #tpu.memory_space<vmem>> -> memref<200x64xi32, #tpu.memory_space<vmem>>
        %get3A_1199 = arith.index_cast %add3A_1194 : i32 to index
        %get3A_1200 = arith.constant 0 : index
        %get3A_1201 = tpu.vector_load %get3A_1198[%get3A_1199, %get3A_1200] {strides = array<i32>} : memref<200x64xi32, #tpu.memory_space<vmem>>, vector<16xi32>,
        %bitcast3A_1202 = vector.bitcast %get3A_1201 : vector<16xi32> to vector<32xbf16>
        %add3A_1203 = arith.addf %add3A_1159, %bitcast3A_1202 : vector<32xbf16>
        %add3A_1204 = arith.constant 6 : i32
        %add3A_1205 = arith.addi %mul3A_929, %add3A_1204 : i32
        %get3A_1206 = arith.constant 0 : i32
        %get3A_1207 = arith.constant 0 : i32
        %get3A_1208 = tpu.memref_slice %arg6[%scan3A_546, %get3A_1206, %get3A_1207] : memref<4x200x64xi32, #tpu.memory_space<vmem>> -> memref<1x200x64xi32, #tpu.memory_space<vmem>>
        %get3A_1209 = tpu.memref_squeeze %get3A_1208 : memref<1x200x64xi32, #tpu.memory_space<vmem>> -> memref<200x64xi32, #tpu.memory_space<vmem>>
        %get3A_1210 = arith.index_cast %add3A_1205 : i32 to index
        %get3A_1211 = arith.constant 16 : index
        %get3A_1212 = tpu.vector_load %get3A_1209[%get3A_1210, %get3A_1211] {strides = array<i32>} : memref<200x64xi32, #tpu.memory_space<vmem>>, vector<16xi32>,
        %bitcast3A_1213 = vector.bitcast %get3A_1212 : vector<16xi32> to vector<32xbf16>
        %add3A_1214 = arith.addf %add3A_1170, %bitcast3A_1213 : vector<32xbf16>
        %add3A_1215 = arith.constant 6 : i32
        %add3A_1216 = arith.addi %mul3A_929, %add3A_1215 : i32
        %get3A_1217 = arith.constant 0 : i32
        %get3A_1218 = arith.constant 0 : i32
        %get3A_1219 = tpu.memref_slice %arg6[%scan3A_546, %get3A_1217, %get3A_1218] : memref<4x200x64xi32, #tpu.memory_space<vmem>> -> memref<1x200x64xi32, #tpu.memory_space<vmem>>
        %get3A_1220 = tpu.memref_squeeze %get3A_1219 : memref<1x200x64xi32, #tpu.memory_space<vmem>> -> memref<200x64xi32, #tpu.memory_space<vmem>>
        %get3A_1221 = arith.index_cast %add3A_1216 : i32 to index
        %get3A_1222 = arith.constant 32 : index
        %get3A_1223 = tpu.vector_load %get3A_1220[%get3A_1221, %get3A_1222] {strides = array<i32>} : memref<200x64xi32, #tpu.memory_space<vmem>>, vector<16xi32>,
        %bitcast3A_1224 = vector.bitcast %get3A_1223 : vector<16xi32> to vector<32xbf16>
        %add3A_1225 = arith.addf %add3A_1181, %bitcast3A_1224 : vector<32xbf16>
        %add3A_1226 = arith.constant 6 : i32
        %add3A_1227 = arith.addi %mul3A_929, %add3A_1226 : i32
        %get3A_1228 = arith.constant 0 : i32
        %get3A_1229 = arith.constant 0 : i32
        %get3A_1230 = tpu.memref_slice %arg6[%scan3A_546, %get3A_1228, %get3A_1229] : memref<4x200x64xi32, #tpu.memory_space<vmem>> -> memref<1x200x64xi32, #tpu.memory_space<vmem>>
        %get3A_1231 = tpu.memref_squeeze %get3A_1230 : memref<1x200x64xi32, #tpu.memory_space<vmem>> -> memref<200x64xi32, #tpu.memory_space<vmem>>
        %get3A_1232 = arith.index_cast %add3A_1227 : i32 to index
        %get3A_1233 = arith.constant 48 : index
        %get3A_1234 = tpu.vector_load %get3A_1231[%get3A_1232, %get3A_1233] {strides = array<i32>} : memref<200x64xi32, #tpu.memory_space<vmem>>, vector<16xi32>,
        %bitcast3A_1235 = vector.bitcast %get3A_1234 : vector<16xi32> to vector<32xbf16>
        %add3A_1236 = arith.addf %add3A_1192, %bitcast3A_1235 : vector<32xbf16>
        %add3A_1237 = arith.constant 7 : i32
        %add3A_1238 = arith.addi %mul3A_929, %add3A_1237 : i32
        %get3A_1239 = arith.constant 0 : i32
        %get3A_1240 = arith.constant 0 : i32
        %get3A_1241 = tpu.memref_slice %arg6[%scan3A_546, %get3A_1239, %get3A_1240] : memref<4x200x64xi32, #tpu.memory_space<vmem>> -> memref<1x200x64xi32, #tpu.memory_space<vmem>>
        %get3A_1242 = tpu.memref_squeeze %get3A_1241 : memref<1x200x64xi32, #tpu.memory_space<vmem>> -> memref<200x64xi32, #tpu.memory_space<vmem>>
        %get3A_1243 = arith.index_cast %add3A_1238 : i32 to index
        %get3A_1244 = arith.constant 0 : index
        %get3A_1245 = tpu.vector_load %get3A_1242[%get3A_1243, %get3A_1244] {strides = array<i32>} : memref<200x64xi32, #tpu.memory_space<vmem>>, vector<16xi32>,
        %bitcast3A_1246 = vector.bitcast %get3A_1245 : vector<16xi32> to vector<32xbf16>
        %add3A_1247 = arith.addf %add3A_1203, %bitcast3A_1246 : vector<32xbf16>
        %add3A_1248 = arith.constant 7 : i32
        %add3A_1249 = arith.addi %mul3A_929, %add3A_1248 : i32
        %get3A_1250 = arith.constant 0 : i32
        %get3A_1251 = arith.constant 0 : i32
        %get3A_1252 = tpu.memref_slice %arg6[%scan3A_546, %get3A_1250, %get3A_1251] : memref<4x200x64xi32, #tpu.memory_space<vmem>> -> memref<1x200x64xi32, #tpu.memory_space<vmem>>
        %get3A_1253 = tpu.memref_squeeze %get3A_1252 : memref<1x200x64xi32, #tpu.memory_space<vmem>> -> memref<200x64xi32, #tpu.memory_space<vmem>>
        %get3A_1254 = arith.index_cast %add3A_1249 : i32 to index
        %get3A_1255 = arith.constant 16 : index
        %get3A_1256 = tpu.vector_load %get3A_1253[%get3A_1254, %get3A_1255] {strides = array<i32>} : memref<200x64xi32, #tpu.memory_space<vmem>>, vector<16xi32>,
        %bitcast3A_1257 = vector.bitcast %get3A_1256 : vector<16xi32> to vector<32xbf16>
        %add3A_1258 = arith.addf %add3A_1214, %bitcast3A_1257 : vector<32xbf16>
        %add3A_1259 = arith.constant 7 : i32
        %add3A_1260 = arith.addi %mul3A_929, %add3A_1259 : i32
        %get3A_1261 = arith.constant 0 : i32
        %get3A_1262 = arith.constant 0 : i32
        %get3A_1263 = tpu.memref_slice %arg6[%scan3A_546, %get3A_1261, %get3A_1262] : memref<4x200x64xi32, #tpu.memory_space<vmem>> -> memref<1x200x64xi32, #tpu.memory_space<vmem>>
        %get3A_1264 = tpu.memref_squeeze %get3A_1263 : memref<1x200x64xi32, #tpu.memory_space<vmem>> -> memref<200x64xi32, #tpu.memory_space<vmem>>
        %get3A_1265 = arith.index_cast %add3A_1260 : i32 to index
        %get3A_1266 = arith.constant 32 : index
        %get3A_1267 = tpu.vector_load %get3A_1264[%get3A_1265, %get3A_1266] {strides = array<i32>} : memref<200x64xi32, #tpu.memory_space<vmem>>, vector<16xi32>,
        %bitcast3A_1268 = vector.bitcast %get3A_1267 : vector<16xi32> to vector<32xbf16>
        %add3A_1269 = arith.addf %add3A_1225, %bitcast3A_1268 : vector<32xbf16>
        %add3A_1270 = arith.constant 7 : i32
        %add3A_1271 = arith.addi %mul3A_929, %add3A_1270 : i32
        %get3A_1272 = arith.constant 0 : i32
        %get3A_1273 = arith.constant 0 : i32
        %get3A_1274 = tpu.memref_slice %arg6[%scan3A_546, %get3A_1272, %get3A_1273] : memref<4x200x64xi32, #tpu.memory_space<vmem>> -> memref<1x200x64xi32, #tpu.memory_space<vmem>>
        %get3A_1275 = tpu.memref_squeeze %get3A_1274 : memref<1x200x64xi32, #tpu.memory_space<vmem>> -> memref<200x64xi32, #tpu.memory_space<vmem>>
        %get3A_1276 = arith.index_cast %add3A_1271 : i32 to index
        %get3A_1277 = arith.constant 48 : index
        %get3A_1278 = tpu.vector_load %get3A_1275[%get3A_1276, %get3A_1277] {strides = array<i32>} : memref<200x64xi32, #tpu.memory_space<vmem>>, vector<16xi32>,
        %bitcast3A_1279 = vector.bitcast %get3A_1278 : vector<16xi32> to vector<32xbf16>
        %add3A_1280 = arith.addf %add3A_1236, %bitcast3A_1279 : vector<32xbf16>
        scf.yield %add3A_1247, %add3A_1258, %add3A_1269, %add3A_1280 : vector<32xbf16>, vector<32xbf16>, vector<32xbf16>, vector<32xbf16>
      }
      %scan3A_552 = arith.constant 25 : i32
      %bitcast3A_553 = vector.bitcast %scan3A_551#0 : vector<32xbf16> to vector<16xi32>
      %shift_left3A_554 = arith.constant 16 : i32
      %shift_left3A_555 = vector.broadcast %shift_left3A_554 : i32 to vector<16xi32>
      %shift_left3A_556 = arith.shli %bitcast3A_553, %shift_left3A_555 : vector<16xi32>
      %bitcast3A_557 = vector.bitcast %shift_left3A_556 : vector<16xi32> to vector<16xf32>
      %and3A_558 = arith.andi %bitcast3A_553, %broadcast_in_dim3A_5 : vector<16xi32>
      %bitcast3A_559 = vector.bitcast %and3A_558 : vector<16xi32> to vector<16xf32>
      %mul3A_560 = arith.constant 128 : i32
      %mul3A_561 = arith.muli %add3A_537, %mul3A_560 : i32
      %add3A_562 = arith.constant 0 : i32
      %add3A_563 = arith.addi %mul3A_561, %add3A_562 : i32
      %swap3A_564 = arith.index_cast %add3A_563 : i32 to index
      %swap3A_565 = tpu.vector_load %arg7[%swap3A_564] {strides = array<i32>} : memref<16384xf32, #tpu.memory_space<vmem>>, vector<16xf32>,
      tpu.vector_store %arg7[%swap3A_564], %bitcast3A_557 {strides = array<i32>} : memref<16384xf32, #tpu.memory_space<vmem>>, vector<16xf32>,
      %mul3A_566 = arith.constant 128 : i32
      %mul3A_567 = arith.muli %add3A_537, %mul3A_566 : i32
      %add3A_568 = arith.constant 16 : i32
      %add3A_569 = arith.addi %mul3A_567, %add3A_568 : i32
      %swap3A_570 = arith.index_cast %add3A_569 : i32 to index
      %swap3A_571 = tpu.vector_load %arg7[%swap3A_570] {strides = array<i32>} : memref<16384xf32, #tpu.memory_space<vmem>>, vector<16xf32>,
      tpu.vector_store %arg7[%swap3A_570], %bitcast3A_559 {strides = array<i32>} : memref<16384xf32, #tpu.memory_space<vmem>>, vector<16xf32>,
      %bitcast3A_572 = vector.bitcast %scan3A_551#1 : vector<32xbf16> to vector<16xi32>
      %shift_left3A_573 = arith.constant 16 : i32
      %shift_left3A_574 = vector.broadcast %shift_left3A_573 : i32 to vector<16xi32>
      %shift_left3A_575 = arith.shli %bitcast3A_572, %shift_left3A_574 : vector<16xi32>
      %bitcast3A_576 = vector.bitcast %shift_left3A_575 : vector<16xi32> to vector<16xf32>
      %and3A_577 = arith.andi %bitcast3A_572, %broadcast_in_dim3A_5 : vector<16xi32>
      %bitcast3A_578 = vector.bitcast %and3A_577 : vector<16xi32> to vector<16xf32>
      %mul3A_579 = arith.constant 128 : i32
      %mul3A_580 = arith.muli %add3A_537, %mul3A_579 : i32
      %add3A_581 = arith.constant 32 : i32
      %add3A_582 = arith.addi %mul3A_580, %add3A_581 : i32
      %swap3A_583 = arith.index_cast %add3A_582 : i32 to index
      %swap3A_584 = tpu.vector_load %arg7[%swap3A_583] {strides = array<i32>} : memref<16384xf32, #tpu.memory_space<vmem>>, vector<16xf32>,
      tpu.vector_store %arg7[%swap3A_583], %bitcast3A_576 {strides = array<i32>} : memref<16384xf32, #tpu.memory_space<vmem>>, vector<16xf32>,
      %mul3A_585 = arith.constant 128 : i32
      %mul3A_586 = arith.muli %add3A_537, %mul3A_585 : i32
      %add3A_587 = arith.constant 48 : i32
      %add3A_588 = arith.addi %mul3A_586, %add3A_587 : i32
      %swap3A_589 = arith.index_cast %add3A_588 : i32 to index
      %swap3A_590 = tpu.vector_load %arg7[%swap3A_589] {strides = array<i32>} : memref<16384xf32, #tpu.memory_space<vmem>>, vector<16xf32>,
      tpu.vector_store %arg7[%swap3A_589], %bitcast3A_578 {strides = array<i32>} : memref<16384xf32, #tpu.memory_space<vmem>>, vector<16xf32>,
      %bitcast3A_591 = vector.bitcast %scan3A_551#2 : vector<32xbf16> to vector<16xi32>
      %shift_left3A_592 = arith.constant 16 : i32
      %shift_left3A_593 = vector.broadcast %shift_left3A_592 : i32 to vector<16xi32>
      %shift_left3A_594 = arith.shli %bitcast3A_591, %shift_left3A_593 : vector<16xi32>
      %bitcast3A_595 = vector.bitcast %shift_left3A_594 : vector<16xi32> to vector<16xf32>
      %and3A_596 = arith.andi %bitcast3A_591, %broadcast_in_dim3A_5 : vector<16xi32>
      %bitcast3A_597 = vector.bitcast %and3A_596 : vector<16xi32> to vector<16xf32>
      %mul3A_598 = arith.constant 128 : i32
      %mul3A_599 = arith.muli %add3A_537, %mul3A_598 : i32
      %add3A_600 = arith.constant 64 : i32
      %add3A_601 = arith.addi %mul3A_599, %add3A_600 : i32
      %swap3A_602 = arith.index_cast %add3A_601 : i32 to index
      %swap3A_603 = tpu.vector_load %arg7[%swap3A_602] {strides = array<i32>} : memref<16384xf32, #tpu.memory_space<vmem>>, vector<16xf32>,
      tpu.vector_store %arg7[%swap3A_602], %bitcast3A_595 {strides = array<i32>} : memref<16384xf32, #tpu.memory_space<vmem>>, vector<16xf32>,
      %mul3A_604 = arith.constant 128 : i32
      %mul3A_605 = arith.muli %add3A_537, %mul3A_604 : i32
      %add3A_606 = arith.constant 80 : i32
      %add3A_607 = arith.addi %mul3A_605, %add3A_606 : i32
      %swap3A_608 = arith.index_cast %add3A_607 : i32 to index
      %swap3A_609 = tpu.vector_load %arg7[%swap3A_608] {strides = array<i32>} : memref<16384xf32, #tpu.memory_space<vmem>>, vector<16xf32>,
      tpu.vector_store %arg7[%swap3A_608], %bitcast3A_597 {strides = array<i32>} : memref<16384xf32, #tpu.memory_space<vmem>>, vector<16xf32>,
      %bitcast3A_610 = vector.bitcast %scan3A_551#3 : vector<32xbf16> to vector<16xi32>
      %shift_left3A_611 = arith.constant 16 : i32
      %shift_left3A_612 = vector.broadcast %shift_left3A_611 : i32 to vector<16xi32>
      %shift_left3A_613 = arith.shli %bitcast3A_610, %shift_left3A_612 : vector<16xi32>
      %bitcast3A_614 = vector.bitcast %shift_left3A_613 : vector<16xi32> to vector<16xf32>
      %and3A_615 = arith.andi %bitcast3A_610, %broadcast_in_dim3A_5 : vector<16xi32>
      %bitcast3A_616 = vector.bitcast %and3A_615 : vector<16xi32> to vector<16xf32>
      %mul3A_617 = arith.constant 128 : i32
      %mul3A_618 = arith.muli %add3A_537, %mul3A_617 : i32
      %add3A_619 = arith.constant 96 : i32
      %add3A_620 = arith.addi %mul3A_618, %add3A_619 : i32
      %swap3A_621 = arith.index_cast %add3A_620 : i32 to index
      %swap3A_622 = tpu.vector_load %arg7[%swap3A_621] {strides = array<i32>} : memref<16384xf32, #tpu.memory_space<vmem>>, vector<16xf32>,
      tpu.vector_store %arg7[%swap3A_621], %bitcast3A_614 {strides = array<i32>} : memref<16384xf32, #tpu.memory_space<vmem>>, vector<16xf32>,
      %mul3A_623 = arith.constant 128 : i32
      %mul3A_624 = arith.muli %add3A_537, %mul3A_623 : i32
      %add3A_625 = arith.constant 112 : i32
      %add3A_626 = arith.addi %mul3A_624, %add3A_625 : i32
      %swap3A_627 = arith.index_cast %add3A_626 : i32 to index
      %swap3A_628 = tpu.vector_load %arg7[%swap3A_627] {strides = array<i32>} : memref<16384xf32, #tpu.memory_space<vmem>>, vector<16xf32>,
      tpu.vector_store %arg7[%swap3A_627], %bitcast3A_616 {strides = array<i32>} : memref<16384xf32, #tpu.memory_space<vmem>>, vector<16xf32>,
      %add3A_629 = arith.constant 4 : i32
      %add3A_630 = arith.addi %add3A_386, %add3A_629 : i32
      %add3A_631 = arith.constant 1 : i32
      %add3A_632 = arith.addi %add3A_630, %add3A_631 : i32
      %mul3A_633 = arith.constant 200 : i32
      %mul3A_634 = arith.muli %add3A_632, %mul3A_633 : i32
      %dma_start3A_635 = arith.constant 1 : i32
      %dma_start3A_636 = arith.constant 0 : i32
      %dma_start3A_637 = arith.constant 0 : i32
      %dma_start3A_638 = tpu.memref_slice %arg6[%dma_start3A_635, %dma_start3A_636, %dma_start3A_637] : memref<4x200x64xi32, #tpu.memory_space<vmem>> -> memref<1x104x64xi32, #tpu.memory_space<vmem>>
      %dma_start3A_639 = tpu.memref_squeeze %dma_start3A_638 : memref<1x104x64xi32, #tpu.memory_space<vmem>> -> memref<104x64xi32, #tpu.memory_space<vmem>>
      %dma_start3A_640 = tpu.memref_slice %arg5[%mul3A_634] : memref<25600xi32, #tpu.memory_space<vmem>> -> memref<104xi32, #tpu.memory_space<vmem>>
      %dma_start3A_641 = arith.constant 0 : i32
      %dma_start3A_642 = arith.constant 0 : i32
      %dma_start3A_643 = tpu.memref_slice %arg3[%dma_start3A_641, %dma_start3A_642] : memref<100000x64xi32, #tpu.memory_space<hbm>> -> memref<100000x64xi32, #tpu.memory_space<hbm>>
      tpu.enqueue_indirect_dma source(%dma_start3A_643 : memref<100000x64xi32, #tpu.memory_space<hbm>>) target(%dma_start3A_639 : memref<104x64xi32, #tpu.memory_space<vmem>>) offsets(%dma_start3A_640 : memref<104xi32, #tpu.memory_space<vmem>>) semaphore(%arg9 : memref<!tpu.dma_semaphore, #tpu.memory_space<semaphore_mem>>)
      %add3A_644 = arith.constant 104 : i32
      %add3A_645 = arith.addi %mul3A_634, %add3A_644 : i32
      %dma_start3A_646 = arith.constant 1 : i32
      %dma_start3A_647 = arith.constant 104 : i32
      %dma_start3A_648 = arith.constant 0 : i32
      %dma_start3A_649 = tpu.memref_slice %arg6[%dma_start3A_646, %dma_start3A_647, %dma_start3A_648] : memref<4x200x64xi32, #tpu.memory_space<vmem>> -> memref<1x96x64xi32, #tpu.memory_space<vmem>>
      %dma_start3A_650 = tpu.memref_squeeze %dma_start3A_649 : memref<1x96x64xi32, #tpu.memory_space<vmem>> -> memref<96x64xi32, #tpu.memory_space<vmem>>
      %dma_start3A_651 = tpu.memref_slice %arg5[%add3A_645] : memref<25600xi32, #tpu.memory_space<vmem>> -> memref<96xi32, #tpu.memory_space<vmem>>
      %dma_start3A_652 = arith.constant 0 : i32
      %dma_start3A_653 = arith.constant 0 : i32
      %dma_start3A_654 = tpu.memref_slice %arg3[%dma_start3A_652, %dma_start3A_653] : memref<100000x64xi32, #tpu.memory_space<hbm>> -> memref<100000x64xi32, #tpu.memory_space<hbm>>
      tpu.enqueue_indirect_dma source(%dma_start3A_654 : memref<100000x64xi32, #tpu.memory_space<hbm>>) target(%dma_start3A_650 : memref<96x64xi32, #tpu.memory_space<vmem>>) offsets(%dma_start3A_651 : memref<96xi32, #tpu.memory_space<vmem>>) semaphore(%arg9 : memref<!tpu.dma_semaphore, #tpu.memory_space<semaphore_mem>>)
      %dma_wait3A_655 = arith.constant 2 : i32
      %dma_wait3A_656 = arith.constant 0 : i32
      %dma_wait3A_657 = arith.constant 0 : i32
      %dma_wait3A_658 = tpu.memref_slice %arg6[%dma_wait3A_655, %dma_wait3A_656, %dma_wait3A_657] : memref<4x200x64xi32, #tpu.memory_space<vmem>> -> memref<1x200x64xi32, #tpu.memory_space<vmem>>
      %dma_wait3A_659 = tpu.memref_squeeze %dma_wait3A_658 : memref<1x200x64xi32, #tpu.memory_space<vmem>> -> memref<200x64xi32, #tpu.memory_space<vmem>>
      %dma_wait3A_660 = arith.constant 0 : i32
      %dma_wait3A_661 = arith.constant 0 : i32
      %dma_wait3A_662 = tpu.memref_slice %arg3[%dma_wait3A_660, %dma_wait3A_661] : memref<100000x64xi32, #tpu.memory_space<hbm>> -> memref<200x64xi32, #tpu.memory_space<hbm>>
      %dma_wait3A_663 = arith.constant 0 : i32
      %dma_wait3A_664 = arith.constant 0 : i32
      %dma_wait3A_665 = tpu.memref_slice %arg6[%dma_wait3A_655, %dma_wait3A_663, %dma_wait3A_664] : memref<4x200x64xi32, #tpu.memory_space<vmem>> -> memref<1x200x64xi32, #tpu.memory_space<vmem>>
      %dma_wait3A_666 = tpu.memref_squeeze %dma_wait3A_665 : memref<1x200x64xi32, #tpu.memory_space<vmem>> -> memref<200x64xi32, #tpu.memory_space<vmem>>
      %dma_wait3A_667 = arith.constant 0 : i32
      %dma_wait3A_668 = arith.constant 0 : i32
      %dma_wait3A_669 = tpu.memref_slice %arg3[%dma_wait3A_667, %dma_wait3A_668] : memref<100000x64xi32, #tpu.memory_space<hbm>> -> memref<200x64xi32, #tpu.memory_space<hbm>>
      tpu.wait_dma2 semaphore(%arg10 : memref<!tpu.dma_semaphore, #tpu.memory_space<semaphore_mem>>) src(%dma_wait3A_669 : memref<200x64xi32, #tpu.memory_space<hbm>>) dst(%dma_wait3A_666 : memref<200x64xi32, #tpu.memory_space<vmem>>)
      %add3A_670 = arith.constant 2 : i32
      %add3A_671 = arith.addi %add3A_386, %add3A_670 : i32
      %broadcast_in_dim3A_672 = arith.constant 0.000000e+00 : bf16
      %broadcast_in_dim3A_673 = vector.broadcast %broadcast_in_dim3A_672 : bf16 to vector<32xbf16>
      %broadcast_in_dim3A_674 = arith.constant 0.000000e+00 : bf16
      %broadcast_in_dim3A_675 = vector.broadcast %broadcast_in_dim3A_674 : bf16 to vector<32xbf16>
      %broadcast_in_dim3A_676 = arith.constant 0.000000e+00 : bf16
      %broadcast_in_dim3A_677 = vector.broadcast %broadcast_in_dim3A_676 : bf16 to vector<32xbf16>
      %broadcast_in_dim3A_678 = arith.constant 0.000000e+00 : bf16
      %broadcast_in_dim3A_679 = vector.broadcast %broadcast_in_dim3A_678 : bf16 to vector<32xbf16>
      %scan3A_680 = arith.constant 2 : i32
      %scan3A_681 = arith.constant 0 : i32
      %scan3A_682 = arith.constant 25 : i32
      %scan3A_683 = arith.addi %scan3A_681, %scan3A_682 : i32
      %scan3A_684 = arith.constant 1 : i32
      %scan3A_685:4 = scf.for %scan3A_923 = %scan3A_681 to %scan3A_683 step %scan3A_684 iter_args(%scan3A_924 = %broadcast_in_dim3A_673, %scan3A_925 = %broadcast_in_dim3A_675, %scan3A_926 = %broadcast_in_dim3A_677, %scan3A_927 = %broadcast_in_dim3A_679) -> (vector<32xbf16>, vector<32xbf16>, vector<32xbf16>, vector<32xbf16>)  : i32 {
        %mul3A_928 = arith.constant 8 : i32
        %mul3A_929 = arith.muli %scan3A_923, %mul3A_928 : i32
        %add3A_930 = arith.constant 0 : i32
        %add3A_931 = arith.addi %mul3A_929, %add3A_930 : i32
        %get3A = arith.constant 0 : i32
        %get3A_932 = arith.constant 0 : i32
        %get3A_933 = tpu.memref_slice %arg6[%scan3A_680, %get3A, %get3A_932] : memref<4x200x64xi32, #tpu.memory_space<vmem>> -> memref<1x200x64xi32, #tpu.memory_space<vmem>>
        %get3A_934 = tpu.memref_squeeze %get3A_933 : memref<1x200x64xi32, #tpu.memory_space<vmem>> -> memref<200x64xi32, #tpu.memory_space<vmem>>
        %get3A_935 = arith.index_cast %add3A_931 : i32 to index
        %get3A_936 = arith.constant 0 : index
        %get3A_937 = tpu.vector_load %get3A_934[%get3A_935, %get3A_936] {strides = array<i32>} : memref<200x64xi32, #tpu.memory_space<vmem>>, vector<16xi32>,
        %bitcast3A_938 = vector.bitcast %get3A_937 : vector<16xi32> to vector<32xbf16>
        %add3A_939 = arith.addf %scan3A_924, %bitcast3A_938 : vector<32xbf16>
        %add3A_940 = arith.constant 0 : i32
        %add3A_941 = arith.addi %mul3A_929, %add3A_940 : i32
        %get3A_942 = arith.constant 0 : i32
        %get3A_943 = arith.constant 0 : i32
        %get3A_944 = tpu.memref_slice %arg6[%scan3A_680, %get3A_942, %get3A_943] : memref<4x200x64xi32, #tpu.memory_space<vmem>> -> memref<1x200x64xi32, #tpu.memory_space<vmem>>
        %get3A_945 = tpu.memref_squeeze %get3A_944 : memref<1x200x64xi32, #tpu.memory_space<vmem>> -> memref<200x64xi32, #tpu.memory_space<vmem>>
        %get3A_946 = arith.index_cast %add3A_941 : i32 to index
        %get3A_947 = arith.constant 16 : index
        %get3A_948 = tpu.vector_load %get3A_945[%get3A_946, %get3A_947] {strides = array<i32>} : memref<200x64xi32, #tpu.memory_space<vmem>>, vector<16xi32>,
        %bitcast3A_949 = vector.bitcast %get3A_948 : vector<16xi32> to vector<32xbf16>
        %add3A_950 = arith.addf %scan3A_925, %bitcast3A_949 : vector<32xbf16>
        %add3A_951 = arith.constant 0 : i32
        %add3A_952 = arith.addi %mul3A_929, %add3A_951 : i32
        %get3A_953 = arith.constant 0 : i32
        %get3A_954 = arith.constant 0 : i32
        %get3A_955 = tpu.memref_slice %arg6[%scan3A_680, %get3A_953, %get3A_954] : memref<4x200x64xi32, #tpu.memory_space<vmem>> -> memref<1x200x64xi32, #tpu.memory_space<vmem>>
        %get3A_956 = tpu.memref_squeeze %get3A_955 : memref<1x200x64xi32, #tpu.memory_space<vmem>> -> memref<200x64xi32, #tpu.memory_space<vmem>>
        %get3A_957 = arith.index_cast %add3A_952 : i32 to index
        %get3A_958 = arith.constant 32 : index
        %get3A_959 = tpu.vector_load %get3A_956[%get3A_957, %get3A_958] {strides = array<i32>} : memref<200x64xi32, #tpu.memory_space<vmem>>, vector<16xi32>,
        %bitcast3A_960 = vector.bitcast %get3A_959 : vector<16xi32> to vector<32xbf16>
        %add3A_961 = arith.addf %scan3A_926, %bitcast3A_960 : vector<32xbf16>
        %add3A_962 = arith.constant 0 : i32
        %add3A_963 = arith.addi %mul3A_929, %add3A_962 : i32
        %get3A_964 = arith.constant 0 : i32
        %get3A_965 = arith.constant 0 : i32
        %get3A_966 = tpu.memref_slice %arg6[%scan3A_680, %get3A_964, %get3A_965] : memref<4x200x64xi32, #tpu.memory_space<vmem>> -> memref<1x200x64xi32, #tpu.memory_space<vmem>>
        %get3A_967 = tpu.memref_squeeze %get3A_966 : memref<1x200x64xi32, #tpu.memory_space<vmem>> -> memref<200x64xi32, #tpu.memory_space<vmem>>
        %get3A_968 = arith.index_cast %add3A_963 : i32 to index
        %get3A_969 = arith.constant 48 : index
        %get3A_970 = tpu.vector_load %get3A_967[%get3A_968, %get3A_969] {strides = array<i32>} : memref<200x64xi32, #tpu.memory_space<vmem>>, vector<16xi32>,
        %bitcast3A_971 = vector.bitcast %get3A_970 : vector<16xi32> to vector<32xbf16>
        %add3A_972 = arith.addf %scan3A_927, %bitcast3A_971 : vector<32xbf16>
        %add3A_973 = arith.constant 1 : i32
        %add3A_974 = arith.addi %mul3A_929, %add3A_973 : i32
        %get3A_975 = arith.constant 0 : i32
        %get3A_976 = arith.constant 0 : i32
        %get3A_977 = tpu.memref_slice %arg6[%scan3A_680, %get3A_975, %get3A_976] : memref<4x200x64xi32, #tpu.memory_space<vmem>> -> memref<1x200x64xi32, #tpu.memory_space<vmem>>
        %get3A_978 = tpu.memref_squeeze %get3A_977 : memref<1x200x64xi32, #tpu.memory_space<vmem>> -> memref<200x64xi32, #tpu.memory_space<vmem>>
        %get3A_979 = arith.index_cast %add3A_974 : i32 to index
        %get3A_980 = arith.constant 0 : index
        %get3A_981 = tpu.vector_load %get3A_978[%get3A_979, %get3A_980] {strides = array<i32>} : memref<200x64xi32, #tpu.memory_space<vmem>>, vector<16xi32>,
        %bitcast3A_982 = vector.bitcast %get3A_981 : vector<16xi32> to vector<32xbf16>
        %add3A_983 = arith.addf %add3A_939, %bitcast3A_982 : vector<32xbf16>
        %add3A_984 = arith.constant 1 : i32
        %add3A_985 = arith.addi %mul3A_929, %add3A_984 : i32
        %get3A_986 = arith.constant 0 : i32
        %get3A_987 = arith.constant 0 : i32
        %get3A_988 = tpu.memref_slice %arg6[%scan3A_680, %get3A_986, %get3A_987] : memref<4x200x64xi32, #tpu.memory_space<vmem>> -> memref<1x200x64xi32, #tpu.memory_space<vmem>>
        %get3A_989 = tpu.memref_squeeze %get3A_988 : memref<1x200x64xi32, #tpu.memory_space<vmem>> -> memref<200x64xi32, #tpu.memory_space<vmem>>
        %get3A_990 = arith.index_cast %add3A_985 : i32 to index
        %get3A_991 = arith.constant 16 : index
        %get3A_992 = tpu.vector_load %get3A_989[%get3A_990, %get3A_991] {strides = array<i32>} : memref<200x64xi32, #tpu.memory_space<vmem>>, vector<16xi32>,
        %bitcast3A_993 = vector.bitcast %get3A_992 : vector<16xi32> to vector<32xbf16>
        %add3A_994 = arith.addf %add3A_950, %bitcast3A_993 : vector<32xbf16>
        %add3A_995 = arith.constant 1 : i32
        %add3A_996 = arith.addi %mul3A_929, %add3A_995 : i32
        %get3A_997 = arith.constant 0 : i32
        %get3A_998 = arith.constant 0 : i32
        %get3A_999 = tpu.memref_slice %arg6[%scan3A_680, %get3A_997, %get3A_998] : memref<4x200x64xi32, #tpu.memory_space<vmem>> -> memref<1x200x64xi32, #tpu.memory_space<vmem>>
        %get3A_1000 = tpu.memref_squeeze %get3A_999 : memref<1x200x64xi32, #tpu.memory_space<vmem>> -> memref<200x64xi32, #tpu.memory_space<vmem>>
        %get3A_1001 = arith.index_cast %add3A_996 : i32 to index
        %get3A_1002 = arith.constant 32 : index
        %get3A_1003 = tpu.vector_load %get3A_1000[%get3A_1001, %get3A_1002] {strides = array<i32>} : memref<200x64xi32, #tpu.memory_space<vmem>>, vector<16xi32>,
        %bitcast3A_1004 = vector.bitcast %get3A_1003 : vector<16xi32> to vector<32xbf16>
        %add3A_1005 = arith.addf %add3A_961, %bitcast3A_1004 : vector<32xbf16>
        %add3A_1006 = arith.constant 1 : i32
        %add3A_1007 = arith.addi %mul3A_929, %add3A_1006 : i32
        %get3A_1008 = arith.constant 0 : i32
        %get3A_1009 = arith.constant 0 : i32
        %get3A_1010 = tpu.memref_slice %arg6[%scan3A_680, %get3A_1008, %get3A_1009] : memref<4x200x64xi32, #tpu.memory_space<vmem>> -> memref<1x200x64xi32, #tpu.memory_space<vmem>>
        %get3A_1011 = tpu.memref_squeeze %get3A_1010 : memref<1x200x64xi32, #tpu.memory_space<vmem>> -> memref<200x64xi32, #tpu.memory_space<vmem>>
        %get3A_1012 = arith.index_cast %add3A_1007 : i32 to index
        %get3A_1013 = arith.constant 48 : index
        %get3A_1014 = tpu.vector_load %get3A_1011[%get3A_1012, %get3A_1013] {strides = array<i32>} : memref<200x64xi32, #tpu.memory_space<vmem>>, vector<16xi32>,
        %bitcast3A_1015 = vector.bitcast %get3A_1014 : vector<16xi32> to vector<32xbf16>
        %add3A_1016 = arith.addf %add3A_972, %bitcast3A_1015 : vector<32xbf16>
        %add3A_1017 = arith.constant 2 : i32
        %add3A_1018 = arith.addi %mul3A_929, %add3A_1017 : i32
        %get3A_1019 = arith.constant 0 : i32
        %get3A_1020 = arith.constant 0 : i32
        %get3A_1021 = tpu.memref_slice %arg6[%scan3A_680, %get3A_1019, %get3A_1020] : memref<4x200x64xi32, #tpu.memory_space<vmem>> -> memref<1x200x64xi32, #tpu.memory_space<vmem>>
        %get3A_1022 = tpu.memref_squeeze %get3A_1021 : memref<1x200x64xi32, #tpu.memory_space<vmem>> -> memref<200x64xi32, #tpu.memory_space<vmem>>
        %get3A_1023 = arith.index_cast %add3A_1018 : i32 to index
        %get3A_1024 = arith.constant 0 : index
        %get3A_1025 = tpu.vector_load %get3A_1022[%get3A_1023, %get3A_1024] {strides = array<i32>} : memref<200x64xi32, #tpu.memory_space<vmem>>, vector<16xi32>,
        %bitcast3A_1026 = vector.bitcast %get3A_1025 : vector<16xi32> to vector<32xbf16>
        %add3A_1027 = arith.addf %add3A_983, %bitcast3A_1026 : vector<32xbf16>
        %add3A_1028 = arith.constant 2 : i32
        %add3A_1029 = arith.addi %mul3A_929, %add3A_1028 : i32
        %get3A_1030 = arith.constant 0 : i32
        %get3A_1031 = arith.constant 0 : i32
        %get3A_1032 = tpu.memref_slice %arg6[%scan3A_680, %get3A_1030, %get3A_1031] : memref<4x200x64xi32, #tpu.memory_space<vmem>> -> memref<1x200x64xi32, #tpu.memory_space<vmem>>
        %get3A_1033 = tpu.memref_squeeze %get3A_1032 : memref<1x200x64xi32, #tpu.memory_space<vmem>> -> memref<200x64xi32, #tpu.memory_space<vmem>>
        %get3A_1034 = arith.index_cast %add3A_1029 : i32 to index
        %get3A_1035 = arith.constant 16 : index
        %get3A_1036 = tpu.vector_load %get3A_1033[%get3A_1034, %get3A_1035] {strides = array<i32>} : memref<200x64xi32, #tpu.memory_space<vmem>>, vector<16xi32>,
        %bitcast3A_1037 = vector.bitcast %get3A_1036 : vector<16xi32> to vector<32xbf16>
        %add3A_1038 = arith.addf %add3A_994, %bitcast3A_1037 : vector<32xbf16>
        %add3A_1039 = arith.constant 2 : i32
        %add3A_1040 = arith.addi %mul3A_929, %add3A_1039 : i32
        %get3A_1041 = arith.constant 0 : i32
        %get3A_1042 = arith.constant 0 : i32
        %get3A_1043 = tpu.memref_slice %arg6[%scan3A_680, %get3A_1041, %get3A_1042] : memref<4x200x64xi32, #tpu.memory_space<vmem>> -> memref<1x200x64xi32, #tpu.memory_space<vmem>>
        %get3A_1044 = tpu.memref_squeeze %get3A_1043 : memref<1x200x64xi32, #tpu.memory_space<vmem>> -> memref<200x64xi32, #tpu.memory_space<vmem>>
        %get3A_1045 = arith.index_cast %add3A_1040 : i32 to index
        %get3A_1046 = arith.constant 32 : index
        %get3A_1047 = tpu.vector_load %get3A_1044[%get3A_1045, %get3A_1046] {strides = array<i32>} : memref<200x64xi32, #tpu.memory_space<vmem>>, vector<16xi32>,
        %bitcast3A_1048 = vector.bitcast %get3A_1047 : vector<16xi32> to vector<32xbf16>
        %add3A_1049 = arith.addf %add3A_1005, %bitcast3A_1048 : vector<32xbf16>
        %add3A_1050 = arith.constant 2 : i32
        %add3A_1051 = arith.addi %mul3A_929, %add3A_1050 : i32
        %get3A_1052 = arith.constant 0 : i32
        %get3A_1053 = arith.constant 0 : i32
        %get3A_1054 = tpu.memref_slice %arg6[%scan3A_680, %get3A_1052, %get3A_1053] : memref<4x200x64xi32, #tpu.memory_space<vmem>> -> memref<1x200x64xi32, #tpu.memory_space<vmem>>
        %get3A_1055 = tpu.memref_squeeze %get3A_1054 : memref<1x200x64xi32, #tpu.memory_space<vmem>> -> memref<200x64xi32, #tpu.memory_space<vmem>>
        %get3A_1056 = arith.index_cast %add3A_1051 : i32 to index
        %get3A_1057 = arith.constant 48 : index
        %get3A_1058 = tpu.vector_load %get3A_1055[%get3A_1056, %get3A_1057] {strides = array<i32>} : memref<200x64xi32, #tpu.memory_space<vmem>>, vector<16xi32>,
        %bitcast3A_1059 = vector.bitcast %get3A_1058 : vector<16xi32> to vector<32xbf16>
        %add3A_1060 = arith.addf %add3A_1016, %bitcast3A_1059 : vector<32xbf16>
        %add3A_1061 = arith.constant 3 : i32
        %add3A_1062 = arith.addi %mul3A_929, %add3A_1061 : i32
        %get3A_1063 = arith.constant 0 : i32
        %get3A_1064 = arith.constant 0 : i32
        %get3A_1065 = tpu.memref_slice %arg6[%scan3A_680, %get3A_1063, %get3A_1064] : memref<4x200x64xi32, #tpu.memory_space<vmem>> -> memref<1x200x64xi32, #tpu.memory_space<vmem>>
        %get3A_1066 = tpu.memref_squeeze %get3A_1065 : memref<1x200x64xi32, #tpu.memory_space<vmem>> -> memref<200x64xi32, #tpu.memory_space<vmem>>
        %get3A_1067 = arith.index_cast %add3A_1062 : i32 to index
        %get3A_1068 = arith.constant 0 : index
        %get3A_1069 = tpu.vector_load %get3A_1066[%get3A_1067, %get3A_1068] {strides = array<i32>} : memref<200x64xi32, #tpu.memory_space<vmem>>, vector<16xi32>,
        %bitcast3A_1070 = vector.bitcast %get3A_1069 : vector<16xi32> to vector<32xbf16>
        %add3A_1071 = arith.addf %add3A_1027, %bitcast3A_1070 : vector<32xbf16>
        %add3A_1072 = arith.constant 3 : i32
        %add3A_1073 = arith.addi %mul3A_929, %add3A_1072 : i32
        %get3A_1074 = arith.constant 0 : i32
        %get3A_1075 = arith.constant 0 : i32
        %get3A_1076 = tpu.memref_slice %arg6[%scan3A_680, %get3A_1074, %get3A_1075] : memref<4x200x64xi32, #tpu.memory_space<vmem>> -> memref<1x200x64xi32, #tpu.memory_space<vmem>>
        %get3A_1077 = tpu.memref_squeeze %get3A_1076 : memref<1x200x64xi32, #tpu.memory_space<vmem>> -> memref<200x64xi32, #tpu.memory_space<vmem>>
        %get3A_1078 = arith.index_cast %add3A_1073 : i32 to index
        %get3A_1079 = arith.constant 16 : index
        %get3A_1080 = tpu.vector_load %get3A_1077[%get3A_1078, %get3A_1079] {strides = array<i32>} : memref<200x64xi32, #tpu.memory_space<vmem>>, vector<16xi32>,
        %bitcast3A_1081 = vector.bitcast %get3A_1080 : vector<16xi32> to vector<32xbf16>
        %add3A_1082 = arith.addf %add3A_1038, %bitcast3A_1081 : vector<32xbf16>
        %add3A_1083 = arith.constant 3 : i32
        %add3A_1084 = arith.addi %mul3A_929, %add3A_1083 : i32
        %get3A_1085 = arith.constant 0 : i32
        %get3A_1086 = arith.constant 0 : i32
        %get3A_1087 = tpu.memref_slice %arg6[%scan3A_680, %get3A_1085, %get3A_1086] : memref<4x200x64xi32, #tpu.memory_space<vmem>> -> memref<1x200x64xi32, #tpu.memory_space<vmem>>
        %get3A_1088 = tpu.memref_squeeze %get3A_1087 : memref<1x200x64xi32, #tpu.memory_space<vmem>> -> memref<200x64xi32, #tpu.memory_space<vmem>>
        %get3A_1089 = arith.index_cast %add3A_1084 : i32 to index
        %get3A_1090 = arith.constant 32 : index
        %get3A_1091 = tpu.vector_load %get3A_1088[%get3A_1089, %get3A_1090] {strides = array<i32>} : memref<200x64xi32, #tpu.memory_space<vmem>>, vector<16xi32>,
        %bitcast3A_1092 = vector.bitcast %get3A_1091 : vector<16xi32> to vector<32xbf16>
        %add3A_1093 = arith.addf %add3A_1049, %bitcast3A_1092 : vector<32xbf16>
        %add3A_1094 = arith.constant 3 : i32
        %add3A_1095 = arith.addi %mul3A_929, %add3A_1094 : i32
        %get3A_1096 = arith.constant 0 : i32
        %get3A_1097 = arith.constant 0 : i32
        %get3A_1098 = tpu.memref_slice %arg6[%scan3A_680, %get3A_1096, %get3A_1097] : memref<4x200x64xi32, #tpu.memory_space<vmem>> -> memref<1x200x64xi32, #tpu.memory_space<vmem>>
        %get3A_1099 = tpu.memref_squeeze %get3A_1098 : memref<1x200x64xi32, #tpu.memory_space<vmem>> -> memref<200x64xi32, #tpu.memory_space<vmem>>
        %get3A_1100 = arith.index_cast %add3A_1095 : i32 to index
        %get3A_1101 = arith.constant 48 : index
        %get3A_1102 = tpu.vector_load %get3A_1099[%get3A_1100, %get3A_1101] {strides = array<i32>} : memref<200x64xi32, #tpu.memory_space<vmem>>, vector<16xi32>,
        %bitcast3A_1103 = vector.bitcast %get3A_1102 : vector<16xi32> to vector<32xbf16>
        %add3A_1104 = arith.addf %add3A_1060, %bitcast3A_1103 : vector<32xbf16>
        %add3A_1105 = arith.constant 4 : i32
        %add3A_1106 = arith.addi %mul3A_929, %add3A_1105 : i32
        %get3A_1107 = arith.constant 0 : i32
        %get3A_1108 = arith.constant 0 : i32
        %get3A_1109 = tpu.memref_slice %arg6[%scan3A_680, %get3A_1107, %get3A_1108] : memref<4x200x64xi32, #tpu.memory_space<vmem>> -> memref<1x200x64xi32, #tpu.memory_space<vmem>>
        %get3A_1110 = tpu.memref_squeeze %get3A_1109 : memref<1x200x64xi32, #tpu.memory_space<vmem>> -> memref<200x64xi32, #tpu.memory_space<vmem>>
        %get3A_1111 = arith.index_cast %add3A_1106 : i32 to index
        %get3A_1112 = arith.constant 0 : index
        %get3A_1113 = tpu.vector_load %get3A_1110[%get3A_1111, %get3A_1112] {strides = array<i32>} : memref<200x64xi32, #tpu.memory_space<vmem>>, vector<16xi32>,
        %bitcast3A_1114 = vector.bitcast %get3A_1113 : vector<16xi32> to vector<32xbf16>
        %add3A_1115 = arith.addf %add3A_1071, %bitcast3A_1114 : vector<32xbf16>
        %add3A_1116 = arith.constant 4 : i32
        %add3A_1117 = arith.addi %mul3A_929, %add3A_1116 : i32
        %get3A_1118 = arith.constant 0 : i32
        %get3A_1119 = arith.constant 0 : i32
        %get3A_1120 = tpu.memref_slice %arg6[%scan3A_680, %get3A_1118, %get3A_1119] : memref<4x200x64xi32, #tpu.memory_space<vmem>> -> memref<1x200x64xi32, #tpu.memory_space<vmem>>
        %get3A_1121 = tpu.memref_squeeze %get3A_1120 : memref<1x200x64xi32, #tpu.memory_space<vmem>> -> memref<200x64xi32, #tpu.memory_space<vmem>>
        %get3A_1122 = arith.index_cast %add3A_1117 : i32 to index
        %get3A_1123 = arith.constant 16 : index
        %get3A_1124 = tpu.vector_load %get3A_1121[%get3A_1122, %get3A_1123] {strides = array<i32>} : memref<200x64xi32, #tpu.memory_space<vmem>>, vector<16xi32>,
        %bitcast3A_1125 = vector.bitcast %get3A_1124 : vector<16xi32> to vector<32xbf16>
        %add3A_1126 = arith.addf %add3A_1082, %bitcast3A_1125 : vector<32xbf16>
        %add3A_1127 = arith.constant 4 : i32
        %add3A_1128 = arith.addi %mul3A_929, %add3A_1127 : i32
        %get3A_1129 = arith.constant 0 : i32
        %get3A_1130 = arith.constant 0 : i32
        %get3A_1131 = tpu.memref_slice %arg6[%scan3A_680, %get3A_1129, %get3A_1130] : memref<4x200x64xi32, #tpu.memory_space<vmem>> -> memref<1x200x64xi32, #tpu.memory_space<vmem>>
        %get3A_1132 = tpu.memref_squeeze %get3A_1131 : memref<1x200x64xi32, #tpu.memory_space<vmem>> -> memref<200x64xi32, #tpu.memory_space<vmem>>
        %get3A_1133 = arith.index_cast %add3A_1128 : i32 to index
        %get3A_1134 = arith.constant 32 : index
        %get3A_1135 = tpu.vector_load %get3A_1132[%get3A_1133, %get3A_1134] {strides = array<i32>} : memref<200x64xi32, #tpu.memory_space<vmem>>, vector<16xi32>,
        %bitcast3A_1136 = vector.bitcast %get3A_1135 : vector<16xi32> to vector<32xbf16>
        %add3A_1137 = arith.addf %add3A_1093, %bitcast3A_1136 : vector<32xbf16>
        %add3A_1138 = arith.constant 4 : i32
        %add3A_1139 = arith.addi %mul3A_929, %add3A_1138 : i32
        %get3A_1140 = arith.constant 0 : i32
        %get3A_1141 = arith.constant 0 : i32
        %get3A_1142 = tpu.memref_slice %arg6[%scan3A_680, %get3A_1140, %get3A_1141] : memref<4x200x64xi32, #tpu.memory_space<vmem>> -> memref<1x200x64xi32, #tpu.memory_space<vmem>>
        %get3A_1143 = tpu.memref_squeeze %get3A_1142 : memref<1x200x64xi32, #tpu.memory_space<vmem>> -> memref<200x64xi32, #tpu.memory_space<vmem>>
        %get3A_1144 = arith.index_cast %add3A_1139 : i32 to index
        %get3A_1145 = arith.constant 48 : index
        %get3A_1146 = tpu.vector_load %get3A_1143[%get3A_1144, %get3A_1145] {strides = array<i32>} : memref<200x64xi32, #tpu.memory_space<vmem>>, vector<16xi32>,
        %bitcast3A_1147 = vector.bitcast %get3A_1146 : vector<16xi32> to vector<32xbf16>
        %add3A_1148 = arith.addf %add3A_1104, %bitcast3A_1147 : vector<32xbf16>
        %add3A_1149 = arith.constant 5 : i32
        %add3A_1150 = arith.addi %mul3A_929, %add3A_1149 : i32
        %get3A_1151 = arith.constant 0 : i32
        %get3A_1152 = arith.constant 0 : i32
        %get3A_1153 = tpu.memref_slice %arg6[%scan3A_680, %get3A_1151, %get3A_1152] : memref<4x200x64xi32, #tpu.memory_space<vmem>> -> memref<1x200x64xi32, #tpu.memory_space<vmem>>
        %get3A_1154 = tpu.memref_squeeze %get3A_1153 : memref<1x200x64xi32, #tpu.memory_space<vmem>> -> memref<200x64xi32, #tpu.memory_space<vmem>>
        %get3A_1155 = arith.index_cast %add3A_1150 : i32 to index
        %get3A_1156 = arith.constant 0 : index
        %get3A_1157 = tpu.vector_load %get3A_1154[%get3A_1155, %get3A_1156] {strides = array<i32>} : memref<200x64xi32, #tpu.memory_space<vmem>>, vector<16xi32>,
        %bitcast3A_1158 = vector.bitcast %get3A_1157 : vector<16xi32> to vector<32xbf16>
        %add3A_1159 = arith.addf %add3A_1115, %bitcast3A_1158 : vector<32xbf16>
        %add3A_1160 = arith.constant 5 : i32
        %add3A_1161 = arith.addi %mul3A_929, %add3A_1160 : i32
        %get3A_1162 = arith.constant 0 : i32
        %get3A_1163 = arith.constant 0 : i32
        %get3A_1164 = tpu.memref_slice %arg6[%scan3A_680, %get3A_1162, %get3A_1163] : memref<4x200x64xi32, #tpu.memory_space<vmem>> -> memref<1x200x64xi32, #tpu.memory_space<vmem>>
        %get3A_1165 = tpu.memref_squeeze %get3A_1164 : memref<1x200x64xi32, #tpu.memory_space<vmem>> -> memref<200x64xi32, #tpu.memory_space<vmem>>
        %get3A_1166 = arith.index_cast %add3A_1161 : i32 to index
        %get3A_1167 = arith.constant 16 : index
        %get3A_1168 = tpu.vector_load %get3A_1165[%get3A_1166, %get3A_1167] {strides = array<i32>} : memref<200x64xi32, #tpu.memory_space<vmem>>, vector<16xi32>,
        %bitcast3A_1169 = vector.bitcast %get3A_1168 : vector<16xi32> to vector<32xbf16>
        %add3A_1170 = arith.addf %add3A_1126, %bitcast3A_1169 : vector<32xbf16>
        %add3A_1171 = arith.constant 5 : i32
        %add3A_1172 = arith.addi %mul3A_929, %add3A_1171 : i32
        %get3A_1173 = arith.constant 0 : i32
        %get3A_1174 = arith.constant 0 : i32
        %get3A_1175 = tpu.memref_slice %arg6[%scan3A_680, %get3A_1173, %get3A_1174] : memref<4x200x64xi32, #tpu.memory_space<vmem>> -> memref<1x200x64xi32, #tpu.memory_space<vmem>>
        %get3A_1176 = tpu.memref_squeeze %get3A_1175 : memref<1x200x64xi32, #tpu.memory_space<vmem>> -> memref<200x64xi32, #tpu.memory_space<vmem>>
        %get3A_1177 = arith.index_cast %add3A_1172 : i32 to index
        %get3A_1178 = arith.constant 32 : index
        %get3A_1179 = tpu.vector_load %get3A_1176[%get3A_1177, %get3A_1178] {strides = array<i32>} : memref<200x64xi32, #tpu.memory_space<vmem>>, vector<16xi32>,
        %bitcast3A_1180 = vector.bitcast %get3A_1179 : vector<16xi32> to vector<32xbf16>
        %add3A_1181 = arith.addf %add3A_1137, %bitcast3A_1180 : vector<32xbf16>
        %add3A_1182 = arith.constant 5 : i32
        %add3A_1183 = arith.addi %mul3A_929, %add3A_1182 : i32
        %get3A_1184 = arith.constant 0 : i32
        %get3A_1185 = arith.constant 0 : i32
        %get3A_1186 = tpu.memref_slice %arg6[%scan3A_680, %get3A_1184, %get3A_1185] : memref<4x200x64xi32, #tpu.memory_space<vmem>> -> memref<1x200x64xi32, #tpu.memory_space<vmem>>
        %get3A_1187 = tpu.memref_squeeze %get3A_1186 : memref<1x200x64xi32, #tpu.memory_space<vmem>> -> memref<200x64xi32, #tpu.memory_space<vmem>>
        %get3A_1188 = arith.index_cast %add3A_1183 : i32 to index
        %get3A_1189 = arith.constant 48 : index
        %get3A_1190 = tpu.vector_load %get3A_1187[%get3A_1188, %get3A_1189] {strides = array<i32>} : memref<200x64xi32, #tpu.memory_space<vmem>>, vector<16xi32>,
        %bitcast3A_1191 = vector.bitcast %get3A_1190 : vector<16xi32> to vector<32xbf16>
        %add3A_1192 = arith.addf %add3A_1148, %bitcast3A_1191 : vector<32xbf16>
        %add3A_1193 = arith.constant 6 : i32
        %add3A_1194 = arith.addi %mul3A_929, %add3A_1193 : i32
        %get3A_1195 = arith.constant 0 : i32
        %get3A_1196 = arith.constant 0 : i32
        %get3A_1197 = tpu.memref_slice %arg6[%scan3A_680, %get3A_1195, %get3A_1196] : memref<4x200x64xi32, #tpu.memory_space<vmem>> -> memref<1x200x64xi32, #tpu.memory_space<vmem>>
        %get3A_1198 = tpu.memref_squeeze %get3A_1197 : memref<1x200x64xi32, #tpu.memory_space<vmem>> -> memref<200x64xi32, #tpu.memory_space<vmem>>
        %get3A_1199 = arith.index_cast %add3A_1194 : i32 to index
        %get3A_1200 = arith.constant 0 : index
        %get3A_1201 = tpu.vector_load %get3A_1198[%get3A_1199, %get3A_1200] {strides = array<i32>} : memref<200x64xi32, #tpu.memory_space<vmem>>, vector<16xi32>,
        %bitcast3A_1202 = vector.bitcast %get3A_1201 : vector<16xi32> to vector<32xbf16>
        %add3A_1203 = arith.addf %add3A_1159, %bitcast3A_1202 : vector<32xbf16>
        %add3A_1204 = arith.constant 6 : i32
        %add3A_1205 = arith.addi %mul3A_929, %add3A_1204 : i32
        %get3A_1206 = arith.constant 0 : i32
        %get3A_1207 = arith.constant 0 : i32
        %get3A_1208 = tpu.memref_slice %arg6[%scan3A_680, %get3A_1206, %get3A_1207] : memref<4x200x64xi32, #tpu.memory_space<vmem>> -> memref<1x200x64xi32, #tpu.memory_space<vmem>>
        %get3A_1209 = tpu.memref_squeeze %get3A_1208 : memref<1x200x64xi32, #tpu.memory_space<vmem>> -> memref<200x64xi32, #tpu.memory_space<vmem>>
        %get3A_1210 = arith.index_cast %add3A_1205 : i32 to index
        %get3A_1211 = arith.constant 16 : index
        %get3A_1212 = tpu.vector_load %get3A_1209[%get3A_1210, %get3A_1211] {strides = array<i32>} : memref<200x64xi32, #tpu.memory_space<vmem>>, vector<16xi32>,
        %bitcast3A_1213 = vector.bitcast %get3A_1212 : vector<16xi32> to vector<32xbf16>
        %add3A_1214 = arith.addf %add3A_1170, %bitcast3A_1213 : vector<32xbf16>
        %add3A_1215 = arith.constant 6 : i32
        %add3A_1216 = arith.addi %mul3A_929, %add3A_1215 : i32
        %get3A_1217 = arith.constant 0 : i32
        %get3A_1218 = arith.constant 0 : i32
        %get3A_1219 = tpu.memref_slice %arg6[%scan3A_680, %get3A_1217, %get3A_1218] : memref<4x200x64xi32, #tpu.memory_space<vmem>> -> memref<1x200x64xi32, #tpu.memory_space<vmem>>
        %get3A_1220 = tpu.memref_squeeze %get3A_1219 : memref<1x200x64xi32, #tpu.memory_space<vmem>> -> memref<200x64xi32, #tpu.memory_space<vmem>>
        %get3A_1221 = arith.index_cast %add3A_1216 : i32 to index
        %get3A_1222 = arith.constant 32 : index
        %get3A_1223 = tpu.vector_load %get3A_1220[%get3A_1221, %get3A_1222] {strides = array<i32>} : memref<200x64xi32, #tpu.memory_space<vmem>>, vector<16xi32>,
        %bitcast3A_1224 = vector.bitcast %get3A_1223 : vector<16xi32> to vector<32xbf16>
        %add3A_1225 = arith.addf %add3A_1181, %bitcast3A_1224 : vector<32xbf16>
        %add3A_1226 = arith.constant 6 : i32
        %add3A_1227 = arith.addi %mul3A_929, %add3A_1226 : i32
        %get3A_1228 = arith.constant 0 : i32
        %get3A_1229 = arith.constant 0 : i32
        %get3A_1230 = tpu.memref_slice %arg6[%scan3A_680, %get3A_1228, %get3A_1229] : memref<4x200x64xi32, #tpu.memory_space<vmem>> -> memref<1x200x64xi32, #tpu.memory_space<vmem>>
        %get3A_1231 = tpu.memref_squeeze %get3A_1230 : memref<1x200x64xi32, #tpu.memory_space<vmem>> -> memref<200x64xi32, #tpu.memory_space<vmem>>
        %get3A_1232 = arith.index_cast %add3A_1227 : i32 to index
        %get3A_1233 = arith.constant 48 : index
        %get3A_1234 = tpu.vector_load %get3A_1231[%get3A_1232, %get3A_1233] {strides = array<i32>} : memref<200x64xi32, #tpu.memory_space<vmem>>, vector<16xi32>,
        %bitcast3A_1235 = vector.bitcast %get3A_1234 : vector<16xi32> to vector<32xbf16>
        %add3A_1236 = arith.addf %add3A_1192, %bitcast3A_1235 : vector<32xbf16>
        %add3A_1237 = arith.constant 7 : i32
        %add3A_1238 = arith.addi %mul3A_929, %add3A_1237 : i32
        %get3A_1239 = arith.constant 0 : i32
        %get3A_1240 = arith.constant 0 : i32
        %get3A_1241 = tpu.memref_slice %arg6[%scan3A_680, %get3A_1239, %get3A_1240] : memref<4x200x64xi32, #tpu.memory_space<vmem>> -> memref<1x200x64xi32, #tpu.memory_space<vmem>>
        %get3A_1242 = tpu.memref_squeeze %get3A_1241 : memref<1x200x64xi32, #tpu.memory_space<vmem>> -> memref<200x64xi32, #tpu.memory_space<vmem>>
        %get3A_1243 = arith.index_cast %add3A_1238 : i32 to index
        %get3A_1244 = arith.constant 0 : index
        %get3A_1245 = tpu.vector_load %get3A_1242[%get3A_1243, %get3A_1244] {strides = array<i32>} : memref<200x64xi32, #tpu.memory_space<vmem>>, vector<16xi32>,
        %bitcast3A_1246 = vector.bitcast %get3A_1245 : vector<16xi32> to vector<32xbf16>
        %add3A_1247 = arith.addf %add3A_1203, %bitcast3A_1246 : vector<32xbf16>
        %add3A_1248 = arith.constant 7 : i32
        %add3A_1249 = arith.addi %mul3A_929, %add3A_1248 : i32
        %get3A_1250 = arith.constant 0 : i32
        %get3A_1251 = arith.constant 0 : i32
        %get3A_1252 = tpu.memref_slice %arg6[%scan3A_680, %get3A_1250, %get3A_1251] : memref<4x200x64xi32, #tpu.memory_space<vmem>> -> memref<1x200x64xi32, #tpu.memory_space<vmem>>
        %get3A_1253 = tpu.memref_squeeze %get3A_1252 : memref<1x200x64xi32, #tpu.memory_space<vmem>> -> memref<200x64xi32, #tpu.memory_space<vmem>>
        %get3A_1254 = arith.index_cast %add3A_1249 : i32 to index
        %get3A_1255 = arith.constant 16 : index
        %get3A_1256 = tpu.vector_load %get3A_1253[%get3A_1254, %get3A_1255] {strides = array<i32>} : memref<200x64xi32, #tpu.memory_space<vmem>>, vector<16xi32>,
        %bitcast3A_1257 = vector.bitcast %get3A_1256 : vector<16xi32> to vector<32xbf16>
        %add3A_1258 = arith.addf %add3A_1214, %bitcast3A_1257 : vector<32xbf16>
        %add3A_1259 = arith.constant 7 : i32
        %add3A_1260 = arith.addi %mul3A_929, %add3A_1259 : i32
        %get3A_1261 = arith.constant 0 : i32
        %get3A_1262 = arith.constant 0 : i32
        %get3A_1263 = tpu.memref_slice %arg6[%scan3A_680, %get3A_1261, %get3A_1262] : memref<4x200x64xi32, #tpu.memory_space<vmem>> -> memref<1x200x64xi32, #tpu.memory_space<vmem>>
        %get3A_1264 = tpu.memref_squeeze %get3A_1263 : memref<1x200x64xi32, #tpu.memory_space<vmem>> -> memref<200x64xi32, #tpu.memory_space<vmem>>
        %get3A_1265 = arith.index_cast %add3A_1260 : i32 to index
        %get3A_1266 = arith.constant 32 : index
        %get3A_1267 = tpu.vector_load %get3A_1264[%get3A_1265, %get3A_1266] {strides = array<i32>} : memref<200x64xi32, #tpu.memory_space<vmem>>, vector<16xi32>,
        %bitcast3A_1268 = vector.bitcast %get3A_1267 : vector<16xi32> to vector<32xbf16>
        %add3A_1269 = arith.addf %add3A_1225, %bitcast3A_1268 : vector<32xbf16>
        %add3A_1270 = arith.constant 7 : i32
        %add3A_1271 = arith.addi %mul3A_929, %add3A_1270 : i32
        %get3A_1272 = arith.constant 0 : i32
        %get3A_1273 = arith.constant 0 : i32
        %get3A_1274 = tpu.memref_slice %arg6[%scan3A_680, %get3A_1272, %get3A_1273] : memref<4x200x64xi32, #tpu.memory_space<vmem>> -> memref<1x200x64xi32, #tpu.memory_space<vmem>>
        %get3A_1275 = tpu.memref_squeeze %get3A_1274 : memref<1x200x64xi32, #tpu.memory_space<vmem>> -> memref<200x64xi32, #tpu.memory_space<vmem>>
        %get3A_1276 = arith.index_cast %add3A_1271 : i32 to index
        %get3A_1277 = arith.constant 48 : index
        %get3A_1278 = tpu.vector_load %get3A_1275[%get3A_1276, %get3A_1277] {strides = array<i32>} : memref<200x64xi32, #tpu.memory_space<vmem>>, vector<16xi32>,
        %bitcast3A_1279 = vector.bitcast %get3A_1278 : vector<16xi32> to vector<32xbf16>
        %add3A_1280 = arith.addf %add3A_1236, %bitcast3A_1279 : vector<32xbf16>
        scf.yield %add3A_1247, %add3A_1258, %add3A_1269, %add3A_1280 : vector<32xbf16>, vector<32xbf16>, vector<32xbf16>, vector<32xbf16>
      }
      %scan3A_686 = arith.constant 25 : i32
      %bitcast3A_687 = vector.bitcast %scan3A_685#0 : vector<32xbf16> to vector<16xi32>
      %shift_left3A_688 = arith.constant 16 : i32
      %shift_left3A_689 = vector.broadcast %shift_left3A_688 : i32 to vector<16xi32>
      %shift_left3A_690 = arith.shli %bitcast3A_687, %shift_left3A_689 : vector<16xi32>
      %bitcast3A_691 = vector.bitcast %shift_left3A_690 : vector<16xi32> to vector<16xf32>
      %and3A_692 = arith.andi %bitcast3A_687, %broadcast_in_dim3A_5 : vector<16xi32>
      %bitcast3A_693 = vector.bitcast %and3A_692 : vector<16xi32> to vector<16xf32>
      %mul3A_694 = arith.constant 128 : i32
      %mul3A_695 = arith.muli %add3A_671, %mul3A_694 : i32
      %add3A_696 = arith.constant 0 : i32
      %add3A_697 = arith.addi %mul3A_695, %add3A_696 : i32
      %swap3A_698 = arith.index_cast %add3A_697 : i32 to index
      %swap3A_699 = tpu.vector_load %arg7[%swap3A_698] {strides = array<i32>} : memref<16384xf32, #tpu.memory_space<vmem>>, vector<16xf32>,
      tpu.vector_store %arg7[%swap3A_698], %bitcast3A_691 {strides = array<i32>} : memref<16384xf32, #tpu.memory_space<vmem>>, vector<16xf32>,
      %mul3A_700 = arith.constant 128 : i32
      %mul3A_701 = arith.muli %add3A_671, %mul3A_700 : i32
      %add3A_702 = arith.constant 16 : i32
      %add3A_703 = arith.addi %mul3A_701, %add3A_702 : i32
      %swap3A_704 = arith.index_cast %add3A_703 : i32 to index
      %swap3A_705 = tpu.vector_load %arg7[%swap3A_704] {strides = array<i32>} : memref<16384xf32, #tpu.memory_space<vmem>>, vector<16xf32>,
      tpu.vector_store %arg7[%swap3A_704], %bitcast3A_693 {strides = array<i32>} : memref<16384xf32, #tpu.memory_space<vmem>>, vector<16xf32>,
      %bitcast3A_706 = vector.bitcast %scan3A_685#1 : vector<32xbf16> to vector<16xi32>
      %shift_left3A_707 = arith.constant 16 : i32
      %shift_left3A_708 = vector.broadcast %shift_left3A_707 : i32 to vector<16xi32>
      %shift_left3A_709 = arith.shli %bitcast3A_706, %shift_left3A_708 : vector<16xi32>
      %bitcast3A_710 = vector.bitcast %shift_left3A_709 : vector<16xi32> to vector<16xf32>
      %and3A_711 = arith.andi %bitcast3A_706, %broadcast_in_dim3A_5 : vector<16xi32>
      %bitcast3A_712 = vector.bitcast %and3A_711 : vector<16xi32> to vector<16xf32>
      %mul3A_713 = arith.constant 128 : i32
      %mul3A_714 = arith.muli %add3A_671, %mul3A_713 : i32
      %add3A_715 = arith.constant 32 : i32
      %add3A_716 = arith.addi %mul3A_714, %add3A_715 : i32
      %swap3A_717 = arith.index_cast %add3A_716 : i32 to index
      %swap3A_718 = tpu.vector_load %arg7[%swap3A_717] {strides = array<i32>} : memref<16384xf32, #tpu.memory_space<vmem>>, vector<16xf32>,
      tpu.vector_store %arg7[%swap3A_717], %bitcast3A_710 {strides = array<i32>} : memref<16384xf32, #tpu.memory_space<vmem>>, vector<16xf32>,
      %mul3A_719 = arith.constant 128 : i32
      %mul3A_720 = arith.muli %add3A_671, %mul3A_719 : i32
      %add3A_721 = arith.constant 48 : i32
      %add3A_722 = arith.addi %mul3A_720, %add3A_721 : i32
      %swap3A_723 = arith.index_cast %add3A_722 : i32 to index
      %swap3A_724 = tpu.vector_load %arg7[%swap3A_723] {strides = array<i32>} : memref<16384xf32, #tpu.memory_space<vmem>>, vector<16xf32>,
      tpu.vector_store %arg7[%swap3A_723], %bitcast3A_712 {strides = array<i32>} : memref<16384xf32, #tpu.memory_space<vmem>>, vector<16xf32>,
      %bitcast3A_725 = vector.bitcast %scan3A_685#2 : vector<32xbf16> to vector<16xi32>
      %shift_left3A_726 = arith.constant 16 : i32
      %shift_left3A_727 = vector.broadcast %shift_left3A_726 : i32 to vector<16xi32>
      %shift_left3A_728 = arith.shli %bitcast3A_725, %shift_left3A_727 : vector<16xi32>
      %bitcast3A_729 = vector.bitcast %shift_left3A_728 : vector<16xi32> to vector<16xf32>
      %and3A_730 = arith.andi %bitcast3A_725, %broadcast_in_dim3A_5 : vector<16xi32>
      %bitcast3A_731 = vector.bitcast %and3A_730 : vector<16xi32> to vector<16xf32>
      %mul3A_732 = arith.constant 128 : i32
      %mul3A_733 = arith.muli %add3A_671, %mul3A_732 : i32
      %add3A_734 = arith.constant 64 : i32
      %add3A_735 = arith.addi %mul3A_733, %add3A_734 : i32
      %swap3A_736 = arith.index_cast %add3A_735 : i32 to index
      %swap3A_737 = tpu.vector_load %arg7[%swap3A_736] {strides = array<i32>} : memref<16384xf32, #tpu.memory_space<vmem>>, vector<16xf32>,
      tpu.vector_store %arg7[%swap3A_736], %bitcast3A_729 {strides = array<i32>} : memref<16384xf32, #tpu.memory_space<vmem>>, vector<16xf32>,
      %mul3A_738 = arith.constant 128 : i32
      %mul3A_739 = arith.muli %add3A_671, %mul3A_738 : i32
      %add3A_740 = arith.constant 80 : i32
      %add3A_741 = arith.addi %mul3A_739, %add3A_740 : i32
      %swap3A_742 = arith.index_cast %add3A_741 : i32 to index
      %swap3A_743 = tpu.vector_load %arg7[%swap3A_742] {strides = array<i32>} : memref<16384xf32, #tpu.memory_space<vmem>>, vector<16xf32>,
      tpu.vector_store %arg7[%swap3A_742], %bitcast3A_731 {strides = array<i32>} : memref<16384xf32, #tpu.memory_space<vmem>>, vector<16xf32>,
      %bitcast3A_744 = vector.bitcast %scan3A_685#3 : vector<32xbf16> to vector<16xi32>
      %shift_left3A_745 = arith.constant 16 : i32
      %shift_left3A_746 = vector.broadcast %shift_left3A_745 : i32 to vector<16xi32>
      %shift_left3A_747 = arith.shli %bitcast3A_744, %shift_left3A_746 : vector<16xi32>
      %bitcast3A_748 = vector.bitcast %shift_left3A_747 : vector<16xi32> to vector<16xf32>
      %and3A_749 = arith.andi %bitcast3A_744, %broadcast_in_dim3A_5 : vector<16xi32>
      %bitcast3A_750 = vector.bitcast %and3A_749 : vector<16xi32> to vector<16xf32>
      %mul3A_751 = arith.constant 128 : i32
      %mul3A_752 = arith.muli %add3A_671, %mul3A_751 : i32
      %add3A_753 = arith.constant 96 : i32
      %add3A_754 = arith.addi %mul3A_752, %add3A_753 : i32
      %swap3A_755 = arith.index_cast %add3A_754 : i32 to index
      %swap3A_756 = tpu.vector_load %arg7[%swap3A_755] {strides = array<i32>} : memref<16384xf32, #tpu.memory_space<vmem>>, vector<16xf32>,
      tpu.vector_store %arg7[%swap3A_755], %bitcast3A_748 {strides = array<i32>} : memref<16384xf32, #tpu.memory_space<vmem>>, vector<16xf32>,
      %mul3A_757 = arith.constant 128 : i32
      %mul3A_758 = arith.muli %add3A_671, %mul3A_757 : i32
      %add3A_759 = arith.constant 112 : i32
      %add3A_760 = arith.addi %mul3A_758, %add3A_759 : i32
      %swap3A_761 = arith.index_cast %add3A_760 : i32 to index
      %swap3A_762 = tpu.vector_load %arg7[%swap3A_761] {strides = array<i32>} : memref<16384xf32, #tpu.memory_space<vmem>>, vector<16xf32>,
      tpu.vector_store %arg7[%swap3A_761], %bitcast3A_750 {strides = array<i32>} : memref<16384xf32, #tpu.memory_space<vmem>>, vector<16xf32>,
      %add3A_763 = arith.constant 4 : i32
      %add3A_764 = arith.addi %add3A_386, %add3A_763 : i32
      %add3A_765 = arith.constant 2 : i32
      %add3A_766 = arith.addi %add3A_764, %add3A_765 : i32
      %mul3A_767 = arith.constant 200 : i32
      %mul3A_768 = arith.muli %add3A_766, %mul3A_767 : i32
      %dma_start3A_769 = arith.constant 2 : i32
      %dma_start3A_770 = arith.constant 0 : i32
      %dma_start3A_771 = arith.constant 0 : i32
      %dma_start3A_772 = tpu.memref_slice %arg6[%dma_start3A_769, %dma_start3A_770, %dma_start3A_771] : memref<4x200x64xi32, #tpu.memory_space<vmem>> -> memref<1x104x64xi32, #tpu.memory_space<vmem>>
      %dma_start3A_773 = tpu.memref_squeeze %dma_start3A_772 : memref<1x104x64xi32, #tpu.memory_space<vmem>> -> memref<104x64xi32, #tpu.memory_space<vmem>>
      %dma_start3A_774 = tpu.memref_slice %arg5[%mul3A_768] : memref<25600xi32, #tpu.memory_space<vmem>> -> memref<104xi32, #tpu.memory_space<vmem>>
      %dma_start3A_775 = arith.constant 0 : i32
      %dma_start3A_776 = arith.constant 0 : i32
      %dma_start3A_777 = tpu.memref_slice %arg3[%dma_start3A_775, %dma_start3A_776] : memref<100000x64xi32, #tpu.memory_space<hbm>> -> memref<100000x64xi32, #tpu.memory_space<hbm>>
      tpu.enqueue_indirect_dma source(%dma_start3A_777 : memref<100000x64xi32, #tpu.memory_space<hbm>>) target(%dma_start3A_773 : memref<104x64xi32, #tpu.memory_space<vmem>>) offsets(%dma_start3A_774 : memref<104xi32, #tpu.memory_space<vmem>>) semaphore(%arg10 : memref<!tpu.dma_semaphore, #tpu.memory_space<semaphore_mem>>)
      %add3A_778 = arith.constant 104 : i32
      %add3A_779 = arith.addi %mul3A_768, %add3A_778 : i32
      %dma_start3A_780 = arith.constant 2 : i32
      %dma_start3A_781 = arith.constant 104 : i32
      %dma_start3A_782 = arith.constant 0 : i32
      %dma_start3A_783 = tpu.memref_slice %arg6[%dma_start3A_780, %dma_start3A_781, %dma_start3A_782] : memref<4x200x64xi32, #tpu.memory_space<vmem>> -> memref<1x96x64xi32, #tpu.memory_space<vmem>>
      %dma_start3A_784 = tpu.memref_squeeze %dma_start3A_783 : memref<1x96x64xi32, #tpu.memory_space<vmem>> -> memref<96x64xi32, #tpu.memory_space<vmem>>
      %dma_start3A_785 = tpu.memref_slice %arg5[%add3A_779] : memref<25600xi32, #tpu.memory_space<vmem>> -> memref<96xi32, #tpu.memory_space<vmem>>
      %dma_start3A_786 = arith.constant 0 : i32
      %dma_start3A_787 = arith.constant 0 : i32
      %dma_start3A_788 = tpu.memref_slice %arg3[%dma_start3A_786, %dma_start3A_787] : memref<100000x64xi32, #tpu.memory_space<hbm>> -> memref<100000x64xi32, #tpu.memory_space<hbm>>
      tpu.enqueue_indirect_dma source(%dma_start3A_788 : memref<100000x64xi32, #tpu.memory_space<hbm>>) target(%dma_start3A_784 : memref<96x64xi32, #tpu.memory_space<vmem>>) offsets(%dma_start3A_785 : memref<96xi32, #tpu.memory_space<vmem>>) semaphore(%arg10 : memref<!tpu.dma_semaphore, #tpu.memory_space<semaphore_mem>>)
      %dma_wait3A_789 = arith.constant 3 : i32
      %dma_wait3A_790 = arith.constant 0 : i32
      %dma_wait3A_791 = arith.constant 0 : i32
      %dma_wait3A_792 = tpu.memref_slice %arg6[%dma_wait3A_789, %dma_wait3A_790, %dma_wait3A_791] : memref<4x200x64xi32, #tpu.memory_space<vmem>> -> memref<1x200x64xi32, #tpu.memory_space<vmem>>
      %dma_wait3A_793 = tpu.memref_squeeze %dma_wait3A_792 : memref<1x200x64xi32, #tpu.memory_space<vmem>> -> memref<200x64xi32, #tpu.memory_space<vmem>>
      %dma_wait3A_794 = arith.constant 0 : i32
      %dma_wait3A_795 = arith.constant 0 : i32
      %dma_wait3A_796 = tpu.memref_slice %arg3[%dma_wait3A_794, %dma_wait3A_795] : memref<100000x64xi32, #tpu.memory_space<hbm>> -> memref<200x64xi32, #tpu.memory_space<hbm>>
      %dma_wait3A_797 = arith.constant 0 : i32
      %dma_wait3A_798 = arith.constant 0 : i32
      %dma_wait3A_799 = tpu.memref_slice %arg6[%dma_wait3A_789, %dma_wait3A_797, %dma_wait3A_798] : memref<4x200x64xi32, #tpu.memory_space<vmem>> -> memref<1x200x64xi32, #tpu.memory_space<vmem>>
      %dma_wait3A_800 = tpu.memref_squeeze %dma_wait3A_799 : memref<1x200x64xi32, #tpu.memory_space<vmem>> -> memref<200x64xi32, #tpu.memory_space<vmem>>
      %dma_wait3A_801 = arith.constant 0 : i32
      %dma_wait3A_802 = arith.constant 0 : i32
      %dma_wait3A_803 = tpu.memref_slice %arg3[%dma_wait3A_801, %dma_wait3A_802] : memref<100000x64xi32, #tpu.memory_space<hbm>> -> memref<200x64xi32, #tpu.memory_space<hbm>>
      tpu.wait_dma2 semaphore(%arg11 : memref<!tpu.dma_semaphore, #tpu.memory_space<semaphore_mem>>) src(%dma_wait3A_803 : memref<200x64xi32, #tpu.memory_space<hbm>>) dst(%dma_wait3A_800 : memref<200x64xi32, #tpu.memory_space<vmem>>)
      %add3A_804 = arith.constant 3 : i32
      %add3A_805 = arith.addi %add3A_386, %add3A_804 : i32
      %broadcast_in_dim3A_806 = arith.constant 0.000000e+00 : bf16
      %broadcast_in_dim3A_807 = vector.broadcast %broadcast_in_dim3A_806 : bf16 to vector<32xbf16>
      %broadcast_in_dim3A_808 = arith.constant 0.000000e+00 : bf16
      %broadcast_in_dim3A_809 = vector.broadcast %broadcast_in_dim3A_808 : bf16 to vector<32xbf16>
      %broadcast_in_dim3A_810 = arith.constant 0.000000e+00 : bf16
      %broadcast_in_dim3A_811 = vector.broadcast %broadcast_in_dim3A_810 : bf16 to vector<32xbf16>
      %broadcast_in_dim3A_812 = arith.constant 0.000000e+00 : bf16
      %broadcast_in_dim3A_813 = vector.broadcast %broadcast_in_dim3A_812 : bf16 to vector<32xbf16>
      %scan3A_814 = arith.constant 3 : i32
      %scan3A_815 = arith.constant 0 : i32
      %scan3A_816 = arith.constant 25 : i32
      %scan3A_817 = arith.addi %scan3A_815, %scan3A_816 : i32
      %scan3A_818 = arith.constant 1 : i32
      %scan3A_819:4 = scf.for %scan3A_923 = %scan3A_815 to %scan3A_817 step %scan3A_818 iter_args(%scan3A_924 = %broadcast_in_dim3A_807, %scan3A_925 = %broadcast_in_dim3A_809, %scan3A_926 = %broadcast_in_dim3A_811, %scan3A_927 = %broadcast_in_dim3A_813) -> (vector<32xbf16>, vector<32xbf16>, vector<32xbf16>, vector<32xbf16>)  : i32 {
        %mul3A_928 = arith.constant 8 : i32
        %mul3A_929 = arith.muli %scan3A_923, %mul3A_928 : i32
        %add3A_930 = arith.constant 0 : i32
        %add3A_931 = arith.addi %mul3A_929, %add3A_930 : i32
        %get3A = arith.constant 0 : i32
        %get3A_932 = arith.constant 0 : i32
        %get3A_933 = tpu.memref_slice %arg6[%scan3A_814, %get3A, %get3A_932] : memref<4x200x64xi32, #tpu.memory_space<vmem>> -> memref<1x200x64xi32, #tpu.memory_space<vmem>>
        %get3A_934 = tpu.memref_squeeze %get3A_933 : memref<1x200x64xi32, #tpu.memory_space<vmem>> -> memref<200x64xi32, #tpu.memory_space<vmem>>
        %get3A_935 = arith.index_cast %add3A_931 : i32 to index
        %get3A_936 = arith.constant 0 : index
        %get3A_937 = tpu.vector_load %get3A_934[%get3A_935, %get3A_936] {strides = array<i32>} : memref<200x64xi32, #tpu.memory_space<vmem>>, vector<16xi32>,
        %bitcast3A_938 = vector.bitcast %get3A_937 : vector<16xi32> to vector<32xbf16>
        %add3A_939 = arith.addf %scan3A_924, %bitcast3A_938 : vector<32xbf16>
        %add3A_940 = arith.constant 0 : i32
        %add3A_941 = arith.addi %mul3A_929, %add3A_940 : i32
        %get3A_942 = arith.constant 0 : i32
        %get3A_943 = arith.constant 0 : i32
        %get3A_944 = tpu.memref_slice %arg6[%scan3A_814, %get3A_942, %get3A_943] : memref<4x200x64xi32, #tpu.memory_space<vmem>> -> memref<1x200x64xi32, #tpu.memory_space<vmem>>
        %get3A_945 = tpu.memref_squeeze %get3A_944 : memref<1x200x64xi32, #tpu.memory_space<vmem>> -> memref<200x64xi32, #tpu.memory_space<vmem>>
        %get3A_946 = arith.index_cast %add3A_941 : i32 to index
        %get3A_947 = arith.constant 16 : index
        %get3A_948 = tpu.vector_load %get3A_945[%get3A_946, %get3A_947] {strides = array<i32>} : memref<200x64xi32, #tpu.memory_space<vmem>>, vector<16xi32>,
        %bitcast3A_949 = vector.bitcast %get3A_948 : vector<16xi32> to vector<32xbf16>
        %add3A_950 = arith.addf %scan3A_925, %bitcast3A_949 : vector<32xbf16>
        %add3A_951 = arith.constant 0 : i32
        %add3A_952 = arith.addi %mul3A_929, %add3A_951 : i32
        %get3A_953 = arith.constant 0 : i32
        %get3A_954 = arith.constant 0 : i32
        %get3A_955 = tpu.memref_slice %arg6[%scan3A_814, %get3A_953, %get3A_954] : memref<4x200x64xi32, #tpu.memory_space<vmem>> -> memref<1x200x64xi32, #tpu.memory_space<vmem>>
        %get3A_956 = tpu.memref_squeeze %get3A_955 : memref<1x200x64xi32, #tpu.memory_space<vmem>> -> memref<200x64xi32, #tpu.memory_space<vmem>>
        %get3A_957 = arith.index_cast %add3A_952 : i32 to index
        %get3A_958 = arith.constant 32 : index
        %get3A_959 = tpu.vector_load %get3A_956[%get3A_957, %get3A_958] {strides = array<i32>} : memref<200x64xi32, #tpu.memory_space<vmem>>, vector<16xi32>,
        %bitcast3A_960 = vector.bitcast %get3A_959 : vector<16xi32> to vector<32xbf16>
        %add3A_961 = arith.addf %scan3A_926, %bitcast3A_960 : vector<32xbf16>
        %add3A_962 = arith.constant 0 : i32
        %add3A_963 = arith.addi %mul3A_929, %add3A_962 : i32
        %get3A_964 = arith.constant 0 : i32
        %get3A_965 = arith.constant 0 : i32
        %get3A_966 = tpu.memref_slice %arg6[%scan3A_814, %get3A_964, %get3A_965] : memref<4x200x64xi32, #tpu.memory_space<vmem>> -> memref<1x200x64xi32, #tpu.memory_space<vmem>>
        %get3A_967 = tpu.memref_squeeze %get3A_966 : memref<1x200x64xi32, #tpu.memory_space<vmem>> -> memref<200x64xi32, #tpu.memory_space<vmem>>
        %get3A_968 = arith.index_cast %add3A_963 : i32 to index
        %get3A_969 = arith.constant 48 : index
        %get3A_970 = tpu.vector_load %get3A_967[%get3A_968, %get3A_969] {strides = array<i32>} : memref<200x64xi32, #tpu.memory_space<vmem>>, vector<16xi32>,
        %bitcast3A_971 = vector.bitcast %get3A_970 : vector<16xi32> to vector<32xbf16>
        %add3A_972 = arith.addf %scan3A_927, %bitcast3A_971 : vector<32xbf16>
        %add3A_973 = arith.constant 1 : i32
        %add3A_974 = arith.addi %mul3A_929, %add3A_973 : i32
        %get3A_975 = arith.constant 0 : i32
        %get3A_976 = arith.constant 0 : i32
        %get3A_977 = tpu.memref_slice %arg6[%scan3A_814, %get3A_975, %get3A_976] : memref<4x200x64xi32, #tpu.memory_space<vmem>> -> memref<1x200x64xi32, #tpu.memory_space<vmem>>
        %get3A_978 = tpu.memref_squeeze %get3A_977 : memref<1x200x64xi32, #tpu.memory_space<vmem>> -> memref<200x64xi32, #tpu.memory_space<vmem>>
        %get3A_979 = arith.index_cast %add3A_974 : i32 to index
        %get3A_980 = arith.constant 0 : index
        %get3A_981 = tpu.vector_load %get3A_978[%get3A_979, %get3A_980] {strides = array<i32>} : memref<200x64xi32, #tpu.memory_space<vmem>>, vector<16xi32>,
        %bitcast3A_982 = vector.bitcast %get3A_981 : vector<16xi32> to vector<32xbf16>
        %add3A_983 = arith.addf %add3A_939, %bitcast3A_982 : vector<32xbf16>
        %add3A_984 = arith.constant 1 : i32
        %add3A_985 = arith.addi %mul3A_929, %add3A_984 : i32
        %get3A_986 = arith.constant 0 : i32
        %get3A_987 = arith.constant 0 : i32
        %get3A_988 = tpu.memref_slice %arg6[%scan3A_814, %get3A_986, %get3A_987] : memref<4x200x64xi32, #tpu.memory_space<vmem>> -> memref<1x200x64xi32, #tpu.memory_space<vmem>>
        %get3A_989 = tpu.memref_squeeze %get3A_988 : memref<1x200x64xi32, #tpu.memory_space<vmem>> -> memref<200x64xi32, #tpu.memory_space<vmem>>
        %get3A_990 = arith.index_cast %add3A_985 : i32 to index
        %get3A_991 = arith.constant 16 : index
        %get3A_992 = tpu.vector_load %get3A_989[%get3A_990, %get3A_991] {strides = array<i32>} : memref<200x64xi32, #tpu.memory_space<vmem>>, vector<16xi32>,
        %bitcast3A_993 = vector.bitcast %get3A_992 : vector<16xi32> to vector<32xbf16>
        %add3A_994 = arith.addf %add3A_950, %bitcast3A_993 : vector<32xbf16>
        %add3A_995 = arith.constant 1 : i32
        %add3A_996 = arith.addi %mul3A_929, %add3A_995 : i32
        %get3A_997 = arith.constant 0 : i32
        %get3A_998 = arith.constant 0 : i32
        %get3A_999 = tpu.memref_slice %arg6[%scan3A_814, %get3A_997, %get3A_998] : memref<4x200x64xi32, #tpu.memory_space<vmem>> -> memref<1x200x64xi32, #tpu.memory_space<vmem>>
        %get3A_1000 = tpu.memref_squeeze %get3A_999 : memref<1x200x64xi32, #tpu.memory_space<vmem>> -> memref<200x64xi32, #tpu.memory_space<vmem>>
        %get3A_1001 = arith.index_cast %add3A_996 : i32 to index
        %get3A_1002 = arith.constant 32 : index
        %get3A_1003 = tpu.vector_load %get3A_1000[%get3A_1001, %get3A_1002] {strides = array<i32>} : memref<200x64xi32, #tpu.memory_space<vmem>>, vector<16xi32>,
        %bitcast3A_1004 = vector.bitcast %get3A_1003 : vector<16xi32> to vector<32xbf16>
        %add3A_1005 = arith.addf %add3A_961, %bitcast3A_1004 : vector<32xbf16>
        %add3A_1006 = arith.constant 1 : i32
        %add3A_1007 = arith.addi %mul3A_929, %add3A_1006 : i32
        %get3A_1008 = arith.constant 0 : i32
        %get3A_1009 = arith.constant 0 : i32
        %get3A_1010 = tpu.memref_slice %arg6[%scan3A_814, %get3A_1008, %get3A_1009] : memref<4x200x64xi32, #tpu.memory_space<vmem>> -> memref<1x200x64xi32, #tpu.memory_space<vmem>>
        %get3A_1011 = tpu.memref_squeeze %get3A_1010 : memref<1x200x64xi32, #tpu.memory_space<vmem>> -> memref<200x64xi32, #tpu.memory_space<vmem>>
        %get3A_1012 = arith.index_cast %add3A_1007 : i32 to index
        %get3A_1013 = arith.constant 48 : index
        %get3A_1014 = tpu.vector_load %get3A_1011[%get3A_1012, %get3A_1013] {strides = array<i32>} : memref<200x64xi32, #tpu.memory_space<vmem>>, vector<16xi32>,
        %bitcast3A_1015 = vector.bitcast %get3A_1014 : vector<16xi32> to vector<32xbf16>
        %add3A_1016 = arith.addf %add3A_972, %bitcast3A_1015 : vector<32xbf16>
        %add3A_1017 = arith.constant 2 : i32
        %add3A_1018 = arith.addi %mul3A_929, %add3A_1017 : i32
        %get3A_1019 = arith.constant 0 : i32
        %get3A_1020 = arith.constant 0 : i32
        %get3A_1021 = tpu.memref_slice %arg6[%scan3A_814, %get3A_1019, %get3A_1020] : memref<4x200x64xi32, #tpu.memory_space<vmem>> -> memref<1x200x64xi32, #tpu.memory_space<vmem>>
        %get3A_1022 = tpu.memref_squeeze %get3A_1021 : memref<1x200x64xi32, #tpu.memory_space<vmem>> -> memref<200x64xi32, #tpu.memory_space<vmem>>
        %get3A_1023 = arith.index_cast %add3A_1018 : i32 to index
        %get3A_1024 = arith.constant 0 : index
        %get3A_1025 = tpu.vector_load %get3A_1022[%get3A_1023, %get3A_1024] {strides = array<i32>} : memref<200x64xi32, #tpu.memory_space<vmem>>, vector<16xi32>,
        %bitcast3A_1026 = vector.bitcast %get3A_1025 : vector<16xi32> to vector<32xbf16>
        %add3A_1027 = arith.addf %add3A_983, %bitcast3A_1026 : vector<32xbf16>
        %add3A_1028 = arith.constant 2 : i32
        %add3A_1029 = arith.addi %mul3A_929, %add3A_1028 : i32
        %get3A_1030 = arith.constant 0 : i32
        %get3A_1031 = arith.constant 0 : i32
        %get3A_1032 = tpu.memref_slice %arg6[%scan3A_814, %get3A_1030, %get3A_1031] : memref<4x200x64xi32, #tpu.memory_space<vmem>> -> memref<1x200x64xi32, #tpu.memory_space<vmem>>
        %get3A_1033 = tpu.memref_squeeze %get3A_1032 : memref<1x200x64xi32, #tpu.memory_space<vmem>> -> memref<200x64xi32, #tpu.memory_space<vmem>>
        %get3A_1034 = arith.index_cast %add3A_1029 : i32 to index
        %get3A_1035 = arith.constant 16 : index
        %get3A_1036 = tpu.vector_load %get3A_1033[%get3A_1034, %get3A_1035] {strides = array<i32>} : memref<200x64xi32, #tpu.memory_space<vmem>>, vector<16xi32>,
        %bitcast3A_1037 = vector.bitcast %get3A_1036 : vector<16xi32> to vector<32xbf16>
        %add3A_1038 = arith.addf %add3A_994, %bitcast3A_1037 : vector<32xbf16>
        %add3A_1039 = arith.constant 2 : i32
        %add3A_1040 = arith.addi %mul3A_929, %add3A_1039 : i32
        %get3A_1041 = arith.constant 0 : i32
        %get3A_1042 = arith.constant 0 : i32
        %get3A_1043 = tpu.memref_slice %arg6[%scan3A_814, %get3A_1041, %get3A_1042] : memref<4x200x64xi32, #tpu.memory_space<vmem>> -> memref<1x200x64xi32, #tpu.memory_space<vmem>>
        %get3A_1044 = tpu.memref_squeeze %get3A_1043 : memref<1x200x64xi32, #tpu.memory_space<vmem>> -> memref<200x64xi32, #tpu.memory_space<vmem>>
        %get3A_1045 = arith.index_cast %add3A_1040 : i32 to index
        %get3A_1046 = arith.constant 32 : index
        %get3A_1047 = tpu.vector_load %get3A_1044[%get3A_1045, %get3A_1046] {strides = array<i32>} : memref<200x64xi32, #tpu.memory_space<vmem>>, vector<16xi32>,
        %bitcast3A_1048 = vector.bitcast %get3A_1047 : vector<16xi32> to vector<32xbf16>
        %add3A_1049 = arith.addf %add3A_1005, %bitcast3A_1048 : vector<32xbf16>
        %add3A_1050 = arith.constant 2 : i32
        %add3A_1051 = arith.addi %mul3A_929, %add3A_1050 : i32
        %get3A_1052 = arith.constant 0 : i32
        %get3A_1053 = arith.constant 0 : i32
        %get3A_1054 = tpu.memref_slice %arg6[%scan3A_814, %get3A_1052, %get3A_1053] : memref<4x200x64xi32, #tpu.memory_space<vmem>> -> memref<1x200x64xi32, #tpu.memory_space<vmem>>
        %get3A_1055 = tpu.memref_squeeze %get3A_1054 : memref<1x200x64xi32, #tpu.memory_space<vmem>> -> memref<200x64xi32, #tpu.memory_space<vmem>>
        %get3A_1056 = arith.index_cast %add3A_1051 : i32 to index
        %get3A_1057 = arith.constant 48 : index
        %get3A_1058 = tpu.vector_load %get3A_1055[%get3A_1056, %get3A_1057] {strides = array<i32>} : memref<200x64xi32, #tpu.memory_space<vmem>>, vector<16xi32>,
        %bitcast3A_1059 = vector.bitcast %get3A_1058 : vector<16xi32> to vector<32xbf16>
        %add3A_1060 = arith.addf %add3A_1016, %bitcast3A_1059 : vector<32xbf16>
        %add3A_1061 = arith.constant 3 : i32
        %add3A_1062 = arith.addi %mul3A_929, %add3A_1061 : i32
        %get3A_1063 = arith.constant 0 : i32
        %get3A_1064 = arith.constant 0 : i32
        %get3A_1065 = tpu.memref_slice %arg6[%scan3A_814, %get3A_1063, %get3A_1064] : memref<4x200x64xi32, #tpu.memory_space<vmem>> -> memref<1x200x64xi32, #tpu.memory_space<vmem>>
        %get3A_1066 = tpu.memref_squeeze %get3A_1065 : memref<1x200x64xi32, #tpu.memory_space<vmem>> -> memref<200x64xi32, #tpu.memory_space<vmem>>
        %get3A_1067 = arith.index_cast %add3A_1062 : i32 to index
        %get3A_1068 = arith.constant 0 : index
        %get3A_1069 = tpu.vector_load %get3A_1066[%get3A_1067, %get3A_1068] {strides = array<i32>} : memref<200x64xi32, #tpu.memory_space<vmem>>, vector<16xi32>,
        %bitcast3A_1070 = vector.bitcast %get3A_1069 : vector<16xi32> to vector<32xbf16>
        %add3A_1071 = arith.addf %add3A_1027, %bitcast3A_1070 : vector<32xbf16>
        %add3A_1072 = arith.constant 3 : i32
        %add3A_1073 = arith.addi %mul3A_929, %add3A_1072 : i32
        %get3A_1074 = arith.constant 0 : i32
        %get3A_1075 = arith.constant 0 : i32
        %get3A_1076 = tpu.memref_slice %arg6[%scan3A_814, %get3A_1074, %get3A_1075] : memref<4x200x64xi32, #tpu.memory_space<vmem>> -> memref<1x200x64xi32, #tpu.memory_space<vmem>>
        %get3A_1077 = tpu.memref_squeeze %get3A_1076 : memref<1x200x64xi32, #tpu.memory_space<vmem>> -> memref<200x64xi32, #tpu.memory_space<vmem>>
        %get3A_1078 = arith.index_cast %add3A_1073 : i32 to index
        %get3A_1079 = arith.constant 16 : index
        %get3A_1080 = tpu.vector_load %get3A_1077[%get3A_1078, %get3A_1079] {strides = array<i32>} : memref<200x64xi32, #tpu.memory_space<vmem>>, vector<16xi32>,
        %bitcast3A_1081 = vector.bitcast %get3A_1080 : vector<16xi32> to vector<32xbf16>
        %add3A_1082 = arith.addf %add3A_1038, %bitcast3A_1081 : vector<32xbf16>
        %add3A_1083 = arith.constant 3 : i32
        %add3A_1084 = arith.addi %mul3A_929, %add3A_1083 : i32
        %get3A_1085 = arith.constant 0 : i32
        %get3A_1086 = arith.constant 0 : i32
        %get3A_1087 = tpu.memref_slice %arg6[%scan3A_814, %get3A_1085, %get3A_1086] : memref<4x200x64xi32, #tpu.memory_space<vmem>> -> memref<1x200x64xi32, #tpu.memory_space<vmem>>
        %get3A_1088 = tpu.memref_squeeze %get3A_1087 : memref<1x200x64xi32, #tpu.memory_space<vmem>> -> memref<200x64xi32, #tpu.memory_space<vmem>>
        %get3A_1089 = arith.index_cast %add3A_1084 : i32 to index
        %get3A_1090 = arith.constant 32 : index
        %get3A_1091 = tpu.vector_load %get3A_1088[%get3A_1089, %get3A_1090] {strides = array<i32>} : memref<200x64xi32, #tpu.memory_space<vmem>>, vector<16xi32>,
        %bitcast3A_1092 = vector.bitcast %get3A_1091 : vector<16xi32> to vector<32xbf16>
        %add3A_1093 = arith.addf %add3A_1049, %bitcast3A_1092 : vector<32xbf16>
        %add3A_1094 = arith.constant 3 : i32
        %add3A_1095 = arith.addi %mul3A_929, %add3A_1094 : i32
        %get3A_1096 = arith.constant 0 : i32
        %get3A_1097 = arith.constant 0 : i32
        %get3A_1098 = tpu.memref_slice %arg6[%scan3A_814, %get3A_1096, %get3A_1097] : memref<4x200x64xi32, #tpu.memory_space<vmem>> -> memref<1x200x64xi32, #tpu.memory_space<vmem>>
        %get3A_1099 = tpu.memref_squeeze %get3A_1098 : memref<1x200x64xi32, #tpu.memory_space<vmem>> -> memref<200x64xi32, #tpu.memory_space<vmem>>
        %get3A_1100 = arith.index_cast %add3A_1095 : i32 to index
        %get3A_1101 = arith.constant 48 : index
        %get3A_1102 = tpu.vector_load %get3A_1099[%get3A_1100, %get3A_1101] {strides = array<i32>} : memref<200x64xi32, #tpu.memory_space<vmem>>, vector<16xi32>,
        %bitcast3A_1103 = vector.bitcast %get3A_1102 : vector<16xi32> to vector<32xbf16>
        %add3A_1104 = arith.addf %add3A_1060, %bitcast3A_1103 : vector<32xbf16>
        %add3A_1105 = arith.constant 4 : i32
        %add3A_1106 = arith.addi %mul3A_929, %add3A_1105 : i32
        %get3A_1107 = arith.constant 0 : i32
        %get3A_1108 = arith.constant 0 : i32
        %get3A_1109 = tpu.memref_slice %arg6[%scan3A_814, %get3A_1107, %get3A_1108] : memref<4x200x64xi32, #tpu.memory_space<vmem>> -> memref<1x200x64xi32, #tpu.memory_space<vmem>>
        %get3A_1110 = tpu.memref_squeeze %get3A_1109 : memref<1x200x64xi32, #tpu.memory_space<vmem>> -> memref<200x64xi32, #tpu.memory_space<vmem>>
        %get3A_1111 = arith.index_cast %add3A_1106 : i32 to index
        %get3A_1112 = arith.constant 0 : index
        %get3A_1113 = tpu.vector_load %get3A_1110[%get3A_1111, %get3A_1112] {strides = array<i32>} : memref<200x64xi32, #tpu.memory_space<vmem>>, vector<16xi32>,
        %bitcast3A_1114 = vector.bitcast %get3A_1113 : vector<16xi32> to vector<32xbf16>
        %add3A_1115 = arith.addf %add3A_1071, %bitcast3A_1114 : vector<32xbf16>
        %add3A_1116 = arith.constant 4 : i32
        %add3A_1117 = arith.addi %mul3A_929, %add3A_1116 : i32
        %get3A_1118 = arith.constant 0 : i32
        %get3A_1119 = arith.constant 0 : i32
        %get3A_1120 = tpu.memref_slice %arg6[%scan3A_814, %get3A_1118, %get3A_1119] : memref<4x200x64xi32, #tpu.memory_space<vmem>> -> memref<1x200x64xi32, #tpu.memory_space<vmem>>
        %get3A_1121 = tpu.memref_squeeze %get3A_1120 : memref<1x200x64xi32, #tpu.memory_space<vmem>> -> memref<200x64xi32, #tpu.memory_space<vmem>>
        %get3A_1122 = arith.index_cast %add3A_1117 : i32 to index
        %get3A_1123 = arith.constant 16 : index
        %get3A_1124 = tpu.vector_load %get3A_1121[%get3A_1122, %get3A_1123] {strides = array<i32>} : memref<200x64xi32, #tpu.memory_space<vmem>>, vector<16xi32>,
        %bitcast3A_1125 = vector.bitcast %get3A_1124 : vector<16xi32> to vector<32xbf16>
        %add3A_1126 = arith.addf %add3A_1082, %bitcast3A_1125 : vector<32xbf16>
        %add3A_1127 = arith.constant 4 : i32
        %add3A_1128 = arith.addi %mul3A_929, %add3A_1127 : i32
        %get3A_1129 = arith.constant 0 : i32
        %get3A_1130 = arith.constant 0 : i32
        %get3A_1131 = tpu.memref_slice %arg6[%scan3A_814, %get3A_1129, %get3A_1130] : memref<4x200x64xi32, #tpu.memory_space<vmem>> -> memref<1x200x64xi32, #tpu.memory_space<vmem>>
        %get3A_1132 = tpu.memref_squeeze %get3A_1131 : memref<1x200x64xi32, #tpu.memory_space<vmem>> -> memref<200x64xi32, #tpu.memory_space<vmem>>
        %get3A_1133 = arith.index_cast %add3A_1128 : i32 to index
        %get3A_1134 = arith.constant 32 : index
        %get3A_1135 = tpu.vector_load %get3A_1132[%get3A_1133, %get3A_1134] {strides = array<i32>} : memref<200x64xi32, #tpu.memory_space<vmem>>, vector<16xi32>,
        %bitcast3A_1136 = vector.bitcast %get3A_1135 : vector<16xi32> to vector<32xbf16>
        %add3A_1137 = arith.addf %add3A_1093, %bitcast3A_1136 : vector<32xbf16>
        %add3A_1138 = arith.constant 4 : i32
        %add3A_1139 = arith.addi %mul3A_929, %add3A_1138 : i32
        %get3A_1140 = arith.constant 0 : i32
        %get3A_1141 = arith.constant 0 : i32
        %get3A_1142 = tpu.memref_slice %arg6[%scan3A_814, %get3A_1140, %get3A_1141] : memref<4x200x64xi32, #tpu.memory_space<vmem>> -> memref<1x200x64xi32, #tpu.memory_space<vmem>>
        %get3A_1143 = tpu.memref_squeeze %get3A_1142 : memref<1x200x64xi32, #tpu.memory_space<vmem>> -> memref<200x64xi32, #tpu.memory_space<vmem>>
        %get3A_1144 = arith.index_cast %add3A_1139 : i32 to index
        %get3A_1145 = arith.constant 48 : index
        %get3A_1146 = tpu.vector_load %get3A_1143[%get3A_1144, %get3A_1145] {strides = array<i32>} : memref<200x64xi32, #tpu.memory_space<vmem>>, vector<16xi32>,
        %bitcast3A_1147 = vector.bitcast %get3A_1146 : vector<16xi32> to vector<32xbf16>
        %add3A_1148 = arith.addf %add3A_1104, %bitcast3A_1147 : vector<32xbf16>
        %add3A_1149 = arith.constant 5 : i32
        %add3A_1150 = arith.addi %mul3A_929, %add3A_1149 : i32
        %get3A_1151 = arith.constant 0 : i32
        %get3A_1152 = arith.constant 0 : i32
        %get3A_1153 = tpu.memref_slice %arg6[%scan3A_814, %get3A_1151, %get3A_1152] : memref<4x200x64xi32, #tpu.memory_space<vmem>> -> memref<1x200x64xi32, #tpu.memory_space<vmem>>
        %get3A_1154 = tpu.memref_squeeze %get3A_1153 : memref<1x200x64xi32, #tpu.memory_space<vmem>> -> memref<200x64xi32, #tpu.memory_space<vmem>>
        %get3A_1155 = arith.index_cast %add3A_1150 : i32 to index
        %get3A_1156 = arith.constant 0 : index
        %get3A_1157 = tpu.vector_load %get3A_1154[%get3A_1155, %get3A_1156] {strides = array<i32>} : memref<200x64xi32, #tpu.memory_space<vmem>>, vector<16xi32>,
        %bitcast3A_1158 = vector.bitcast %get3A_1157 : vector<16xi32> to vector<32xbf16>
        %add3A_1159 = arith.addf %add3A_1115, %bitcast3A_1158 : vector<32xbf16>
        %add3A_1160 = arith.constant 5 : i32
        %add3A_1161 = arith.addi %mul3A_929, %add3A_1160 : i32
        %get3A_1162 = arith.constant 0 : i32
        %get3A_1163 = arith.constant 0 : i32
        %get3A_1164 = tpu.memref_slice %arg6[%scan3A_814, %get3A_1162, %get3A_1163] : memref<4x200x64xi32, #tpu.memory_space<vmem>> -> memref<1x200x64xi32, #tpu.memory_space<vmem>>
        %get3A_1165 = tpu.memref_squeeze %get3A_1164 : memref<1x200x64xi32, #tpu.memory_space<vmem>> -> memref<200x64xi32, #tpu.memory_space<vmem>>
        %get3A_1166 = arith.index_cast %add3A_1161 : i32 to index
        %get3A_1167 = arith.constant 16 : index
        %get3A_1168 = tpu.vector_load %get3A_1165[%get3A_1166, %get3A_1167] {strides = array<i32>} : memref<200x64xi32, #tpu.memory_space<vmem>>, vector<16xi32>,
        %bitcast3A_1169 = vector.bitcast %get3A_1168 : vector<16xi32> to vector<32xbf16>
        %add3A_1170 = arith.addf %add3A_1126, %bitcast3A_1169 : vector<32xbf16>
        %add3A_1171 = arith.constant 5 : i32
        %add3A_1172 = arith.addi %mul3A_929, %add3A_1171 : i32
        %get3A_1173 = arith.constant 0 : i32
        %get3A_1174 = arith.constant 0 : i32
        %get3A_1175 = tpu.memref_slice %arg6[%scan3A_814, %get3A_1173, %get3A_1174] : memref<4x200x64xi32, #tpu.memory_space<vmem>> -> memref<1x200x64xi32, #tpu.memory_space<vmem>>
        %get3A_1176 = tpu.memref_squeeze %get3A_1175 : memref<1x200x64xi32, #tpu.memory_space<vmem>> -> memref<200x64xi32, #tpu.memory_space<vmem>>
        %get3A_1177 = arith.index_cast %add3A_1172 : i32 to index
        %get3A_1178 = arith.constant 32 : index
        %get3A_1179 = tpu.vector_load %get3A_1176[%get3A_1177, %get3A_1178] {strides = array<i32>} : memref<200x64xi32, #tpu.memory_space<vmem>>, vector<16xi32>,
        %bitcast3A_1180 = vector.bitcast %get3A_1179 : vector<16xi32> to vector<32xbf16>
        %add3A_1181 = arith.addf %add3A_1137, %bitcast3A_1180 : vector<32xbf16>
        %add3A_1182 = arith.constant 5 : i32
        %add3A_1183 = arith.addi %mul3A_929, %add3A_1182 : i32
        %get3A_1184 = arith.constant 0 : i32
        %get3A_1185 = arith.constant 0 : i32
        %get3A_1186 = tpu.memref_slice %arg6[%scan3A_814, %get3A_1184, %get3A_1185] : memref<4x200x64xi32, #tpu.memory_space<vmem>> -> memref<1x200x64xi32, #tpu.memory_space<vmem>>
        %get3A_1187 = tpu.memref_squeeze %get3A_1186 : memref<1x200x64xi32, #tpu.memory_space<vmem>> -> memref<200x64xi32, #tpu.memory_space<vmem>>
        %get3A_1188 = arith.index_cast %add3A_1183 : i32 to index
        %get3A_1189 = arith.constant 48 : index
        %get3A_1190 = tpu.vector_load %get3A_1187[%get3A_1188, %get3A_1189] {strides = array<i32>} : memref<200x64xi32, #tpu.memory_space<vmem>>, vector<16xi32>,
        %bitcast3A_1191 = vector.bitcast %get3A_1190 : vector<16xi32> to vector<32xbf16>
        %add3A_1192 = arith.addf %add3A_1148, %bitcast3A_1191 : vector<32xbf16>
        %add3A_1193 = arith.constant 6 : i32
        %add3A_1194 = arith.addi %mul3A_929, %add3A_1193 : i32
        %get3A_1195 = arith.constant 0 : i32
        %get3A_1196 = arith.constant 0 : i32
        %get3A_1197 = tpu.memref_slice %arg6[%scan3A_814, %get3A_1195, %get3A_1196] : memref<4x200x64xi32, #tpu.memory_space<vmem>> -> memref<1x200x64xi32, #tpu.memory_space<vmem>>
        %get3A_1198 = tpu.memref_squeeze %get3A_1197 : memref<1x200x64xi32, #tpu.memory_space<vmem>> -> memref<200x64xi32, #tpu.memory_space<vmem>>
        %get3A_1199 = arith.index_cast %add3A_1194 : i32 to index
        %get3A_1200 = arith.constant 0 : index
        %get3A_1201 = tpu.vector_load %get3A_1198[%get3A_1199, %get3A_1200] {strides = array<i32>} : memref<200x64xi32, #tpu.memory_space<vmem>>, vector<16xi32>,
        %bitcast3A_1202 = vector.bitcast %get3A_1201 : vector<16xi32> to vector<32xbf16>
        %add3A_1203 = arith.addf %add3A_1159, %bitcast3A_1202 : vector<32xbf16>
        %add3A_1204 = arith.constant 6 : i32
        %add3A_1205 = arith.addi %mul3A_929, %add3A_1204 : i32
        %get3A_1206 = arith.constant 0 : i32
        %get3A_1207 = arith.constant 0 : i32
        %get3A_1208 = tpu.memref_slice %arg6[%scan3A_814, %get3A_1206, %get3A_1207] : memref<4x200x64xi32, #tpu.memory_space<vmem>> -> memref<1x200x64xi32, #tpu.memory_space<vmem>>
        %get3A_1209 = tpu.memref_squeeze %get3A_1208 : memref<1x200x64xi32, #tpu.memory_space<vmem>> -> memref<200x64xi32, #tpu.memory_space<vmem>>
        %get3A_1210 = arith.index_cast %add3A_1205 : i32 to index
        %get3A_1211 = arith.constant 16 : index
        %get3A_1212 = tpu.vector_load %get3A_1209[%get3A_1210, %get3A_1211] {strides = array<i32>} : memref<200x64xi32, #tpu.memory_space<vmem>>, vector<16xi32>,
        %bitcast3A_1213 = vector.bitcast %get3A_1212 : vector<16xi32> to vector<32xbf16>
        %add3A_1214 = arith.addf %add3A_1170, %bitcast3A_1213 : vector<32xbf16>
        %add3A_1215 = arith.constant 6 : i32
        %add3A_1216 = arith.addi %mul3A_929, %add3A_1215 : i32
        %get3A_1217 = arith.constant 0 : i32
        %get3A_1218 = arith.constant 0 : i32
        %get3A_1219 = tpu.memref_slice %arg6[%scan3A_814, %get3A_1217, %get3A_1218] : memref<4x200x64xi32, #tpu.memory_space<vmem>> -> memref<1x200x64xi32, #tpu.memory_space<vmem>>
        %get3A_1220 = tpu.memref_squeeze %get3A_1219 : memref<1x200x64xi32, #tpu.memory_space<vmem>> -> memref<200x64xi32, #tpu.memory_space<vmem>>
        %get3A_1221 = arith.index_cast %add3A_1216 : i32 to index
        %get3A_1222 = arith.constant 32 : index
        %get3A_1223 = tpu.vector_load %get3A_1220[%get3A_1221, %get3A_1222] {strides = array<i32>} : memref<200x64xi32, #tpu.memory_space<vmem>>, vector<16xi32>,
        %bitcast3A_1224 = vector.bitcast %get3A_1223 : vector<16xi32> to vector<32xbf16>
        %add3A_1225 = arith.addf %add3A_1181, %bitcast3A_1224 : vector<32xbf16>
        %add3A_1226 = arith.constant 6 : i32
        %add3A_1227 = arith.addi %mul3A_929, %add3A_1226 : i32
        %get3A_1228 = arith.constant 0 : i32
        %get3A_1229 = arith.constant 0 : i32
        %get3A_1230 = tpu.memref_slice %arg6[%scan3A_814, %get3A_1228, %get3A_1229] : memref<4x200x64xi32, #tpu.memory_space<vmem>> -> memref<1x200x64xi32, #tpu.memory_space<vmem>>
        %get3A_1231 = tpu.memref_squeeze %get3A_1230 : memref<1x200x64xi32, #tpu.memory_space<vmem>> -> memref<200x64xi32, #tpu.memory_space<vmem>>
        %get3A_1232 = arith.index_cast %add3A_1227 : i32 to index
        %get3A_1233 = arith.constant 48 : index
        %get3A_1234 = tpu.vector_load %get3A_1231[%get3A_1232, %get3A_1233] {strides = array<i32>} : memref<200x64xi32, #tpu.memory_space<vmem>>, vector<16xi32>,
        %bitcast3A_1235 = vector.bitcast %get3A_1234 : vector<16xi32> to vector<32xbf16>
        %add3A_1236 = arith.addf %add3A_1192, %bitcast3A_1235 : vector<32xbf16>
        %add3A_1237 = arith.constant 7 : i32
        %add3A_1238 = arith.addi %mul3A_929, %add3A_1237 : i32
        %get3A_1239 = arith.constant 0 : i32
        %get3A_1240 = arith.constant 0 : i32
        %get3A_1241 = tpu.memref_slice %arg6[%scan3A_814, %get3A_1239, %get3A_1240] : memref<4x200x64xi32, #tpu.memory_space<vmem>> -> memref<1x200x64xi32, #tpu.memory_space<vmem>>
        %get3A_1242 = tpu.memref_squeeze %get3A_1241 : memref<1x200x64xi32, #tpu.memory_space<vmem>> -> memref<200x64xi32, #tpu.memory_space<vmem>>
        %get3A_1243 = arith.index_cast %add3A_1238 : i32 to index
        %get3A_1244 = arith.constant 0 : index
        %get3A_1245 = tpu.vector_load %get3A_1242[%get3A_1243, %get3A_1244] {strides = array<i32>} : memref<200x64xi32, #tpu.memory_space<vmem>>, vector<16xi32>,
        %bitcast3A_1246 = vector.bitcast %get3A_1245 : vector<16xi32> to vector<32xbf16>
        %add3A_1247 = arith.addf %add3A_1203, %bitcast3A_1246 : vector<32xbf16>
        %add3A_1248 = arith.constant 7 : i32
        %add3A_1249 = arith.addi %mul3A_929, %add3A_1248 : i32
        %get3A_1250 = arith.constant 0 : i32
        %get3A_1251 = arith.constant 0 : i32
        %get3A_1252 = tpu.memref_slice %arg6[%scan3A_814, %get3A_1250, %get3A_1251] : memref<4x200x64xi32, #tpu.memory_space<vmem>> -> memref<1x200x64xi32, #tpu.memory_space<vmem>>
        %get3A_1253 = tpu.memref_squeeze %get3A_1252 : memref<1x200x64xi32, #tpu.memory_space<vmem>> -> memref<200x64xi32, #tpu.memory_space<vmem>>
        %get3A_1254 = arith.index_cast %add3A_1249 : i32 to index
        %get3A_1255 = arith.constant 16 : index
        %get3A_1256 = tpu.vector_load %get3A_1253[%get3A_1254, %get3A_1255] {strides = array<i32>} : memref<200x64xi32, #tpu.memory_space<vmem>>, vector<16xi32>,
        %bitcast3A_1257 = vector.bitcast %get3A_1256 : vector<16xi32> to vector<32xbf16>
        %add3A_1258 = arith.addf %add3A_1214, %bitcast3A_1257 : vector<32xbf16>
        %add3A_1259 = arith.constant 7 : i32
        %add3A_1260 = arith.addi %mul3A_929, %add3A_1259 : i32
        %get3A_1261 = arith.constant 0 : i32
        %get3A_1262 = arith.constant 0 : i32
        %get3A_1263 = tpu.memref_slice %arg6[%scan3A_814, %get3A_1261, %get3A_1262] : memref<4x200x64xi32, #tpu.memory_space<vmem>> -> memref<1x200x64xi32, #tpu.memory_space<vmem>>
        %get3A_1264 = tpu.memref_squeeze %get3A_1263 : memref<1x200x64xi32, #tpu.memory_space<vmem>> -> memref<200x64xi32, #tpu.memory_space<vmem>>
        %get3A_1265 = arith.index_cast %add3A_1260 : i32 to index
        %get3A_1266 = arith.constant 32 : index
        %get3A_1267 = tpu.vector_load %get3A_1264[%get3A_1265, %get3A_1266] {strides = array<i32>} : memref<200x64xi32, #tpu.memory_space<vmem>>, vector<16xi32>,
        %bitcast3A_1268 = vector.bitcast %get3A_1267 : vector<16xi32> to vector<32xbf16>
        %add3A_1269 = arith.addf %add3A_1225, %bitcast3A_1268 : vector<32xbf16>
        %add3A_1270 = arith.constant 7 : i32
        %add3A_1271 = arith.addi %mul3A_929, %add3A_1270 : i32
        %get3A_1272 = arith.constant 0 : i32
        %get3A_1273 = arith.constant 0 : i32
        %get3A_1274 = tpu.memref_slice %arg6[%scan3A_814, %get3A_1272, %get3A_1273] : memref<4x200x64xi32, #tpu.memory_space<vmem>> -> memref<1x200x64xi32, #tpu.memory_space<vmem>>
        %get3A_1275 = tpu.memref_squeeze %get3A_1274 : memref<1x200x64xi32, #tpu.memory_space<vmem>> -> memref<200x64xi32, #tpu.memory_space<vmem>>
        %get3A_1276 = arith.index_cast %add3A_1271 : i32 to index
        %get3A_1277 = arith.constant 48 : index
        %get3A_1278 = tpu.vector_load %get3A_1275[%get3A_1276, %get3A_1277] {strides = array<i32>} : memref<200x64xi32, #tpu.memory_space<vmem>>, vector<16xi32>,
        %bitcast3A_1279 = vector.bitcast %get3A_1278 : vector<16xi32> to vector<32xbf16>
        %add3A_1280 = arith.addf %add3A_1236, %bitcast3A_1279 : vector<32xbf16>
        scf.yield %add3A_1247, %add3A_1258, %add3A_1269, %add3A_1280 : vector<32xbf16>, vector<32xbf16>, vector<32xbf16>, vector<32xbf16>
      }
      %scan3A_820 = arith.constant 25 : i32
      %bitcast3A_821 = vector.bitcast %scan3A_819#0 : vector<32xbf16> to vector<16xi32>
      %shift_left3A_822 = arith.constant 16 : i32
      %shift_left3A_823 = vector.broadcast %shift_left3A_822 : i32 to vector<16xi32>
      %shift_left3A_824 = arith.shli %bitcast3A_821, %shift_left3A_823 : vector<16xi32>
      %bitcast3A_825 = vector.bitcast %shift_left3A_824 : vector<16xi32> to vector<16xf32>
      %and3A_826 = arith.andi %bitcast3A_821, %broadcast_in_dim3A_5 : vector<16xi32>
      %bitcast3A_827 = vector.bitcast %and3A_826 : vector<16xi32> to vector<16xf32>
      %mul3A_828 = arith.constant 128 : i32
      %mul3A_829 = arith.muli %add3A_805, %mul3A_828 : i32
      %add3A_830 = arith.constant 0 : i32
      %add3A_831 = arith.addi %mul3A_829, %add3A_830 : i32
      %swap3A_832 = arith.index_cast %add3A_831 : i32 to index
      %swap3A_833 = tpu.vector_load %arg7[%swap3A_832] {strides = array<i32>} : memref<16384xf32, #tpu.memory_space<vmem>>, vector<16xf32>,
      tpu.vector_store %arg7[%swap3A_832], %bitcast3A_825 {strides = array<i32>} : memref<16384xf32, #tpu.memory_space<vmem>>, vector<16xf32>,
      %mul3A_834 = arith.constant 128 : i32
      %mul3A_835 = arith.muli %add3A_805, %mul3A_834 : i32
      %add3A_836 = arith.constant 16 : i32
      %add3A_837 = arith.addi %mul3A_835, %add3A_836 : i32
      %swap3A_838 = arith.index_cast %add3A_837 : i32 to index
      %swap3A_839 = tpu.vector_load %arg7[%swap3A_838] {strides = array<i32>} : memref<16384xf32, #tpu.memory_space<vmem>>, vector<16xf32>,
      tpu.vector_store %arg7[%swap3A_838], %bitcast3A_827 {strides = array<i32>} : memref<16384xf32, #tpu.memory_space<vmem>>, vector<16xf32>,
      %bitcast3A_840 = vector.bitcast %scan3A_819#1 : vector<32xbf16> to vector<16xi32>
      %shift_left3A_841 = arith.constant 16 : i32
      %shift_left3A_842 = vector.broadcast %shift_left3A_841 : i32 to vector<16xi32>
      %shift_left3A_843 = arith.shli %bitcast3A_840, %shift_left3A_842 : vector<16xi32>
      %bitcast3A_844 = vector.bitcast %shift_left3A_843 : vector<16xi32> to vector<16xf32>
      %and3A_845 = arith.andi %bitcast3A_840, %broadcast_in_dim3A_5 : vector<16xi32>
      %bitcast3A_846 = vector.bitcast %and3A_845 : vector<16xi32> to vector<16xf32>
      %mul3A_847 = arith.constant 128 : i32
      %mul3A_848 = arith.muli %add3A_805, %mul3A_847 : i32
      %add3A_849 = arith.constant 32 : i32
      %add3A_850 = arith.addi %mul3A_848, %add3A_849 : i32
      %swap3A_851 = arith.index_cast %add3A_850 : i32 to index
      %swap3A_852 = tpu.vector_load %arg7[%swap3A_851] {strides = array<i32>} : memref<16384xf32, #tpu.memory_space<vmem>>, vector<16xf32>,
      tpu.vector_store %arg7[%swap3A_851], %bitcast3A_844 {strides = array<i32>} : memref<16384xf32, #tpu.memory_space<vmem>>, vector<16xf32>,
      %mul3A_853 = arith.constant 128 : i32
      %mul3A_854 = arith.muli %add3A_805, %mul3A_853 : i32
      %add3A_855 = arith.constant 48 : i32
      %add3A_856 = arith.addi %mul3A_854, %add3A_855 : i32
      %swap3A_857 = arith.index_cast %add3A_856 : i32 to index
      %swap3A_858 = tpu.vector_load %arg7[%swap3A_857] {strides = array<i32>} : memref<16384xf32, #tpu.memory_space<vmem>>, vector<16xf32>,
      tpu.vector_store %arg7[%swap3A_857], %bitcast3A_846 {strides = array<i32>} : memref<16384xf32, #tpu.memory_space<vmem>>, vector<16xf32>,
      %bitcast3A_859 = vector.bitcast %scan3A_819#2 : vector<32xbf16> to vector<16xi32>
      %shift_left3A_860 = arith.constant 16 : i32
      %shift_left3A_861 = vector.broadcast %shift_left3A_860 : i32 to vector<16xi32>
      %shift_left3A_862 = arith.shli %bitcast3A_859, %shift_left3A_861 : vector<16xi32>
      %bitcast3A_863 = vector.bitcast %shift_left3A_862 : vector<16xi32> to vector<16xf32>
      %and3A_864 = arith.andi %bitcast3A_859, %broadcast_in_dim3A_5 : vector<16xi32>
      %bitcast3A_865 = vector.bitcast %and3A_864 : vector<16xi32> to vector<16xf32>
      %mul3A_866 = arith.constant 128 : i32
      %mul3A_867 = arith.muli %add3A_805, %mul3A_866 : i32
      %add3A_868 = arith.constant 64 : i32
      %add3A_869 = arith.addi %mul3A_867, %add3A_868 : i32
      %swap3A_870 = arith.index_cast %add3A_869 : i32 to index
      %swap3A_871 = tpu.vector_load %arg7[%swap3A_870] {strides = array<i32>} : memref<16384xf32, #tpu.memory_space<vmem>>, vector<16xf32>,
      tpu.vector_store %arg7[%swap3A_870], %bitcast3A_863 {strides = array<i32>} : memref<16384xf32, #tpu.memory_space<vmem>>, vector<16xf32>,
      %mul3A_872 = arith.constant 128 : i32
      %mul3A_873 = arith.muli %add3A_805, %mul3A_872 : i32
      %add3A_874 = arith.constant 80 : i32
      %add3A_875 = arith.addi %mul3A_873, %add3A_874 : i32
      %swap3A_876 = arith.index_cast %add3A_875 : i32 to index
      %swap3A_877 = tpu.vector_load %arg7[%swap3A_876] {strides = array<i32>} : memref<16384xf32, #tpu.memory_space<vmem>>, vector<16xf32>,
      tpu.vector_store %arg7[%swap3A_876], %bitcast3A_865 {strides = array<i32>} : memref<16384xf32, #tpu.memory_space<vmem>>, vector<16xf32>,
      %bitcast3A_878 = vector.bitcast %scan3A_819#3 : vector<32xbf16> to vector<16xi32>
      %shift_left3A_879 = arith.constant 16 : i32
      %shift_left3A_880 = vector.broadcast %shift_left3A_879 : i32 to vector<16xi32>
      %shift_left3A_881 = arith.shli %bitcast3A_878, %shift_left3A_880 : vector<16xi32>
      %bitcast3A_882 = vector.bitcast %shift_left3A_881 : vector<16xi32> to vector<16xf32>
      %and3A_883 = arith.andi %bitcast3A_878, %broadcast_in_dim3A_5 : vector<16xi32>
      %bitcast3A_884 = vector.bitcast %and3A_883 : vector<16xi32> to vector<16xf32>
      %mul3A_885 = arith.constant 128 : i32
      %mul3A_886 = arith.muli %add3A_805, %mul3A_885 : i32
      %add3A_887 = arith.constant 96 : i32
      %add3A_888 = arith.addi %mul3A_886, %add3A_887 : i32
      %swap3A_889 = arith.index_cast %add3A_888 : i32 to index
      %swap3A_890 = tpu.vector_load %arg7[%swap3A_889] {strides = array<i32>} : memref<16384xf32, #tpu.memory_space<vmem>>, vector<16xf32>,
      tpu.vector_store %arg7[%swap3A_889], %bitcast3A_882 {strides = array<i32>} : memref<16384xf32, #tpu.memory_space<vmem>>, vector<16xf32>,
      %mul3A_891 = arith.constant 128 : i32
      %mul3A_892 = arith.muli %add3A_805, %mul3A_891 : i32
      %add3A_893 = arith.constant 112 : i32
      %add3A_894 = arith.addi %mul3A_892, %add3A_893 : i32
      %swap3A_895 = arith.index_cast %add3A_894 : i32 to index
      %swap3A_896 = tpu.vector_load %arg7[%swap3A_895] {strides = array<i32>} : memref<16384xf32, #tpu.memory_space<vmem>>, vector<16xf32>,
      tpu.vector_store %arg7[%swap3A_895], %bitcast3A_884 {strides = array<i32>} : memref<16384xf32, #tpu.memory_space<vmem>>, vector<16xf32>,
      %add3A_897 = arith.constant 4 : i32
      %add3A_898 = arith.addi %add3A_386, %add3A_897 : i32
      %add3A_899 = arith.constant 3 : i32
      %add3A_900 = arith.addi %add3A_898, %add3A_899 : i32
      %mul3A_901 = arith.constant 200 : i32
      %mul3A_902 = arith.muli %add3A_900, %mul3A_901 : i32
      %dma_start3A_903 = arith.constant 3 : i32
      %dma_start3A_904 = arith.constant 0 : i32
      %dma_start3A_905 = arith.constant 0 : i32
      %dma_start3A_906 = tpu.memref_slice %arg6[%dma_start3A_903, %dma_start3A_904, %dma_start3A_905] : memref<4x200x64xi32, #tpu.memory_space<vmem>> -> memref<1x104x64xi32, #tpu.memory_space<vmem>>
      %dma_start3A_907 = tpu.memref_squeeze %dma_start3A_906 : memref<1x104x64xi32, #tpu.memory_space<vmem>> -> memref<104x64xi32, #tpu.memory_space<vmem>>
      %dma_start3A_908 = tpu.memref_slice %arg5[%mul3A_902] : memref<25600xi32, #tpu.memory_space<vmem>> -> memref<104xi32, #tpu.memory_space<vmem>>
      %dma_start3A_909 = arith.constant 0 : i32
      %dma_start3A_910 = arith.constant 0 : i32
      %dma_start3A_911 = tpu.memref_slice %arg3[%dma_start3A_909, %dma_start3A_910] : memref<100000x64xi32, #tpu.memory_space<hbm>> -> memref<100000x64xi32, #tpu.memory_space<hbm>>
      tpu.enqueue_indirect_dma source(%dma_start3A_911 : memref<100000x64xi32, #tpu.memory_space<hbm>>) target(%dma_start3A_907 : memref<104x64xi32, #tpu.memory_space<vmem>>) offsets(%dma_start3A_908 : memref<104xi32, #tpu.memory_space<vmem>>) semaphore(%arg11 : memref<!tpu.dma_semaphore, #tpu.memory_space<semaphore_mem>>)
      %add3A_912 = arith.constant 104 : i32
      %add3A_913 = arith.addi %mul3A_902, %add3A_912 : i32
      %dma_start3A_914 = arith.constant 3 : i32
      %dma_start3A_915 = arith.constant 104 : i32
      %dma_start3A_916 = arith.constant 0 : i32
      %dma_start3A_917 = tpu.memref_slice %arg6[%dma_start3A_914, %dma_start3A_915, %dma_start3A_916] : memref<4x200x64xi32, #tpu.memory_space<vmem>> -> memref<1x96x64xi32, #tpu.memory_space<vmem>>
      %dma_start3A_918 = tpu.memref_squeeze %dma_start3A_917 : memref<1x96x64xi32, #tpu.memory_space<vmem>> -> memref<96x64xi32, #tpu.memory_space<vmem>>
      %dma_start3A_919 = tpu.memref_slice %arg5[%add3A_913] : memref<25600xi32, #tpu.memory_space<vmem>> -> memref<96xi32, #tpu.memory_space<vmem>>
      %dma_start3A_920 = arith.constant 0 : i32
      %dma_start3A_921 = arith.constant 0 : i32
      %dma_start3A_922 = tpu.memref_slice %arg3[%dma_start3A_920, %dma_start3A_921] : memref<100000x64xi32, #tpu.memory_space<hbm>> -> memref<100000x64xi32, #tpu.memory_space<hbm>>
      tpu.enqueue_indirect_dma source(%dma_start3A_922 : memref<100000x64xi32, #tpu.memory_space<hbm>>) target(%dma_start3A_918 : memref<96x64xi32, #tpu.memory_space<vmem>>) offsets(%dma_start3A_919 : memref<96xi32, #tpu.memory_space<vmem>>) semaphore(%arg11 : memref<!tpu.dma_semaphore, #tpu.memory_space<semaphore_mem>>)
    }
    %scan3A_88 = arith.constant 31 : i32
    %dma_wait3A = arith.constant 0 : i32
    %dma_wait3A_89 = arith.constant 0 : i32
    %dma_wait3A_90 = arith.constant 0 : i32
    %dma_wait3A_91 = tpu.memref_slice %arg6[%dma_wait3A, %dma_wait3A_89, %dma_wait3A_90] : memref<4x200x64xi32, #tpu.memory_space<vmem>> -> memref<1x200x64xi32, #tpu.memory_space<vmem>>
    %dma_wait3A_92 = tpu.memref_squeeze %dma_wait3A_91 : memref<1x200x64xi32, #tpu.memory_space<vmem>> -> memref<200x64xi32, #tpu.memory_space<vmem>>
    %dma_wait3A_93 = arith.constant 0 : i32
    %dma_wait3A_94 = arith.constant 0 : i32
    %dma_wait3A_95 = tpu.memref_slice %arg3[%dma_wait3A_93, %dma_wait3A_94] : memref<100000x64xi32, #tpu.memory_space<hbm>> -> memref<200x64xi32, #tpu.memory_space<hbm>>
    %dma_wait3A_96 = arith.constant 0 : i32
    %dma_wait3A_97 = arith.constant 0 : i32
    %dma_wait3A_98 = tpu.memref_slice %arg6[%dma_wait3A, %dma_wait3A_96, %dma_wait3A_97] : memref<4x200x64xi32, #tpu.memory_space<vmem>> -> memref<1x200x64xi32, #tpu.memory_space<vmem>>
    %dma_wait3A_99 = tpu.memref_squeeze %dma_wait3A_98 : memref<1x200x64xi32, #tpu.memory_space<vmem>> -> memref<200x64xi32, #tpu.memory_space<vmem>>
    %dma_wait3A_100 = arith.constant 0 : i32
    %dma_wait3A_101 = arith.constant 0 : i32
    %dma_wait3A_102 = tpu.memref_slice %arg3[%dma_wait3A_100, %dma_wait3A_101] : memref<100000x64xi32, #tpu.memory_space<hbm>> -> memref<200x64xi32, #tpu.memory_space<hbm>>
    tpu.wait_dma2 semaphore(%arg8 : memref<!tpu.dma_semaphore, #tpu.memory_space<semaphore_mem>>) src(%dma_wait3A_102 : memref<200x64xi32, #tpu.memory_space<hbm>>) dst(%dma_wait3A_99 : memref<200x64xi32, #tpu.memory_space<vmem>>)
    %broadcast_in_dim3A_103 = arith.constant 0.000000e+00 : bf16
    %broadcast_in_dim3A_104 = vector.broadcast %broadcast_in_dim3A_103 : bf16 to vector<32xbf16>
    %broadcast_in_dim3A_105 = arith.constant 0.000000e+00 : bf16
    %broadcast_in_dim3A_106 = vector.broadcast %broadcast_in_dim3A_105 : bf16 to vector<32xbf16>
    %broadcast_in_dim3A_107 = arith.constant 0.000000e+00 : bf16
    %broadcast_in_dim3A_108 = vector.broadcast %broadcast_in_dim3A_107 : bf16 to vector<32xbf16>
    %broadcast_in_dim3A_109 = arith.constant 0.000000e+00 : bf16
    %broadcast_in_dim3A_110 = vector.broadcast %broadcast_in_dim3A_109 : bf16 to vector<32xbf16>
    %scan3A_111 = arith.constant 0 : i32
    %scan3A_112 = arith.constant 0 : i32
    %scan3A_113 = arith.constant 25 : i32
    %scan3A_114 = arith.addi %scan3A_112, %scan3A_113 : i32
    %scan3A_115 = arith.constant 1 : i32
    %scan3A_116:4 = scf.for %scan3A_382 = %scan3A_112 to %scan3A_114 step %scan3A_115 iter_args(%scan3A_383 = %broadcast_in_dim3A_104, %scan3A_384 = %broadcast_in_dim3A_106, %scan3A_385 = %broadcast_in_dim3A_108, %scan3A_386 = %broadcast_in_dim3A_110) -> (vector<32xbf16>, vector<32xbf16>, vector<32xbf16>, vector<32xbf16>)  : i32 {
      %mul3A_387 = arith.constant 8 : i32
      %mul3A_388 = arith.muli %scan3A_382, %mul3A_387 : i32
      %add3A_389 = arith.constant 0 : i32
      %add3A_390 = arith.addi %mul3A_388, %add3A_389 : i32
      %get3A = arith.constant 0 : i32
      %get3A_391 = arith.constant 0 : i32
      %get3A_392 = tpu.memref_slice %arg6[%scan3A_111, %get3A, %get3A_391] : memref<4x200x64xi32, #tpu.memory_space<vmem>> -> memref<1x200x64xi32, #tpu.memory_space<vmem>>
      %get3A_393 = tpu.memref_squeeze %get3A_392 : memref<1x200x64xi32, #tpu.memory_space<vmem>> -> memref<200x64xi32, #tpu.memory_space<vmem>>
      %get3A_394 = arith.index_cast %add3A_390 : i32 to index
      %get3A_395 = arith.constant 0 : index
      %get3A_396 = tpu.vector_load %get3A_393[%get3A_394, %get3A_395] {strides = array<i32>} : memref<200x64xi32, #tpu.memory_space<vmem>>, vector<16xi32>,
      %bitcast3A_397 = vector.bitcast %get3A_396 : vector<16xi32> to vector<32xbf16>
      %add3A_398 = arith.addf %scan3A_383, %bitcast3A_397 : vector<32xbf16>
      %add3A_399 = arith.constant 0 : i32
      %add3A_400 = arith.addi %mul3A_388, %add3A_399 : i32
      %get3A_401 = arith.constant 0 : i32
      %get3A_402 = arith.constant 0 : i32
      %get3A_403 = tpu.memref_slice %arg6[%scan3A_111, %get3A_401, %get3A_402] : memref<4x200x64xi32, #tpu.memory_space<vmem>> -> memref<1x200x64xi32, #tpu.memory_space<vmem>>
      %get3A_404 = tpu.memref_squeeze %get3A_403 : memref<1x200x64xi32, #tpu.memory_space<vmem>> -> memref<200x64xi32, #tpu.memory_space<vmem>>
      %get3A_405 = arith.index_cast %add3A_400 : i32 to index
      %get3A_406 = arith.constant 16 : index
      %get3A_407 = tpu.vector_load %get3A_404[%get3A_405, %get3A_406] {strides = array<i32>} : memref<200x64xi32, #tpu.memory_space<vmem>>, vector<16xi32>,
      %bitcast3A_408 = vector.bitcast %get3A_407 : vector<16xi32> to vector<32xbf16>
      %add3A_409 = arith.addf %scan3A_384, %bitcast3A_408 : vector<32xbf16>
      %add3A_410 = arith.constant 0 : i32
      %add3A_411 = arith.addi %mul3A_388, %add3A_410 : i32
      %get3A_412 = arith.constant 0 : i32
      %get3A_413 = arith.constant 0 : i32
      %get3A_414 = tpu.memref_slice %arg6[%scan3A_111, %get3A_412, %get3A_413] : memref<4x200x64xi32, #tpu.memory_space<vmem>> -> memref<1x200x64xi32, #tpu.memory_space<vmem>>
      %get3A_415 = tpu.memref_squeeze %get3A_414 : memref<1x200x64xi32, #tpu.memory_space<vmem>> -> memref<200x64xi32, #tpu.memory_space<vmem>>
      %get3A_416 = arith.index_cast %add3A_411 : i32 to index
      %get3A_417 = arith.constant 32 : index
      %get3A_418 = tpu.vector_load %get3A_415[%get3A_416, %get3A_417] {strides = array<i32>} : memref<200x64xi32, #tpu.memory_space<vmem>>, vector<16xi32>,
      %bitcast3A_419 = vector.bitcast %get3A_418 : vector<16xi32> to vector<32xbf16>
      %add3A_420 = arith.addf %scan3A_385, %bitcast3A_419 : vector<32xbf16>
      %add3A_421 = arith.constant 0 : i32
      %add3A_422 = arith.addi %mul3A_388, %add3A_421 : i32
      %get3A_423 = arith.constant 0 : i32
      %get3A_424 = arith.constant 0 : i32
      %get3A_425 = tpu.memref_slice %arg6[%scan3A_111, %get3A_423, %get3A_424] : memref<4x200x64xi32, #tpu.memory_space<vmem>> -> memref<1x200x64xi32, #tpu.memory_space<vmem>>
      %get3A_426 = tpu.memref_squeeze %get3A_425 : memref<1x200x64xi32, #tpu.memory_space<vmem>> -> memref<200x64xi32, #tpu.memory_space<vmem>>
      %get3A_427 = arith.index_cast %add3A_422 : i32 to index
      %get3A_428 = arith.constant 48 : index
      %get3A_429 = tpu.vector_load %get3A_426[%get3A_427, %get3A_428] {strides = array<i32>} : memref<200x64xi32, #tpu.memory_space<vmem>>, vector<16xi32>,
      %bitcast3A_430 = vector.bitcast %get3A_429 : vector<16xi32> to vector<32xbf16>
      %add3A_431 = arith.addf %scan3A_386, %bitcast3A_430 : vector<32xbf16>
      %add3A_432 = arith.constant 1 : i32
      %add3A_433 = arith.addi %mul3A_388, %add3A_432 : i32
      %get3A_434 = arith.constant 0 : i32
      %get3A_435 = arith.constant 0 : i32
      %get3A_436 = tpu.memref_slice %arg6[%scan3A_111, %get3A_434, %get3A_435] : memref<4x200x64xi32, #tpu.memory_space<vmem>> -> memref<1x200x64xi32, #tpu.memory_space<vmem>>
      %get3A_437 = tpu.memref_squeeze %get3A_436 : memref<1x200x64xi32, #tpu.memory_space<vmem>> -> memref<200x64xi32, #tpu.memory_space<vmem>>
      %get3A_438 = arith.index_cast %add3A_433 : i32 to index
      %get3A_439 = arith.constant 0 : index
      %get3A_440 = tpu.vector_load %get3A_437[%get3A_438, %get3A_439] {strides = array<i32>} : memref<200x64xi32, #tpu.memory_space<vmem>>, vector<16xi32>,
      %bitcast3A_441 = vector.bitcast %get3A_440 : vector<16xi32> to vector<32xbf16>
      %add3A_442 = arith.addf %add3A_398, %bitcast3A_441 : vector<32xbf16>
      %add3A_443 = arith.constant 1 : i32
      %add3A_444 = arith.addi %mul3A_388, %add3A_443 : i32
      %get3A_445 = arith.constant 0 : i32
      %get3A_446 = arith.constant 0 : i32
      %get3A_447 = tpu.memref_slice %arg6[%scan3A_111, %get3A_445, %get3A_446] : memref<4x200x64xi32, #tpu.memory_space<vmem>> -> memref<1x200x64xi32, #tpu.memory_space<vmem>>
      %get3A_448 = tpu.memref_squeeze %get3A_447 : memref<1x200x64xi32, #tpu.memory_space<vmem>> -> memref<200x64xi32, #tpu.memory_space<vmem>>
      %get3A_449 = arith.index_cast %add3A_444 : i32 to index
      %get3A_450 = arith.constant 16 : index
      %get3A_451 = tpu.vector_load %get3A_448[%get3A_449, %get3A_450] {strides = array<i32>} : memref<200x64xi32, #tpu.memory_space<vmem>>, vector<16xi32>,
      %bitcast3A_452 = vector.bitcast %get3A_451 : vector<16xi32> to vector<32xbf16>
      %add3A_453 = arith.addf %add3A_409, %bitcast3A_452 : vector<32xbf16>
      %add3A_454 = arith.constant 1 : i32
      %add3A_455 = arith.addi %mul3A_388, %add3A_454 : i32
      %get3A_456 = arith.constant 0 : i32
      %get3A_457 = arith.constant 0 : i32
      %get3A_458 = tpu.memref_slice %arg6[%scan3A_111, %get3A_456, %get3A_457] : memref<4x200x64xi32, #tpu.memory_space<vmem>> -> memref<1x200x64xi32, #tpu.memory_space<vmem>>
      %get3A_459 = tpu.memref_squeeze %get3A_458 : memref<1x200x64xi32, #tpu.memory_space<vmem>> -> memref<200x64xi32, #tpu.memory_space<vmem>>
      %get3A_460 = arith.index_cast %add3A_455 : i32 to index
      %get3A_461 = arith.constant 32 : index
      %get3A_462 = tpu.vector_load %get3A_459[%get3A_460, %get3A_461] {strides = array<i32>} : memref<200x64xi32, #tpu.memory_space<vmem>>, vector<16xi32>,
      %bitcast3A_463 = vector.bitcast %get3A_462 : vector<16xi32> to vector<32xbf16>
      %add3A_464 = arith.addf %add3A_420, %bitcast3A_463 : vector<32xbf16>
      %add3A_465 = arith.constant 1 : i32
      %add3A_466 = arith.addi %mul3A_388, %add3A_465 : i32
      %get3A_467 = arith.constant 0 : i32
      %get3A_468 = arith.constant 0 : i32
      %get3A_469 = tpu.memref_slice %arg6[%scan3A_111, %get3A_467, %get3A_468] : memref<4x200x64xi32, #tpu.memory_space<vmem>> -> memref<1x200x64xi32, #tpu.memory_space<vmem>>
      %get3A_470 = tpu.memref_squeeze %get3A_469 : memref<1x200x64xi32, #tpu.memory_space<vmem>> -> memref<200x64xi32, #tpu.memory_space<vmem>>
      %get3A_471 = arith.index_cast %add3A_466 : i32 to index
      %get3A_472 = arith.constant 48 : index
      %get3A_473 = tpu.vector_load %get3A_470[%get3A_471, %get3A_472] {strides = array<i32>} : memref<200x64xi32, #tpu.memory_space<vmem>>, vector<16xi32>,
      %bitcast3A_474 = vector.bitcast %get3A_473 : vector<16xi32> to vector<32xbf16>
      %add3A_475 = arith.addf %add3A_431, %bitcast3A_474 : vector<32xbf16>
      %add3A_476 = arith.constant 2 : i32
      %add3A_477 = arith.addi %mul3A_388, %add3A_476 : i32
      %get3A_478 = arith.constant 0 : i32
      %get3A_479 = arith.constant 0 : i32
      %get3A_480 = tpu.memref_slice %arg6[%scan3A_111, %get3A_478, %get3A_479] : memref<4x200x64xi32, #tpu.memory_space<vmem>> -> memref<1x200x64xi32, #tpu.memory_space<vmem>>
      %get3A_481 = tpu.memref_squeeze %get3A_480 : memref<1x200x64xi32, #tpu.memory_space<vmem>> -> memref<200x64xi32, #tpu.memory_space<vmem>>
      %get3A_482 = arith.index_cast %add3A_477 : i32 to index
      %get3A_483 = arith.constant 0 : index
      %get3A_484 = tpu.vector_load %get3A_481[%get3A_482, %get3A_483] {strides = array<i32>} : memref<200x64xi32, #tpu.memory_space<vmem>>, vector<16xi32>,
      %bitcast3A_485 = vector.bitcast %get3A_484 : vector<16xi32> to vector<32xbf16>
      %add3A_486 = arith.addf %add3A_442, %bitcast3A_485 : vector<32xbf16>
      %add3A_487 = arith.constant 2 : i32
      %add3A_488 = arith.addi %mul3A_388, %add3A_487 : i32
      %get3A_489 = arith.constant 0 : i32
      %get3A_490 = arith.constant 0 : i32
      %get3A_491 = tpu.memref_slice %arg6[%scan3A_111, %get3A_489, %get3A_490] : memref<4x200x64xi32, #tpu.memory_space<vmem>> -> memref<1x200x64xi32, #tpu.memory_space<vmem>>
      %get3A_492 = tpu.memref_squeeze %get3A_491 : memref<1x200x64xi32, #tpu.memory_space<vmem>> -> memref<200x64xi32, #tpu.memory_space<vmem>>
      %get3A_493 = arith.index_cast %add3A_488 : i32 to index
      %get3A_494 = arith.constant 16 : index
      %get3A_495 = tpu.vector_load %get3A_492[%get3A_493, %get3A_494] {strides = array<i32>} : memref<200x64xi32, #tpu.memory_space<vmem>>, vector<16xi32>,
      %bitcast3A_496 = vector.bitcast %get3A_495 : vector<16xi32> to vector<32xbf16>
      %add3A_497 = arith.addf %add3A_453, %bitcast3A_496 : vector<32xbf16>
      %add3A_498 = arith.constant 2 : i32
      %add3A_499 = arith.addi %mul3A_388, %add3A_498 : i32
      %get3A_500 = arith.constant 0 : i32
      %get3A_501 = arith.constant 0 : i32
      %get3A_502 = tpu.memref_slice %arg6[%scan3A_111, %get3A_500, %get3A_501] : memref<4x200x64xi32, #tpu.memory_space<vmem>> -> memref<1x200x64xi32, #tpu.memory_space<vmem>>
      %get3A_503 = tpu.memref_squeeze %get3A_502 : memref<1x200x64xi32, #tpu.memory_space<vmem>> -> memref<200x64xi32, #tpu.memory_space<vmem>>
      %get3A_504 = arith.index_cast %add3A_499 : i32 to index
      %get3A_505 = arith.constant 32 : index
      %get3A_506 = tpu.vector_load %get3A_503[%get3A_504, %get3A_505] {strides = array<i32>} : memref<200x64xi32, #tpu.memory_space<vmem>>, vector<16xi32>,
      %bitcast3A_507 = vector.bitcast %get3A_506 : vector<16xi32> to vector<32xbf16>
      %add3A_508 = arith.addf %add3A_464, %bitcast3A_507 : vector<32xbf16>
      %add3A_509 = arith.constant 2 : i32
      %add3A_510 = arith.addi %mul3A_388, %add3A_509 : i32
      %get3A_511 = arith.constant 0 : i32
      %get3A_512 = arith.constant 0 : i32
      %get3A_513 = tpu.memref_slice %arg6[%scan3A_111, %get3A_511, %get3A_512] : memref<4x200x64xi32, #tpu.memory_space<vmem>> -> memref<1x200x64xi32, #tpu.memory_space<vmem>>
      %get3A_514 = tpu.memref_squeeze %get3A_513 : memref<1x200x64xi32, #tpu.memory_space<vmem>> -> memref<200x64xi32, #tpu.memory_space<vmem>>
      %get3A_515 = arith.index_cast %add3A_510 : i32 to index
      %get3A_516 = arith.constant 48 : index
      %get3A_517 = tpu.vector_load %get3A_514[%get3A_515, %get3A_516] {strides = array<i32>} : memref<200x64xi32, #tpu.memory_space<vmem>>, vector<16xi32>,
      %bitcast3A_518 = vector.bitcast %get3A_517 : vector<16xi32> to vector<32xbf16>
      %add3A_519 = arith.addf %add3A_475, %bitcast3A_518 : vector<32xbf16>
      %add3A_520 = arith.constant 3 : i32
      %add3A_521 = arith.addi %mul3A_388, %add3A_520 : i32
      %get3A_522 = arith.constant 0 : i32
      %get3A_523 = arith.constant 0 : i32
      %get3A_524 = tpu.memref_slice %arg6[%scan3A_111, %get3A_522, %get3A_523] : memref<4x200x64xi32, #tpu.memory_space<vmem>> -> memref<1x200x64xi32, #tpu.memory_space<vmem>>
      %get3A_525 = tpu.memref_squeeze %get3A_524 : memref<1x200x64xi32, #tpu.memory_space<vmem>> -> memref<200x64xi32, #tpu.memory_space<vmem>>
      %get3A_526 = arith.index_cast %add3A_521 : i32 to index
      %get3A_527 = arith.constant 0 : index
      %get3A_528 = tpu.vector_load %get3A_525[%get3A_526, %get3A_527] {strides = array<i32>} : memref<200x64xi32, #tpu.memory_space<vmem>>, vector<16xi32>,
      %bitcast3A_529 = vector.bitcast %get3A_528 : vector<16xi32> to vector<32xbf16>
      %add3A_530 = arith.addf %add3A_486, %bitcast3A_529 : vector<32xbf16>
      %add3A_531 = arith.constant 3 : i32
      %add3A_532 = arith.addi %mul3A_388, %add3A_531 : i32
      %get3A_533 = arith.constant 0 : i32
      %get3A_534 = arith.constant 0 : i32
      %get3A_535 = tpu.memref_slice %arg6[%scan3A_111, %get3A_533, %get3A_534] : memref<4x200x64xi32, #tpu.memory_space<vmem>> -> memref<1x200x64xi32, #tpu.memory_space<vmem>>
      %get3A_536 = tpu.memref_squeeze %get3A_535 : memref<1x200x64xi32, #tpu.memory_space<vmem>> -> memref<200x64xi32, #tpu.memory_space<vmem>>
      %get3A_537 = arith.index_cast %add3A_532 : i32 to index
      %get3A_538 = arith.constant 16 : index
      %get3A_539 = tpu.vector_load %get3A_536[%get3A_537, %get3A_538] {strides = array<i32>} : memref<200x64xi32, #tpu.memory_space<vmem>>, vector<16xi32>,
      %bitcast3A_540 = vector.bitcast %get3A_539 : vector<16xi32> to vector<32xbf16>
      %add3A_541 = arith.addf %add3A_497, %bitcast3A_540 : vector<32xbf16>
      %add3A_542 = arith.constant 3 : i32
      %add3A_543 = arith.addi %mul3A_388, %add3A_542 : i32
      %get3A_544 = arith.constant 0 : i32
      %get3A_545 = arith.constant 0 : i32
      %get3A_546 = tpu.memref_slice %arg6[%scan3A_111, %get3A_544, %get3A_545] : memref<4x200x64xi32, #tpu.memory_space<vmem>> -> memref<1x200x64xi32, #tpu.memory_space<vmem>>
      %get3A_547 = tpu.memref_squeeze %get3A_546 : memref<1x200x64xi32, #tpu.memory_space<vmem>> -> memref<200x64xi32, #tpu.memory_space<vmem>>
      %get3A_548 = arith.index_cast %add3A_543 : i32 to index
      %get3A_549 = arith.constant 32 : index
      %get3A_550 = tpu.vector_load %get3A_547[%get3A_548, %get3A_549] {strides = array<i32>} : memref<200x64xi32, #tpu.memory_space<vmem>>, vector<16xi32>,
      %bitcast3A_551 = vector.bitcast %get3A_550 : vector<16xi32> to vector<32xbf16>
      %add3A_552 = arith.addf %add3A_508, %bitcast3A_551 : vector<32xbf16>
      %add3A_553 = arith.constant 3 : i32
      %add3A_554 = arith.addi %mul3A_388, %add3A_553 : i32
      %get3A_555 = arith.constant 0 : i32
      %get3A_556 = arith.constant 0 : i32
      %get3A_557 = tpu.memref_slice %arg6[%scan3A_111, %get3A_555, %get3A_556] : memref<4x200x64xi32, #tpu.memory_space<vmem>> -> memref<1x200x64xi32, #tpu.memory_space<vmem>>
      %get3A_558 = tpu.memref_squeeze %get3A_557 : memref<1x200x64xi32, #tpu.memory_space<vmem>> -> memref<200x64xi32, #tpu.memory_space<vmem>>
      %get3A_559 = arith.index_cast %add3A_554 : i32 to index
      %get3A_560 = arith.constant 48 : index
      %get3A_561 = tpu.vector_load %get3A_558[%get3A_559, %get3A_560] {strides = array<i32>} : memref<200x64xi32, #tpu.memory_space<vmem>>, vector<16xi32>,
      %bitcast3A_562 = vector.bitcast %get3A_561 : vector<16xi32> to vector<32xbf16>
      %add3A_563 = arith.addf %add3A_519, %bitcast3A_562 : vector<32xbf16>
      %add3A_564 = arith.constant 4 : i32
      %add3A_565 = arith.addi %mul3A_388, %add3A_564 : i32
      %get3A_566 = arith.constant 0 : i32
      %get3A_567 = arith.constant 0 : i32
      %get3A_568 = tpu.memref_slice %arg6[%scan3A_111, %get3A_566, %get3A_567] : memref<4x200x64xi32, #tpu.memory_space<vmem>> -> memref<1x200x64xi32, #tpu.memory_space<vmem>>
      %get3A_569 = tpu.memref_squeeze %get3A_568 : memref<1x200x64xi32, #tpu.memory_space<vmem>> -> memref<200x64xi32, #tpu.memory_space<vmem>>
      %get3A_570 = arith.index_cast %add3A_565 : i32 to index
      %get3A_571 = arith.constant 0 : index
      %get3A_572 = tpu.vector_load %get3A_569[%get3A_570, %get3A_571] {strides = array<i32>} : memref<200x64xi32, #tpu.memory_space<vmem>>, vector<16xi32>,
      %bitcast3A_573 = vector.bitcast %get3A_572 : vector<16xi32> to vector<32xbf16>
      %add3A_574 = arith.addf %add3A_530, %bitcast3A_573 : vector<32xbf16>
      %add3A_575 = arith.constant 4 : i32
      %add3A_576 = arith.addi %mul3A_388, %add3A_575 : i32
      %get3A_577 = arith.constant 0 : i32
      %get3A_578 = arith.constant 0 : i32
      %get3A_579 = tpu.memref_slice %arg6[%scan3A_111, %get3A_577, %get3A_578] : memref<4x200x64xi32, #tpu.memory_space<vmem>> -> memref<1x200x64xi32, #tpu.memory_space<vmem>>
      %get3A_580 = tpu.memref_squeeze %get3A_579 : memref<1x200x64xi32, #tpu.memory_space<vmem>> -> memref<200x64xi32, #tpu.memory_space<vmem>>
      %get3A_581 = arith.index_cast %add3A_576 : i32 to index
      %get3A_582 = arith.constant 16 : index
      %get3A_583 = tpu.vector_load %get3A_580[%get3A_581, %get3A_582] {strides = array<i32>} : memref<200x64xi32, #tpu.memory_space<vmem>>, vector<16xi32>,
      %bitcast3A_584 = vector.bitcast %get3A_583 : vector<16xi32> to vector<32xbf16>
      %add3A_585 = arith.addf %add3A_541, %bitcast3A_584 : vector<32xbf16>
      %add3A_586 = arith.constant 4 : i32
      %add3A_587 = arith.addi %mul3A_388, %add3A_586 : i32
      %get3A_588 = arith.constant 0 : i32
      %get3A_589 = arith.constant 0 : i32
      %get3A_590 = tpu.memref_slice %arg6[%scan3A_111, %get3A_588, %get3A_589] : memref<4x200x64xi32, #tpu.memory_space<vmem>> -> memref<1x200x64xi32, #tpu.memory_space<vmem>>
      %get3A_591 = tpu.memref_squeeze %get3A_590 : memref<1x200x64xi32, #tpu.memory_space<vmem>> -> memref<200x64xi32, #tpu.memory_space<vmem>>
      %get3A_592 = arith.index_cast %add3A_587 : i32 to index
      %get3A_593 = arith.constant 32 : index
      %get3A_594 = tpu.vector_load %get3A_591[%get3A_592, %get3A_593] {strides = array<i32>} : memref<200x64xi32, #tpu.memory_space<vmem>>, vector<16xi32>,
      %bitcast3A_595 = vector.bitcast %get3A_594 : vector<16xi32> to vector<32xbf16>
      %add3A_596 = arith.addf %add3A_552, %bitcast3A_595 : vector<32xbf16>
      %add3A_597 = arith.constant 4 : i32
      %add3A_598 = arith.addi %mul3A_388, %add3A_597 : i32
      %get3A_599 = arith.constant 0 : i32
      %get3A_600 = arith.constant 0 : i32
      %get3A_601 = tpu.memref_slice %arg6[%scan3A_111, %get3A_599, %get3A_600] : memref<4x200x64xi32, #tpu.memory_space<vmem>> -> memref<1x200x64xi32, #tpu.memory_space<vmem>>
      %get3A_602 = tpu.memref_squeeze %get3A_601 : memref<1x200x64xi32, #tpu.memory_space<vmem>> -> memref<200x64xi32, #tpu.memory_space<vmem>>
      %get3A_603 = arith.index_cast %add3A_598 : i32 to index
      %get3A_604 = arith.constant 48 : index
      %get3A_605 = tpu.vector_load %get3A_602[%get3A_603, %get3A_604] {strides = array<i32>} : memref<200x64xi32, #tpu.memory_space<vmem>>, vector<16xi32>,
      %bitcast3A_606 = vector.bitcast %get3A_605 : vector<16xi32> to vector<32xbf16>
      %add3A_607 = arith.addf %add3A_563, %bitcast3A_606 : vector<32xbf16>
      %add3A_608 = arith.constant 5 : i32
      %add3A_609 = arith.addi %mul3A_388, %add3A_608 : i32
      %get3A_610 = arith.constant 0 : i32
      %get3A_611 = arith.constant 0 : i32
      %get3A_612 = tpu.memref_slice %arg6[%scan3A_111, %get3A_610, %get3A_611] : memref<4x200x64xi32, #tpu.memory_space<vmem>> -> memref<1x200x64xi32, #tpu.memory_space<vmem>>
      %get3A_613 = tpu.memref_squeeze %get3A_612 : memref<1x200x64xi32, #tpu.memory_space<vmem>> -> memref<200x64xi32, #tpu.memory_space<vmem>>
      %get3A_614 = arith.index_cast %add3A_609 : i32 to index
      %get3A_615 = arith.constant 0 : index
      %get3A_616 = tpu.vector_load %get3A_613[%get3A_614, %get3A_615] {strides = array<i32>} : memref<200x64xi32, #tpu.memory_space<vmem>>, vector<16xi32>,
      %bitcast3A_617 = vector.bitcast %get3A_616 : vector<16xi32> to vector<32xbf16>
      %add3A_618 = arith.addf %add3A_574, %bitcast3A_617 : vector<32xbf16>
      %add3A_619 = arith.constant 5 : i32
      %add3A_620 = arith.addi %mul3A_388, %add3A_619 : i32
      %get3A_621 = arith.constant 0 : i32
      %get3A_622 = arith.constant 0 : i32
      %get3A_623 = tpu.memref_slice %arg6[%scan3A_111, %get3A_621, %get3A_622] : memref<4x200x64xi32, #tpu.memory_space<vmem>> -> memref<1x200x64xi32, #tpu.memory_space<vmem>>
      %get3A_624 = tpu.memref_squeeze %get3A_623 : memref<1x200x64xi32, #tpu.memory_space<vmem>> -> memref<200x64xi32, #tpu.memory_space<vmem>>
      %get3A_625 = arith.index_cast %add3A_620 : i32 to index
      %get3A_626 = arith.constant 16 : index
      %get3A_627 = tpu.vector_load %get3A_624[%get3A_625, %get3A_626] {strides = array<i32>} : memref<200x64xi32, #tpu.memory_space<vmem>>, vector<16xi32>,
      %bitcast3A_628 = vector.bitcast %get3A_627 : vector<16xi32> to vector<32xbf16>
      %add3A_629 = arith.addf %add3A_585, %bitcast3A_628 : vector<32xbf16>
      %add3A_630 = arith.constant 5 : i32
      %add3A_631 = arith.addi %mul3A_388, %add3A_630 : i32
      %get3A_632 = arith.constant 0 : i32
      %get3A_633 = arith.constant 0 : i32
      %get3A_634 = tpu.memref_slice %arg6[%scan3A_111, %get3A_632, %get3A_633] : memref<4x200x64xi32, #tpu.memory_space<vmem>> -> memref<1x200x64xi32, #tpu.memory_space<vmem>>
      %get3A_635 = tpu.memref_squeeze %get3A_634 : memref<1x200x64xi32, #tpu.memory_space<vmem>> -> memref<200x64xi32, #tpu.memory_space<vmem>>
      %get3A_636 = arith.index_cast %add3A_631 : i32 to index
      %get3A_637 = arith.constant 32 : index
      %get3A_638 = tpu.vector_load %get3A_635[%get3A_636, %get3A_637] {strides = array<i32>} : memref<200x64xi32, #tpu.memory_space<vmem>>, vector<16xi32>,
      %bitcast3A_639 = vector.bitcast %get3A_638 : vector<16xi32> to vector<32xbf16>
      %add3A_640 = arith.addf %add3A_596, %bitcast3A_639 : vector<32xbf16>
      %add3A_641 = arith.constant 5 : i32
      %add3A_642 = arith.addi %mul3A_388, %add3A_641 : i32
      %get3A_643 = arith.constant 0 : i32
      %get3A_644 = arith.constant 0 : i32
      %get3A_645 = tpu.memref_slice %arg6[%scan3A_111, %get3A_643, %get3A_644] : memref<4x200x64xi32, #tpu.memory_space<vmem>> -> memref<1x200x64xi32, #tpu.memory_space<vmem>>
      %get3A_646 = tpu.memref_squeeze %get3A_645 : memref<1x200x64xi32, #tpu.memory_space<vmem>> -> memref<200x64xi32, #tpu.memory_space<vmem>>
      %get3A_647 = arith.index_cast %add3A_642 : i32 to index
      %get3A_648 = arith.constant 48 : index
      %get3A_649 = tpu.vector_load %get3A_646[%get3A_647, %get3A_648] {strides = array<i32>} : memref<200x64xi32, #tpu.memory_space<vmem>>, vector<16xi32>,
      %bitcast3A_650 = vector.bitcast %get3A_649 : vector<16xi32> to vector<32xbf16>
      %add3A_651 = arith.addf %add3A_607, %bitcast3A_650 : vector<32xbf16>
      %add3A_652 = arith.constant 6 : i32
      %add3A_653 = arith.addi %mul3A_388, %add3A_652 : i32
      %get3A_654 = arith.constant 0 : i32
      %get3A_655 = arith.constant 0 : i32
      %get3A_656 = tpu.memref_slice %arg6[%scan3A_111, %get3A_654, %get3A_655] : memref<4x200x64xi32, #tpu.memory_space<vmem>> -> memref<1x200x64xi32, #tpu.memory_space<vmem>>
      %get3A_657 = tpu.memref_squeeze %get3A_656 : memref<1x200x64xi32, #tpu.memory_space<vmem>> -> memref<200x64xi32, #tpu.memory_space<vmem>>
      %get3A_658 = arith.index_cast %add3A_653 : i32 to index
      %get3A_659 = arith.constant 0 : index
      %get3A_660 = tpu.vector_load %get3A_657[%get3A_658, %get3A_659] {strides = array<i32>} : memref<200x64xi32, #tpu.memory_space<vmem>>, vector<16xi32>,
      %bitcast3A_661 = vector.bitcast %get3A_660 : vector<16xi32> to vector<32xbf16>
      %add3A_662 = arith.addf %add3A_618, %bitcast3A_661 : vector<32xbf16>
      %add3A_663 = arith.constant 6 : i32
      %add3A_664 = arith.addi %mul3A_388, %add3A_663 : i32
      %get3A_665 = arith.constant 0 : i32
      %get3A_666 = arith.constant 0 : i32
      %get3A_667 = tpu.memref_slice %arg6[%scan3A_111, %get3A_665, %get3A_666] : memref<4x200x64xi32, #tpu.memory_space<vmem>> -> memref<1x200x64xi32, #tpu.memory_space<vmem>>
      %get3A_668 = tpu.memref_squeeze %get3A_667 : memref<1x200x64xi32, #tpu.memory_space<vmem>> -> memref<200x64xi32, #tpu.memory_space<vmem>>
      %get3A_669 = arith.index_cast %add3A_664 : i32 to index
      %get3A_670 = arith.constant 16 : index
      %get3A_671 = tpu.vector_load %get3A_668[%get3A_669, %get3A_670] {strides = array<i32>} : memref<200x64xi32, #tpu.memory_space<vmem>>, vector<16xi32>,
      %bitcast3A_672 = vector.bitcast %get3A_671 : vector<16xi32> to vector<32xbf16>
      %add3A_673 = arith.addf %add3A_629, %bitcast3A_672 : vector<32xbf16>
      %add3A_674 = arith.constant 6 : i32
      %add3A_675 = arith.addi %mul3A_388, %add3A_674 : i32
      %get3A_676 = arith.constant 0 : i32
      %get3A_677 = arith.constant 0 : i32
      %get3A_678 = tpu.memref_slice %arg6[%scan3A_111, %get3A_676, %get3A_677] : memref<4x200x64xi32, #tpu.memory_space<vmem>> -> memref<1x200x64xi32, #tpu.memory_space<vmem>>
      %get3A_679 = tpu.memref_squeeze %get3A_678 : memref<1x200x64xi32, #tpu.memory_space<vmem>> -> memref<200x64xi32, #tpu.memory_space<vmem>>
      %get3A_680 = arith.index_cast %add3A_675 : i32 to index
      %get3A_681 = arith.constant 32 : index
      %get3A_682 = tpu.vector_load %get3A_679[%get3A_680, %get3A_681] {strides = array<i32>} : memref<200x64xi32, #tpu.memory_space<vmem>>, vector<16xi32>,
      %bitcast3A_683 = vector.bitcast %get3A_682 : vector<16xi32> to vector<32xbf16>
      %add3A_684 = arith.addf %add3A_640, %bitcast3A_683 : vector<32xbf16>
      %add3A_685 = arith.constant 6 : i32
      %add3A_686 = arith.addi %mul3A_388, %add3A_685 : i32
      %get3A_687 = arith.constant 0 : i32
      %get3A_688 = arith.constant 0 : i32
      %get3A_689 = tpu.memref_slice %arg6[%scan3A_111, %get3A_687, %get3A_688] : memref<4x200x64xi32, #tpu.memory_space<vmem>> -> memref<1x200x64xi32, #tpu.memory_space<vmem>>
      %get3A_690 = tpu.memref_squeeze %get3A_689 : memref<1x200x64xi32, #tpu.memory_space<vmem>> -> memref<200x64xi32, #tpu.memory_space<vmem>>
      %get3A_691 = arith.index_cast %add3A_686 : i32 to index
      %get3A_692 = arith.constant 48 : index
      %get3A_693 = tpu.vector_load %get3A_690[%get3A_691, %get3A_692] {strides = array<i32>} : memref<200x64xi32, #tpu.memory_space<vmem>>, vector<16xi32>,
      %bitcast3A_694 = vector.bitcast %get3A_693 : vector<16xi32> to vector<32xbf16>
      %add3A_695 = arith.addf %add3A_651, %bitcast3A_694 : vector<32xbf16>
      %add3A_696 = arith.constant 7 : i32
      %add3A_697 = arith.addi %mul3A_388, %add3A_696 : i32
      %get3A_698 = arith.constant 0 : i32
      %get3A_699 = arith.constant 0 : i32
      %get3A_700 = tpu.memref_slice %arg6[%scan3A_111, %get3A_698, %get3A_699] : memref<4x200x64xi32, #tpu.memory_space<vmem>> -> memref<1x200x64xi32, #tpu.memory_space<vmem>>
      %get3A_701 = tpu.memref_squeeze %get3A_700 : memref<1x200x64xi32, #tpu.memory_space<vmem>> -> memref<200x64xi32, #tpu.memory_space<vmem>>
      %get3A_702 = arith.index_cast %add3A_697 : i32 to index
      %get3A_703 = arith.constant 0 : index
      %get3A_704 = tpu.vector_load %get3A_701[%get3A_702, %get3A_703] {strides = array<i32>} : memref<200x64xi32, #tpu.memory_space<vmem>>, vector<16xi32>,
      %bitcast3A_705 = vector.bitcast %get3A_704 : vector<16xi32> to vector<32xbf16>
      %add3A_706 = arith.addf %add3A_662, %bitcast3A_705 : vector<32xbf16>
      %add3A_707 = arith.constant 7 : i32
      %add3A_708 = arith.addi %mul3A_388, %add3A_707 : i32
      %get3A_709 = arith.constant 0 : i32
      %get3A_710 = arith.constant 0 : i32
      %get3A_711 = tpu.memref_slice %arg6[%scan3A_111, %get3A_709, %get3A_710] : memref<4x200x64xi32, #tpu.memory_space<vmem>> -> memref<1x200x64xi32, #tpu.memory_space<vmem>>
      %get3A_712 = tpu.memref_squeeze %get3A_711 : memref<1x200x64xi32, #tpu.memory_space<vmem>> -> memref<200x64xi32, #tpu.memory_space<vmem>>
      %get3A_713 = arith.index_cast %add3A_708 : i32 to index
      %get3A_714 = arith.constant 16 : index
      %get3A_715 = tpu.vector_load %get3A_712[%get3A_713, %get3A_714] {strides = array<i32>} : memref<200x64xi32, #tpu.memory_space<vmem>>, vector<16xi32>,
      %bitcast3A_716 = vector.bitcast %get3A_715 : vector<16xi32> to vector<32xbf16>
      %add3A_717 = arith.addf %add3A_673, %bitcast3A_716 : vector<32xbf16>
      %add3A_718 = arith.constant 7 : i32
      %add3A_719 = arith.addi %mul3A_388, %add3A_718 : i32
      %get3A_720 = arith.constant 0 : i32
      %get3A_721 = arith.constant 0 : i32
      %get3A_722 = tpu.memref_slice %arg6[%scan3A_111, %get3A_720, %get3A_721] : memref<4x200x64xi32, #tpu.memory_space<vmem>> -> memref<1x200x64xi32, #tpu.memory_space<vmem>>
      %get3A_723 = tpu.memref_squeeze %get3A_722 : memref<1x200x64xi32, #tpu.memory_space<vmem>> -> memref<200x64xi32, #tpu.memory_space<vmem>>
      %get3A_724 = arith.index_cast %add3A_719 : i32 to index
      %get3A_725 = arith.constant 32 : index
      %get3A_726 = tpu.vector_load %get3A_723[%get3A_724, %get3A_725] {strides = array<i32>} : memref<200x64xi32, #tpu.memory_space<vmem>>, vector<16xi32>,
      %bitcast3A_727 = vector.bitcast %get3A_726 : vector<16xi32> to vector<32xbf16>
      %add3A_728 = arith.addf %add3A_684, %bitcast3A_727 : vector<32xbf16>
      %add3A_729 = arith.constant 7 : i32
      %add3A_730 = arith.addi %mul3A_388, %add3A_729 : i32
      %get3A_731 = arith.constant 0 : i32
      %get3A_732 = arith.constant 0 : i32
      %get3A_733 = tpu.memref_slice %arg6[%scan3A_111, %get3A_731, %get3A_732] : memref<4x200x64xi32, #tpu.memory_space<vmem>> -> memref<1x200x64xi32, #tpu.memory_space<vmem>>
      %get3A_734 = tpu.memref_squeeze %get3A_733 : memref<1x200x64xi32, #tpu.memory_space<vmem>> -> memref<200x64xi32, #tpu.memory_space<vmem>>
      %get3A_735 = arith.index_cast %add3A_730 : i32 to index
      %get3A_736 = arith.constant 48 : index
      %get3A_737 = tpu.vector_load %get3A_734[%get3A_735, %get3A_736] {strides = array<i32>} : memref<200x64xi32, #tpu.memory_space<vmem>>, vector<16xi32>,
      %bitcast3A_738 = vector.bitcast %get3A_737 : vector<16xi32> to vector<32xbf16>
      %add3A_739 = arith.addf %add3A_695, %bitcast3A_738 : vector<32xbf16>
      scf.yield %add3A_706, %add3A_717, %add3A_728, %add3A_739 : vector<32xbf16>, vector<32xbf16>, vector<32xbf16>, vector<32xbf16>
    }
    %scan3A_117 = arith.constant 25 : i32
    %bitcast3A = vector.bitcast %scan3A_116#0 : vector<32xbf16> to vector<16xi32>
    %shift_left3A = arith.constant 16 : i32
    %shift_left3A_118 = vector.broadcast %shift_left3A : i32 to vector<16xi32>
    %shift_left3A_119 = arith.shli %bitcast3A, %shift_left3A_118 : vector<16xi32>
    %bitcast3A_120 = vector.bitcast %shift_left3A_119 : vector<16xi32> to vector<16xf32>
    %and3A = arith.andi %bitcast3A, %broadcast_in_dim3A_5 : vector<16xi32>
    %bitcast3A_121 = vector.bitcast %and3A : vector<16xi32> to vector<16xf32>
    %swap3A = arith.constant 15872 : index
    %swap3A_122 = tpu.vector_load %arg7[%swap3A] {strides = array<i32>} : memref<16384xf32, #tpu.memory_space<vmem>>, vector<16xf32>,
    tpu.vector_store %arg7[%swap3A], %bitcast3A_120 {strides = array<i32>} : memref<16384xf32, #tpu.memory_space<vmem>>, vector<16xf32>,
    %swap3A_123 = arith.constant 15888 : index
    %swap3A_124 = tpu.vector_load %arg7[%swap3A_123] {strides = array<i32>} : memref<16384xf32, #tpu.memory_space<vmem>>, vector<16xf32>,
    tpu.vector_store %arg7[%swap3A_123], %bitcast3A_121 {strides = array<i32>} : memref<16384xf32, #tpu.memory_space<vmem>>, vector<16xf32>,
    %bitcast3A_125 = vector.bitcast %scan3A_116#1 : vector<32xbf16> to vector<16xi32>
    %shift_left3A_126 = arith.constant 16 : i32
    %shift_left3A_127 = vector.broadcast %shift_left3A_126 : i32 to vector<16xi32>
    %shift_left3A_128 = arith.shli %bitcast3A_125, %shift_left3A_127 : vector<16xi32>
    %bitcast3A_129 = vector.bitcast %shift_left3A_128 : vector<16xi32> to vector<16xf32>
    %and3A_130 = arith.andi %bitcast3A_125, %broadcast_in_dim3A_5 : vector<16xi32>
    %bitcast3A_131 = vector.bitcast %and3A_130 : vector<16xi32> to vector<16xf32>
    %swap3A_132 = arith.constant 15904 : index
    %swap3A_133 = tpu.vector_load %arg7[%swap3A_132] {strides = array<i32>} : memref<16384xf32, #tpu.memory_space<vmem>>, vector<16xf32>,
    tpu.vector_store %arg7[%swap3A_132], %bitcast3A_129 {strides = array<i32>} : memref<16384xf32, #tpu.memory_space<vmem>>, vector<16xf32>,
    %swap3A_134 = arith.constant 15920 : index
    %swap3A_135 = tpu.vector_load %arg7[%swap3A_134] {strides = array<i32>} : memref<16384xf32, #tpu.memory_space<vmem>>, vector<16xf32>,
    tpu.vector_store %arg7[%swap3A_134], %bitcast3A_131 {strides = array<i32>} : memref<16384xf32, #tpu.memory_space<vmem>>, vector<16xf32>,
    %bitcast3A_136 = vector.bitcast %scan3A_116#2 : vector<32xbf16> to vector<16xi32>
    %shift_left3A_137 = arith.constant 16 : i32
    %shift_left3A_138 = vector.broadcast %shift_left3A_137 : i32 to vector<16xi32>
    %shift_left3A_139 = arith.shli %bitcast3A_136, %shift_left3A_138 : vector<16xi32>
    %bitcast3A_140 = vector.bitcast %shift_left3A_139 : vector<16xi32> to vector<16xf32>
    %and3A_141 = arith.andi %bitcast3A_136, %broadcast_in_dim3A_5 : vector<16xi32>
    %bitcast3A_142 = vector.bitcast %and3A_141 : vector<16xi32> to vector<16xf32>
    %swap3A_143 = arith.constant 15936 : index
    %swap3A_144 = tpu.vector_load %arg7[%swap3A_143] {strides = array<i32>} : memref<16384xf32, #tpu.memory_space<vmem>>, vector<16xf32>,
    tpu.vector_store %arg7[%swap3A_143], %bitcast3A_140 {strides = array<i32>} : memref<16384xf32, #tpu.memory_space<vmem>>, vector<16xf32>,
    %swap3A_145 = arith.constant 15952 : index
    %swap3A_146 = tpu.vector_load %arg7[%swap3A_145] {strides = array<i32>} : memref<16384xf32, #tpu.memory_space<vmem>>, vector<16xf32>,
    tpu.vector_store %arg7[%swap3A_145], %bitcast3A_142 {strides = array<i32>} : memref<16384xf32, #tpu.memory_space<vmem>>, vector<16xf32>,
    %bitcast3A_147 = vector.bitcast %scan3A_116#3 : vector<32xbf16> to vector<16xi32>
    %shift_left3A_148 = arith.constant 16 : i32
    %shift_left3A_149 = vector.broadcast %shift_left3A_148 : i32 to vector<16xi32>
    %shift_left3A_150 = arith.shli %bitcast3A_147, %shift_left3A_149 : vector<16xi32>
    %bitcast3A_151 = vector.bitcast %shift_left3A_150 : vector<16xi32> to vector<16xf32>
    %and3A_152 = arith.andi %bitcast3A_147, %broadcast_in_dim3A_5 : vector<16xi32>
    %bitcast3A_153 = vector.bitcast %and3A_152 : vector<16xi32> to vector<16xf32>
    %swap3A_154 = arith.constant 15968 : index
    %swap3A_155 = tpu.vector_load %arg7[%swap3A_154] {strides = array<i32>} : memref<16384xf32, #tpu.memory_space<vmem>>, vector<16xf32>,
    tpu.vector_store %arg7[%swap3A_154], %bitcast3A_151 {strides = array<i32>} : memref<16384xf32, #tpu.memory_space<vmem>>, vector<16xf32>,
    %swap3A_156 = arith.constant 15984 : index
    %swap3A_157 = tpu.vector_load %arg7[%swap3A_156] {strides = array<i32>} : memref<16384xf32, #tpu.memory_space<vmem>>, vector<16xf32>,
    tpu.vector_store %arg7[%swap3A_156], %bitcast3A_153 {strides = array<i32>} : memref<16384xf32, #tpu.memory_space<vmem>>, vector<16xf32>,
    %dma_wait3A_158 = arith.constant 1 : i32
    %dma_wait3A_159 = arith.constant 0 : i32
    %dma_wait3A_160 = arith.constant 0 : i32
    %dma_wait3A_161 = tpu.memref_slice %arg6[%dma_wait3A_158, %dma_wait3A_159, %dma_wait3A_160] : memref<4x200x64xi32, #tpu.memory_space<vmem>> -> memref<1x200x64xi32, #tpu.memory_space<vmem>>
    %dma_wait3A_162 = tpu.memref_squeeze %dma_wait3A_161 : memref<1x200x64xi32, #tpu.memory_space<vmem>> -> memref<200x64xi32, #tpu.memory_space<vmem>>
    %dma_wait3A_163 = arith.constant 0 : i32
    %dma_wait3A_164 = arith.constant 0 : i32
    %dma_wait3A_165 = tpu.memref_slice %arg3[%dma_wait3A_163, %dma_wait3A_164] : memref<100000x64xi32, #tpu.memory_space<hbm>> -> memref<200x64xi32, #tpu.memory_space<hbm>>
    %dma_wait3A_166 = arith.constant 0 : i32
    %dma_wait3A_167 = arith.constant 0 : i32
    %dma_wait3A_168 = tpu.memref_slice %arg6[%dma_wait3A_158, %dma_wait3A_166, %dma_wait3A_167] : memref<4x200x64xi32, #tpu.memory_space<vmem>> -> memref<1x200x64xi32, #tpu.memory_space<vmem>>
    %dma_wait3A_169 = tpu.memref_squeeze %dma_wait3A_168 : memref<1x200x64xi32, #tpu.memory_space<vmem>> -> memref<200x64xi32, #tpu.memory_space<vmem>>
    %dma_wait3A_170 = arith.constant 0 : i32
    %dma_wait3A_171 = arith.constant 0 : i32
    %dma_wait3A_172 = tpu.memref_slice %arg3[%dma_wait3A_170, %dma_wait3A_171] : memref<100000x64xi32, #tpu.memory_space<hbm>> -> memref<200x64xi32, #tpu.memory_space<hbm>>
    tpu.wait_dma2 semaphore(%arg9 : memref<!tpu.dma_semaphore, #tpu.memory_space<semaphore_mem>>) src(%dma_wait3A_172 : memref<200x64xi32, #tpu.memory_space<hbm>>) dst(%dma_wait3A_169 : memref<200x64xi32, #tpu.memory_space<vmem>>)
    %broadcast_in_dim3A_173 = arith.constant 0.000000e+00 : bf16
    %broadcast_in_dim3A_174 = vector.broadcast %broadcast_in_dim3A_173 : bf16 to vector<32xbf16>
    %broadcast_in_dim3A_175 = arith.constant 0.000000e+00 : bf16
    %broadcast_in_dim3A_176 = vector.broadcast %broadcast_in_dim3A_175 : bf16 to vector<32xbf16>
    %broadcast_in_dim3A_177 = arith.constant 0.000000e+00 : bf16
    %broadcast_in_dim3A_178 = vector.broadcast %broadcast_in_dim3A_177 : bf16 to vector<32xbf16>
    %broadcast_in_dim3A_179 = arith.constant 0.000000e+00 : bf16
    %broadcast_in_dim3A_180 = vector.broadcast %broadcast_in_dim3A_179 : bf16 to vector<32xbf16>
    %scan3A_181 = arith.constant 1 : i32
    %scan3A_182 = arith.constant 0 : i32
    %scan3A_183 = arith.constant 25 : i32
    %scan3A_184 = arith.addi %scan3A_182, %scan3A_183 : i32
    %scan3A_185 = arith.constant 1 : i32
    %scan3A_186:4 = scf.for %scan3A_382 = %scan3A_182 to %scan3A_184 step %scan3A_185 iter_args(%scan3A_383 = %broadcast_in_dim3A_174, %scan3A_384 = %broadcast_in_dim3A_176, %scan3A_385 = %broadcast_in_dim3A_178, %scan3A_386 = %broadcast_in_dim3A_180) -> (vector<32xbf16>, vector<32xbf16>, vector<32xbf16>, vector<32xbf16>)  : i32 {
      %mul3A_387 = arith.constant 8 : i32
      %mul3A_388 = arith.muli %scan3A_382, %mul3A_387 : i32
      %add3A_389 = arith.constant 0 : i32
      %add3A_390 = arith.addi %mul3A_388, %add3A_389 : i32
      %get3A = arith.constant 0 : i32
      %get3A_391 = arith.constant 0 : i32
      %get3A_392 = tpu.memref_slice %arg6[%scan3A_181, %get3A, %get3A_391] : memref<4x200x64xi32, #tpu.memory_space<vmem>> -> memref<1x200x64xi32, #tpu.memory_space<vmem>>
      %get3A_393 = tpu.memref_squeeze %get3A_392 : memref<1x200x64xi32, #tpu.memory_space<vmem>> -> memref<200x64xi32, #tpu.memory_space<vmem>>
      %get3A_394 = arith.index_cast %add3A_390 : i32 to index
      %get3A_395 = arith.constant 0 : index
      %get3A_396 = tpu.vector_load %get3A_393[%get3A_394, %get3A_395] {strides = array<i32>} : memref<200x64xi32, #tpu.memory_space<vmem>>, vector<16xi32>,
      %bitcast3A_397 = vector.bitcast %get3A_396 : vector<16xi32> to vector<32xbf16>
      %add3A_398 = arith.addf %scan3A_383, %bitcast3A_397 : vector<32xbf16>
      %add3A_399 = arith.constant 0 : i32
      %add3A_400 = arith.addi %mul3A_388, %add3A_399 : i32
      %get3A_401 = arith.constant 0 : i32
      %get3A_402 = arith.constant 0 : i32
      %get3A_403 = tpu.memref_slice %arg6[%scan3A_181, %get3A_401, %get3A_402] : memref<4x200x64xi32, #tpu.memory_space<vmem>> -> memref<1x200x64xi32, #tpu.memory_space<vmem>>
      %get3A_404 = tpu.memref_squeeze %get3A_403 : memref<1x200x64xi32, #tpu.memory_space<vmem>> -> memref<200x64xi32, #tpu.memory_space<vmem>>
      %get3A_405 = arith.index_cast %add3A_400 : i32 to index
      %get3A_406 = arith.constant 16 : index
      %get3A_407 = tpu.vector_load %get3A_404[%get3A_405, %get3A_406] {strides = array<i32>} : memref<200x64xi32, #tpu.memory_space<vmem>>, vector<16xi32>,
      %bitcast3A_408 = vector.bitcast %get3A_407 : vector<16xi32> to vector<32xbf16>
      %add3A_409 = arith.addf %scan3A_384, %bitcast3A_408 : vector<32xbf16>
      %add3A_410 = arith.constant 0 : i32
      %add3A_411 = arith.addi %mul3A_388, %add3A_410 : i32
      %get3A_412 = arith.constant 0 : i32
      %get3A_413 = arith.constant 0 : i32
      %get3A_414 = tpu.memref_slice %arg6[%scan3A_181, %get3A_412, %get3A_413] : memref<4x200x64xi32, #tpu.memory_space<vmem>> -> memref<1x200x64xi32, #tpu.memory_space<vmem>>
      %get3A_415 = tpu.memref_squeeze %get3A_414 : memref<1x200x64xi32, #tpu.memory_space<vmem>> -> memref<200x64xi32, #tpu.memory_space<vmem>>
      %get3A_416 = arith.index_cast %add3A_411 : i32 to index
      %get3A_417 = arith.constant 32 : index
      %get3A_418 = tpu.vector_load %get3A_415[%get3A_416, %get3A_417] {strides = array<i32>} : memref<200x64xi32, #tpu.memory_space<vmem>>, vector<16xi32>,
      %bitcast3A_419 = vector.bitcast %get3A_418 : vector<16xi32> to vector<32xbf16>
      %add3A_420 = arith.addf %scan3A_385, %bitcast3A_419 : vector<32xbf16>
      %add3A_421 = arith.constant 0 : i32
      %add3A_422 = arith.addi %mul3A_388, %add3A_421 : i32
      %get3A_423 = arith.constant 0 : i32
      %get3A_424 = arith.constant 0 : i32
      %get3A_425 = tpu.memref_slice %arg6[%scan3A_181, %get3A_423, %get3A_424] : memref<4x200x64xi32, #tpu.memory_space<vmem>> -> memref<1x200x64xi32, #tpu.memory_space<vmem>>
      %get3A_426 = tpu.memref_squeeze %get3A_425 : memref<1x200x64xi32, #tpu.memory_space<vmem>> -> memref<200x64xi32, #tpu.memory_space<vmem>>
      %get3A_427 = arith.index_cast %add3A_422 : i32 to index
      %get3A_428 = arith.constant 48 : index
      %get3A_429 = tpu.vector_load %get3A_426[%get3A_427, %get3A_428] {strides = array<i32>} : memref<200x64xi32, #tpu.memory_space<vmem>>, vector<16xi32>,
      %bitcast3A_430 = vector.bitcast %get3A_429 : vector<16xi32> to vector<32xbf16>
      %add3A_431 = arith.addf %scan3A_386, %bitcast3A_430 : vector<32xbf16>
      %add3A_432 = arith.constant 1 : i32
      %add3A_433 = arith.addi %mul3A_388, %add3A_432 : i32
      %get3A_434 = arith.constant 0 : i32
      %get3A_435 = arith.constant 0 : i32
      %get3A_436 = tpu.memref_slice %arg6[%scan3A_181, %get3A_434, %get3A_435] : memref<4x200x64xi32, #tpu.memory_space<vmem>> -> memref<1x200x64xi32, #tpu.memory_space<vmem>>
      %get3A_437 = tpu.memref_squeeze %get3A_436 : memref<1x200x64xi32, #tpu.memory_space<vmem>> -> memref<200x64xi32, #tpu.memory_space<vmem>>
      %get3A_438 = arith.index_cast %add3A_433 : i32 to index
      %get3A_439 = arith.constant 0 : index
      %get3A_440 = tpu.vector_load %get3A_437[%get3A_438, %get3A_439] {strides = array<i32>} : memref<200x64xi32, #tpu.memory_space<vmem>>, vector<16xi32>,
      %bitcast3A_441 = vector.bitcast %get3A_440 : vector<16xi32> to vector<32xbf16>
      %add3A_442 = arith.addf %add3A_398, %bitcast3A_441 : vector<32xbf16>
      %add3A_443 = arith.constant 1 : i32
      %add3A_444 = arith.addi %mul3A_388, %add3A_443 : i32
      %get3A_445 = arith.constant 0 : i32
      %get3A_446 = arith.constant 0 : i32
      %get3A_447 = tpu.memref_slice %arg6[%scan3A_181, %get3A_445, %get3A_446] : memref<4x200x64xi32, #tpu.memory_space<vmem>> -> memref<1x200x64xi32, #tpu.memory_space<vmem>>
      %get3A_448 = tpu.memref_squeeze %get3A_447 : memref<1x200x64xi32, #tpu.memory_space<vmem>> -> memref<200x64xi32, #tpu.memory_space<vmem>>
      %get3A_449 = arith.index_cast %add3A_444 : i32 to index
      %get3A_450 = arith.constant 16 : index
      %get3A_451 = tpu.vector_load %get3A_448[%get3A_449, %get3A_450] {strides = array<i32>} : memref<200x64xi32, #tpu.memory_space<vmem>>, vector<16xi32>,
      %bitcast3A_452 = vector.bitcast %get3A_451 : vector<16xi32> to vector<32xbf16>
      %add3A_453 = arith.addf %add3A_409, %bitcast3A_452 : vector<32xbf16>
      %add3A_454 = arith.constant 1 : i32
      %add3A_455 = arith.addi %mul3A_388, %add3A_454 : i32
      %get3A_456 = arith.constant 0 : i32
      %get3A_457 = arith.constant 0 : i32
      %get3A_458 = tpu.memref_slice %arg6[%scan3A_181, %get3A_456, %get3A_457] : memref<4x200x64xi32, #tpu.memory_space<vmem>> -> memref<1x200x64xi32, #tpu.memory_space<vmem>>
      %get3A_459 = tpu.memref_squeeze %get3A_458 : memref<1x200x64xi32, #tpu.memory_space<vmem>> -> memref<200x64xi32, #tpu.memory_space<vmem>>
      %get3A_460 = arith.index_cast %add3A_455 : i32 to index
      %get3A_461 = arith.constant 32 : index
      %get3A_462 = tpu.vector_load %get3A_459[%get3A_460, %get3A_461] {strides = array<i32>} : memref<200x64xi32, #tpu.memory_space<vmem>>, vector<16xi32>,
      %bitcast3A_463 = vector.bitcast %get3A_462 : vector<16xi32> to vector<32xbf16>
      %add3A_464 = arith.addf %add3A_420, %bitcast3A_463 : vector<32xbf16>
      %add3A_465 = arith.constant 1 : i32
      %add3A_466 = arith.addi %mul3A_388, %add3A_465 : i32
      %get3A_467 = arith.constant 0 : i32
      %get3A_468 = arith.constant 0 : i32
      %get3A_469 = tpu.memref_slice %arg6[%scan3A_181, %get3A_467, %get3A_468] : memref<4x200x64xi32, #tpu.memory_space<vmem>> -> memref<1x200x64xi32, #tpu.memory_space<vmem>>
      %get3A_470 = tpu.memref_squeeze %get3A_469 : memref<1x200x64xi32, #tpu.memory_space<vmem>> -> memref<200x64xi32, #tpu.memory_space<vmem>>
      %get3A_471 = arith.index_cast %add3A_466 : i32 to index
      %get3A_472 = arith.constant 48 : index
      %get3A_473 = tpu.vector_load %get3A_470[%get3A_471, %get3A_472] {strides = array<i32>} : memref<200x64xi32, #tpu.memory_space<vmem>>, vector<16xi32>,
      %bitcast3A_474 = vector.bitcast %get3A_473 : vector<16xi32> to vector<32xbf16>
      %add3A_475 = arith.addf %add3A_431, %bitcast3A_474 : vector<32xbf16>
      %add3A_476 = arith.constant 2 : i32
      %add3A_477 = arith.addi %mul3A_388, %add3A_476 : i32
      %get3A_478 = arith.constant 0 : i32
      %get3A_479 = arith.constant 0 : i32
      %get3A_480 = tpu.memref_slice %arg6[%scan3A_181, %get3A_478, %get3A_479] : memref<4x200x64xi32, #tpu.memory_space<vmem>> -> memref<1x200x64xi32, #tpu.memory_space<vmem>>
      %get3A_481 = tpu.memref_squeeze %get3A_480 : memref<1x200x64xi32, #tpu.memory_space<vmem>> -> memref<200x64xi32, #tpu.memory_space<vmem>>
      %get3A_482 = arith.index_cast %add3A_477 : i32 to index
      %get3A_483 = arith.constant 0 : index
      %get3A_484 = tpu.vector_load %get3A_481[%get3A_482, %get3A_483] {strides = array<i32>} : memref<200x64xi32, #tpu.memory_space<vmem>>, vector<16xi32>,
      %bitcast3A_485 = vector.bitcast %get3A_484 : vector<16xi32> to vector<32xbf16>
      %add3A_486 = arith.addf %add3A_442, %bitcast3A_485 : vector<32xbf16>
      %add3A_487 = arith.constant 2 : i32
      %add3A_488 = arith.addi %mul3A_388, %add3A_487 : i32
      %get3A_489 = arith.constant 0 : i32
      %get3A_490 = arith.constant 0 : i32
      %get3A_491 = tpu.memref_slice %arg6[%scan3A_181, %get3A_489, %get3A_490] : memref<4x200x64xi32, #tpu.memory_space<vmem>> -> memref<1x200x64xi32, #tpu.memory_space<vmem>>
      %get3A_492 = tpu.memref_squeeze %get3A_491 : memref<1x200x64xi32, #tpu.memory_space<vmem>> -> memref<200x64xi32, #tpu.memory_space<vmem>>
      %get3A_493 = arith.index_cast %add3A_488 : i32 to index
      %get3A_494 = arith.constant 16 : index
      %get3A_495 = tpu.vector_load %get3A_492[%get3A_493, %get3A_494] {strides = array<i32>} : memref<200x64xi32, #tpu.memory_space<vmem>>, vector<16xi32>,
      %bitcast3A_496 = vector.bitcast %get3A_495 : vector<16xi32> to vector<32xbf16>
      %add3A_497 = arith.addf %add3A_453, %bitcast3A_496 : vector<32xbf16>
      %add3A_498 = arith.constant 2 : i32
      %add3A_499 = arith.addi %mul3A_388, %add3A_498 : i32
      %get3A_500 = arith.constant 0 : i32
      %get3A_501 = arith.constant 0 : i32
      %get3A_502 = tpu.memref_slice %arg6[%scan3A_181, %get3A_500, %get3A_501] : memref<4x200x64xi32, #tpu.memory_space<vmem>> -> memref<1x200x64xi32, #tpu.memory_space<vmem>>
      %get3A_503 = tpu.memref_squeeze %get3A_502 : memref<1x200x64xi32, #tpu.memory_space<vmem>> -> memref<200x64xi32, #tpu.memory_space<vmem>>
      %get3A_504 = arith.index_cast %add3A_499 : i32 to index
      %get3A_505 = arith.constant 32 : index
      %get3A_506 = tpu.vector_load %get3A_503[%get3A_504, %get3A_505] {strides = array<i32>} : memref<200x64xi32, #tpu.memory_space<vmem>>, vector<16xi32>,
      %bitcast3A_507 = vector.bitcast %get3A_506 : vector<16xi32> to vector<32xbf16>
      %add3A_508 = arith.addf %add3A_464, %bitcast3A_507 : vector<32xbf16>
      %add3A_509 = arith.constant 2 : i32
      %add3A_510 = arith.addi %mul3A_388, %add3A_509 : i32
      %get3A_511 = arith.constant 0 : i32
      %get3A_512 = arith.constant 0 : i32
      %get3A_513 = tpu.memref_slice %arg6[%scan3A_181, %get3A_511, %get3A_512] : memref<4x200x64xi32, #tpu.memory_space<vmem>> -> memref<1x200x64xi32, #tpu.memory_space<vmem>>
      %get3A_514 = tpu.memref_squeeze %get3A_513 : memref<1x200x64xi32, #tpu.memory_space<vmem>> -> memref<200x64xi32, #tpu.memory_space<vmem>>
      %get3A_515 = arith.index_cast %add3A_510 : i32 to index
      %get3A_516 = arith.constant 48 : index
      %get3A_517 = tpu.vector_load %get3A_514[%get3A_515, %get3A_516] {strides = array<i32>} : memref<200x64xi32, #tpu.memory_space<vmem>>, vector<16xi32>,
      %bitcast3A_518 = vector.bitcast %get3A_517 : vector<16xi32> to vector<32xbf16>
      %add3A_519 = arith.addf %add3A_475, %bitcast3A_518 : vector<32xbf16>
      %add3A_520 = arith.constant 3 : i32
      %add3A_521 = arith.addi %mul3A_388, %add3A_520 : i32
      %get3A_522 = arith.constant 0 : i32
      %get3A_523 = arith.constant 0 : i32
      %get3A_524 = tpu.memref_slice %arg6[%scan3A_181, %get3A_522, %get3A_523] : memref<4x200x64xi32, #tpu.memory_space<vmem>> -> memref<1x200x64xi32, #tpu.memory_space<vmem>>
      %get3A_525 = tpu.memref_squeeze %get3A_524 : memref<1x200x64xi32, #tpu.memory_space<vmem>> -> memref<200x64xi32, #tpu.memory_space<vmem>>
      %get3A_526 = arith.index_cast %add3A_521 : i32 to index
      %get3A_527 = arith.constant 0 : index
      %get3A_528 = tpu.vector_load %get3A_525[%get3A_526, %get3A_527] {strides = array<i32>} : memref<200x64xi32, #tpu.memory_space<vmem>>, vector<16xi32>,
      %bitcast3A_529 = vector.bitcast %get3A_528 : vector<16xi32> to vector<32xbf16>
      %add3A_530 = arith.addf %add3A_486, %bitcast3A_529 : vector<32xbf16>
      %add3A_531 = arith.constant 3 : i32
      %add3A_532 = arith.addi %mul3A_388, %add3A_531 : i32
      %get3A_533 = arith.constant 0 : i32
      %get3A_534 = arith.constant 0 : i32
      %get3A_535 = tpu.memref_slice %arg6[%scan3A_181, %get3A_533, %get3A_534] : memref<4x200x64xi32, #tpu.memory_space<vmem>> -> memref<1x200x64xi32, #tpu.memory_space<vmem>>
      %get3A_536 = tpu.memref_squeeze %get3A_535 : memref<1x200x64xi32, #tpu.memory_space<vmem>> -> memref<200x64xi32, #tpu.memory_space<vmem>>
      %get3A_537 = arith.index_cast %add3A_532 : i32 to index
      %get3A_538 = arith.constant 16 : index
      %get3A_539 = tpu.vector_load %get3A_536[%get3A_537, %get3A_538] {strides = array<i32>} : memref<200x64xi32, #tpu.memory_space<vmem>>, vector<16xi32>,
      %bitcast3A_540 = vector.bitcast %get3A_539 : vector<16xi32> to vector<32xbf16>
      %add3A_541 = arith.addf %add3A_497, %bitcast3A_540 : vector<32xbf16>
      %add3A_542 = arith.constant 3 : i32
      %add3A_543 = arith.addi %mul3A_388, %add3A_542 : i32
      %get3A_544 = arith.constant 0 : i32
      %get3A_545 = arith.constant 0 : i32
      %get3A_546 = tpu.memref_slice %arg6[%scan3A_181, %get3A_544, %get3A_545] : memref<4x200x64xi32, #tpu.memory_space<vmem>> -> memref<1x200x64xi32, #tpu.memory_space<vmem>>
      %get3A_547 = tpu.memref_squeeze %get3A_546 : memref<1x200x64xi32, #tpu.memory_space<vmem>> -> memref<200x64xi32, #tpu.memory_space<vmem>>
      %get3A_548 = arith.index_cast %add3A_543 : i32 to index
      %get3A_549 = arith.constant 32 : index
      %get3A_550 = tpu.vector_load %get3A_547[%get3A_548, %get3A_549] {strides = array<i32>} : memref<200x64xi32, #tpu.memory_space<vmem>>, vector<16xi32>,
      %bitcast3A_551 = vector.bitcast %get3A_550 : vector<16xi32> to vector<32xbf16>
      %add3A_552 = arith.addf %add3A_508, %bitcast3A_551 : vector<32xbf16>
      %add3A_553 = arith.constant 3 : i32
      %add3A_554 = arith.addi %mul3A_388, %add3A_553 : i32
      %get3A_555 = arith.constant 0 : i32
      %get3A_556 = arith.constant 0 : i32
      %get3A_557 = tpu.memref_slice %arg6[%scan3A_181, %get3A_555, %get3A_556] : memref<4x200x64xi32, #tpu.memory_space<vmem>> -> memref<1x200x64xi32, #tpu.memory_space<vmem>>
      %get3A_558 = tpu.memref_squeeze %get3A_557 : memref<1x200x64xi32, #tpu.memory_space<vmem>> -> memref<200x64xi32, #tpu.memory_space<vmem>>
      %get3A_559 = arith.index_cast %add3A_554 : i32 to index
      %get3A_560 = arith.constant 48 : index
      %get3A_561 = tpu.vector_load %get3A_558[%get3A_559, %get3A_560] {strides = array<i32>} : memref<200x64xi32, #tpu.memory_space<vmem>>, vector<16xi32>,
      %bitcast3A_562 = vector.bitcast %get3A_561 : vector<16xi32> to vector<32xbf16>
      %add3A_563 = arith.addf %add3A_519, %bitcast3A_562 : vector<32xbf16>
      %add3A_564 = arith.constant 4 : i32
      %add3A_565 = arith.addi %mul3A_388, %add3A_564 : i32
      %get3A_566 = arith.constant 0 : i32
      %get3A_567 = arith.constant 0 : i32
      %get3A_568 = tpu.memref_slice %arg6[%scan3A_181, %get3A_566, %get3A_567] : memref<4x200x64xi32, #tpu.memory_space<vmem>> -> memref<1x200x64xi32, #tpu.memory_space<vmem>>
      %get3A_569 = tpu.memref_squeeze %get3A_568 : memref<1x200x64xi32, #tpu.memory_space<vmem>> -> memref<200x64xi32, #tpu.memory_space<vmem>>
      %get3A_570 = arith.index_cast %add3A_565 : i32 to index
      %get3A_571 = arith.constant 0 : index
      %get3A_572 = tpu.vector_load %get3A_569[%get3A_570, %get3A_571] {strides = array<i32>} : memref<200x64xi32, #tpu.memory_space<vmem>>, vector<16xi32>,
      %bitcast3A_573 = vector.bitcast %get3A_572 : vector<16xi32> to vector<32xbf16>
      %add3A_574 = arith.addf %add3A_530, %bitcast3A_573 : vector<32xbf16>
      %add3A_575 = arith.constant 4 : i32
      %add3A_576 = arith.addi %mul3A_388, %add3A_575 : i32
      %get3A_577 = arith.constant 0 : i32
      %get3A_578 = arith.constant 0 : i32
      %get3A_579 = tpu.memref_slice %arg6[%scan3A_181, %get3A_577, %get3A_578] : memref<4x200x64xi32, #tpu.memory_space<vmem>> -> memref<1x200x64xi32, #tpu.memory_space<vmem>>
      %get3A_580 = tpu.memref_squeeze %get3A_579 : memref<1x200x64xi32, #tpu.memory_space<vmem>> -> memref<200x64xi32, #tpu.memory_space<vmem>>
      %get3A_581 = arith.index_cast %add3A_576 : i32 to index
      %get3A_582 = arith.constant 16 : index
      %get3A_583 = tpu.vector_load %get3A_580[%get3A_581, %get3A_582] {strides = array<i32>} : memref<200x64xi32, #tpu.memory_space<vmem>>, vector<16xi32>,
      %bitcast3A_584 = vector.bitcast %get3A_583 : vector<16xi32> to vector<32xbf16>
      %add3A_585 = arith.addf %add3A_541, %bitcast3A_584 : vector<32xbf16>
      %add3A_586 = arith.constant 4 : i32
      %add3A_587 = arith.addi %mul3A_388, %add3A_586 : i32
      %get3A_588 = arith.constant 0 : i32
      %get3A_589 = arith.constant 0 : i32
      %get3A_590 = tpu.memref_slice %arg6[%scan3A_181, %get3A_588, %get3A_589] : memref<4x200x64xi32, #tpu.memory_space<vmem>> -> memref<1x200x64xi32, #tpu.memory_space<vmem>>
      %get3A_591 = tpu.memref_squeeze %get3A_590 : memref<1x200x64xi32, #tpu.memory_space<vmem>> -> memref<200x64xi32, #tpu.memory_space<vmem>>
      %get3A_592 = arith.index_cast %add3A_587 : i32 to index
      %get3A_593 = arith.constant 32 : index
      %get3A_594 = tpu.vector_load %get3A_591[%get3A_592, %get3A_593] {strides = array<i32>} : memref<200x64xi32, #tpu.memory_space<vmem>>, vector<16xi32>,
      %bitcast3A_595 = vector.bitcast %get3A_594 : vector<16xi32> to vector<32xbf16>
      %add3A_596 = arith.addf %add3A_552, %bitcast3A_595 : vector<32xbf16>
      %add3A_597 = arith.constant 4 : i32
      %add3A_598 = arith.addi %mul3A_388, %add3A_597 : i32
      %get3A_599 = arith.constant 0 : i32
      %get3A_600 = arith.constant 0 : i32
      %get3A_601 = tpu.memref_slice %arg6[%scan3A_181, %get3A_599, %get3A_600] : memref<4x200x64xi32, #tpu.memory_space<vmem>> -> memref<1x200x64xi32, #tpu.memory_space<vmem>>
      %get3A_602 = tpu.memref_squeeze %get3A_601 : memref<1x200x64xi32, #tpu.memory_space<vmem>> -> memref<200x64xi32, #tpu.memory_space<vmem>>
      %get3A_603 = arith.index_cast %add3A_598 : i32 to index
      %get3A_604 = arith.constant 48 : index
      %get3A_605 = tpu.vector_load %get3A_602[%get3A_603, %get3A_604] {strides = array<i32>} : memref<200x64xi32, #tpu.memory_space<vmem>>, vector<16xi32>,
      %bitcast3A_606 = vector.bitcast %get3A_605 : vector<16xi32> to vector<32xbf16>
      %add3A_607 = arith.addf %add3A_563, %bitcast3A_606 : vector<32xbf16>
      %add3A_608 = arith.constant 5 : i32
      %add3A_609 = arith.addi %mul3A_388, %add3A_608 : i32
      %get3A_610 = arith.constant 0 : i32
      %get3A_611 = arith.constant 0 : i32
      %get3A_612 = tpu.memref_slice %arg6[%scan3A_181, %get3A_610, %get3A_611] : memref<4x200x64xi32, #tpu.memory_space<vmem>> -> memref<1x200x64xi32, #tpu.memory_space<vmem>>
      %get3A_613 = tpu.memref_squeeze %get3A_612 : memref<1x200x64xi32, #tpu.memory_space<vmem>> -> memref<200x64xi32, #tpu.memory_space<vmem>>
      %get3A_614 = arith.index_cast %add3A_609 : i32 to index
      %get3A_615 = arith.constant 0 : index
      %get3A_616 = tpu.vector_load %get3A_613[%get3A_614, %get3A_615] {strides = array<i32>} : memref<200x64xi32, #tpu.memory_space<vmem>>, vector<16xi32>,
      %bitcast3A_617 = vector.bitcast %get3A_616 : vector<16xi32> to vector<32xbf16>
      %add3A_618 = arith.addf %add3A_574, %bitcast3A_617 : vector<32xbf16>
      %add3A_619 = arith.constant 5 : i32
      %add3A_620 = arith.addi %mul3A_388, %add3A_619 : i32
      %get3A_621 = arith.constant 0 : i32
      %get3A_622 = arith.constant 0 : i32
      %get3A_623 = tpu.memref_slice %arg6[%scan3A_181, %get3A_621, %get3A_622] : memref<4x200x64xi32, #tpu.memory_space<vmem>> -> memref<1x200x64xi32, #tpu.memory_space<vmem>>
      %get3A_624 = tpu.memref_squeeze %get3A_623 : memref<1x200x64xi32, #tpu.memory_space<vmem>> -> memref<200x64xi32, #tpu.memory_space<vmem>>
      %get3A_625 = arith.index_cast %add3A_620 : i32 to index
      %get3A_626 = arith.constant 16 : index
      %get3A_627 = tpu.vector_load %get3A_624[%get3A_625, %get3A_626] {strides = array<i32>} : memref<200x64xi32, #tpu.memory_space<vmem>>, vector<16xi32>,
      %bitcast3A_628 = vector.bitcast %get3A_627 : vector<16xi32> to vector<32xbf16>
      %add3A_629 = arith.addf %add3A_585, %bitcast3A_628 : vector<32xbf16>
      %add3A_630 = arith.constant 5 : i32
      %add3A_631 = arith.addi %mul3A_388, %add3A_630 : i32
      %get3A_632 = arith.constant 0 : i32
      %get3A_633 = arith.constant 0 : i32
      %get3A_634 = tpu.memref_slice %arg6[%scan3A_181, %get3A_632, %get3A_633] : memref<4x200x64xi32, #tpu.memory_space<vmem>> -> memref<1x200x64xi32, #tpu.memory_space<vmem>>
      %get3A_635 = tpu.memref_squeeze %get3A_634 : memref<1x200x64xi32, #tpu.memory_space<vmem>> -> memref<200x64xi32, #tpu.memory_space<vmem>>
      %get3A_636 = arith.index_cast %add3A_631 : i32 to index
      %get3A_637 = arith.constant 32 : index
      %get3A_638 = tpu.vector_load %get3A_635[%get3A_636, %get3A_637] {strides = array<i32>} : memref<200x64xi32, #tpu.memory_space<vmem>>, vector<16xi32>,
      %bitcast3A_639 = vector.bitcast %get3A_638 : vector<16xi32> to vector<32xbf16>
      %add3A_640 = arith.addf %add3A_596, %bitcast3A_639 : vector<32xbf16>
      %add3A_641 = arith.constant 5 : i32
      %add3A_642 = arith.addi %mul3A_388, %add3A_641 : i32
      %get3A_643 = arith.constant 0 : i32
      %get3A_644 = arith.constant 0 : i32
      %get3A_645 = tpu.memref_slice %arg6[%scan3A_181, %get3A_643, %get3A_644] : memref<4x200x64xi32, #tpu.memory_space<vmem>> -> memref<1x200x64xi32, #tpu.memory_space<vmem>>
      %get3A_646 = tpu.memref_squeeze %get3A_645 : memref<1x200x64xi32, #tpu.memory_space<vmem>> -> memref<200x64xi32, #tpu.memory_space<vmem>>
      %get3A_647 = arith.index_cast %add3A_642 : i32 to index
      %get3A_648 = arith.constant 48 : index
      %get3A_649 = tpu.vector_load %get3A_646[%get3A_647, %get3A_648] {strides = array<i32>} : memref<200x64xi32, #tpu.memory_space<vmem>>, vector<16xi32>,
      %bitcast3A_650 = vector.bitcast %get3A_649 : vector<16xi32> to vector<32xbf16>
      %add3A_651 = arith.addf %add3A_607, %bitcast3A_650 : vector<32xbf16>
      %add3A_652 = arith.constant 6 : i32
      %add3A_653 = arith.addi %mul3A_388, %add3A_652 : i32
      %get3A_654 = arith.constant 0 : i32
      %get3A_655 = arith.constant 0 : i32
      %get3A_656 = tpu.memref_slice %arg6[%scan3A_181, %get3A_654, %get3A_655] : memref<4x200x64xi32, #tpu.memory_space<vmem>> -> memref<1x200x64xi32, #tpu.memory_space<vmem>>
      %get3A_657 = tpu.memref_squeeze %get3A_656 : memref<1x200x64xi32, #tpu.memory_space<vmem>> -> memref<200x64xi32, #tpu.memory_space<vmem>>
      %get3A_658 = arith.index_cast %add3A_653 : i32 to index
      %get3A_659 = arith.constant 0 : index
      %get3A_660 = tpu.vector_load %get3A_657[%get3A_658, %get3A_659] {strides = array<i32>} : memref<200x64xi32, #tpu.memory_space<vmem>>, vector<16xi32>,
      %bitcast3A_661 = vector.bitcast %get3A_660 : vector<16xi32> to vector<32xbf16>
      %add3A_662 = arith.addf %add3A_618, %bitcast3A_661 : vector<32xbf16>
      %add3A_663 = arith.constant 6 : i32
      %add3A_664 = arith.addi %mul3A_388, %add3A_663 : i32
      %get3A_665 = arith.constant 0 : i32
      %get3A_666 = arith.constant 0 : i32
      %get3A_667 = tpu.memref_slice %arg6[%scan3A_181, %get3A_665, %get3A_666] : memref<4x200x64xi32, #tpu.memory_space<vmem>> -> memref<1x200x64xi32, #tpu.memory_space<vmem>>
      %get3A_668 = tpu.memref_squeeze %get3A_667 : memref<1x200x64xi32, #tpu.memory_space<vmem>> -> memref<200x64xi32, #tpu.memory_space<vmem>>
      %get3A_669 = arith.index_cast %add3A_664 : i32 to index
      %get3A_670 = arith.constant 16 : index
      %get3A_671 = tpu.vector_load %get3A_668[%get3A_669, %get3A_670] {strides = array<i32>} : memref<200x64xi32, #tpu.memory_space<vmem>>, vector<16xi32>,
      %bitcast3A_672 = vector.bitcast %get3A_671 : vector<16xi32> to vector<32xbf16>
      %add3A_673 = arith.addf %add3A_629, %bitcast3A_672 : vector<32xbf16>
      %add3A_674 = arith.constant 6 : i32
      %add3A_675 = arith.addi %mul3A_388, %add3A_674 : i32
      %get3A_676 = arith.constant 0 : i32
      %get3A_677 = arith.constant 0 : i32
      %get3A_678 = tpu.memref_slice %arg6[%scan3A_181, %get3A_676, %get3A_677] : memref<4x200x64xi32, #tpu.memory_space<vmem>> -> memref<1x200x64xi32, #tpu.memory_space<vmem>>
      %get3A_679 = tpu.memref_squeeze %get3A_678 : memref<1x200x64xi32, #tpu.memory_space<vmem>> -> memref<200x64xi32, #tpu.memory_space<vmem>>
      %get3A_680 = arith.index_cast %add3A_675 : i32 to index
      %get3A_681 = arith.constant 32 : index
      %get3A_682 = tpu.vector_load %get3A_679[%get3A_680, %get3A_681] {strides = array<i32>} : memref<200x64xi32, #tpu.memory_space<vmem>>, vector<16xi32>,
      %bitcast3A_683 = vector.bitcast %get3A_682 : vector<16xi32> to vector<32xbf16>
      %add3A_684 = arith.addf %add3A_640, %bitcast3A_683 : vector<32xbf16>
      %add3A_685 = arith.constant 6 : i32
      %add3A_686 = arith.addi %mul3A_388, %add3A_685 : i32
      %get3A_687 = arith.constant 0 : i32
      %get3A_688 = arith.constant 0 : i32
      %get3A_689 = tpu.memref_slice %arg6[%scan3A_181, %get3A_687, %get3A_688] : memref<4x200x64xi32, #tpu.memory_space<vmem>> -> memref<1x200x64xi32, #tpu.memory_space<vmem>>
      %get3A_690 = tpu.memref_squeeze %get3A_689 : memref<1x200x64xi32, #tpu.memory_space<vmem>> -> memref<200x64xi32, #tpu.memory_space<vmem>>
      %get3A_691 = arith.index_cast %add3A_686 : i32 to index
      %get3A_692 = arith.constant 48 : index
      %get3A_693 = tpu.vector_load %get3A_690[%get3A_691, %get3A_692] {strides = array<i32>} : memref<200x64xi32, #tpu.memory_space<vmem>>, vector<16xi32>,
      %bitcast3A_694 = vector.bitcast %get3A_693 : vector<16xi32> to vector<32xbf16>
      %add3A_695 = arith.addf %add3A_651, %bitcast3A_694 : vector<32xbf16>
      %add3A_696 = arith.constant 7 : i32
      %add3A_697 = arith.addi %mul3A_388, %add3A_696 : i32
      %get3A_698 = arith.constant 0 : i32
      %get3A_699 = arith.constant 0 : i32
      %get3A_700 = tpu.memref_slice %arg6[%scan3A_181, %get3A_698, %get3A_699] : memref<4x200x64xi32, #tpu.memory_space<vmem>> -> memref<1x200x64xi32, #tpu.memory_space<vmem>>
      %get3A_701 = tpu.memref_squeeze %get3A_700 : memref<1x200x64xi32, #tpu.memory_space<vmem>> -> memref<200x64xi32, #tpu.memory_space<vmem>>
      %get3A_702 = arith.index_cast %add3A_697 : i32 to index
      %get3A_703 = arith.constant 0 : index
      %get3A_704 = tpu.vector_load %get3A_701[%get3A_702, %get3A_703] {strides = array<i32>} : memref<200x64xi32, #tpu.memory_space<vmem>>, vector<16xi32>,
      %bitcast3A_705 = vector.bitcast %get3A_704 : vector<16xi32> to vector<32xbf16>
      %add3A_706 = arith.addf %add3A_662, %bitcast3A_705 : vector<32xbf16>
      %add3A_707 = arith.constant 7 : i32
      %add3A_708 = arith.addi %mul3A_388, %add3A_707 : i32
      %get3A_709 = arith.constant 0 : i32
      %get3A_710 = arith.constant 0 : i32
      %get3A_711 = tpu.memref_slice %arg6[%scan3A_181, %get3A_709, %get3A_710] : memref<4x200x64xi32, #tpu.memory_space<vmem>> -> memref<1x200x64xi32, #tpu.memory_space<vmem>>
      %get3A_712 = tpu.memref_squeeze %get3A_711 : memref<1x200x64xi32, #tpu.memory_space<vmem>> -> memref<200x64xi32, #tpu.memory_space<vmem>>
      %get3A_713 = arith.index_cast %add3A_708 : i32 to index
      %get3A_714 = arith.constant 16 : index
      %get3A_715 = tpu.vector_load %get3A_712[%get3A_713, %get3A_714] {strides = array<i32>} : memref<200x64xi32, #tpu.memory_space<vmem>>, vector<16xi32>,
      %bitcast3A_716 = vector.bitcast %get3A_715 : vector<16xi32> to vector<32xbf16>
      %add3A_717 = arith.addf %add3A_673, %bitcast3A_716 : vector<32xbf16>
      %add3A_718 = arith.constant 7 : i32
      %add3A_719 = arith.addi %mul3A_388, %add3A_718 : i32
      %get3A_720 = arith.constant 0 : i32
      %get3A_721 = arith.constant 0 : i32
      %get3A_722 = tpu.memref_slice %arg6[%scan3A_181, %get3A_720, %get3A_721] : memref<4x200x64xi32, #tpu.memory_space<vmem>> -> memref<1x200x64xi32, #tpu.memory_space<vmem>>
      %get3A_723 = tpu.memref_squeeze %get3A_722 : memref<1x200x64xi32, #tpu.memory_space<vmem>> -> memref<200x64xi32, #tpu.memory_space<vmem>>
      %get3A_724 = arith.index_cast %add3A_719 : i32 to index
      %get3A_725 = arith.constant 32 : index
      %get3A_726 = tpu.vector_load %get3A_723[%get3A_724, %get3A_725] {strides = array<i32>} : memref<200x64xi32, #tpu.memory_space<vmem>>, vector<16xi32>,
      %bitcast3A_727 = vector.bitcast %get3A_726 : vector<16xi32> to vector<32xbf16>
      %add3A_728 = arith.addf %add3A_684, %bitcast3A_727 : vector<32xbf16>
      %add3A_729 = arith.constant 7 : i32
      %add3A_730 = arith.addi %mul3A_388, %add3A_729 : i32
      %get3A_731 = arith.constant 0 : i32
      %get3A_732 = arith.constant 0 : i32
      %get3A_733 = tpu.memref_slice %arg6[%scan3A_181, %get3A_731, %get3A_732] : memref<4x200x64xi32, #tpu.memory_space<vmem>> -> memref<1x200x64xi32, #tpu.memory_space<vmem>>
      %get3A_734 = tpu.memref_squeeze %get3A_733 : memref<1x200x64xi32, #tpu.memory_space<vmem>> -> memref<200x64xi32, #tpu.memory_space<vmem>>
      %get3A_735 = arith.index_cast %add3A_730 : i32 to index
      %get3A_736 = arith.constant 48 : index
      %get3A_737 = tpu.vector_load %get3A_734[%get3A_735, %get3A_736] {strides = array<i32>} : memref<200x64xi32, #tpu.memory_space<vmem>>, vector<16xi32>,
      %bitcast3A_738 = vector.bitcast %get3A_737 : vector<16xi32> to vector<32xbf16>
      %add3A_739 = arith.addf %add3A_695, %bitcast3A_738 : vector<32xbf16>
      scf.yield %add3A_706, %add3A_717, %add3A_728, %add3A_739 : vector<32xbf16>, vector<32xbf16>, vector<32xbf16>, vector<32xbf16>
    }
    %scan3A_187 = arith.constant 25 : i32
    %bitcast3A_188 = vector.bitcast %scan3A_186#0 : vector<32xbf16> to vector<16xi32>
    %shift_left3A_189 = arith.constant 16 : i32
    %shift_left3A_190 = vector.broadcast %shift_left3A_189 : i32 to vector<16xi32>
    %shift_left3A_191 = arith.shli %bitcast3A_188, %shift_left3A_190 : vector<16xi32>
    %bitcast3A_192 = vector.bitcast %shift_left3A_191 : vector<16xi32> to vector<16xf32>
    %and3A_193 = arith.andi %bitcast3A_188, %broadcast_in_dim3A_5 : vector<16xi32>
    %bitcast3A_194 = vector.bitcast %and3A_193 : vector<16xi32> to vector<16xf32>
    %swap3A_195 = arith.constant 16000 : index
    %swap3A_196 = tpu.vector_load %arg7[%swap3A_195] {strides = array<i32>} : memref<16384xf32, #tpu.memory_space<vmem>>, vector<16xf32>,
    tpu.vector_store %arg7[%swap3A_195], %bitcast3A_192 {strides = array<i32>} : memref<16384xf32, #tpu.memory_space<vmem>>, vector<16xf32>,
    %swap3A_197 = arith.constant 16016 : index
    %swap3A_198 = tpu.vector_load %arg7[%swap3A_197] {strides = array<i32>} : memref<16384xf32, #tpu.memory_space<vmem>>, vector<16xf32>,
    tpu.vector_store %arg7[%swap3A_197], %bitcast3A_194 {strides = array<i32>} : memref<16384xf32, #tpu.memory_space<vmem>>, vector<16xf32>,
    %bitcast3A_199 = vector.bitcast %scan3A_186#1 : vector<32xbf16> to vector<16xi32>
    %shift_left3A_200 = arith.constant 16 : i32
    %shift_left3A_201 = vector.broadcast %shift_left3A_200 : i32 to vector<16xi32>
    %shift_left3A_202 = arith.shli %bitcast3A_199, %shift_left3A_201 : vector<16xi32>
    %bitcast3A_203 = vector.bitcast %shift_left3A_202 : vector<16xi32> to vector<16xf32>
    %and3A_204 = arith.andi %bitcast3A_199, %broadcast_in_dim3A_5 : vector<16xi32>
    %bitcast3A_205 = vector.bitcast %and3A_204 : vector<16xi32> to vector<16xf32>
    %swap3A_206 = arith.constant 16032 : index
    %swap3A_207 = tpu.vector_load %arg7[%swap3A_206] {strides = array<i32>} : memref<16384xf32, #tpu.memory_space<vmem>>, vector<16xf32>,
    tpu.vector_store %arg7[%swap3A_206], %bitcast3A_203 {strides = array<i32>} : memref<16384xf32, #tpu.memory_space<vmem>>, vector<16xf32>,
    %swap3A_208 = arith.constant 16048 : index
    %swap3A_209 = tpu.vector_load %arg7[%swap3A_208] {strides = array<i32>} : memref<16384xf32, #tpu.memory_space<vmem>>, vector<16xf32>,
    tpu.vector_store %arg7[%swap3A_208], %bitcast3A_205 {strides = array<i32>} : memref<16384xf32, #tpu.memory_space<vmem>>, vector<16xf32>,
    %bitcast3A_210 = vector.bitcast %scan3A_186#2 : vector<32xbf16> to vector<16xi32>
    %shift_left3A_211 = arith.constant 16 : i32
    %shift_left3A_212 = vector.broadcast %shift_left3A_211 : i32 to vector<16xi32>
    %shift_left3A_213 = arith.shli %bitcast3A_210, %shift_left3A_212 : vector<16xi32>
    %bitcast3A_214 = vector.bitcast %shift_left3A_213 : vector<16xi32> to vector<16xf32>
    %and3A_215 = arith.andi %bitcast3A_210, %broadcast_in_dim3A_5 : vector<16xi32>
    %bitcast3A_216 = vector.bitcast %and3A_215 : vector<16xi32> to vector<16xf32>
    %swap3A_217 = arith.constant 16064 : index
    %swap3A_218 = tpu.vector_load %arg7[%swap3A_217] {strides = array<i32>} : memref<16384xf32, #tpu.memory_space<vmem>>, vector<16xf32>,
    tpu.vector_store %arg7[%swap3A_217], %bitcast3A_214 {strides = array<i32>} : memref<16384xf32, #tpu.memory_space<vmem>>, vector<16xf32>,
    %swap3A_219 = arith.constant 16080 : index
    %swap3A_220 = tpu.vector_load %arg7[%swap3A_219] {strides = array<i32>} : memref<16384xf32, #tpu.memory_space<vmem>>, vector<16xf32>,
    tpu.vector_store %arg7[%swap3A_219], %bitcast3A_216 {strides = array<i32>} : memref<16384xf32, #tpu.memory_space<vmem>>, vector<16xf32>,
    %bitcast3A_221 = vector.bitcast %scan3A_186#3 : vector<32xbf16> to vector<16xi32>
    %shift_left3A_222 = arith.constant 16 : i32
    %shift_left3A_223 = vector.broadcast %shift_left3A_222 : i32 to vector<16xi32>
    %shift_left3A_224 = arith.shli %bitcast3A_221, %shift_left3A_223 : vector<16xi32>
    %bitcast3A_225 = vector.bitcast %shift_left3A_224 : vector<16xi32> to vector<16xf32>
    %and3A_226 = arith.andi %bitcast3A_221, %broadcast_in_dim3A_5 : vector<16xi32>
    %bitcast3A_227 = vector.bitcast %and3A_226 : vector<16xi32> to vector<16xf32>
    %swap3A_228 = arith.constant 16096 : index
    %swap3A_229 = tpu.vector_load %arg7[%swap3A_228] {strides = array<i32>} : memref<16384xf32, #tpu.memory_space<vmem>>, vector<16xf32>,
    tpu.vector_store %arg7[%swap3A_228], %bitcast3A_225 {strides = array<i32>} : memref<16384xf32, #tpu.memory_space<vmem>>, vector<16xf32>,
    %swap3A_230 = arith.constant 16112 : index
    %swap3A_231 = tpu.vector_load %arg7[%swap3A_230] {strides = array<i32>} : memref<16384xf32, #tpu.memory_space<vmem>>, vector<16xf32>,
    tpu.vector_store %arg7[%swap3A_230], %bitcast3A_227 {strides = array<i32>} : memref<16384xf32, #tpu.memory_space<vmem>>, vector<16xf32>,
    %dma_wait3A_232 = arith.constant 2 : i32
    %dma_wait3A_233 = arith.constant 0 : i32
    %dma_wait3A_234 = arith.constant 0 : i32
    %dma_wait3A_235 = tpu.memref_slice %arg6[%dma_wait3A_232, %dma_wait3A_233, %dma_wait3A_234] : memref<4x200x64xi32, #tpu.memory_space<vmem>> -> memref<1x200x64xi32, #tpu.memory_space<vmem>>
    %dma_wait3A_236 = tpu.memref_squeeze %dma_wait3A_235 : memref<1x200x64xi32, #tpu.memory_space<vmem>> -> memref<200x64xi32, #tpu.memory_space<vmem>>
    %dma_wait3A_237 = arith.constant 0 : i32
    %dma_wait3A_238 = arith.constant 0 : i32
    %dma_wait3A_239 = tpu.memref_slice %arg3[%dma_wait3A_237, %dma_wait3A_238] : memref<100000x64xi32, #tpu.memory_space<hbm>> -> memref<200x64xi32, #tpu.memory_space<hbm>>
    %dma_wait3A_240 = arith.constant 0 : i32
    %dma_wait3A_241 = arith.constant 0 : i32
    %dma_wait3A_242 = tpu.memref_slice %arg6[%dma_wait3A_232, %dma_wait3A_240, %dma_wait3A_241] : memref<4x200x64xi32, #tpu.memory_space<vmem>> -> memref<1x200x64xi32, #tpu.memory_space<vmem>>
    %dma_wait3A_243 = tpu.memref_squeeze %dma_wait3A_242 : memref<1x200x64xi32, #tpu.memory_space<vmem>> -> memref<200x64xi32, #tpu.memory_space<vmem>>
    %dma_wait3A_244 = arith.constant 0 : i32
    %dma_wait3A_245 = arith.constant 0 : i32
    %dma_wait3A_246 = tpu.memref_slice %arg3[%dma_wait3A_244, %dma_wait3A_245] : memref<100000x64xi32, #tpu.memory_space<hbm>> -> memref<200x64xi32, #tpu.memory_space<hbm>>
    tpu.wait_dma2 semaphore(%arg10 : memref<!tpu.dma_semaphore, #tpu.memory_space<semaphore_mem>>) src(%dma_wait3A_246 : memref<200x64xi32, #tpu.memory_space<hbm>>) dst(%dma_wait3A_243 : memref<200x64xi32, #tpu.memory_space<vmem>>)
    %broadcast_in_dim3A_247 = arith.constant 0.000000e+00 : bf16
    %broadcast_in_dim3A_248 = vector.broadcast %broadcast_in_dim3A_247 : bf16 to vector<32xbf16>
    %broadcast_in_dim3A_249 = arith.constant 0.000000e+00 : bf16
    %broadcast_in_dim3A_250 = vector.broadcast %broadcast_in_dim3A_249 : bf16 to vector<32xbf16>
    %broadcast_in_dim3A_251 = arith.constant 0.000000e+00 : bf16
    %broadcast_in_dim3A_252 = vector.broadcast %broadcast_in_dim3A_251 : bf16 to vector<32xbf16>
    %broadcast_in_dim3A_253 = arith.constant 0.000000e+00 : bf16
    %broadcast_in_dim3A_254 = vector.broadcast %broadcast_in_dim3A_253 : bf16 to vector<32xbf16>
    %scan3A_255 = arith.constant 2 : i32
    %scan3A_256 = arith.constant 0 : i32
    %scan3A_257 = arith.constant 25 : i32
    %scan3A_258 = arith.addi %scan3A_256, %scan3A_257 : i32
    %scan3A_259 = arith.constant 1 : i32
    %scan3A_260:4 = scf.for %scan3A_382 = %scan3A_256 to %scan3A_258 step %scan3A_259 iter_args(%scan3A_383 = %broadcast_in_dim3A_248, %scan3A_384 = %broadcast_in_dim3A_250, %scan3A_385 = %broadcast_in_dim3A_252, %scan3A_386 = %broadcast_in_dim3A_254) -> (vector<32xbf16>, vector<32xbf16>, vector<32xbf16>, vector<32xbf16>)  : i32 {
      %mul3A_387 = arith.constant 8 : i32
      %mul3A_388 = arith.muli %scan3A_382, %mul3A_387 : i32
      %add3A_389 = arith.constant 0 : i32
      %add3A_390 = arith.addi %mul3A_388, %add3A_389 : i32
      %get3A = arith.constant 0 : i32
      %get3A_391 = arith.constant 0 : i32
      %get3A_392 = tpu.memref_slice %arg6[%scan3A_255, %get3A, %get3A_391] : memref<4x200x64xi32, #tpu.memory_space<vmem>> -> memref<1x200x64xi32, #tpu.memory_space<vmem>>
      %get3A_393 = tpu.memref_squeeze %get3A_392 : memref<1x200x64xi32, #tpu.memory_space<vmem>> -> memref<200x64xi32, #tpu.memory_space<vmem>>
      %get3A_394 = arith.index_cast %add3A_390 : i32 to index
      %get3A_395 = arith.constant 0 : index
      %get3A_396 = tpu.vector_load %get3A_393[%get3A_394, %get3A_395] {strides = array<i32>} : memref<200x64xi32, #tpu.memory_space<vmem>>, vector<16xi32>,
      %bitcast3A_397 = vector.bitcast %get3A_396 : vector<16xi32> to vector<32xbf16>
      %add3A_398 = arith.addf %scan3A_383, %bitcast3A_397 : vector<32xbf16>
      %add3A_399 = arith.constant 0 : i32
      %add3A_400 = arith.addi %mul3A_388, %add3A_399 : i32
      %get3A_401 = arith.constant 0 : i32
      %get3A_402 = arith.constant 0 : i32
      %get3A_403 = tpu.memref_slice %arg6[%scan3A_255, %get3A_401, %get3A_402] : memref<4x200x64xi32, #tpu.memory_space<vmem>> -> memref<1x200x64xi32, #tpu.memory_space<vmem>>
      %get3A_404 = tpu.memref_squeeze %get3A_403 : memref<1x200x64xi32, #tpu.memory_space<vmem>> -> memref<200x64xi32, #tpu.memory_space<vmem>>
      %get3A_405 = arith.index_cast %add3A_400 : i32 to index
      %get3A_406 = arith.constant 16 : index
      %get3A_407 = tpu.vector_load %get3A_404[%get3A_405, %get3A_406] {strides = array<i32>} : memref<200x64xi32, #tpu.memory_space<vmem>>, vector<16xi32>,
      %bitcast3A_408 = vector.bitcast %get3A_407 : vector<16xi32> to vector<32xbf16>
      %add3A_409 = arith.addf %scan3A_384, %bitcast3A_408 : vector<32xbf16>
      %add3A_410 = arith.constant 0 : i32
      %add3A_411 = arith.addi %mul3A_388, %add3A_410 : i32
      %get3A_412 = arith.constant 0 : i32
      %get3A_413 = arith.constant 0 : i32
      %get3A_414 = tpu.memref_slice %arg6[%scan3A_255, %get3A_412, %get3A_413] : memref<4x200x64xi32, #tpu.memory_space<vmem>> -> memref<1x200x64xi32, #tpu.memory_space<vmem>>
      %get3A_415 = tpu.memref_squeeze %get3A_414 : memref<1x200x64xi32, #tpu.memory_space<vmem>> -> memref<200x64xi32, #tpu.memory_space<vmem>>
      %get3A_416 = arith.index_cast %add3A_411 : i32 to index
      %get3A_417 = arith.constant 32 : index
      %get3A_418 = tpu.vector_load %get3A_415[%get3A_416, %get3A_417] {strides = array<i32>} : memref<200x64xi32, #tpu.memory_space<vmem>>, vector<16xi32>,
      %bitcast3A_419 = vector.bitcast %get3A_418 : vector<16xi32> to vector<32xbf16>
      %add3A_420 = arith.addf %scan3A_385, %bitcast3A_419 : vector<32xbf16>
      %add3A_421 = arith.constant 0 : i32
      %add3A_422 = arith.addi %mul3A_388, %add3A_421 : i32
      %get3A_423 = arith.constant 0 : i32
      %get3A_424 = arith.constant 0 : i32
      %get3A_425 = tpu.memref_slice %arg6[%scan3A_255, %get3A_423, %get3A_424] : memref<4x200x64xi32, #tpu.memory_space<vmem>> -> memref<1x200x64xi32, #tpu.memory_space<vmem>>
      %get3A_426 = tpu.memref_squeeze %get3A_425 : memref<1x200x64xi32, #tpu.memory_space<vmem>> -> memref<200x64xi32, #tpu.memory_space<vmem>>
      %get3A_427 = arith.index_cast %add3A_422 : i32 to index
      %get3A_428 = arith.constant 48 : index
      %get3A_429 = tpu.vector_load %get3A_426[%get3A_427, %get3A_428] {strides = array<i32>} : memref<200x64xi32, #tpu.memory_space<vmem>>, vector<16xi32>,
      %bitcast3A_430 = vector.bitcast %get3A_429 : vector<16xi32> to vector<32xbf16>
      %add3A_431 = arith.addf %scan3A_386, %bitcast3A_430 : vector<32xbf16>
      %add3A_432 = arith.constant 1 : i32
      %add3A_433 = arith.addi %mul3A_388, %add3A_432 : i32
      %get3A_434 = arith.constant 0 : i32
      %get3A_435 = arith.constant 0 : i32
      %get3A_436 = tpu.memref_slice %arg6[%scan3A_255, %get3A_434, %get3A_435] : memref<4x200x64xi32, #tpu.memory_space<vmem>> -> memref<1x200x64xi32, #tpu.memory_space<vmem>>
      %get3A_437 = tpu.memref_squeeze %get3A_436 : memref<1x200x64xi32, #tpu.memory_space<vmem>> -> memref<200x64xi32, #tpu.memory_space<vmem>>
      %get3A_438 = arith.index_cast %add3A_433 : i32 to index
      %get3A_439 = arith.constant 0 : index
      %get3A_440 = tpu.vector_load %get3A_437[%get3A_438, %get3A_439] {strides = array<i32>} : memref<200x64xi32, #tpu.memory_space<vmem>>, vector<16xi32>,
      %bitcast3A_441 = vector.bitcast %get3A_440 : vector<16xi32> to vector<32xbf16>
      %add3A_442 = arith.addf %add3A_398, %bitcast3A_441 : vector<32xbf16>
      %add3A_443 = arith.constant 1 : i32
      %add3A_444 = arith.addi %mul3A_388, %add3A_443 : i32
      %get3A_445 = arith.constant 0 : i32
      %get3A_446 = arith.constant 0 : i32
      %get3A_447 = tpu.memref_slice %arg6[%scan3A_255, %get3A_445, %get3A_446] : memref<4x200x64xi32, #tpu.memory_space<vmem>> -> memref<1x200x64xi32, #tpu.memory_space<vmem>>
      %get3A_448 = tpu.memref_squeeze %get3A_447 : memref<1x200x64xi32, #tpu.memory_space<vmem>> -> memref<200x64xi32, #tpu.memory_space<vmem>>
      %get3A_449 = arith.index_cast %add3A_444 : i32 to index
      %get3A_450 = arith.constant 16 : index
      %get3A_451 = tpu.vector_load %get3A_448[%get3A_449, %get3A_450] {strides = array<i32>} : memref<200x64xi32, #tpu.memory_space<vmem>>, vector<16xi32>,
      %bitcast3A_452 = vector.bitcast %get3A_451 : vector<16xi32> to vector<32xbf16>
      %add3A_453 = arith.addf %add3A_409, %bitcast3A_452 : vector<32xbf16>
      %add3A_454 = arith.constant 1 : i32
      %add3A_455 = arith.addi %mul3A_388, %add3A_454 : i32
      %get3A_456 = arith.constant 0 : i32
      %get3A_457 = arith.constant 0 : i32
      %get3A_458 = tpu.memref_slice %arg6[%scan3A_255, %get3A_456, %get3A_457] : memref<4x200x64xi32, #tpu.memory_space<vmem>> -> memref<1x200x64xi32, #tpu.memory_space<vmem>>
      %get3A_459 = tpu.memref_squeeze %get3A_458 : memref<1x200x64xi32, #tpu.memory_space<vmem>> -> memref<200x64xi32, #tpu.memory_space<vmem>>
      %get3A_460 = arith.index_cast %add3A_455 : i32 to index
      %get3A_461 = arith.constant 32 : index
      %get3A_462 = tpu.vector_load %get3A_459[%get3A_460, %get3A_461] {strides = array<i32>} : memref<200x64xi32, #tpu.memory_space<vmem>>, vector<16xi32>,
      %bitcast3A_463 = vector.bitcast %get3A_462 : vector<16xi32> to vector<32xbf16>
      %add3A_464 = arith.addf %add3A_420, %bitcast3A_463 : vector<32xbf16>
      %add3A_465 = arith.constant 1 : i32
      %add3A_466 = arith.addi %mul3A_388, %add3A_465 : i32
      %get3A_467 = arith.constant 0 : i32
      %get3A_468 = arith.constant 0 : i32
      %get3A_469 = tpu.memref_slice %arg6[%scan3A_255, %get3A_467, %get3A_468] : memref<4x200x64xi32, #tpu.memory_space<vmem>> -> memref<1x200x64xi32, #tpu.memory_space<vmem>>
      %get3A_470 = tpu.memref_squeeze %get3A_469 : memref<1x200x64xi32, #tpu.memory_space<vmem>> -> memref<200x64xi32, #tpu.memory_space<vmem>>
      %get3A_471 = arith.index_cast %add3A_466 : i32 to index
      %get3A_472 = arith.constant 48 : index
      %get3A_473 = tpu.vector_load %get3A_470[%get3A_471, %get3A_472] {strides = array<i32>} : memref<200x64xi32, #tpu.memory_space<vmem>>, vector<16xi32>,
      %bitcast3A_474 = vector.bitcast %get3A_473 : vector<16xi32> to vector<32xbf16>
      %add3A_475 = arith.addf %add3A_431, %bitcast3A_474 : vector<32xbf16>
      %add3A_476 = arith.constant 2 : i32
      %add3A_477 = arith.addi %mul3A_388, %add3A_476 : i32
      %get3A_478 = arith.constant 0 : i32
      %get3A_479 = arith.constant 0 : i32
      %get3A_480 = tpu.memref_slice %arg6[%scan3A_255, %get3A_478, %get3A_479] : memref<4x200x64xi32, #tpu.memory_space<vmem>> -> memref<1x200x64xi32, #tpu.memory_space<vmem>>
      %get3A_481 = tpu.memref_squeeze %get3A_480 : memref<1x200x64xi32, #tpu.memory_space<vmem>> -> memref<200x64xi32, #tpu.memory_space<vmem>>
      %get3A_482 = arith.index_cast %add3A_477 : i32 to index
      %get3A_483 = arith.constant 0 : index
      %get3A_484 = tpu.vector_load %get3A_481[%get3A_482, %get3A_483] {strides = array<i32>} : memref<200x64xi32, #tpu.memory_space<vmem>>, vector<16xi32>,
      %bitcast3A_485 = vector.bitcast %get3A_484 : vector<16xi32> to vector<32xbf16>
      %add3A_486 = arith.addf %add3A_442, %bitcast3A_485 : vector<32xbf16>
      %add3A_487 = arith.constant 2 : i32
      %add3A_488 = arith.addi %mul3A_388, %add3A_487 : i32
      %get3A_489 = arith.constant 0 : i32
      %get3A_490 = arith.constant 0 : i32
      %get3A_491 = tpu.memref_slice %arg6[%scan3A_255, %get3A_489, %get3A_490] : memref<4x200x64xi32, #tpu.memory_space<vmem>> -> memref<1x200x64xi32, #tpu.memory_space<vmem>>
      %get3A_492 = tpu.memref_squeeze %get3A_491 : memref<1x200x64xi32, #tpu.memory_space<vmem>> -> memref<200x64xi32, #tpu.memory_space<vmem>>
      %get3A_493 = arith.index_cast %add3A_488 : i32 to index
      %get3A_494 = arith.constant 16 : index
      %get3A_495 = tpu.vector_load %get3A_492[%get3A_493, %get3A_494] {strides = array<i32>} : memref<200x64xi32, #tpu.memory_space<vmem>>, vector<16xi32>,
      %bitcast3A_496 = vector.bitcast %get3A_495 : vector<16xi32> to vector<32xbf16>
      %add3A_497 = arith.addf %add3A_453, %bitcast3A_496 : vector<32xbf16>
      %add3A_498 = arith.constant 2 : i32
      %add3A_499 = arith.addi %mul3A_388, %add3A_498 : i32
      %get3A_500 = arith.constant 0 : i32
      %get3A_501 = arith.constant 0 : i32
      %get3A_502 = tpu.memref_slice %arg6[%scan3A_255, %get3A_500, %get3A_501] : memref<4x200x64xi32, #tpu.memory_space<vmem>> -> memref<1x200x64xi32, #tpu.memory_space<vmem>>
      %get3A_503 = tpu.memref_squeeze %get3A_502 : memref<1x200x64xi32, #tpu.memory_space<vmem>> -> memref<200x64xi32, #tpu.memory_space<vmem>>
      %get3A_504 = arith.index_cast %add3A_499 : i32 to index
      %get3A_505 = arith.constant 32 : index
      %get3A_506 = tpu.vector_load %get3A_503[%get3A_504, %get3A_505] {strides = array<i32>} : memref<200x64xi32, #tpu.memory_space<vmem>>, vector<16xi32>,
      %bitcast3A_507 = vector.bitcast %get3A_506 : vector<16xi32> to vector<32xbf16>
      %add3A_508 = arith.addf %add3A_464, %bitcast3A_507 : vector<32xbf16>
      %add3A_509 = arith.constant 2 : i32
      %add3A_510 = arith.addi %mul3A_388, %add3A_509 : i32
      %get3A_511 = arith.constant 0 : i32
      %get3A_512 = arith.constant 0 : i32
      %get3A_513 = tpu.memref_slice %arg6[%scan3A_255, %get3A_511, %get3A_512] : memref<4x200x64xi32, #tpu.memory_space<vmem>> -> memref<1x200x64xi32, #tpu.memory_space<vmem>>
      %get3A_514 = tpu.memref_squeeze %get3A_513 : memref<1x200x64xi32, #tpu.memory_space<vmem>> -> memref<200x64xi32, #tpu.memory_space<vmem>>
      %get3A_515 = arith.index_cast %add3A_510 : i32 to index
      %get3A_516 = arith.constant 48 : index
      %get3A_517 = tpu.vector_load %get3A_514[%get3A_515, %get3A_516] {strides = array<i32>} : memref<200x64xi32, #tpu.memory_space<vmem>>, vector<16xi32>,
      %bitcast3A_518 = vector.bitcast %get3A_517 : vector<16xi32> to vector<32xbf16>
      %add3A_519 = arith.addf %add3A_475, %bitcast3A_518 : vector<32xbf16>
      %add3A_520 = arith.constant 3 : i32
      %add3A_521 = arith.addi %mul3A_388, %add3A_520 : i32
      %get3A_522 = arith.constant 0 : i32
      %get3A_523 = arith.constant 0 : i32
      %get3A_524 = tpu.memref_slice %arg6[%scan3A_255, %get3A_522, %get3A_523] : memref<4x200x64xi32, #tpu.memory_space<vmem>> -> memref<1x200x64xi32, #tpu.memory_space<vmem>>
      %get3A_525 = tpu.memref_squeeze %get3A_524 : memref<1x200x64xi32, #tpu.memory_space<vmem>> -> memref<200x64xi32, #tpu.memory_space<vmem>>
      %get3A_526 = arith.index_cast %add3A_521 : i32 to index
      %get3A_527 = arith.constant 0 : index
      %get3A_528 = tpu.vector_load %get3A_525[%get3A_526, %get3A_527] {strides = array<i32>} : memref<200x64xi32, #tpu.memory_space<vmem>>, vector<16xi32>,
      %bitcast3A_529 = vector.bitcast %get3A_528 : vector<16xi32> to vector<32xbf16>
      %add3A_530 = arith.addf %add3A_486, %bitcast3A_529 : vector<32xbf16>
      %add3A_531 = arith.constant 3 : i32
      %add3A_532 = arith.addi %mul3A_388, %add3A_531 : i32
      %get3A_533 = arith.constant 0 : i32
      %get3A_534 = arith.constant 0 : i32
      %get3A_535 = tpu.memref_slice %arg6[%scan3A_255, %get3A_533, %get3A_534] : memref<4x200x64xi32, #tpu.memory_space<vmem>> -> memref<1x200x64xi32, #tpu.memory_space<vmem>>
      %get3A_536 = tpu.memref_squeeze %get3A_535 : memref<1x200x64xi32, #tpu.memory_space<vmem>> -> memref<200x64xi32, #tpu.memory_space<vmem>>
      %get3A_537 = arith.index_cast %add3A_532 : i32 to index
      %get3A_538 = arith.constant 16 : index
      %get3A_539 = tpu.vector_load %get3A_536[%get3A_537, %get3A_538] {strides = array<i32>} : memref<200x64xi32, #tpu.memory_space<vmem>>, vector<16xi32>,
      %bitcast3A_540 = vector.bitcast %get3A_539 : vector<16xi32> to vector<32xbf16>
      %add3A_541 = arith.addf %add3A_497, %bitcast3A_540 : vector<32xbf16>
      %add3A_542 = arith.constant 3 : i32
      %add3A_543 = arith.addi %mul3A_388, %add3A_542 : i32
      %get3A_544 = arith.constant 0 : i32
      %get3A_545 = arith.constant 0 : i32
      %get3A_546 = tpu.memref_slice %arg6[%scan3A_255, %get3A_544, %get3A_545] : memref<4x200x64xi32, #tpu.memory_space<vmem>> -> memref<1x200x64xi32, #tpu.memory_space<vmem>>
      %get3A_547 = tpu.memref_squeeze %get3A_546 : memref<1x200x64xi32, #tpu.memory_space<vmem>> -> memref<200x64xi32, #tpu.memory_space<vmem>>
      %get3A_548 = arith.index_cast %add3A_543 : i32 to index
      %get3A_549 = arith.constant 32 : index
      %get3A_550 = tpu.vector_load %get3A_547[%get3A_548, %get3A_549] {strides = array<i32>} : memref<200x64xi32, #tpu.memory_space<vmem>>, vector<16xi32>,
      %bitcast3A_551 = vector.bitcast %get3A_550 : vector<16xi32> to vector<32xbf16>
      %add3A_552 = arith.addf %add3A_508, %bitcast3A_551 : vector<32xbf16>
      %add3A_553 = arith.constant 3 : i32
      %add3A_554 = arith.addi %mul3A_388, %add3A_553 : i32
      %get3A_555 = arith.constant 0 : i32
      %get3A_556 = arith.constant 0 : i32
      %get3A_557 = tpu.memref_slice %arg6[%scan3A_255, %get3A_555, %get3A_556] : memref<4x200x64xi32, #tpu.memory_space<vmem>> -> memref<1x200x64xi32, #tpu.memory_space<vmem>>
      %get3A_558 = tpu.memref_squeeze %get3A_557 : memref<1x200x64xi32, #tpu.memory_space<vmem>> -> memref<200x64xi32, #tpu.memory_space<vmem>>
      %get3A_559 = arith.index_cast %add3A_554 : i32 to index
      %get3A_560 = arith.constant 48 : index
      %get3A_561 = tpu.vector_load %get3A_558[%get3A_559, %get3A_560] {strides = array<i32>} : memref<200x64xi32, #tpu.memory_space<vmem>>, vector<16xi32>,
      %bitcast3A_562 = vector.bitcast %get3A_561 : vector<16xi32> to vector<32xbf16>
      %add3A_563 = arith.addf %add3A_519, %bitcast3A_562 : vector<32xbf16>
      %add3A_564 = arith.constant 4 : i32
      %add3A_565 = arith.addi %mul3A_388, %add3A_564 : i32
      %get3A_566 = arith.constant 0 : i32
      %get3A_567 = arith.constant 0 : i32
      %get3A_568 = tpu.memref_slice %arg6[%scan3A_255, %get3A_566, %get3A_567] : memref<4x200x64xi32, #tpu.memory_space<vmem>> -> memref<1x200x64xi32, #tpu.memory_space<vmem>>
      %get3A_569 = tpu.memref_squeeze %get3A_568 : memref<1x200x64xi32, #tpu.memory_space<vmem>> -> memref<200x64xi32, #tpu.memory_space<vmem>>
      %get3A_570 = arith.index_cast %add3A_565 : i32 to index
      %get3A_571 = arith.constant 0 : index
      %get3A_572 = tpu.vector_load %get3A_569[%get3A_570, %get3A_571] {strides = array<i32>} : memref<200x64xi32, #tpu.memory_space<vmem>>, vector<16xi32>,
      %bitcast3A_573 = vector.bitcast %get3A_572 : vector<16xi32> to vector<32xbf16>
      %add3A_574 = arith.addf %add3A_530, %bitcast3A_573 : vector<32xbf16>
      %add3A_575 = arith.constant 4 : i32
      %add3A_576 = arith.addi %mul3A_388, %add3A_575 : i32
      %get3A_577 = arith.constant 0 : i32
      %get3A_578 = arith.constant 0 : i32
      %get3A_579 = tpu.memref_slice %arg6[%scan3A_255, %get3A_577, %get3A_578] : memref<4x200x64xi32, #tpu.memory_space<vmem>> -> memref<1x200x64xi32, #tpu.memory_space<vmem>>
      %get3A_580 = tpu.memref_squeeze %get3A_579 : memref<1x200x64xi32, #tpu.memory_space<vmem>> -> memref<200x64xi32, #tpu.memory_space<vmem>>
      %get3A_581 = arith.index_cast %add3A_576 : i32 to index
      %get3A_582 = arith.constant 16 : index
      %get3A_583 = tpu.vector_load %get3A_580[%get3A_581, %get3A_582] {strides = array<i32>} : memref<200x64xi32, #tpu.memory_space<vmem>>, vector<16xi32>,
      %bitcast3A_584 = vector.bitcast %get3A_583 : vector<16xi32> to vector<32xbf16>
      %add3A_585 = arith.addf %add3A_541, %bitcast3A_584 : vector<32xbf16>
      %add3A_586 = arith.constant 4 : i32
      %add3A_587 = arith.addi %mul3A_388, %add3A_586 : i32
      %get3A_588 = arith.constant 0 : i32
      %get3A_589 = arith.constant 0 : i32
      %get3A_590 = tpu.memref_slice %arg6[%scan3A_255, %get3A_588, %get3A_589] : memref<4x200x64xi32, #tpu.memory_space<vmem>> -> memref<1x200x64xi32, #tpu.memory_space<vmem>>
      %get3A_591 = tpu.memref_squeeze %get3A_590 : memref<1x200x64xi32, #tpu.memory_space<vmem>> -> memref<200x64xi32, #tpu.memory_space<vmem>>
      %get3A_592 = arith.index_cast %add3A_587 : i32 to index
      %get3A_593 = arith.constant 32 : index
      %get3A_594 = tpu.vector_load %get3A_591[%get3A_592, %get3A_593] {strides = array<i32>} : memref<200x64xi32, #tpu.memory_space<vmem>>, vector<16xi32>,
      %bitcast3A_595 = vector.bitcast %get3A_594 : vector<16xi32> to vector<32xbf16>
      %add3A_596 = arith.addf %add3A_552, %bitcast3A_595 : vector<32xbf16>
      %add3A_597 = arith.constant 4 : i32
      %add3A_598 = arith.addi %mul3A_388, %add3A_597 : i32
      %get3A_599 = arith.constant 0 : i32
      %get3A_600 = arith.constant 0 : i32
      %get3A_601 = tpu.memref_slice %arg6[%scan3A_255, %get3A_599, %get3A_600] : memref<4x200x64xi32, #tpu.memory_space<vmem>> -> memref<1x200x64xi32, #tpu.memory_space<vmem>>
      %get3A_602 = tpu.memref_squeeze %get3A_601 : memref<1x200x64xi32, #tpu.memory_space<vmem>> -> memref<200x64xi32, #tpu.memory_space<vmem>>
      %get3A_603 = arith.index_cast %add3A_598 : i32 to index
      %get3A_604 = arith.constant 48 : index
      %get3A_605 = tpu.vector_load %get3A_602[%get3A_603, %get3A_604] {strides = array<i32>} : memref<200x64xi32, #tpu.memory_space<vmem>>, vector<16xi32>,
      %bitcast3A_606 = vector.bitcast %get3A_605 : vector<16xi32> to vector<32xbf16>
      %add3A_607 = arith.addf %add3A_563, %bitcast3A_606 : vector<32xbf16>
      %add3A_608 = arith.constant 5 : i32
      %add3A_609 = arith.addi %mul3A_388, %add3A_608 : i32
      %get3A_610 = arith.constant 0 : i32
      %get3A_611 = arith.constant 0 : i32
      %get3A_612 = tpu.memref_slice %arg6[%scan3A_255, %get3A_610, %get3A_611] : memref<4x200x64xi32, #tpu.memory_space<vmem>> -> memref<1x200x64xi32, #tpu.memory_space<vmem>>
      %get3A_613 = tpu.memref_squeeze %get3A_612 : memref<1x200x64xi32, #tpu.memory_space<vmem>> -> memref<200x64xi32, #tpu.memory_space<vmem>>
      %get3A_614 = arith.index_cast %add3A_609 : i32 to index
      %get3A_615 = arith.constant 0 : index
      %get3A_616 = tpu.vector_load %get3A_613[%get3A_614, %get3A_615] {strides = array<i32>} : memref<200x64xi32, #tpu.memory_space<vmem>>, vector<16xi32>,
      %bitcast3A_617 = vector.bitcast %get3A_616 : vector<16xi32> to vector<32xbf16>
      %add3A_618 = arith.addf %add3A_574, %bitcast3A_617 : vector<32xbf16>
      %add3A_619 = arith.constant 5 : i32
      %add3A_620 = arith.addi %mul3A_388, %add3A_619 : i32
      %get3A_621 = arith.constant 0 : i32
      %get3A_622 = arith.constant 0 : i32
      %get3A_623 = tpu.memref_slice %arg6[%scan3A_255, %get3A_621, %get3A_622] : memref<4x200x64xi32, #tpu.memory_space<vmem>> -> memref<1x200x64xi32, #tpu.memory_space<vmem>>
      %get3A_624 = tpu.memref_squeeze %get3A_623 : memref<1x200x64xi32, #tpu.memory_space<vmem>> -> memref<200x64xi32, #tpu.memory_space<vmem>>
      %get3A_625 = arith.index_cast %add3A_620 : i32 to index
      %get3A_626 = arith.constant 16 : index
      %get3A_627 = tpu.vector_load %get3A_624[%get3A_625, %get3A_626] {strides = array<i32>} : memref<200x64xi32, #tpu.memory_space<vmem>>, vector<16xi32>,
      %bitcast3A_628 = vector.bitcast %get3A_627 : vector<16xi32> to vector<32xbf16>
      %add3A_629 = arith.addf %add3A_585, %bitcast3A_628 : vector<32xbf16>
      %add3A_630 = arith.constant 5 : i32
      %add3A_631 = arith.addi %mul3A_388, %add3A_630 : i32
      %get3A_632 = arith.constant 0 : i32
      %get3A_633 = arith.constant 0 : i32
      %get3A_634 = tpu.memref_slice %arg6[%scan3A_255, %get3A_632, %get3A_633] : memref<4x200x64xi32, #tpu.memory_space<vmem>> -> memref<1x200x64xi32, #tpu.memory_space<vmem>>
      %get3A_635 = tpu.memref_squeeze %get3A_634 : memref<1x200x64xi32, #tpu.memory_space<vmem>> -> memref<200x64xi32, #tpu.memory_space<vmem>>
      %get3A_636 = arith.index_cast %add3A_631 : i32 to index
      %get3A_637 = arith.constant 32 : index
      %get3A_638 = tpu.vector_load %get3A_635[%get3A_636, %get3A_637] {strides = array<i32>} : memref<200x64xi32, #tpu.memory_space<vmem>>, vector<16xi32>,
      %bitcast3A_639 = vector.bitcast %get3A_638 : vector<16xi32> to vector<32xbf16>
      %add3A_640 = arith.addf %add3A_596, %bitcast3A_639 : vector<32xbf16>
      %add3A_641 = arith.constant 5 : i32
      %add3A_642 = arith.addi %mul3A_388, %add3A_641 : i32
      %get3A_643 = arith.constant 0 : i32
      %get3A_644 = arith.constant 0 : i32
      %get3A_645 = tpu.memref_slice %arg6[%scan3A_255, %get3A_643, %get3A_644] : memref<4x200x64xi32, #tpu.memory_space<vmem>> -> memref<1x200x64xi32, #tpu.memory_space<vmem>>
      %get3A_646 = tpu.memref_squeeze %get3A_645 : memref<1x200x64xi32, #tpu.memory_space<vmem>> -> memref<200x64xi32, #tpu.memory_space<vmem>>
      %get3A_647 = arith.index_cast %add3A_642 : i32 to index
      %get3A_648 = arith.constant 48 : index
      %get3A_649 = tpu.vector_load %get3A_646[%get3A_647, %get3A_648] {strides = array<i32>} : memref<200x64xi32, #tpu.memory_space<vmem>>, vector<16xi32>,
      %bitcast3A_650 = vector.bitcast %get3A_649 : vector<16xi32> to vector<32xbf16>
      %add3A_651 = arith.addf %add3A_607, %bitcast3A_650 : vector<32xbf16>
      %add3A_652 = arith.constant 6 : i32
      %add3A_653 = arith.addi %mul3A_388, %add3A_652 : i32
      %get3A_654 = arith.constant 0 : i32
      %get3A_655 = arith.constant 0 : i32
      %get3A_656 = tpu.memref_slice %arg6[%scan3A_255, %get3A_654, %get3A_655] : memref<4x200x64xi32, #tpu.memory_space<vmem>> -> memref<1x200x64xi32, #tpu.memory_space<vmem>>
      %get3A_657 = tpu.memref_squeeze %get3A_656 : memref<1x200x64xi32, #tpu.memory_space<vmem>> -> memref<200x64xi32, #tpu.memory_space<vmem>>
      %get3A_658 = arith.index_cast %add3A_653 : i32 to index
      %get3A_659 = arith.constant 0 : index
      %get3A_660 = tpu.vector_load %get3A_657[%get3A_658, %get3A_659] {strides = array<i32>} : memref<200x64xi32, #tpu.memory_space<vmem>>, vector<16xi32>,
      %bitcast3A_661 = vector.bitcast %get3A_660 : vector<16xi32> to vector<32xbf16>
      %add3A_662 = arith.addf %add3A_618, %bitcast3A_661 : vector<32xbf16>
      %add3A_663 = arith.constant 6 : i32
      %add3A_664 = arith.addi %mul3A_388, %add3A_663 : i32
      %get3A_665 = arith.constant 0 : i32
      %get3A_666 = arith.constant 0 : i32
      %get3A_667 = tpu.memref_slice %arg6[%scan3A_255, %get3A_665, %get3A_666] : memref<4x200x64xi32, #tpu.memory_space<vmem>> -> memref<1x200x64xi32, #tpu.memory_space<vmem>>
      %get3A_668 = tpu.memref_squeeze %get3A_667 : memref<1x200x64xi32, #tpu.memory_space<vmem>> -> memref<200x64xi32, #tpu.memory_space<vmem>>
      %get3A_669 = arith.index_cast %add3A_664 : i32 to index
      %get3A_670 = arith.constant 16 : index
      %get3A_671 = tpu.vector_load %get3A_668[%get3A_669, %get3A_670] {strides = array<i32>} : memref<200x64xi32, #tpu.memory_space<vmem>>, vector<16xi32>,
      %bitcast3A_672 = vector.bitcast %get3A_671 : vector<16xi32> to vector<32xbf16>
      %add3A_673 = arith.addf %add3A_629, %bitcast3A_672 : vector<32xbf16>
      %add3A_674 = arith.constant 6 : i32
      %add3A_675 = arith.addi %mul3A_388, %add3A_674 : i32
      %get3A_676 = arith.constant 0 : i32
      %get3A_677 = arith.constant 0 : i32
      %get3A_678 = tpu.memref_slice %arg6[%scan3A_255, %get3A_676, %get3A_677] : memref<4x200x64xi32, #tpu.memory_space<vmem>> -> memref<1x200x64xi32, #tpu.memory_space<vmem>>
      %get3A_679 = tpu.memref_squeeze %get3A_678 : memref<1x200x64xi32, #tpu.memory_space<vmem>> -> memref<200x64xi32, #tpu.memory_space<vmem>>
      %get3A_680 = arith.index_cast %add3A_675 : i32 to index
      %get3A_681 = arith.constant 32 : index
      %get3A_682 = tpu.vector_load %get3A_679[%get3A_680, %get3A_681] {strides = array<i32>} : memref<200x64xi32, #tpu.memory_space<vmem>>, vector<16xi32>,
      %bitcast3A_683 = vector.bitcast %get3A_682 : vector<16xi32> to vector<32xbf16>
      %add3A_684 = arith.addf %add3A_640, %bitcast3A_683 : vector<32xbf16>
      %add3A_685 = arith.constant 6 : i32
      %add3A_686 = arith.addi %mul3A_388, %add3A_685 : i32
      %get3A_687 = arith.constant 0 : i32
      %get3A_688 = arith.constant 0 : i32
      %get3A_689 = tpu.memref_slice %arg6[%scan3A_255, %get3A_687, %get3A_688] : memref<4x200x64xi32, #tpu.memory_space<vmem>> -> memref<1x200x64xi32, #tpu.memory_space<vmem>>
      %get3A_690 = tpu.memref_squeeze %get3A_689 : memref<1x200x64xi32, #tpu.memory_space<vmem>> -> memref<200x64xi32, #tpu.memory_space<vmem>>
      %get3A_691 = arith.index_cast %add3A_686 : i32 to index
      %get3A_692 = arith.constant 48 : index
      %get3A_693 = tpu.vector_load %get3A_690[%get3A_691, %get3A_692] {strides = array<i32>} : memref<200x64xi32, #tpu.memory_space<vmem>>, vector<16xi32>,
      %bitcast3A_694 = vector.bitcast %get3A_693 : vector<16xi32> to vector<32xbf16>
      %add3A_695 = arith.addf %add3A_651, %bitcast3A_694 : vector<32xbf16>
      %add3A_696 = arith.constant 7 : i32
      %add3A_697 = arith.addi %mul3A_388, %add3A_696 : i32
      %get3A_698 = arith.constant 0 : i32
      %get3A_699 = arith.constant 0 : i32
      %get3A_700 = tpu.memref_slice %arg6[%scan3A_255, %get3A_698, %get3A_699] : memref<4x200x64xi32, #tpu.memory_space<vmem>> -> memref<1x200x64xi32, #tpu.memory_space<vmem>>
      %get3A_701 = tpu.memref_squeeze %get3A_700 : memref<1x200x64xi32, #tpu.memory_space<vmem>> -> memref<200x64xi32, #tpu.memory_space<vmem>>
      %get3A_702 = arith.index_cast %add3A_697 : i32 to index
      %get3A_703 = arith.constant 0 : index
      %get3A_704 = tpu.vector_load %get3A_701[%get3A_702, %get3A_703] {strides = array<i32>} : memref<200x64xi32, #tpu.memory_space<vmem>>, vector<16xi32>,
      %bitcast3A_705 = vector.bitcast %get3A_704 : vector<16xi32> to vector<32xbf16>
      %add3A_706 = arith.addf %add3A_662, %bitcast3A_705 : vector<32xbf16>
      %add3A_707 = arith.constant 7 : i32
      %add3A_708 = arith.addi %mul3A_388, %add3A_707 : i32
      %get3A_709 = arith.constant 0 : i32
      %get3A_710 = arith.constant 0 : i32
      %get3A_711 = tpu.memref_slice %arg6[%scan3A_255, %get3A_709, %get3A_710] : memref<4x200x64xi32, #tpu.memory_space<vmem>> -> memref<1x200x64xi32, #tpu.memory_space<vmem>>
      %get3A_712 = tpu.memref_squeeze %get3A_711 : memref<1x200x64xi32, #tpu.memory_space<vmem>> -> memref<200x64xi32, #tpu.memory_space<vmem>>
      %get3A_713 = arith.index_cast %add3A_708 : i32 to index
      %get3A_714 = arith.constant 16 : index
      %get3A_715 = tpu.vector_load %get3A_712[%get3A_713, %get3A_714] {strides = array<i32>} : memref<200x64xi32, #tpu.memory_space<vmem>>, vector<16xi32>,
      %bitcast3A_716 = vector.bitcast %get3A_715 : vector<16xi32> to vector<32xbf16>
      %add3A_717 = arith.addf %add3A_673, %bitcast3A_716 : vector<32xbf16>
      %add3A_718 = arith.constant 7 : i32
      %add3A_719 = arith.addi %mul3A_388, %add3A_718 : i32
      %get3A_720 = arith.constant 0 : i32
      %get3A_721 = arith.constant 0 : i32
      %get3A_722 = tpu.memref_slice %arg6[%scan3A_255, %get3A_720, %get3A_721] : memref<4x200x64xi32, #tpu.memory_space<vmem>> -> memref<1x200x64xi32, #tpu.memory_space<vmem>>
      %get3A_723 = tpu.memref_squeeze %get3A_722 : memref<1x200x64xi32, #tpu.memory_space<vmem>> -> memref<200x64xi32, #tpu.memory_space<vmem>>
      %get3A_724 = arith.index_cast %add3A_719 : i32 to index
      %get3A_725 = arith.constant 32 : index
      %get3A_726 = tpu.vector_load %get3A_723[%get3A_724, %get3A_725] {strides = array<i32>} : memref<200x64xi32, #tpu.memory_space<vmem>>, vector<16xi32>,
      %bitcast3A_727 = vector.bitcast %get3A_726 : vector<16xi32> to vector<32xbf16>
      %add3A_728 = arith.addf %add3A_684, %bitcast3A_727 : vector<32xbf16>
      %add3A_729 = arith.constant 7 : i32
      %add3A_730 = arith.addi %mul3A_388, %add3A_729 : i32
      %get3A_731 = arith.constant 0 : i32
      %get3A_732 = arith.constant 0 : i32
      %get3A_733 = tpu.memref_slice %arg6[%scan3A_255, %get3A_731, %get3A_732] : memref<4x200x64xi32, #tpu.memory_space<vmem>> -> memref<1x200x64xi32, #tpu.memory_space<vmem>>
      %get3A_734 = tpu.memref_squeeze %get3A_733 : memref<1x200x64xi32, #tpu.memory_space<vmem>> -> memref<200x64xi32, #tpu.memory_space<vmem>>
      %get3A_735 = arith.index_cast %add3A_730 : i32 to index
      %get3A_736 = arith.constant 48 : index
      %get3A_737 = tpu.vector_load %get3A_734[%get3A_735, %get3A_736] {strides = array<i32>} : memref<200x64xi32, #tpu.memory_space<vmem>>, vector<16xi32>,
      %bitcast3A_738 = vector.bitcast %get3A_737 : vector<16xi32> to vector<32xbf16>
      %add3A_739 = arith.addf %add3A_695, %bitcast3A_738 : vector<32xbf16>
      scf.yield %add3A_706, %add3A_717, %add3A_728, %add3A_739 : vector<32xbf16>, vector<32xbf16>, vector<32xbf16>, vector<32xbf16>
    }
    %scan3A_261 = arith.constant 25 : i32
    %bitcast3A_262 = vector.bitcast %scan3A_260#0 : vector<32xbf16> to vector<16xi32>
    %shift_left3A_263 = arith.constant 16 : i32
    %shift_left3A_264 = vector.broadcast %shift_left3A_263 : i32 to vector<16xi32>
    %shift_left3A_265 = arith.shli %bitcast3A_262, %shift_left3A_264 : vector<16xi32>
    %bitcast3A_266 = vector.bitcast %shift_left3A_265 : vector<16xi32> to vector<16xf32>
    %and3A_267 = arith.andi %bitcast3A_262, %broadcast_in_dim3A_5 : vector<16xi32>
    %bitcast3A_268 = vector.bitcast %and3A_267 : vector<16xi32> to vector<16xf32>
    %swap3A_269 = arith.constant 16128 : index
    %swap3A_270 = tpu.vector_load %arg7[%swap3A_269] {strides = array<i32>} : memref<16384xf32, #tpu.memory_space<vmem>>, vector<16xf32>,
    tpu.vector_store %arg7[%swap3A_269], %bitcast3A_266 {strides = array<i32>} : memref<16384xf32, #tpu.memory_space<vmem>>, vector<16xf32>,
    %swap3A_271 = arith.constant 16144 : index
    %swap3A_272 = tpu.vector_load %arg7[%swap3A_271] {strides = array<i32>} : memref<16384xf32, #tpu.memory_space<vmem>>, vector<16xf32>,
    tpu.vector_store %arg7[%swap3A_271], %bitcast3A_268 {strides = array<i32>} : memref<16384xf32, #tpu.memory_space<vmem>>, vector<16xf32>,
    %bitcast3A_273 = vector.bitcast %scan3A_260#1 : vector<32xbf16> to vector<16xi32>
    %shift_left3A_274 = arith.constant 16 : i32
    %shift_left3A_275 = vector.broadcast %shift_left3A_274 : i32 to vector<16xi32>
    %shift_left3A_276 = arith.shli %bitcast3A_273, %shift_left3A_275 : vector<16xi32>
    %bitcast3A_277 = vector.bitcast %shift_left3A_276 : vector<16xi32> to vector<16xf32>
    %and3A_278 = arith.andi %bitcast3A_273, %broadcast_in_dim3A_5 : vector<16xi32>
    %bitcast3A_279 = vector.bitcast %and3A_278 : vector<16xi32> to vector<16xf32>
    %swap3A_280 = arith.constant 16160 : index
    %swap3A_281 = tpu.vector_load %arg7[%swap3A_280] {strides = array<i32>} : memref<16384xf32, #tpu.memory_space<vmem>>, vector<16xf32>,
    tpu.vector_store %arg7[%swap3A_280], %bitcast3A_277 {strides = array<i32>} : memref<16384xf32, #tpu.memory_space<vmem>>, vector<16xf32>,
    %swap3A_282 = arith.constant 16176 : index
    %swap3A_283 = tpu.vector_load %arg7[%swap3A_282] {strides = array<i32>} : memref<16384xf32, #tpu.memory_space<vmem>>, vector<16xf32>,
    tpu.vector_store %arg7[%swap3A_282], %bitcast3A_279 {strides = array<i32>} : memref<16384xf32, #tpu.memory_space<vmem>>, vector<16xf32>,
    %bitcast3A_284 = vector.bitcast %scan3A_260#2 : vector<32xbf16> to vector<16xi32>
    %shift_left3A_285 = arith.constant 16 : i32
    %shift_left3A_286 = vector.broadcast %shift_left3A_285 : i32 to vector<16xi32>
    %shift_left3A_287 = arith.shli %bitcast3A_284, %shift_left3A_286 : vector<16xi32>
    %bitcast3A_288 = vector.bitcast %shift_left3A_287 : vector<16xi32> to vector<16xf32>
    %and3A_289 = arith.andi %bitcast3A_284, %broadcast_in_dim3A_5 : vector<16xi32>
    %bitcast3A_290 = vector.bitcast %and3A_289 : vector<16xi32> to vector<16xf32>
    %swap3A_291 = arith.constant 16192 : index
    %swap3A_292 = tpu.vector_load %arg7[%swap3A_291] {strides = array<i32>} : memref<16384xf32, #tpu.memory_space<vmem>>, vector<16xf32>,
    tpu.vector_store %arg7[%swap3A_291], %bitcast3A_288 {strides = array<i32>} : memref<16384xf32, #tpu.memory_space<vmem>>, vector<16xf32>,
    %swap3A_293 = arith.constant 16208 : index
    %swap3A_294 = tpu.vector_load %arg7[%swap3A_293] {strides = array<i32>} : memref<16384xf32, #tpu.memory_space<vmem>>, vector<16xf32>,
    tpu.vector_store %arg7[%swap3A_293], %bitcast3A_290 {strides = array<i32>} : memref<16384xf32, #tpu.memory_space<vmem>>, vector<16xf32>,
    %bitcast3A_295 = vector.bitcast %scan3A_260#3 : vector<32xbf16> to vector<16xi32>
    %shift_left3A_296 = arith.constant 16 : i32
    %shift_left3A_297 = vector.broadcast %shift_left3A_296 : i32 to vector<16xi32>
    %shift_left3A_298 = arith.shli %bitcast3A_295, %shift_left3A_297 : vector<16xi32>
    %bitcast3A_299 = vector.bitcast %shift_left3A_298 : vector<16xi32> to vector<16xf32>
    %and3A_300 = arith.andi %bitcast3A_295, %broadcast_in_dim3A_5 : vector<16xi32>
    %bitcast3A_301 = vector.bitcast %and3A_300 : vector<16xi32> to vector<16xf32>
    %swap3A_302 = arith.constant 16224 : index
    %swap3A_303 = tpu.vector_load %arg7[%swap3A_302] {strides = array<i32>} : memref<16384xf32, #tpu.memory_space<vmem>>, vector<16xf32>,
    tpu.vector_store %arg7[%swap3A_302], %bitcast3A_299 {strides = array<i32>} : memref<16384xf32, #tpu.memory_space<vmem>>, vector<16xf32>,
    %swap3A_304 = arith.constant 16240 : index
    %swap3A_305 = tpu.vector_load %arg7[%swap3A_304] {strides = array<i32>} : memref<16384xf32, #tpu.memory_space<vmem>>, vector<16xf32>,
    tpu.vector_store %arg7[%swap3A_304], %bitcast3A_301 {strides = array<i32>} : memref<16384xf32, #tpu.memory_space<vmem>>, vector<16xf32>,
    %dma_wait3A_306 = arith.constant 3 : i32
    %dma_wait3A_307 = arith.constant 0 : i32
    %dma_wait3A_308 = arith.constant 0 : i32
    %dma_wait3A_309 = tpu.memref_slice %arg6[%dma_wait3A_306, %dma_wait3A_307, %dma_wait3A_308] : memref<4x200x64xi32, #tpu.memory_space<vmem>> -> memref<1x200x64xi32, #tpu.memory_space<vmem>>
    %dma_wait3A_310 = tpu.memref_squeeze %dma_wait3A_309 : memref<1x200x64xi32, #tpu.memory_space<vmem>> -> memref<200x64xi32, #tpu.memory_space<vmem>>
    %dma_wait3A_311 = arith.constant 0 : i32
    %dma_wait3A_312 = arith.constant 0 : i32
    %dma_wait3A_313 = tpu.memref_slice %arg3[%dma_wait3A_311, %dma_wait3A_312] : memref<100000x64xi32, #tpu.memory_space<hbm>> -> memref<200x64xi32, #tpu.memory_space<hbm>>
    %dma_wait3A_314 = arith.constant 0 : i32
    %dma_wait3A_315 = arith.constant 0 : i32
    %dma_wait3A_316 = tpu.memref_slice %arg6[%dma_wait3A_306, %dma_wait3A_314, %dma_wait3A_315] : memref<4x200x64xi32, #tpu.memory_space<vmem>> -> memref<1x200x64xi32, #tpu.memory_space<vmem>>
    %dma_wait3A_317 = tpu.memref_squeeze %dma_wait3A_316 : memref<1x200x64xi32, #tpu.memory_space<vmem>> -> memref<200x64xi32, #tpu.memory_space<vmem>>
    %dma_wait3A_318 = arith.constant 0 : i32
    %dma_wait3A_319 = arith.constant 0 : i32
    %dma_wait3A_320 = tpu.memref_slice %arg3[%dma_wait3A_318, %dma_wait3A_319] : memref<100000x64xi32, #tpu.memory_space<hbm>> -> memref<200x64xi32, #tpu.memory_space<hbm>>
    tpu.wait_dma2 semaphore(%arg11 : memref<!tpu.dma_semaphore, #tpu.memory_space<semaphore_mem>>) src(%dma_wait3A_320 : memref<200x64xi32, #tpu.memory_space<hbm>>) dst(%dma_wait3A_317 : memref<200x64xi32, #tpu.memory_space<vmem>>)
    %broadcast_in_dim3A_321 = arith.constant 0.000000e+00 : bf16
    %broadcast_in_dim3A_322 = vector.broadcast %broadcast_in_dim3A_321 : bf16 to vector<32xbf16>
    %broadcast_in_dim3A_323 = arith.constant 0.000000e+00 : bf16
    %broadcast_in_dim3A_324 = vector.broadcast %broadcast_in_dim3A_323 : bf16 to vector<32xbf16>
    %broadcast_in_dim3A_325 = arith.constant 0.000000e+00 : bf16
    %broadcast_in_dim3A_326 = vector.broadcast %broadcast_in_dim3A_325 : bf16 to vector<32xbf16>
    %broadcast_in_dim3A_327 = arith.constant 0.000000e+00 : bf16
    %broadcast_in_dim3A_328 = vector.broadcast %broadcast_in_dim3A_327 : bf16 to vector<32xbf16>
    %scan3A_329 = arith.constant 3 : i32
    %scan3A_330 = arith.constant 0 : i32
    %scan3A_331 = arith.constant 25 : i32
    %scan3A_332 = arith.addi %scan3A_330, %scan3A_331 : i32
    %scan3A_333 = arith.constant 1 : i32
    %scan3A_334:4 = scf.for %scan3A_382 = %scan3A_330 to %scan3A_332 step %scan3A_333 iter_args(%scan3A_383 = %broadcast_in_dim3A_322, %scan3A_384 = %broadcast_in_dim3A_324, %scan3A_385 = %broadcast_in_dim3A_326, %scan3A_386 = %broadcast_in_dim3A_328) -> (vector<32xbf16>, vector<32xbf16>, vector<32xbf16>, vector<32xbf16>)  : i32 {
      %mul3A_387 = arith.constant 8 : i32
      %mul3A_388 = arith.muli %scan3A_382, %mul3A_387 : i32
      %add3A_389 = arith.constant 0 : i32
      %add3A_390 = arith.addi %mul3A_388, %add3A_389 : i32
      %get3A = arith.constant 0 : i32
      %get3A_391 = arith.constant 0 : i32
      %get3A_392 = tpu.memref_slice %arg6[%scan3A_329, %get3A, %get3A_391] : memref<4x200x64xi32, #tpu.memory_space<vmem>> -> memref<1x200x64xi32, #tpu.memory_space<vmem>>
      %get3A_393 = tpu.memref_squeeze %get3A_392 : memref<1x200x64xi32, #tpu.memory_space<vmem>> -> memref<200x64xi32, #tpu.memory_space<vmem>>
      %get3A_394 = arith.index_cast %add3A_390 : i32 to index
      %get3A_395 = arith.constant 0 : index
      %get3A_396 = tpu.vector_load %get3A_393[%get3A_394, %get3A_395] {strides = array<i32>} : memref<200x64xi32, #tpu.memory_space<vmem>>, vector<16xi32>,
      %bitcast3A_397 = vector.bitcast %get3A_396 : vector<16xi32> to vector<32xbf16>
      %add3A_398 = arith.addf %scan3A_383, %bitcast3A_397 : vector<32xbf16>
      %add3A_399 = arith.constant 0 : i32
      %add3A_400 = arith.addi %mul3A_388, %add3A_399 : i32
      %get3A_401 = arith.constant 0 : i32
      %get3A_402 = arith.constant 0 : i32
      %get3A_403 = tpu.memref_slice %arg6[%scan3A_329, %get3A_401, %get3A_402] : memref<4x200x64xi32, #tpu.memory_space<vmem>> -> memref<1x200x64xi32, #tpu.memory_space<vmem>>
      %get3A_404 = tpu.memref_squeeze %get3A_403 : memref<1x200x64xi32, #tpu.memory_space<vmem>> -> memref<200x64xi32, #tpu.memory_space<vmem>>
      %get3A_405 = arith.index_cast %add3A_400 : i32 to index
      %get3A_406 = arith.constant 16 : index
      %get3A_407 = tpu.vector_load %get3A_404[%get3A_405, %get3A_406] {strides = array<i32>} : memref<200x64xi32, #tpu.memory_space<vmem>>, vector<16xi32>,
      %bitcast3A_408 = vector.bitcast %get3A_407 : vector<16xi32> to vector<32xbf16>
      %add3A_409 = arith.addf %scan3A_384, %bitcast3A_408 : vector<32xbf16>
      %add3A_410 = arith.constant 0 : i32
      %add3A_411 = arith.addi %mul3A_388, %add3A_410 : i32
      %get3A_412 = arith.constant 0 : i32
      %get3A_413 = arith.constant 0 : i32
      %get3A_414 = tpu.memref_slice %arg6[%scan3A_329, %get3A_412, %get3A_413] : memref<4x200x64xi32, #tpu.memory_space<vmem>> -> memref<1x200x64xi32, #tpu.memory_space<vmem>>
      %get3A_415 = tpu.memref_squeeze %get3A_414 : memref<1x200x64xi32, #tpu.memory_space<vmem>> -> memref<200x64xi32, #tpu.memory_space<vmem>>
      %get3A_416 = arith.index_cast %add3A_411 : i32 to index
      %get3A_417 = arith.constant 32 : index
      %get3A_418 = tpu.vector_load %get3A_415[%get3A_416, %get3A_417] {strides = array<i32>} : memref<200x64xi32, #tpu.memory_space<vmem>>, vector<16xi32>,
      %bitcast3A_419 = vector.bitcast %get3A_418 : vector<16xi32> to vector<32xbf16>
      %add3A_420 = arith.addf %scan3A_385, %bitcast3A_419 : vector<32xbf16>
      %add3A_421 = arith.constant 0 : i32
      %add3A_422 = arith.addi %mul3A_388, %add3A_421 : i32
      %get3A_423 = arith.constant 0 : i32
      %get3A_424 = arith.constant 0 : i32
      %get3A_425 = tpu.memref_slice %arg6[%scan3A_329, %get3A_423, %get3A_424] : memref<4x200x64xi32, #tpu.memory_space<vmem>> -> memref<1x200x64xi32, #tpu.memory_space<vmem>>
      %get3A_426 = tpu.memref_squeeze %get3A_425 : memref<1x200x64xi32, #tpu.memory_space<vmem>> -> memref<200x64xi32, #tpu.memory_space<vmem>>
      %get3A_427 = arith.index_cast %add3A_422 : i32 to index
      %get3A_428 = arith.constant 48 : index
      %get3A_429 = tpu.vector_load %get3A_426[%get3A_427, %get3A_428] {strides = array<i32>} : memref<200x64xi32, #tpu.memory_space<vmem>>, vector<16xi32>,
      %bitcast3A_430 = vector.bitcast %get3A_429 : vector<16xi32> to vector<32xbf16>
      %add3A_431 = arith.addf %scan3A_386, %bitcast3A_430 : vector<32xbf16>
      %add3A_432 = arith.constant 1 : i32
      %add3A_433 = arith.addi %mul3A_388, %add3A_432 : i32
      %get3A_434 = arith.constant 0 : i32
      %get3A_435 = arith.constant 0 : i32
      %get3A_436 = tpu.memref_slice %arg6[%scan3A_329, %get3A_434, %get3A_435] : memref<4x200x64xi32, #tpu.memory_space<vmem>> -> memref<1x200x64xi32, #tpu.memory_space<vmem>>
      %get3A_437 = tpu.memref_squeeze %get3A_436 : memref<1x200x64xi32, #tpu.memory_space<vmem>> -> memref<200x64xi32, #tpu.memory_space<vmem>>
      %get3A_438 = arith.index_cast %add3A_433 : i32 to index
      %get3A_439 = arith.constant 0 : index
      %get3A_440 = tpu.vector_load %get3A_437[%get3A_438, %get3A_439] {strides = array<i32>} : memref<200x64xi32, #tpu.memory_space<vmem>>, vector<16xi32>,
      %bitcast3A_441 = vector.bitcast %get3A_440 : vector<16xi32> to vector<32xbf16>
      %add3A_442 = arith.addf %add3A_398, %bitcast3A_441 : vector<32xbf16>
      %add3A_443 = arith.constant 1 : i32
      %add3A_444 = arith.addi %mul3A_388, %add3A_443 : i32
      %get3A_445 = arith.constant 0 : i32
      %get3A_446 = arith.constant 0 : i32
      %get3A_447 = tpu.memref_slice %arg6[%scan3A_329, %get3A_445, %get3A_446] : memref<4x200x64xi32, #tpu.memory_space<vmem>> -> memref<1x200x64xi32, #tpu.memory_space<vmem>>
      %get3A_448 = tpu.memref_squeeze %get3A_447 : memref<1x200x64xi32, #tpu.memory_space<vmem>> -> memref<200x64xi32, #tpu.memory_space<vmem>>
      %get3A_449 = arith.index_cast %add3A_444 : i32 to index
      %get3A_450 = arith.constant 16 : index
      %get3A_451 = tpu.vector_load %get3A_448[%get3A_449, %get3A_450] {strides = array<i32>} : memref<200x64xi32, #tpu.memory_space<vmem>>, vector<16xi32>,
      %bitcast3A_452 = vector.bitcast %get3A_451 : vector<16xi32> to vector<32xbf16>
      %add3A_453 = arith.addf %add3A_409, %bitcast3A_452 : vector<32xbf16>
      %add3A_454 = arith.constant 1 : i32
      %add3A_455 = arith.addi %mul3A_388, %add3A_454 : i32
      %get3A_456 = arith.constant 0 : i32
      %get3A_457 = arith.constant 0 : i32
      %get3A_458 = tpu.memref_slice %arg6[%scan3A_329, %get3A_456, %get3A_457] : memref<4x200x64xi32, #tpu.memory_space<vmem>> -> memref<1x200x64xi32, #tpu.memory_space<vmem>>
      %get3A_459 = tpu.memref_squeeze %get3A_458 : memref<1x200x64xi32, #tpu.memory_space<vmem>> -> memref<200x64xi32, #tpu.memory_space<vmem>>
      %get3A_460 = arith.index_cast %add3A_455 : i32 to index
      %get3A_461 = arith.constant 32 : index
      %get3A_462 = tpu.vector_load %get3A_459[%get3A_460, %get3A_461] {strides = array<i32>} : memref<200x64xi32, #tpu.memory_space<vmem>>, vector<16xi32>,
      %bitcast3A_463 = vector.bitcast %get3A_462 : vector<16xi32> to vector<32xbf16>
      %add3A_464 = arith.addf %add3A_420, %bitcast3A_463 : vector<32xbf16>
      %add3A_465 = arith.constant 1 : i32
      %add3A_466 = arith.addi %mul3A_388, %add3A_465 : i32
      %get3A_467 = arith.constant 0 : i32
      %get3A_468 = arith.constant 0 : i32
      %get3A_469 = tpu.memref_slice %arg6[%scan3A_329, %get3A_467, %get3A_468] : memref<4x200x64xi32, #tpu.memory_space<vmem>> -> memref<1x200x64xi32, #tpu.memory_space<vmem>>
      %get3A_470 = tpu.memref_squeeze %get3A_469 : memref<1x200x64xi32, #tpu.memory_space<vmem>> -> memref<200x64xi32, #tpu.memory_space<vmem>>
      %get3A_471 = arith.index_cast %add3A_466 : i32 to index
      %get3A_472 = arith.constant 48 : index
      %get3A_473 = tpu.vector_load %get3A_470[%get3A_471, %get3A_472] {strides = array<i32>} : memref<200x64xi32, #tpu.memory_space<vmem>>, vector<16xi32>,
      %bitcast3A_474 = vector.bitcast %get3A_473 : vector<16xi32> to vector<32xbf16>
      %add3A_475 = arith.addf %add3A_431, %bitcast3A_474 : vector<32xbf16>
      %add3A_476 = arith.constant 2 : i32
      %add3A_477 = arith.addi %mul3A_388, %add3A_476 : i32
      %get3A_478 = arith.constant 0 : i32
      %get3A_479 = arith.constant 0 : i32
      %get3A_480 = tpu.memref_slice %arg6[%scan3A_329, %get3A_478, %get3A_479] : memref<4x200x64xi32, #tpu.memory_space<vmem>> -> memref<1x200x64xi32, #tpu.memory_space<vmem>>
      %get3A_481 = tpu.memref_squeeze %get3A_480 : memref<1x200x64xi32, #tpu.memory_space<vmem>> -> memref<200x64xi32, #tpu.memory_space<vmem>>
      %get3A_482 = arith.index_cast %add3A_477 : i32 to index
      %get3A_483 = arith.constant 0 : index
      %get3A_484 = tpu.vector_load %get3A_481[%get3A_482, %get3A_483] {strides = array<i32>} : memref<200x64xi32, #tpu.memory_space<vmem>>, vector<16xi32>,
      %bitcast3A_485 = vector.bitcast %get3A_484 : vector<16xi32> to vector<32xbf16>
      %add3A_486 = arith.addf %add3A_442, %bitcast3A_485 : vector<32xbf16>
      %add3A_487 = arith.constant 2 : i32
      %add3A_488 = arith.addi %mul3A_388, %add3A_487 : i32
      %get3A_489 = arith.constant 0 : i32
      %get3A_490 = arith.constant 0 : i32
      %get3A_491 = tpu.memref_slice %arg6[%scan3A_329, %get3A_489, %get3A_490] : memref<4x200x64xi32, #tpu.memory_space<vmem>> -> memref<1x200x64xi32, #tpu.memory_space<vmem>>
      %get3A_492 = tpu.memref_squeeze %get3A_491 : memref<1x200x64xi32, #tpu.memory_space<vmem>> -> memref<200x64xi32, #tpu.memory_space<vmem>>
      %get3A_493 = arith.index_cast %add3A_488 : i32 to index
      %get3A_494 = arith.constant 16 : index
      %get3A_495 = tpu.vector_load %get3A_492[%get3A_493, %get3A_494] {strides = array<i32>} : memref<200x64xi32, #tpu.memory_space<vmem>>, vector<16xi32>,
      %bitcast3A_496 = vector.bitcast %get3A_495 : vector<16xi32> to vector<32xbf16>
      %add3A_497 = arith.addf %add3A_453, %bitcast3A_496 : vector<32xbf16>
      %add3A_498 = arith.constant 2 : i32
      %add3A_499 = arith.addi %mul3A_388, %add3A_498 : i32
      %get3A_500 = arith.constant 0 : i32
      %get3A_501 = arith.constant 0 : i32
      %get3A_502 = tpu.memref_slice %arg6[%scan3A_329, %get3A_500, %get3A_501] : memref<4x200x64xi32, #tpu.memory_space<vmem>> -> memref<1x200x64xi32, #tpu.memory_space<vmem>>
      %get3A_503 = tpu.memref_squeeze %get3A_502 : memref<1x200x64xi32, #tpu.memory_space<vmem>> -> memref<200x64xi32, #tpu.memory_space<vmem>>
      %get3A_504 = arith.index_cast %add3A_499 : i32 to index
      %get3A_505 = arith.constant 32 : index
      %get3A_506 = tpu.vector_load %get3A_503[%get3A_504, %get3A_505] {strides = array<i32>} : memref<200x64xi32, #tpu.memory_space<vmem>>, vector<16xi32>,
      %bitcast3A_507 = vector.bitcast %get3A_506 : vector<16xi32> to vector<32xbf16>
      %add3A_508 = arith.addf %add3A_464, %bitcast3A_507 : vector<32xbf16>
      %add3A_509 = arith.constant 2 : i32
      %add3A_510 = arith.addi %mul3A_388, %add3A_509 : i32
      %get3A_511 = arith.constant 0 : i32
      %get3A_512 = arith.constant 0 : i32
      %get3A_513 = tpu.memref_slice %arg6[%scan3A_329, %get3A_511, %get3A_512] : memref<4x200x64xi32, #tpu.memory_space<vmem>> -> memref<1x200x64xi32, #tpu.memory_space<vmem>>
      %get3A_514 = tpu.memref_squeeze %get3A_513 : memref<1x200x64xi32, #tpu.memory_space<vmem>> -> memref<200x64xi32, #tpu.memory_space<vmem>>
      %get3A_515 = arith.index_cast %add3A_510 : i32 to index
      %get3A_516 = arith.constant 48 : index
      %get3A_517 = tpu.vector_load %get3A_514[%get3A_515, %get3A_516] {strides = array<i32>} : memref<200x64xi32, #tpu.memory_space<vmem>>, vector<16xi32>,
      %bitcast3A_518 = vector.bitcast %get3A_517 : vector<16xi32> to vector<32xbf16>
      %add3A_519 = arith.addf %add3A_475, %bitcast3A_518 : vector<32xbf16>
      %add3A_520 = arith.constant 3 : i32
      %add3A_521 = arith.addi %mul3A_388, %add3A_520 : i32
      %get3A_522 = arith.constant 0 : i32
      %get3A_523 = arith.constant 0 : i32
      %get3A_524 = tpu.memref_slice %arg6[%scan3A_329, %get3A_522, %get3A_523] : memref<4x200x64xi32, #tpu.memory_space<vmem>> -> memref<1x200x64xi32, #tpu.memory_space<vmem>>
      %get3A_525 = tpu.memref_squeeze %get3A_524 : memref<1x200x64xi32, #tpu.memory_space<vmem>> -> memref<200x64xi32, #tpu.memory_space<vmem>>
      %get3A_526 = arith.index_cast %add3A_521 : i32 to index
      %get3A_527 = arith.constant 0 : index
      %get3A_528 = tpu.vector_load %get3A_525[%get3A_526, %get3A_527] {strides = array<i32>} : memref<200x64xi32, #tpu.memory_space<vmem>>, vector<16xi32>,
      %bitcast3A_529 = vector.bitcast %get3A_528 : vector<16xi32> to vector<32xbf16>
      %add3A_530 = arith.addf %add3A_486, %bitcast3A_529 : vector<32xbf16>
      %add3A_531 = arith.constant 3 : i32
      %add3A_532 = arith.addi %mul3A_388, %add3A_531 : i32
      %get3A_533 = arith.constant 0 : i32
      %get3A_534 = arith.constant 0 : i32
      %get3A_535 = tpu.memref_slice %arg6[%scan3A_329, %get3A_533, %get3A_534] : memref<4x200x64xi32, #tpu.memory_space<vmem>> -> memref<1x200x64xi32, #tpu.memory_space<vmem>>
      %get3A_536 = tpu.memref_squeeze %get3A_535 : memref<1x200x64xi32, #tpu.memory_space<vmem>> -> memref<200x64xi32, #tpu.memory_space<vmem>>
      %get3A_537 = arith.index_cast %add3A_532 : i32 to index
      %get3A_538 = arith.constant 16 : index
      %get3A_539 = tpu.vector_load %get3A_536[%get3A_537, %get3A_538] {strides = array<i32>} : memref<200x64xi32, #tpu.memory_space<vmem>>, vector<16xi32>,
      %bitcast3A_540 = vector.bitcast %get3A_539 : vector<16xi32> to vector<32xbf16>
      %add3A_541 = arith.addf %add3A_497, %bitcast3A_540 : vector<32xbf16>
      %add3A_542 = arith.constant 3 : i32
      %add3A_543 = arith.addi %mul3A_388, %add3A_542 : i32
      %get3A_544 = arith.constant 0 : i32
      %get3A_545 = arith.constant 0 : i32
      %get3A_546 = tpu.memref_slice %arg6[%scan3A_329, %get3A_544, %get3A_545] : memref<4x200x64xi32, #tpu.memory_space<vmem>> -> memref<1x200x64xi32, #tpu.memory_space<vmem>>
      %get3A_547 = tpu.memref_squeeze %get3A_546 : memref<1x200x64xi32, #tpu.memory_space<vmem>> -> memref<200x64xi32, #tpu.memory_space<vmem>>
      %get3A_548 = arith.index_cast %add3A_543 : i32 to index
      %get3A_549 = arith.constant 32 : index
      %get3A_550 = tpu.vector_load %get3A_547[%get3A_548, %get3A_549] {strides = array<i32>} : memref<200x64xi32, #tpu.memory_space<vmem>>, vector<16xi32>,
      %bitcast3A_551 = vector.bitcast %get3A_550 : vector<16xi32> to vector<32xbf16>
      %add3A_552 = arith.addf %add3A_508, %bitcast3A_551 : vector<32xbf16>
      %add3A_553 = arith.constant 3 : i32
      %add3A_554 = arith.addi %mul3A_388, %add3A_553 : i32
      %get3A_555 = arith.constant 0 : i32
      %get3A_556 = arith.constant 0 : i32
      %get3A_557 = tpu.memref_slice %arg6[%scan3A_329, %get3A_555, %get3A_556] : memref<4x200x64xi32, #tpu.memory_space<vmem>> -> memref<1x200x64xi32, #tpu.memory_space<vmem>>
      %get3A_558 = tpu.memref_squeeze %get3A_557 : memref<1x200x64xi32, #tpu.memory_space<vmem>> -> memref<200x64xi32, #tpu.memory_space<vmem>>
      %get3A_559 = arith.index_cast %add3A_554 : i32 to index
      %get3A_560 = arith.constant 48 : index
      %get3A_561 = tpu.vector_load %get3A_558[%get3A_559, %get3A_560] {strides = array<i32>} : memref<200x64xi32, #tpu.memory_space<vmem>>, vector<16xi32>,
      %bitcast3A_562 = vector.bitcast %get3A_561 : vector<16xi32> to vector<32xbf16>
      %add3A_563 = arith.addf %add3A_519, %bitcast3A_562 : vector<32xbf16>
      %add3A_564 = arith.constant 4 : i32
      %add3A_565 = arith.addi %mul3A_388, %add3A_564 : i32
      %get3A_566 = arith.constant 0 : i32
      %get3A_567 = arith.constant 0 : i32
      %get3A_568 = tpu.memref_slice %arg6[%scan3A_329, %get3A_566, %get3A_567] : memref<4x200x64xi32, #tpu.memory_space<vmem>> -> memref<1x200x64xi32, #tpu.memory_space<vmem>>
      %get3A_569 = tpu.memref_squeeze %get3A_568 : memref<1x200x64xi32, #tpu.memory_space<vmem>> -> memref<200x64xi32, #tpu.memory_space<vmem>>
      %get3A_570 = arith.index_cast %add3A_565 : i32 to index
      %get3A_571 = arith.constant 0 : index
      %get3A_572 = tpu.vector_load %get3A_569[%get3A_570, %get3A_571] {strides = array<i32>} : memref<200x64xi32, #tpu.memory_space<vmem>>, vector<16xi32>,
      %bitcast3A_573 = vector.bitcast %get3A_572 : vector<16xi32> to vector<32xbf16>
      %add3A_574 = arith.addf %add3A_530, %bitcast3A_573 : vector<32xbf16>
      %add3A_575 = arith.constant 4 : i32
      %add3A_576 = arith.addi %mul3A_388, %add3A_575 : i32
      %get3A_577 = arith.constant 0 : i32
      %get3A_578 = arith.constant 0 : i32
      %get3A_579 = tpu.memref_slice %arg6[%scan3A_329, %get3A_577, %get3A_578] : memref<4x200x64xi32, #tpu.memory_space<vmem>> -> memref<1x200x64xi32, #tpu.memory_space<vmem>>
      %get3A_580 = tpu.memref_squeeze %get3A_579 : memref<1x200x64xi32, #tpu.memory_space<vmem>> -> memref<200x64xi32, #tpu.memory_space<vmem>>
      %get3A_581 = arith.index_cast %add3A_576 : i32 to index
      %get3A_582 = arith.constant 16 : index
      %get3A_583 = tpu.vector_load %get3A_580[%get3A_581, %get3A_582] {strides = array<i32>} : memref<200x64xi32, #tpu.memory_space<vmem>>, vector<16xi32>,
      %bitcast3A_584 = vector.bitcast %get3A_583 : vector<16xi32> to vector<32xbf16>
      %add3A_585 = arith.addf %add3A_541, %bitcast3A_584 : vector<32xbf16>
      %add3A_586 = arith.constant 4 : i32
      %add3A_587 = arith.addi %mul3A_388, %add3A_586 : i32
      %get3A_588 = arith.constant 0 : i32
      %get3A_589 = arith.constant 0 : i32
      %get3A_590 = tpu.memref_slice %arg6[%scan3A_329, %get3A_588, %get3A_589] : memref<4x200x64xi32, #tpu.memory_space<vmem>> -> memref<1x200x64xi32, #tpu.memory_space<vmem>>
      %get3A_591 = tpu.memref_squeeze %get3A_590 : memref<1x200x64xi32, #tpu.memory_space<vmem>> -> memref<200x64xi32, #tpu.memory_space<vmem>>
      %get3A_592 = arith.index_cast %add3A_587 : i32 to index
      %get3A_593 = arith.constant 32 : index
      %get3A_594 = tpu.vector_load %get3A_591[%get3A_592, %get3A_593] {strides = array<i32>} : memref<200x64xi32, #tpu.memory_space<vmem>>, vector<16xi32>,
      %bitcast3A_595 = vector.bitcast %get3A_594 : vector<16xi32> to vector<32xbf16>
      %add3A_596 = arith.addf %add3A_552, %bitcast3A_595 : vector<32xbf16>
      %add3A_597 = arith.constant 4 : i32
      %add3A_598 = arith.addi %mul3A_388, %add3A_597 : i32
      %get3A_599 = arith.constant 0 : i32
      %get3A_600 = arith.constant 0 : i32
      %get3A_601 = tpu.memref_slice %arg6[%scan3A_329, %get3A_599, %get3A_600] : memref<4x200x64xi32, #tpu.memory_space<vmem>> -> memref<1x200x64xi32, #tpu.memory_space<vmem>>
      %get3A_602 = tpu.memref_squeeze %get3A_601 : memref<1x200x64xi32, #tpu.memory_space<vmem>> -> memref<200x64xi32, #tpu.memory_space<vmem>>
      %get3A_603 = arith.index_cast %add3A_598 : i32 to index
      %get3A_604 = arith.constant 48 : index
      %get3A_605 = tpu.vector_load %get3A_602[%get3A_603, %get3A_604] {strides = array<i32>} : memref<200x64xi32, #tpu.memory_space<vmem>>, vector<16xi32>,
      %bitcast3A_606 = vector.bitcast %get3A_605 : vector<16xi32> to vector<32xbf16>
      %add3A_607 = arith.addf %add3A_563, %bitcast3A_606 : vector<32xbf16>
      %add3A_608 = arith.constant 5 : i32
      %add3A_609 = arith.addi %mul3A_388, %add3A_608 : i32
      %get3A_610 = arith.constant 0 : i32
      %get3A_611 = arith.constant 0 : i32
      %get3A_612 = tpu.memref_slice %arg6[%scan3A_329, %get3A_610, %get3A_611] : memref<4x200x64xi32, #tpu.memory_space<vmem>> -> memref<1x200x64xi32, #tpu.memory_space<vmem>>
      %get3A_613 = tpu.memref_squeeze %get3A_612 : memref<1x200x64xi32, #tpu.memory_space<vmem>> -> memref<200x64xi32, #tpu.memory_space<vmem>>
      %get3A_614 = arith.index_cast %add3A_609 : i32 to index
      %get3A_615 = arith.constant 0 : index
      %get3A_616 = tpu.vector_load %get3A_613[%get3A_614, %get3A_615] {strides = array<i32>} : memref<200x64xi32, #tpu.memory_space<vmem>>, vector<16xi32>,
      %bitcast3A_617 = vector.bitcast %get3A_616 : vector<16xi32> to vector<32xbf16>
      %add3A_618 = arith.addf %add3A_574, %bitcast3A_617 : vector<32xbf16>
      %add3A_619 = arith.constant 5 : i32
      %add3A_620 = arith.addi %mul3A_388, %add3A_619 : i32
      %get3A_621 = arith.constant 0 : i32
      %get3A_622 = arith.constant 0 : i32
      %get3A_623 = tpu.memref_slice %arg6[%scan3A_329, %get3A_621, %get3A_622] : memref<4x200x64xi32, #tpu.memory_space<vmem>> -> memref<1x200x64xi32, #tpu.memory_space<vmem>>
      %get3A_624 = tpu.memref_squeeze %get3A_623 : memref<1x200x64xi32, #tpu.memory_space<vmem>> -> memref<200x64xi32, #tpu.memory_space<vmem>>
      %get3A_625 = arith.index_cast %add3A_620 : i32 to index
      %get3A_626 = arith.constant 16 : index
      %get3A_627 = tpu.vector_load %get3A_624[%get3A_625, %get3A_626] {strides = array<i32>} : memref<200x64xi32, #tpu.memory_space<vmem>>, vector<16xi32>,
      %bitcast3A_628 = vector.bitcast %get3A_627 : vector<16xi32> to vector<32xbf16>
      %add3A_629 = arith.addf %add3A_585, %bitcast3A_628 : vector<32xbf16>
      %add3A_630 = arith.constant 5 : i32
      %add3A_631 = arith.addi %mul3A_388, %add3A_630 : i32
      %get3A_632 = arith.constant 0 : i32
      %get3A_633 = arith.constant 0 : i32
      %get3A_634 = tpu.memref_slice %arg6[%scan3A_329, %get3A_632, %get3A_633] : memref<4x200x64xi32, #tpu.memory_space<vmem>> -> memref<1x200x64xi32, #tpu.memory_space<vmem>>
      %get3A_635 = tpu.memref_squeeze %get3A_634 : memref<1x200x64xi32, #tpu.memory_space<vmem>> -> memref<200x64xi32, #tpu.memory_space<vmem>>
      %get3A_636 = arith.index_cast %add3A_631 : i32 to index
      %get3A_637 = arith.constant 32 : index
      %get3A_638 = tpu.vector_load %get3A_635[%get3A_636, %get3A_637] {strides = array<i32>} : memref<200x64xi32, #tpu.memory_space<vmem>>, vector<16xi32>,
      %bitcast3A_639 = vector.bitcast %get3A_638 : vector<16xi32> to vector<32xbf16>
      %add3A_640 = arith.addf %add3A_596, %bitcast3A_639 : vector<32xbf16>
      %add3A_641 = arith.constant 5 : i32
      %add3A_642 = arith.addi %mul3A_388, %add3A_641 : i32
      %get3A_643 = arith.constant 0 : i32
      %get3A_644 = arith.constant 0 : i32
      %get3A_645 = tpu.memref_slice %arg6[%scan3A_329, %get3A_643, %get3A_644] : memref<4x200x64xi32, #tpu.memory_space<vmem>> -> memref<1x200x64xi32, #tpu.memory_space<vmem>>
      %get3A_646 = tpu.memref_squeeze %get3A_645 : memref<1x200x64xi32, #tpu.memory_space<vmem>> -> memref<200x64xi32, #tpu.memory_space<vmem>>
      %get3A_647 = arith.index_cast %add3A_642 : i32 to index
      %get3A_648 = arith.constant 48 : index
      %get3A_649 = tpu.vector_load %get3A_646[%get3A_647, %get3A_648] {strides = array<i32>} : memref<200x64xi32, #tpu.memory_space<vmem>>, vector<16xi32>,
      %bitcast3A_650 = vector.bitcast %get3A_649 : vector<16xi32> to vector<32xbf16>
      %add3A_651 = arith.addf %add3A_607, %bitcast3A_650 : vector<32xbf16>
      %add3A_652 = arith.constant 6 : i32
      %add3A_653 = arith.addi %mul3A_388, %add3A_652 : i32
      %get3A_654 = arith.constant 0 : i32
      %get3A_655 = arith.constant 0 : i32
      %get3A_656 = tpu.memref_slice %arg6[%scan3A_329, %get3A_654, %get3A_655] : memref<4x200x64xi32, #tpu.memory_space<vmem>> -> memref<1x200x64xi32, #tpu.memory_space<vmem>>
      %get3A_657 = tpu.memref_squeeze %get3A_656 : memref<1x200x64xi32, #tpu.memory_space<vmem>> -> memref<200x64xi32, #tpu.memory_space<vmem>>
      %get3A_658 = arith.index_cast %add3A_653 : i32 to index
      %get3A_659 = arith.constant 0 : index
      %get3A_660 = tpu.vector_load %get3A_657[%get3A_658, %get3A_659] {strides = array<i32>} : memref<200x64xi32, #tpu.memory_space<vmem>>, vector<16xi32>,
      %bitcast3A_661 = vector.bitcast %get3A_660 : vector<16xi32> to vector<32xbf16>
      %add3A_662 = arith.addf %add3A_618, %bitcast3A_661 : vector<32xbf16>
      %add3A_663 = arith.constant 6 : i32
      %add3A_664 = arith.addi %mul3A_388, %add3A_663 : i32
      %get3A_665 = arith.constant 0 : i32
      %get3A_666 = arith.constant 0 : i32
      %get3A_667 = tpu.memref_slice %arg6[%scan3A_329, %get3A_665, %get3A_666] : memref<4x200x64xi32, #tpu.memory_space<vmem>> -> memref<1x200x64xi32, #tpu.memory_space<vmem>>
      %get3A_668 = tpu.memref_squeeze %get3A_667 : memref<1x200x64xi32, #tpu.memory_space<vmem>> -> memref<200x64xi32, #tpu.memory_space<vmem>>
      %get3A_669 = arith.index_cast %add3A_664 : i32 to index
      %get3A_670 = arith.constant 16 : index
      %get3A_671 = tpu.vector_load %get3A_668[%get3A_669, %get3A_670] {strides = array<i32>} : memref<200x64xi32, #tpu.memory_space<vmem>>, vector<16xi32>,
      %bitcast3A_672 = vector.bitcast %get3A_671 : vector<16xi32> to vector<32xbf16>
      %add3A_673 = arith.addf %add3A_629, %bitcast3A_672 : vector<32xbf16>
      %add3A_674 = arith.constant 6 : i32
      %add3A_675 = arith.addi %mul3A_388, %add3A_674 : i32
      %get3A_676 = arith.constant 0 : i32
      %get3A_677 = arith.constant 0 : i32
      %get3A_678 = tpu.memref_slice %arg6[%scan3A_329, %get3A_676, %get3A_677] : memref<4x200x64xi32, #tpu.memory_space<vmem>> -> memref<1x200x64xi32, #tpu.memory_space<vmem>>
      %get3A_679 = tpu.memref_squeeze %get3A_678 : memref<1x200x64xi32, #tpu.memory_space<vmem>> -> memref<200x64xi32, #tpu.memory_space<vmem>>
      %get3A_680 = arith.index_cast %add3A_675 : i32 to index
      %get3A_681 = arith.constant 32 : index
      %get3A_682 = tpu.vector_load %get3A_679[%get3A_680, %get3A_681] {strides = array<i32>} : memref<200x64xi32, #tpu.memory_space<vmem>>, vector<16xi32>,
      %bitcast3A_683 = vector.bitcast %get3A_682 : vector<16xi32> to vector<32xbf16>
      %add3A_684 = arith.addf %add3A_640, %bitcast3A_683 : vector<32xbf16>
      %add3A_685 = arith.constant 6 : i32
      %add3A_686 = arith.addi %mul3A_388, %add3A_685 : i32
      %get3A_687 = arith.constant 0 : i32
      %get3A_688 = arith.constant 0 : i32
      %get3A_689 = tpu.memref_slice %arg6[%scan3A_329, %get3A_687, %get3A_688] : memref<4x200x64xi32, #tpu.memory_space<vmem>> -> memref<1x200x64xi32, #tpu.memory_space<vmem>>
      %get3A_690 = tpu.memref_squeeze %get3A_689 : memref<1x200x64xi32, #tpu.memory_space<vmem>> -> memref<200x64xi32, #tpu.memory_space<vmem>>
      %get3A_691 = arith.index_cast %add3A_686 : i32 to index
      %get3A_692 = arith.constant 48 : index
      %get3A_693 = tpu.vector_load %get3A_690[%get3A_691, %get3A_692] {strides = array<i32>} : memref<200x64xi32, #tpu.memory_space<vmem>>, vector<16xi32>,
      %bitcast3A_694 = vector.bitcast %get3A_693 : vector<16xi32> to vector<32xbf16>
      %add3A_695 = arith.addf %add3A_651, %bitcast3A_694 : vector<32xbf16>
      %add3A_696 = arith.constant 7 : i32
      %add3A_697 = arith.addi %mul3A_388, %add3A_696 : i32
      %get3A_698 = arith.constant 0 : i32
      %get3A_699 = arith.constant 0 : i32
      %get3A_700 = tpu.memref_slice %arg6[%scan3A_329, %get3A_698, %get3A_699] : memref<4x200x64xi32, #tpu.memory_space<vmem>> -> memref<1x200x64xi32, #tpu.memory_space<vmem>>
      %get3A_701 = tpu.memref_squeeze %get3A_700 : memref<1x200x64xi32, #tpu.memory_space<vmem>> -> memref<200x64xi32, #tpu.memory_space<vmem>>
      %get3A_702 = arith.index_cast %add3A_697 : i32 to index
      %get3A_703 = arith.constant 0 : index
      %get3A_704 = tpu.vector_load %get3A_701[%get3A_702, %get3A_703] {strides = array<i32>} : memref<200x64xi32, #tpu.memory_space<vmem>>, vector<16xi32>,
      %bitcast3A_705 = vector.bitcast %get3A_704 : vector<16xi32> to vector<32xbf16>
      %add3A_706 = arith.addf %add3A_662, %bitcast3A_705 : vector<32xbf16>
      %add3A_707 = arith.constant 7 : i32
      %add3A_708 = arith.addi %mul3A_388, %add3A_707 : i32
      %get3A_709 = arith.constant 0 : i32
      %get3A_710 = arith.constant 0 : i32
      %get3A_711 = tpu.memref_slice %arg6[%scan3A_329, %get3A_709, %get3A_710] : memref<4x200x64xi32, #tpu.memory_space<vmem>> -> memref<1x200x64xi32, #tpu.memory_space<vmem>>
      %get3A_712 = tpu.memref_squeeze %get3A_711 : memref<1x200x64xi32, #tpu.memory_space<vmem>> -> memref<200x64xi32, #tpu.memory_space<vmem>>
      %get3A_713 = arith.index_cast %add3A_708 : i32 to index
      %get3A_714 = arith.constant 16 : index
      %get3A_715 = tpu.vector_load %get3A_712[%get3A_713, %get3A_714] {strides = array<i32>} : memref<200x64xi32, #tpu.memory_space<vmem>>, vector<16xi32>,
      %bitcast3A_716 = vector.bitcast %get3A_715 : vector<16xi32> to vector<32xbf16>
      %add3A_717 = arith.addf %add3A_673, %bitcast3A_716 : vector<32xbf16>
      %add3A_718 = arith.constant 7 : i32
      %add3A_719 = arith.addi %mul3A_388, %add3A_718 : i32
      %get3A_720 = arith.constant 0 : i32
      %get3A_721 = arith.constant 0 : i32
      %get3A_722 = tpu.memref_slice %arg6[%scan3A_329, %get3A_720, %get3A_721] : memref<4x200x64xi32, #tpu.memory_space<vmem>> -> memref<1x200x64xi32, #tpu.memory_space<vmem>>
      %get3A_723 = tpu.memref_squeeze %get3A_722 : memref<1x200x64xi32, #tpu.memory_space<vmem>> -> memref<200x64xi32, #tpu.memory_space<vmem>>
      %get3A_724 = arith.index_cast %add3A_719 : i32 to index
      %get3A_725 = arith.constant 32 : index
      %get3A_726 = tpu.vector_load %get3A_723[%get3A_724, %get3A_725] {strides = array<i32>} : memref<200x64xi32, #tpu.memory_space<vmem>>, vector<16xi32>,
      %bitcast3A_727 = vector.bitcast %get3A_726 : vector<16xi32> to vector<32xbf16>
      %add3A_728 = arith.addf %add3A_684, %bitcast3A_727 : vector<32xbf16>
      %add3A_729 = arith.constant 7 : i32
      %add3A_730 = arith.addi %mul3A_388, %add3A_729 : i32
      %get3A_731 = arith.constant 0 : i32
      %get3A_732 = arith.constant 0 : i32
      %get3A_733 = tpu.memref_slice %arg6[%scan3A_329, %get3A_731, %get3A_732] : memref<4x200x64xi32, #tpu.memory_space<vmem>> -> memref<1x200x64xi32, #tpu.memory_space<vmem>>
      %get3A_734 = tpu.memref_squeeze %get3A_733 : memref<1x200x64xi32, #tpu.memory_space<vmem>> -> memref<200x64xi32, #tpu.memory_space<vmem>>
      %get3A_735 = arith.index_cast %add3A_730 : i32 to index
      %get3A_736 = arith.constant 48 : index
      %get3A_737 = tpu.vector_load %get3A_734[%get3A_735, %get3A_736] {strides = array<i32>} : memref<200x64xi32, #tpu.memory_space<vmem>>, vector<16xi32>,
      %bitcast3A_738 = vector.bitcast %get3A_737 : vector<16xi32> to vector<32xbf16>
      %add3A_739 = arith.addf %add3A_695, %bitcast3A_738 : vector<32xbf16>
      scf.yield %add3A_706, %add3A_717, %add3A_728, %add3A_739 : vector<32xbf16>, vector<32xbf16>, vector<32xbf16>, vector<32xbf16>
    }
    %scan3A_335 = arith.constant 25 : i32
    %bitcast3A_336 = vector.bitcast %scan3A_334#0 : vector<32xbf16> to vector<16xi32>
    %shift_left3A_337 = arith.constant 16 : i32
    %shift_left3A_338 = vector.broadcast %shift_left3A_337 : i32 to vector<16xi32>
    %shift_left3A_339 = arith.shli %bitcast3A_336, %shift_left3A_338 : vector<16xi32>
    %bitcast3A_340 = vector.bitcast %shift_left3A_339 : vector<16xi32> to vector<16xf32>
    %and3A_341 = arith.andi %bitcast3A_336, %broadcast_in_dim3A_5 : vector<16xi32>
    %bitcast3A_342 = vector.bitcast %and3A_341 : vector<16xi32> to vector<16xf32>
    %swap3A_343 = arith.constant 16256 : index
    %swap3A_344 = tpu.vector_load %arg7[%swap3A_343] {strides = array<i32>} : memref<16384xf32, #tpu.memory_space<vmem>>, vector<16xf32>,
    tpu.vector_store %arg7[%swap3A_343], %bitcast3A_340 {strides = array<i32>} : memref<16384xf32, #tpu.memory_space<vmem>>, vector<16xf32>,
    %swap3A_345 = arith.constant 16272 : index
    %swap3A_346 = tpu.vector_load %arg7[%swap3A_345] {strides = array<i32>} : memref<16384xf32, #tpu.memory_space<vmem>>, vector<16xf32>,
    tpu.vector_store %arg7[%swap3A_345], %bitcast3A_342 {strides = array<i32>} : memref<16384xf32, #tpu.memory_space<vmem>>, vector<16xf32>,
    %bitcast3A_347 = vector.bitcast %scan3A_334#1 : vector<32xbf16> to vector<16xi32>
    %shift_left3A_348 = arith.constant 16 : i32
    %shift_left3A_349 = vector.broadcast %shift_left3A_348 : i32 to vector<16xi32>
    %shift_left3A_350 = arith.shli %bitcast3A_347, %shift_left3A_349 : vector<16xi32>
    %bitcast3A_351 = vector.bitcast %shift_left3A_350 : vector<16xi32> to vector<16xf32>
    %and3A_352 = arith.andi %bitcast3A_347, %broadcast_in_dim3A_5 : vector<16xi32>
    %bitcast3A_353 = vector.bitcast %and3A_352 : vector<16xi32> to vector<16xf32>
    %swap3A_354 = arith.constant 16288 : index
    %swap3A_355 = tpu.vector_load %arg7[%swap3A_354] {strides = array<i32>} : memref<16384xf32, #tpu.memory_space<vmem>>, vector<16xf32>,
    tpu.vector_store %arg7[%swap3A_354], %bitcast3A_351 {strides = array<i32>} : memref<16384xf32, #tpu.memory_space<vmem>>, vector<16xf32>,
    %swap3A_356 = arith.constant 16304 : index
    %swap3A_357 = tpu.vector_load %arg7[%swap3A_356] {strides = array<i32>} : memref<16384xf32, #tpu.memory_space<vmem>>, vector<16xf32>,
    tpu.vector_store %arg7[%swap3A_356], %bitcast3A_353 {strides = array<i32>} : memref<16384xf32, #tpu.memory_space<vmem>>, vector<16xf32>,
    %bitcast3A_358 = vector.bitcast %scan3A_334#2 : vector<32xbf16> to vector<16xi32>
    %shift_left3A_359 = arith.constant 16 : i32
    %shift_left3A_360 = vector.broadcast %shift_left3A_359 : i32 to vector<16xi32>
    %shift_left3A_361 = arith.shli %bitcast3A_358, %shift_left3A_360 : vector<16xi32>
    %bitcast3A_362 = vector.bitcast %shift_left3A_361 : vector<16xi32> to vector<16xf32>
    %and3A_363 = arith.andi %bitcast3A_358, %broadcast_in_dim3A_5 : vector<16xi32>
    %bitcast3A_364 = vector.bitcast %and3A_363 : vector<16xi32> to vector<16xf32>
    %swap3A_365 = arith.constant 16320 : index
    %swap3A_366 = tpu.vector_load %arg7[%swap3A_365] {strides = array<i32>} : memref<16384xf32, #tpu.memory_space<vmem>>, vector<16xf32>,
    tpu.vector_store %arg7[%swap3A_365], %bitcast3A_362 {strides = array<i32>} : memref<16384xf32, #tpu.memory_space<vmem>>, vector<16xf32>,
    %swap3A_367 = arith.constant 16336 : index
    %swap3A_368 = tpu.vector_load %arg7[%swap3A_367] {strides = array<i32>} : memref<16384xf32, #tpu.memory_space<vmem>>, vector<16xf32>,
    tpu.vector_store %arg7[%swap3A_367], %bitcast3A_364 {strides = array<i32>} : memref<16384xf32, #tpu.memory_space<vmem>>, vector<16xf32>,
    %bitcast3A_369 = vector.bitcast %scan3A_334#3 : vector<32xbf16> to vector<16xi32>
    %shift_left3A_370 = arith.constant 16 : i32
    %shift_left3A_371 = vector.broadcast %shift_left3A_370 : i32 to vector<16xi32>
    %shift_left3A_372 = arith.shli %bitcast3A_369, %shift_left3A_371 : vector<16xi32>
    %bitcast3A_373 = vector.bitcast %shift_left3A_372 : vector<16xi32> to vector<16xf32>
    %and3A_374 = arith.andi %bitcast3A_369, %broadcast_in_dim3A_5 : vector<16xi32>
    %bitcast3A_375 = vector.bitcast %and3A_374 : vector<16xi32> to vector<16xf32>
    %swap3A_376 = arith.constant 16352 : index
    %swap3A_377 = tpu.vector_load %arg7[%swap3A_376] {strides = array<i32>} : memref<16384xf32, #tpu.memory_space<vmem>>, vector<16xf32>,
    tpu.vector_store %arg7[%swap3A_376], %bitcast3A_373 {strides = array<i32>} : memref<16384xf32, #tpu.memory_space<vmem>>, vector<16xf32>,
    %swap3A_378 = arith.constant 16368 : index
    %swap3A_379 = tpu.vector_load %arg7[%swap3A_378] {strides = array<i32>} : memref<16384xf32, #tpu.memory_space<vmem>>, vector<16xf32>,
    tpu.vector_store %arg7[%swap3A_378], %bitcast3A_375 {strides = array<i32>} : memref<16384xf32, #tpu.memory_space<vmem>>, vector<16xf32>,
    %mul3A_380 = arith.constant 128 : i32
    %mul3A_381 = arith.muli %mul3A_2, %mul3A_380 : i32
    "tpu.region"() ({
      %run_scoped3A = tpu.sem_alloc : memref<!tpu.dma_semaphore, #tpu.memory_space<semaphore_mem>>
      %dma_start3A_382 = tpu.memref_slice %arg4[%mul3A_381] : memref<524288xf32, #tpu.memory_space<hbm>> -> memref<16384xf32, #tpu.memory_space<hbm>>
      %dma_start3A_383 = tpu.memref_slice %arg4[%mul3A_381] : memref<524288xf32, #tpu.memory_space<hbm>> -> memref<16384xf32, #tpu.memory_space<hbm>>
      tpu.enqueue_dma source(%arg7 : memref<16384xf32, #tpu.memory_space<vmem>>) target(%dma_start3A_383 : memref<16384xf32, #tpu.memory_space<hbm>>) target_semaphore(%run_scoped3A : memref<!tpu.dma_semaphore, #tpu.memory_space<semaphore_mem>>)
      %dma_wait3A_384 = tpu.memref_slice %arg4[%mul3A_381] : memref<524288xf32, #tpu.memory_space<hbm>> -> memref<16384xf32, #tpu.memory_space<hbm>>
      %dma_wait3A_385 = tpu.memref_slice %arg4[%mul3A_381] : memref<524288xf32, #tpu.memory_space<hbm>> -> memref<16384xf32, #tpu.memory_space<hbm>>
      tpu.wait_dma2 semaphore(%run_scoped3A : memref<!tpu.dma_semaphore, #tpu.memory_space<semaphore_mem>>) src(%arg7 : memref<16384xf32, #tpu.memory_space<vmem>>) dst(%dma_wait3A_385 : memref<16384xf32, #tpu.memory_space<hbm>>)
      tpu.yield
    }) : () -> ()
    return
  }
}

module attributes {stable_mosaic.version = 14 : i64} {
  func.func @body(%arg0: i32, %arg1: memref<10000x128xf32, #tpu.memory_space<vmem>>, %arg2: memref<640000xi32, #tpu.memory_space<vmem>>) attributes {dimension_semantics = [#tpu.dimension_semantics<arbitrary>], iteration_bounds = array<i64: 10>, scalar_prefetch = 0 : i64, scratch_operands = 0 : i64, tpu.core_type = #tpu.core_type<tc>, window_params = [{transform_indices = @transform_0, window_bounds = array<i64: 10000, 128>}, {transform_indices = @transform_1, window_bounds = array<i64: 640000>}]} {
    %get3A = arith.constant 0 : index
    %get3A_0 = arith.constant 0 : index
    %get3A_1 = vector.load %arg1[%get3A, %get3A_0] : memref<10000x128xf32, #tpu.memory_space<vmem>>, vector<10000x128xf32>
    %convert_element_type3A = arith.truncf %get3A_1 : vector<10000x128xf32> to vector<10000x128xbf16>
    %bitcast_convert_type3A = tpu.bitcast %convert_element_type3A : vector<10000x128xbf16> -> vector<10000x128xi16>
    %reshape3A = vector.shape_cast %bitcast_convert_type3A : vector<10000x128xi16> to vector<5000x256xi16>
    %slice3A = vector.extract_strided_slice %reshape3A {offsets = [0, 0], sizes = [5000, 64], strides = [1, 1]} : vector<5000x256xi16> to vector<5000x64xi16>
    %slice3A_2 = vector.extract_strided_slice %reshape3A {offsets = [0, 64], sizes = [5000, 64], strides = [1, 1]} : vector<5000x256xi16> to vector<5000x64xi16>
    %convert_element_type3A_3 = arith.extui %slice3A : vector<5000x64xi16> to vector<5000x64xi32>
    %convert_element_type3A_4 = arith.extui %slice3A_2 : vector<5000x64xi16> to vector<5000x64xi32>
    %shift_left3A = arith.constant 16 : i32
    %shift_left3A_5 = vector.broadcast %shift_left3A : i32 to vector<5000x64xi32>
    %shift_left3A_6 = arith.shli %convert_element_type3A_4, %shift_left3A_5 : vector<5000x64xi32>
    %or3A = arith.ori %convert_element_type3A_3, %shift_left3A_6 : vector<5000x64xi32>
    %slice3A_7 = vector.extract_strided_slice %reshape3A {offsets = [0, 128], sizes = [5000, 64], strides = [1, 1]} : vector<5000x256xi16> to vector<5000x64xi16>
    %slice3A_8 = vector.extract_strided_slice %reshape3A {offsets = [0, 192], sizes = [5000, 64], strides = [1, 1]} : vector<5000x256xi16> to vector<5000x64xi16>
    %convert_element_type3A_9 = arith.extui %slice3A_7 : vector<5000x64xi16> to vector<5000x64xi32>
    %convert_element_type3A_10 = arith.extui %slice3A_8 : vector<5000x64xi16> to vector<5000x64xi32>
    %shift_left3A_11 = arith.constant 16 : i32
    %shift_left3A_12 = vector.broadcast %shift_left3A_11 : i32 to vector<5000x64xi32>
    %shift_left3A_13 = arith.shli %convert_element_type3A_10, %shift_left3A_12 : vector<5000x64xi32>
    %or3A_14 = arith.ori %convert_element_type3A_9, %shift_left3A_13 : vector<5000x64xi32>
    %concatenate3A = tpu.concatenate %or3A, %or3A_14 in 1 : vector<5000x64xi32>, vector<5000x64xi32> -> vector<5000x128xi32>
    %bitcast_convert_type3A_15 = tpu.bitcast %concatenate3A : vector<5000x128xi32> -> vector<5000x128xi32>
    %reshape3A_16 = vector.shape_cast %bitcast_convert_type3A_15 : vector<5000x128xi32> to vector<640000xi32>
    %swap3A = arith.constant 0 : index
    %swap3A_17 = vector.load %arg2[%swap3A] : memref<640000xi32, #tpu.memory_space<vmem>>, vector<640000xi32>
    tpu.vector_store %arg2[%swap3A], %reshape3A_16 {strides = array<i32>} : memref<640000xi32, #tpu.memory_space<vmem>>, vector<640000xi32>,
    return
  }
  func.func @transform_0(%arg0: i32) -> (i32, i32) {
    %c0_i32 = arith.constant 0 : i32
    %c0_i32_0 = arith.constant 0 : i32
    return %arg0, %c0_i32 : i32, i32
  }
  func.func @transform_1(%arg0: i32) -> i32 {
    %c0_i32 = arith.constant 0 : i32
    return %arg0 : i32
  }
}

module attributes {stable_mosaic.version = 14 : i64} {
  func.func @body(%arg0: i32, %arg1: memref<512x128xf32, #tpu.memory_space<vmem>>, %arg2: memref<512x1xf32, #tpu.memory_space<vmem>>, %arg3: memref<128x128xf32, #tpu.memory_space<vmem>>, %arg4: memref<1x128xf32, #tpu.memory_space<vmem>>, %arg5: memref<512x128xf32, #tpu.memory_space<vmem>>) attributes {dimension_semantics = [#tpu.dimension_semantics<arbitrary>], iteration_bounds = array<i64: 8>, scalar_prefetch = 0 : i64, scratch_operands = 0 : i64, tpu.core_type = #tpu.core_type<tc>, window_params = [{transform_indices = @transform_0, window_bounds = array<i64: 512, 128>}, {transform_indices = @transform_1, window_bounds = array<i64: 512, 1>}, {pipeline_mode = #tpu.pipeline_mode<synchronous>, transform_indices = @transform_2, window_bounds = array<i64: 128, 128>}, {pipeline_mode = #tpu.pipeline_mode<synchronous>, transform_indices = @transform_3, window_bounds = array<i64: 1, 128>}, {transform_indices = @transform_4, window_bounds = array<i64: 512, 128>}]} {
    %get3A = arith.constant 0 : index
    %get3A_0 = arith.constant 0 : index
    %get3A_1 = vector.load %arg1[%get3A, %get3A_0] : memref<512x128xf32, #tpu.memory_space<vmem>>, vector<512x128xf32>
    %get3A_2 = arith.constant 0 : index
    %get3A_3 = arith.constant 0 : index
    %get3A_4 = vector.load %arg2[%get3A_2, %get3A_3] : memref<512x1xf32, #tpu.memory_space<vmem>>, vector<512x1xf32>
    %div3A = vector.broadcast %get3A_4 : vector<512x1xf32> to vector<512x128xf32>
    %div3A_5 = arith.divf %get3A_1, %div3A : vector<512x128xf32>
    %get3A_6 = arith.constant 0 : index
    %get3A_7 = arith.constant 0 : index
    %get3A_8 = vector.load %arg3[%get3A_6, %get3A_7] : memref<128x128xf32, #tpu.memory_space<vmem>>, vector<128x128xf32>
    %dot_general3A = arith.constant dense<0.000000e+00> : vector<512x128xf32>
    %dot_general3A_9 = tpu.matmul %div3A_5, %get3A_8, %dot_general3A {dimension_numbers = #tpu.dot_dimension_numbers<[1], [0], [0], [1], [0, 0, 1, 1], [], []>, transpose_lhs_hint = false} : vector<512x128xf32>, vector<128x128xf32>, vector<512x128xf32> -> vector<512x128xf32>
    %get3A_10 = arith.constant 0 : index
    %get3A_11 = arith.constant 0 : index
    %get3A_12 = vector.load %arg4[%get3A_10, %get3A_11] : memref<1x128xf32, #tpu.memory_space<vmem>>, vector<1x128xf32>
    %add3A = vector.broadcast %get3A_12 : vector<1x128xf32> to vector<512x128xf32>
    %add3A_13 = arith.addf %dot_general3A_9, %add3A : vector<512x128xf32>
    %neg3A = arith.constant 0.000000e+00 : f32
    %neg3A_14 = vector.broadcast %neg3A : f32 to vector<512x128xf32>
    %neg3A_15 = arith.subf %neg3A_14, %add3A_13 : vector<512x128xf32>
    %exp3A = math.exp %neg3A_15 : vector<512x128xf32>
    %add3A_16 = arith.constant 1.000000e+00 : f32
    %add3A_17 = vector.broadcast %add3A_16 : f32 to vector<512x128xf32>
    %add3A_18 = arith.addf %add3A_17, %exp3A : vector<512x128xf32>
    %div3A_19 = arith.constant 1.000000e+00 : f32
    %div3A_20 = vector.broadcast %div3A_19 : f32 to vector<512x128xf32>
    %div3A_21 = arith.divf %div3A_20, %add3A_18 : vector<512x128xf32>
    %swap3A = arith.constant 0 : index
    %swap3A_22 = arith.constant 0 : index
    %swap3A_23 = vector.load %arg5[%swap3A, %swap3A_22] : memref<512x128xf32, #tpu.memory_space<vmem>>, vector<512x128xf32>
    tpu.vector_store %arg5[%swap3A, %swap3A_22], %div3A_21 {strides = array<i32>} : memref<512x128xf32, #tpu.memory_space<vmem>>, vector<512x128xf32>,
    return
  }
  func.func @transform_0(%arg0: i32) -> (i32, i32) {
    %c0_i32 = arith.constant 0 : i32
    %c0_i32_0 = arith.constant 0 : i32
    return %arg0, %c0_i32 : i32, i32
  }
  func.func @transform_1(%arg0: i32) -> (i32, i32) {
    %c0_i32 = arith.constant 0 : i32
    %c0_i32_0 = arith.constant 0 : i32
    return %arg0, %c0_i32 : i32, i32
  }
  func.func @transform_2(%arg0: i32) -> (i32, i32) {
    %c0_i32 = arith.constant 0 : i32
    %c0_i32_0 = arith.constant 0 : i32
    %c0_i32_1 = arith.constant 0 : i32
    return %c0_i32, %c0_i32_0 : i32, i32
  }
  func.func @transform_3(%arg0: i32) -> (i32, i32) {
    %c0_i32 = arith.constant 0 : i32
    %c0_i32_0 = arith.constant 0 : i32
    %c0_i32_1 = arith.constant 0 : i32
    return %c0_i32, %c0_i32_0 : i32, i32
  }
  func.func @transform_4(%arg0: i32) -> (i32, i32) {
    %c0_i32 = arith.constant 0 : i32
    %c0_i32_0 = arith.constant 0 : i32
    return %arg0, %c0_i32 : i32, i32
  }
}

</mosaic_0001>

<sc_bundles>
// kernel: kernel.5.cloned.1.call-start
scs
__scs_entry_jumppad:
0x0: {  	(pc) =	sbr.rel $0x88, $3  }
0x1: {  	(tag) =	ssettag $0x0;
	lr =	simm.s32 $0x1  }
0x2: {  	[smem:$0x3F9C] =	sst lr;
	_ =	strace $0xD0000000  }
0x3: {  	_ = 	snop  }
0x4: {  	_ = 	snop  }
0x5: {  	_ = 	snop  }
0x6: {  	_ = 	snop  }
0x7: {  	_ = 	snop  }
__scs_overlays_trampoline_lowered:
0x8: {  	[smem:$0x3FAB] =	sst s0  }
0x9: {  	[smem:$0x3FAC] =	sst s1  }
0xa: {  	[smem:$0x3FAD] =	sst s2  }
0xb: {  	[smem:$0x3FAE] =	sst s3  }
0xc: {  	[smem:$0x3FAF] =	sst s4  }
0xd: {  	[smem:$0x3FB0] =	sst s5  }
0xe: {  	[smem:$0x3FB1] =	sst s6  }
0xf: {  	[smem:$0x3FB2] =	sst s7  }
0x10: {  	[smem:$0x3FB3] =	sst s8  }
0x11: {  	[smem:$0x3FB4] =	sst s9;
	s0 =	simm.s32 @!p0 $0x0  }
0x12: {  	s1 =	sld [smem:$0x3F9A];
	s0 =	simm.s32 @p0 $0x1  }
0x13: {  	[smem:$0x3FB5] =	sst s0;
	s0 =	simm.s32 @!p1 $0x0  }
0x14: {  	s2 =	sld [smem:$0x3F99];
	s0 =	simm.s32 @p1 $0x1  }
0x15: {  	[smem:$0x3FB6] =	sst s0;
	s0 =	simm.s32 @!p2 $0x0  }
0x16: {  	s3 =	sld [smem:$0x3FDB];
	s0 =	simm.s32 @p2 $0x1  }
0x17: {  	s4 =	simm.s32 $0x1BF5;
	[smem:$0x3FB8] =	sst s0  }
0x18: {  	s0 =	sld [smem:$0x3F9B];
	_ =	swait.ge [sflag:s4], $0x0  }
0x19: {  	s7 =	sld [smem:$0x3F9C]  }
0x1a: {  	s8 =	sadd.s32 $0xFFFFE003, lr  }
0x1b: {  	s9 =	sadd.s32 $0xFFFFFEF7, lr;
	s5 =	simm.s32 $0xFFFFFFFF;
	p2 =	slt.u32 s8, $0xFFFFF086  }
0x1c: {  	p1 =	slt.u32 s9, $0xF7A;
	s5 =	simm.s32 @!p2 $0x0  }
0x1d: {  	s5 =	simm.s32 @p1 $0x1;
	p0 =	seq.s32 s7, s2  }
0x1e: {  	s7 =	smul.u32 @!p0 $0xF7A, s2;
	p2 =	seq.s32 @!p0 s5, $0x0  }
0x1f: {  	s9 =	smul.u32 $0xF7A, s1;
	s8 =	simm.s32 @!p0 $0x1BF5;
	p2 =	por !p2, p0  }
0x20: {  	[sflag:s8] =	ssyncset.s32 @!p0 $0xFFFFF086;
	s6 =	sadd.s32 @!p0 s3, s7;
	s7 =	simm.s32 @!p0 $0x108  }
0x21: {  	s3 =	sadd.s32 s3, s9;
	s6 =	sadd.s32 @!p0 $0x88, s6;
	s7 =	simm.s32 @p2 $0x1082  }
0x22: {  	[simem:s7], [sflag:s8] =	dma.local @!p0 [hbm:s6], $0xF7A  }
0x23: {  	s9 =	sor.u32 $0xD0000000, s2;
	s6 =	simm.s32 $0x108;
	_ =	swait.ge @!p0 [sflag:s8], $0x0  }
0x24: {  	s3 =	sadd.s32 $0x88, s3;
	s6 =	simm.s32 @!p1 $0x1082;
	[sflag:s4] =	ssyncset.s32 $0xFFFFF086  }
0x25: {  	[simem:s6], [sflag:s4] =	dma.local [hbm:s3], $0xF7A  }
0x26: {  	[smem:$0x3F9C] =	sst s1;
	(tag) =	ssettag s2;
	_ =	strace s9  }
0x27: {  	s1 =	sld [smem:$0x3FAC]  }
0x28: {  	s2 =	sld [smem:$0x3FAD]  }
0x29: {  	s4 =	sld [smem:$0x3FAF]  }
0x2a: {  	p0 =	seq.s32 s5, $0x0;
	s5 =	sld [smem:$0x3FB0]  }
0x2b: {  	s6 =	sld [smem:$0x3FB1]  }
0x2c: {  	s7 =	sld [smem:$0x3FB2]  }
0x2d: {  	s3 =	simm.s32 $0x108;
	s8 =	sld [smem:$0x3FB3]  }
0x2e: {  	s3 =	simm.s32 @!p0 $0x1082;
	s9 =	sld [smem:$0x3FB4]  }
0x2f: {  	lr =	sadd.s32 s0, s3;
	s0 =	sld [smem:$0x3FAB]  }
0x30: {  	s3 =	sld [smem:$0x3FAE]  }
0x31: {  	[smem:$0x3FB7] =	sst s10  }
0x32: {  	s10 =	sld [smem:$0x3FB5];
	_ =	sdelay $0x3  }
0x33: {  	p0 =	seq.s32 s10, $0x1;
	s10 =	sld [smem:$0x3FB7];
	_ =	sdelay $0x3  }
0x34: {  	[smem:$0x3FB7] =	sst s10  }
0x35: {  	s10 =	sld [smem:$0x3FB6];
	_ =	sdelay $0x3  }
0x36: {  	p1 =	seq.s32 s10, $0x1;
	s10 =	sld [smem:$0x3FB7];
	_ =	sdelay $0x3  }
0x37: {  	[smem:$0x3FB7] =	sst s10  }
0x38: {  	s10 =	sld [smem:$0x3FB8]  }
0x39: {  	_ = 	snop;
	(pc) =	sbr.ind lr, $3  }
0x3a: {  	_ = 	snop  }
0x3b: {  	_ = 	snop  }
0x3c: {  	p2 =	seq.s32 s10, $0x1;
	s10 =	sld [smem:$0x3FB7]  }
0x3d: {  	_ =	shalt  }
0x3e: {  	_ =	shalt  }
0x3f: {  	_ =	shalt  }
0x40: {  	_ =	shalt  }
0x41: {  	_ =	shalt  }
0x42: {  	_ =	shalt  }
0x43: {  	_ =	shalt  }
0x44: {  	_ =	shalt  }
0x45: {  	_ =	shalt  }
0x46: {  	_ =	shalt  }
0x47: {  	_ =	shalt  }
0x48: {  	_ =	shalt  }
0x49: {  	_ =	shalt  }
0x4a: {  	_ =	shalt  }
0x4b: {  	_ =	shalt  }
0x4c: {  	_ =	shalt  }
0x4d: {  	_ =	shalt  }
0x4e: {  	_ =	shalt  }
0x4f: {  	_ =	shalt  }
0x50: {  	_ =	shalt  }
0x51: {  	_ =	shalt  }
0x52: {  	_ =	shalt  }
0x53: {  	_ =	shalt  }
0x54: {  	_ =	shalt  }
0x55: {  	_ =	shalt  }
0x56: {  	_ =	shalt  }
0x57: {  	_ =	shalt  }
0x58: {  	_ =	shalt  }
0x59: {  	_ =	shalt  }
0x5a: {  	_ =	shalt  }
0x5b: {  	_ =	shalt  }
0x5c: {  	_ =	shalt  }
0x5d: {  	_ =	shalt  }
0x5e: {  	_ =	shalt  }
0x5f: {  	_ =	shalt  }
0x60: {  	_ =	shalt  }
0x61: {  	_ =	shalt  }
0x62: {  	_ =	shalt  }
0x63: {  	_ =	shalt  }
0x64: {  	_ =	shalt  }
0x65: {  	_ =	shalt  }
0x66: {  	_ =	shalt  }
0x67: {  	_ =	shalt  }
0x68: {  	_ =	shalt  }
0x69: {  	_ =	shalt  }
0x6a: {  	_ =	shalt  }
0x6b: {  	_ =	shalt  }
0x6c: {  	_ =	shalt  }
0x6d: {  	_ =	shalt  }
0x6e: {  	_ =	shalt  }
0x6f: {  	_ =	shalt  }
0x70: {  	_ =	shalt  }
0x71: {  	_ =	shalt  }
0x72: {  	_ =	shalt  }
0x73: {  	_ =	shalt  }
0x74: {  	_ =	shalt  }
0x75: {  	_ =	shalt  }
0x76: {  	_ =	shalt  }
0x77: {  	_ =	shalt  }
0x78: {  	_ =	shalt  }
0x79: {  	_ =	shalt  }
0x7a: {  	_ =	shalt  }
0x7b: {  	_ =	shalt  }
0x7c: {  	_ =	shalt  }
0x7d: {  	_ =	shalt  }
0x7e: {  	_ =	shalt  }
0x7f: {  	_ =	shalt  }
0x80: {  	_ =	shalt  }
0x81: {  	_ =	shalt  }
0x82: {  	_ =	shalt  }
0x83: {  	_ =	shalt  }
0x84: {  	_ =	shalt  }
0x85: {  	_ =	shalt  }
0x86: {  	_ =	shalt  }
0x87: {  	_ =	shalt  }
.Lfunc_end0:
.L_simem_size_0:
called_computation_lowered:
.L_overlay_start_0:
0x88: {  	s2 =	sld [smem:$0x3FD9]  }
0x89: {  	s3 =	sld [smem:$0x3FFE];
	_ =	sdelay $0x1  }
0x8a: {  	s1 =	srdreg.scid  }
0x8b: {  	s0 =	sand.u32 $0x1, s1  }
0x8c: {  	s16 =	sshll.u32 s0, $0xA;
	s2 =	sadd.s32 s3, s2  }
0x8d: {  	s2 =	sadd.s32 s2, s16  }
0x8e: {  	[smem:$0x3FC3] =	sst s2  }
0x8f: {  	_ = 	snop  }
0x90: {  	(tm) =	ssettm $0x1  }
0x91: {  	s17 =	sld [smem:$0x3FFB];
	_ =	sdelay $0x3  }
0x92: {  	_ =	strace s17  }
0x93: {  	s2 =	sld [smem:$0x3FFC];
	_ =	sdelay $0x3  }
0x94: {  	_ =	strace s2  }
0x95: {  	s2 =	sld [smem:$0x3FFD];
	_ =	sdelay $0x3  }
0x96: {  	_ =	strace s2  }
0x97: {  	_ =	strace $0x8FFFFFFF  }
0x98: {  	s18 =	sld [smem:$0x3FDB];
	_ =	sdelay $0x1  }
0x99: {  	s19 =	simm.s32 $_scs_section_size  }
0x9a: {  	s4 =	simm.s32 $_size__tile_overlayer_lowered;
	s5 =	simm.s32 $_tile_overlayer_lowered  }
0x9b: {  	s22 =	simm.s32 $0x1BFF;
	s21 =	sshll.u32 s5, $0x1;
	s2 =	sadd.s32 s19, s18  }
0x9c: {  	s6 =	simm.s32 $0x0;
	s20 =	sshll.u32 s4, $0x1;
	s4 =	sadd.s32 s21, s2  }
0x9d: {  	[timem:s6], [sflag:s22] =	dma.local [hbm:s4], s20  }
0x9e: {  	_ =	swait.ge [sflag:s22], s20  }
0x9f: {  	s3 =	ssub.s32 $0x0, s20;
	[sflag:s22] =	ssyncset.done $0x0  }
0xa0: {  	[sflag:s22] =	ssyncadd.s32 s3;
	_ =	sdelay $0x1  }
0xa1: {  	s23 =	simm.s32 $0x1B8B  }
0xa2: {  	_ =	swait.ge [sflag:s23], $0x1  }
0xa3: {  	[sflag:s23] =	ssyncset.done $0x0  }
0xa4: {  	s25 =	simm.s32 $0x1B8E;
	s24 =	sld [smem:$0x3FFE];
	[sflag:s23] =	ssyncadd.s32 $0xFFFFFFFF  }
0xa5: {  	s26 =	simm.s32 $execute0_lowered;
	[smem:$0x3FD2] =	sst s25  }
0xa6: {  	s4 =	sshll.u32 s26, $0x1;
	_ =	strace $0x80000046;
	[dreg:$0x1] =	wrdreg $0xFFFFFFFF  }
0xa7: {  	s28 =	simm.s32 $_size_execute0_lowered;
	s2 =	sadd.s32 s2, s4;
	[dreg:$0x0] =	wrdreg $0x0  }
0xa8: {  	s4 =	sshll.u32 s28, $0x1;
	[dreg:$0x2] =	wrdreg s2  }
0xa9: {  	[dreg:$0x3] =	wrdreg s4  }
0xaa: {  	[dreg:$0x4] =	wrdreg $0xC0  }
0xab: {  	_ =	task [dreg:s6], $0x5FFFF  }
0xac: {  	[dreg:$0x1] =	wrdreg $0xFFFFFFFF  }
0xad: {  	[dreg:$0x0] =	wrdreg $0x60  }
0xae: {  	[dreg:$0x2] =	wrdreg s24  }
0xaf: {  	[dreg:$0x3] =	wrdreg $0x9  }
0xb0: {  	_ =	task.clear_ibuf [dreg:s6], $0x4FFFF;
	_ =	strace $0x90000046  }
0xb1: {  	s29 =	simm.s32 $0x9;
	_ =	strace $0x80000048  }
0xb2: {  	_ =	swait.ge [sflag:s29], $0x1  }
0xb3: {  	[sflag:s29] =	ssyncadd.s32 $0xFFFFFFFF  }
0xb4: {  	_ =	strace $0x90000048  }
0xb5: {  	_ =	sfence  }
0xb6: {  	s30 =	sld [smem:$0x0];
	_ =	sdelay $0x2  }
0xb7: {  	s31 =	sshll.u32 s1, $0xD;
	s1 =	sshrl.u32 s1, $0x2  }
0xb8: {  	s3 =	sand.u32 $0x4000, s31;
	s1 =	sadd.s32 s1, s30  }
0xb9: {  	s0 =	sor.u32 s3, s0;
	s1 =	sshll.u32 s1, $0x11  }
0xba: {  	s0 =	sor.u32 s1, s0  }
0xbb: {  	s0 =	sadd.s32 $0x8F2B, s0  }
0xbc: {  	[sflag:s0] =	ssyncadd.remote.s32 $0x1  }
0xbd: {  	_ =	sfence.sel $0xFFFF  }
0xbe: {  	[dreg:$0x0] =	wrdreg $0xFFFFFFFF;
	(pc) =	sbr.abs _section_cstart, $3  }
0xbf: {  	[dreg:$0x1] =	wrdreg $0xFFFFFFFF  }
0xc0: {  	_ =	task.clear_ibuf [dreg:s6], $0x2FFFF;
	_ =	strace $0x9FFFFFFF  }
0xc1: {  	(tm) =	ssettm $0x7FFFFFFF  }
tec
execute0_lowered:
.L_overlay_start_1:
0x0: {  	(tag) =	ssettag $0x1  }
0x1: {  	s0 =	srdreg.scid;
	s2 =	stileid.u32  }
0x2: {  	s1 =	rddreg [dreg:$0x0];
	s7 =	simm.s32 $0x5;
	s8 =	simm.s32 $0x68  }
0x3: {  	s9 =	simm.s32 $0x6400;
	s10 =	simm.s32 $0x60;
	s11 =	simm.s32 $0x7E00  }
0x4: {  	s13 =	simm.s32 $0x9600;
	s15 =	simm.s32 $0xB000;
	s16 =	simm.s32 $0x190  }
0x5: {  	s17 =	simm.s32 $0xC800;
	s18 =	simm.s32 $0x1F8;
	s19 =	simm.s32 $0xE200  }
0x6: {  	s20 =	simm.s32 $0x258;
	s21 =	simm.s32 $0xFA00;
	s22 =	simm.s32 $0x2C0  }
0x7: {  	s23 =	simm.s32 $0x11400;
	s24 =	simm.s32 $0x1;
	s25 =	simm.s32 $0x2  }
0x8: {  	s26 =	simm.s32 $0x3;
	s28 =	simm.s32 $0x4;
	s29 =	simm.s32 $0x12C00  }
0x9: {  	s0 =	sand.u32 $0x1, s0;
	s3 =	sshll.u32 s2, $0x1;
	s2 =	simm.s32 $0x0  }
0xa: {  	s30 =	simm.s32 $0x0;
	s3 =	sor.u32 s0, s3;
	[smem:$0x7FF] =	sst s2  }
0xb: {  	s0 =	ssub.s32 $0x2, s0;
	s4 =	smul.u32 $0xC80, s3;
	_ =	strace $0x80000047  }
0xc: {  	s5 =	sshll.u32 s3, $0xB;
	s3 =	sadd.s32 $0x19A00, s1;
	s31 =	sshrl.u32 s0, $0x1  }
0xd: {  	s0 =	ssub.s32 s0, s31;
	s4 =	sadd.s32 s4, s1;
	s1 =	sadd.s32 s5, s1  }
0xe: {  	s6 =	smax.u32 s0, $0x1;
	s4 =	sadd.s32 $0xA00, s4;
	s5 =	sadd.s32 $0xDD000, s1  }
.LBB2_1:
0xf: {  	[tilespmem:s2], [sflag:$0x5] =	stream.linear.gather [hbm4b:s4+s2], $0x6400, $0x38;
	[tilespmem:$0x16C00] =	vst v63  }
0x10: {  	_ =	swait.ge [sflag:s7], $0x6400  }
0x11: {  	[sflag:s7] =	ssyncset.done $0x0  }
0x12: {  	[sflag:s7] =	ssyncadd.s32 $0xFFFF9C00  }
0x13: {  	[tilespmem:s9], [sflag:$0x1] =	stream.indirect.gather [hbm4b:s3+s8], $0x40, s2, s8, $0xb8;
	[tilespmem:$0x16C00] =	vst v63  }
0x14: {  	_ = 	snop  }
0x15: {  	[tilespmem:s11], [sflag:$0x1] =	stream.indirect.gather [hbm4b:s3+s10], $0x40, s8, s10, $0xb8;
	[tilespmem:$0x16C00] =	vst v63  }
0x16: {  	s0 =	simm.s32 $0xC8  }
0x17: {  	[tilespmem:s13], [sflag:$0x2] =	stream.indirect.gather [hbm4b:s3+s8], $0x40, s0, s8, $0xb8;
	[tilespmem:$0x16C00] =	vst v63  }
0x18: {  	s14 =	simm.s32 $0x130  }
0x19: {  	[tilespmem:s15], [sflag:$0x2] =	stream.indirect.gather [hbm4b:s3+s10], $0x40, s14, s10, $0xb8;
	[tilespmem:$0x16C00] =	vst v63  }
0x1a: {  	_ = 	snop  }
0x1b: {  	[tilespmem:s17], [sflag:$0x3] =	stream.indirect.gather [hbm4b:s3+s8], $0x40, s16, s8, $0xb8;
	[tilespmem:$0x16C00] =	vst v63  }
0x1c: {  	_ = 	snop  }
0x1d: {  	[tilespmem:s19], [sflag:$0x3] =	stream.indirect.gather [hbm4b:s3+s10], $0x40, s18, s10, $0xb8;
	[tilespmem:$0x16C00] =	vst v63  }
0x1e: {  	_ = 	snop  }
0x1f: {  	[tilespmem:s21], [sflag:$0x4] =	stream.indirect.gather [hbm4b:s3+s8], $0x40, s20, s8, $0xb8;
	[tilespmem:$0x16C00] =	vst v63  }
0x20: {  	s31 =	simm.s32 $0x0  }
0x21: {  	[tilespmem:s23], [sflag:$0x4] =	stream.indirect.gather [hbm4b:s3+s10], $0x40, s22, s10, $0xb8;
	[tilespmem:$0x16C00] =	vst v63  }
.LBB2_2:
0x22: {  	_ =	swait.ge [sflag:s24], $0x3200  }
0x23: {  	[sflag:s24] =	ssyncset.done $0x0  }
0x24: {  	s0 =	simm.s32 $0x0;
	[sflag:s24] =	ssyncadd.s32 $0xFFFFCE00  }
0x25: {  	v1 =	vld [tilespmem:s0+$0x65C0]  }
0x26: {  	v0 =	vld [tilespmem:s0+$0x65D0]  }
0x27: {  	v2 =	vld [tilespmem:s0+$0x6580]  }
0x28: {  	v3 =	vld [tilespmem:s0+$0x6590]  }
0x29: {  	v5 =	vld [tilespmem:s0+$0x6540]  }
0x2a: {  	v4 =	vld [tilespmem:s0+$0x6550]  }
0x2b: {  	v7 =	vld [tilespmem:s0+$0x6500]  }
0x2c: {  	v6 =	vld [tilespmem:s0+$0x6510]  }
0x2d: {  	v9 =	vld [tilespmem:s0+$0x64C0]  }
0x2e: {  	v8 =	vld [tilespmem:s0+$0x64D0]  }
0x2f: {  	v11 =	vld [tilespmem:s0+$0x6480]  }
0x30: {  	v10 =	vld [tilespmem:s0+$0x6490]  }
0x31: {  	v17 =	vld [tilespmem:s0+$0x6440]  }
0x32: {  	v16 =	vld [tilespmem:s0+$0x6450]  }
0x33: {  	v19 =	vld [tilespmem:s0+$0x6400]  }
0x34: {  	v14 =	vimm.bf16 $0.0e+00;
	v20 =	vld [tilespmem:s0+$0x6410]  }
0x35: {  	s1 =	simm.s32 $0x800;
	v15 =	vimm.bf16 $0.0e+00;
	v13 =	vimm.bf16 $0.0e+00;
	v12 =	vimm.bf16 $0.0e+00;
	v18 =	vld [tilespmem:s0+$0x6420]  }
.LBB2_3:
0x36: {  	p0 =	sne.s32 s1, $0xC000;
	v21 =	vld [tilespmem:s0+$0x6430]  }
0x37: {  	v22 =	vld [tilespmem:s0+$0x6460]  }
0x38: {  	v23 =	vld [tilespmem:s0+$0x6470]  }
0x39: {  	v24 =	vld [tilespmem:s0+$0x64A0]  }
0x3a: {  	v14 =	vadd.bf16 v19, v14;
	v15 =	vadd.bf16 v20, v15;
	v19 =	vld [tilespmem:s0+$0x64B0]  }
0x3b: {  	v13 =	vadd.bf16 v18, v13;
	v12 =	vadd.bf16 v21, v12;
	v18 =	vld [tilespmem:s0+$0x64E0]  }
0x3c: {  	v14 =	vadd.bf16 v17, v14;
	v15 =	vadd.bf16 v16, v15;
	v16 =	vld [tilespmem:s0+$0x64F0]  }
0x3d: {  	v13 =	vadd.bf16 v22, v13;
	v12 =	vadd.bf16 v23, v12;
	v17 =	vld [tilespmem:s0+$0x6520]  }
0x3e: {  	v11 =	vadd.bf16 v11, v14;
	v10 =	vadd.bf16 v10, v15;
	v14 =	vld [tilespmem:s0+$0x6530]  }
0x3f: {  	v13 =	vadd.bf16 v24, v13;
	v12 =	vadd.bf16 v19, v12;
	v15 =	vld [tilespmem:s0+$0x6560]  }
0x40: {  	v9 =	vadd.bf16 v9, v11;
	v8 =	vadd.bf16 v8, v10;
	v10 =	vld [tilespmem:s0+$0x6570]  }
0x41: {  	v11 =	vadd.bf16 v18, v13;
	v12 =	vadd.bf16 v16, v12;
	v13 =	vld [tilespmem:s0+$0x65A0]  }
0x42: {  	v7 =	vadd.bf16 v7, v9;
	v6 =	vadd.bf16 v6, v8;
	v8 =	vld [tilespmem:s0+$0x65B0]  }
0x43: {  	v9 =	vadd.bf16 v17, v11;
	v11 =	vadd.bf16 v14, v12;
	v12 =	vld [tilespmem:s0+$0x65E0]  }
0x44: {  	v5 =	vadd.bf16 v5, v7;
	v4 =	vadd.bf16 v4, v6;
	v6 =	vld [tilespmem:s0+$0x65F0];
	s0 =	sshra.s32 s1, $0x2  }
0x45: {  	v9 =	vadd.bf16 v15, v9;
	v7 =	vld [tilespmem:s0+$0x65C0];
	v10 =	vadd.bf16 v10, v11  }
0x46: {  	v5 =	vadd.bf16 v2, v5;
	v4 =	vadd.bf16 v3, v4;
	v11 =	vld [tilespmem:s0+$0x65D0]  }
0x47: {  	v9 =	vadd.bf16 v13, v9;
	v2 =	vld [tilespmem:s0+$0x6580];
	v8 =	vadd.bf16 v8, v10  }
0x48: {  	v14 =	vadd.bf16 v1, v5;
	v15 =	vadd.bf16 v0, v4;
	v3 =	vld [tilespmem:s0+$0x6590]  }
0x49: {  	v13 =	vadd.bf16 v12, v9;
	v5 =	vld [tilespmem:s0+$0x6540];
	v12 =	vadd.bf16 v6, v8  }
0x4a: {  	v4 =	vld [tilespmem:s0+$0x6550];
	v1 =	vmov v7  }
0x4b: {  	v7 =	vld [tilespmem:s0+$0x6500];
	v0 =	vmov v11  }
0x4c: {  	v6 =	vld [tilespmem:s0+$0x6510]  }
0x4d: {  	v9 =	vld [tilespmem:s0+$0x64C0]  }
0x4e: {  	v8 =	vld [tilespmem:s0+$0x64D0]  }
0x4f: {  	v11 =	vld [tilespmem:s0+$0x6480]  }
0x50: {  	v10 =	vld [tilespmem:s0+$0x6490]  }
.Ltmp0:
0x51: {  	v17 =	vld [tilespmem:s0+$0x6440];
	(pc) =	sbr.rel @p0 .LBB2_3-.Ltmp0, $4  }
0x52: {  	v16 =	vld [tilespmem:s0+$0x6450]  }
0x53: {  	v19 =	vld [tilespmem:s0+$0x6400]  }
0x54: {  	v20 =	vld [tilespmem:s0+$0x6410]  }
0x55: {  	s1 =	sadd.s32 $0x800, s1;
	v18 =	vld [tilespmem:s0+$0x6420]  }
0x56: {  	_ = 	snop  }
0x57: {  	v21 =	vld [tilespmem:s0+$0x6430]  }
0x58: {  	v22 =	vld [tilespmem:s0+$0x6460];
	v14 =	vadd.bf16 v19, v14  }
0x59: {  	v23 =	vld [tilespmem:s0+$0x64A0]  }
0x5a: {  	v19 =	vld [tilespmem:s0+$0x6470];
	v15 =	vadd.bf16 v20, v15;
	v14 =	vadd.bf16 v17, v14  }
0x5b: {  	v17 =	vld [tilespmem:s0+$0x64B0];
	v13 =	vadd.bf16 v18, v13  }
0x5c: {  	v18 =	vld [tilespmem:s0+$0x64E0];
	v15 =	vadd.bf16 v16, v15;
	v11 =	vadd.bf16 v11, v14  }
0x5d: {  	v12 =	vadd.bf16 v21, v12;
	v16 =	vld [tilespmem:s0+$0x6520];
	v13 =	vadd.bf16 v22, v13  }
0x5e: {  	v14 =	vld [tilespmem:s0+$0x64F0];
	v10 =	vadd.bf16 v10, v15;
	v9 =	vadd.bf16 v9, v11  }
0x5f: {  	v15 =	vld [tilespmem:s0+$0x6560];
	v11 =	vadd.bf16 v19, v12;
	v13 =	vadd.bf16 v23, v13  }
0x60: {  	v12 =	vld [tilespmem:s0+$0x6530];
	v8 =	vadd.bf16 v8, v10;
	v7 =	vadd.bf16 v7, v9  }
0x61: {  	v9 =	vadd.bf16 v17, v11;
	v10 =	vadd.bf16 v18, v13  }
0x62: {  	v11 =	vld [tilespmem:s0+$0x6570];
	v6 =	vadd.bf16 v6, v8;
	v5 =	vadd.bf16 v5, v7  }
0x63: {  	v8 =	vld [tilespmem:s0+$0x65A0];
	v7 =	vadd.bf16 v14, v9;
	v9 =	vadd.bf16 v16, v10  }
0x64: {  	v10 =	vld [tilespmem:s0+$0x65B0];
	v4 =	vadd.bf16 v4, v6;
	v2 =	vadd.bf16 v2, v5  }
0x65: {  	v6 =	vld [tilespmem:s0+$0x65E0];
	v5 =	vadd.bf16 v12, v7;
	v7 =	vadd.bf16 v15, v9  }
0x66: {  	v3 =	vadd.bf16 v3, v4;
	v1 =	vadd.bf16 v1, v2  }
0x67: {  	s1 =	sshll.u32 s31, $0x9;
	v2 =	vld [tilespmem:s0+$0x65F0];
	v4 =	vadd.bf16 v11, v5  }
0x68: {  	s1 =	sand.u32 $0x3FFFFE00, s1;
	v5 =	vadd.bf16 v8, v7;
	v0 =	vadd.bf16 v0, v3;
	v3 =	vshll.u32 v1, $0x10  }
0x69: {  	v1 =	vand.u32 $0xFFFF0000, v1;
	[tilespmem:s1+$0x12C00] =	vst v3  }
0x6a: {  	v3 =	vadd.bf16 v10, v4;
	v4 =	vadd.bf16 v6, v5;
	[tilespmem:s1+$0x12C10] =	vst v1;
	v1 =	vshll.u32 v0, $0x10  }
0x6b: {  	v0 =	vand.u32 $0xFFFF0000, v0;
	[tilespmem:s1+$0x12C20] =	vst v1  }
0x6c: {  	[tilespmem:s1+$0x12C30] =	vst v0;
	v1 =	vadd.bf16 v2, v3;
	v0 =	vshll.u32 v4, $0x10  }
0x6d: {  	s12 =	smul.u32 $0xC80, s31;
	v2 =	vand.u32 $0xFFFF0000, v4;
	[tilespmem:s1+$0x12C40] =	vst v0  }
0x6e: {  	[tilespmem:s1+$0x12C50] =	vst v2;
	v0 =	vshll.u32 v1, $0x10  }
0x6f: {  	s0 =	sshra.s32 s12, $0x2;
	v1 =	vand.u32 $0xFFFF0000, v1;
	[tilespmem:s1+$0x12C60] =	vst v0  }
0x70: {  	s12 =	sadd.s32 $0x320, s0;
	[tilespmem:s1+$0x12C70] =	vst v1  }
0x71: {  	[tilespmem:s9], [sflag:$0x1] =	stream.indirect.gather [hbm4b:s3+s8], $0x40, s12, s8, $0xb8;
	[tilespmem:$0x16C00] =	vst v63  }
0x72: {  	s14 =	sadd.s32 $0x388, s0  }
0x73: {  	[tilespmem:s11], [sflag:$0x1] =	stream.indirect.gather [hbm4b:s3+s10], $0x40, s14, s10, $0xb8;
	[tilespmem:$0x16C00] =	vst v63  }
0x74: {  	_ =	swait.ge [sflag:s25], $0x3200  }
0x75: {  	[sflag:s25] =	ssyncset.done $0x0  }
0x76: {  	s12 =	simm.s32 $0x0;
	[sflag:s25] =	ssyncadd.s32 $0xFFFFCE00  }
0x77: {  	v1 =	vld [tilespmem:s12+$0x97C0]  }
0x78: {  	v0 =	vld [tilespmem:s12+$0x97D0]  }
0x79: {  	v2 =	vld [tilespmem:s12+$0x9780]  }
0x7a: {  	v3 =	vld [tilespmem:s12+$0x9790]  }
0x7b: {  	v5 =	vld [tilespmem:s12+$0x9740]  }
0x7c: {  	v4 =	vld [tilespmem:s12+$0x9750]  }
0x7d: {  	v7 =	vld [tilespmem:s12+$0x9700]  }
0x7e: {  	v6 =	vld [tilespmem:s12+$0x9710]  }
0x7f: {  	v9 =	vld [tilespmem:s12+$0x96C0]  }
0x80: {  	v8 =	vld [tilespmem:s12+$0x96D0]  }
0x81: {  	v11 =	vld [tilespmem:s12+$0x9680]  }
0x82: {  	v10 =	vld [tilespmem:s12+$0x9690]  }
0x83: {  	v17 =	vld [tilespmem:s12+$0x9640]  }
0x84: {  	v16 =	vld [tilespmem:s12+$0x9650]  }
0x85: {  	v19 =	vld [tilespmem:s12+$0x9600]  }
0x86: {  	v13 =	vimm.bf16 $0.0e+00;
	v20 =	vld [tilespmem:s12+$0x9610]  }
0x87: {  	v14 =	vimm.bf16 $0.0e+00;
	v15 =	vimm.bf16 $0.0e+00;
	v12 =	vimm.bf16 $0.0e+00;
	s14 =	simm.s32 $0x800;
	v18 =	vld [tilespmem:s12+$0x9620]  }
.LBB2_5:
0x88: {  	p0 =	sne.s32 s14, $0xC000;
	v21 =	vld [tilespmem:s12+$0x9630]  }
0x89: {  	v22 =	vld [tilespmem:s12+$0x9660]  }
0x8a: {  	v23 =	vld [tilespmem:s12+$0x9670]  }
0x8b: {  	v24 =	vld [tilespmem:s12+$0x96A0]  }
0x8c: {  	v14 =	vadd.bf16 v19, v14;
	v15 =	vadd.bf16 v20, v15;
	v19 =	vld [tilespmem:s12+$0x96B0]  }
0x8d: {  	v13 =	vadd.bf16 v18, v13;
	v12 =	vadd.bf16 v21, v12;
	v18 =	vld [tilespmem:s12+$0x96E0]  }
0x8e: {  	v14 =	vadd.bf16 v17, v14;
	v15 =	vadd.bf16 v16, v15;
	v16 =	vld [tilespmem:s12+$0x96F0]  }
0x8f: {  	v13 =	vadd.bf16 v22, v13;
	v12 =	vadd.bf16 v23, v12;
	v17 =	vld [tilespmem:s12+$0x9720]  }
0x90: {  	v11 =	vadd.bf16 v11, v14;
	v10 =	vadd.bf16 v10, v15;
	v14 =	vld [tilespmem:s12+$0x9730]  }
0x91: {  	v13 =	vadd.bf16 v24, v13;
	v12 =	vadd.bf16 v19, v12;
	v15 =	vld [tilespmem:s12+$0x9760]  }
0x92: {  	v9 =	vadd.bf16 v9, v11;
	v8 =	vadd.bf16 v8, v10;
	v10 =	vld [tilespmem:s12+$0x9770]  }
0x93: {  	v11 =	vadd.bf16 v18, v13;
	v12 =	vadd.bf16 v16, v12;
	v13 =	vld [tilespmem:s12+$0x97A0]  }
0x94: {  	v7 =	vadd.bf16 v7, v9;
	v6 =	vadd.bf16 v6, v8;
	v8 =	vld [tilespmem:s12+$0x97B0]  }
0x95: {  	v9 =	vadd.bf16 v17, v11;
	v11 =	vadd.bf16 v14, v12;
	v12 =	vld [tilespmem:s12+$0x97E0]  }
0x96: {  	v5 =	vadd.bf16 v5, v7;
	v4 =	vadd.bf16 v4, v6;
	v6 =	vld [tilespmem:s12+$0x97F0];
	s12 =	sshra.s32 s14, $0x2  }
0x97: {  	v9 =	vadd.bf16 v15, v9;
	v7 =	vld [tilespmem:s12+$0x97C0];
	v10 =	vadd.bf16 v10, v11  }
0x98: {  	v5 =	vadd.bf16 v2, v5;
	v4 =	vadd.bf16 v3, v4;
	v11 =	vld [tilespmem:s12+$0x97D0]  }
0x99: {  	v9 =	vadd.bf16 v13, v9;
	v2 =	vld [tilespmem:s12+$0x9780];
	v8 =	vadd.bf16 v8, v10  }
0x9a: {  	v14 =	vadd.bf16 v1, v5;
	v15 =	vadd.bf16 v0, v4;
	v3 =	vld [tilespmem:s12+$0x9790]  }
0x9b: {  	v13 =	vadd.bf16 v12, v9;
	v5 =	vld [tilespmem:s12+$0x9740];
	v12 =	vadd.bf16 v6, v8  }
0x9c: {  	v4 =	vld [tilespmem:s12+$0x9750];
	v1 =	vmov v7  }
0x9d: {  	v7 =	vld [tilespmem:s12+$0x9700];
	v0 =	vmov v11  }
0x9e: {  	v6 =	vld [tilespmem:s12+$0x9710]  }
0x9f: {  	v9 =	vld [tilespmem:s12+$0x96C0]  }
0xa0: {  	v8 =	vld [tilespmem:s12+$0x96D0]  }
0xa1: {  	v11 =	vld [tilespmem:s12+$0x9680]  }
0xa2: {  	v10 =	vld [tilespmem:s12+$0x9690]  }
.Ltmp1:
0xa3: {  	v17 =	vld [tilespmem:s12+$0x9640];
	(pc) =	sbr.rel @p0 .LBB2_5-.Ltmp1, $4  }
0xa4: {  	v16 =	vld [tilespmem:s12+$0x9650]  }
0xa5: {  	v19 =	vld [tilespmem:s12+$0x9600]  }
0xa6: {  	v20 =	vld [tilespmem:s12+$0x9610]  }
0xa7: {  	s14 =	sadd.s32 $0x800, s14;
	v18 =	vld [tilespmem:s12+$0x9620]  }
0xa8: {  	_ = 	snop  }
0xa9: {  	v21 =	vld [tilespmem:s12+$0x9630]  }
0xaa: {  	v22 =	vld [tilespmem:s12+$0x9660];
	v14 =	vadd.bf16 v19, v14  }
0xab: {  	v23 =	vld [tilespmem:s12+$0x96A0]  }
0xac: {  	v19 =	vld [tilespmem:s12+$0x9670];
	v15 =	vadd.bf16 v20, v15;
	v14 =	vadd.bf16 v17, v14  }
0xad: {  	v17 =	vld [tilespmem:s12+$0x96B0];
	v13 =	vadd.bf16 v18, v13  }
0xae: {  	v18 =	vld [tilespmem:s12+$0x96E0];
	v15 =	vadd.bf16 v16, v15;
	v11 =	vadd.bf16 v11, v14  }
0xaf: {  	v12 =	vadd.bf16 v21, v12;
	v16 =	vld [tilespmem:s12+$0x9720];
	v13 =	vadd.bf16 v22, v13  }
0xb0: {  	v14 =	vld [tilespmem:s12+$0x96F0];
	v10 =	vadd.bf16 v10, v15;
	v9 =	vadd.bf16 v9, v11  }
0xb1: {  	v15 =	vld [tilespmem:s12+$0x9760];
	v11 =	vadd.bf16 v19, v12;
	v13 =	vadd.bf16 v23, v13  }
0xb2: {  	v12 =	vld [tilespmem:s12+$0x9730];
	v8 =	vadd.bf16 v8, v10;
	v7 =	vadd.bf16 v7, v9  }
0xb3: {  	v9 =	vadd.bf16 v17, v11;
	v10 =	vadd.bf16 v18, v13  }
0xb4: {  	v11 =	vld [tilespmem:s12+$0x9770];
	v6 =	vadd.bf16 v6, v8;
	v5 =	vadd.bf16 v5, v7  }
0xb5: {  	v8 =	vld [tilespmem:s12+$0x97A0];
	v7 =	vadd.bf16 v14, v9;
	v9 =	vadd.bf16 v16, v10  }
0xb6: {  	v10 =	vld [tilespmem:s12+$0x97B0];
	v4 =	vadd.bf16 v4, v6;
	v2 =	vadd.bf16 v2, v5  }
0xb7: {  	v6 =	vld [tilespmem:s12+$0x97E0];
	v5 =	vadd.bf16 v12, v7;
	v7 =	vadd.bf16 v15, v9  }
0xb8: {  	v3 =	vadd.bf16 v3, v4;
	v1 =	vadd.bf16 v1, v2  }
0xb9: {  	v2 =	vld [tilespmem:s12+$0x97F0];
	v4 =	vadd.bf16 v11, v5  }
0xba: {  	v5 =	vadd.bf16 v8, v7;
	v0 =	vadd.bf16 v0, v3;
	v3 =	vshll.u32 v1, $0x10  }
0xbb: {  	v1 =	vand.u32 $0xFFFF0000, v1;
	[tilespmem:s1+$0x12C80] =	vst v3  }
0xbc: {  	v3 =	vadd.bf16 v10, v4;
	v4 =	vadd.bf16 v6, v5;
	[tilespmem:s1+$0x12C90] =	vst v1;
	v1 =	vshll.u32 v0, $0x10  }
0xbd: {  	v0 =	vand.u32 $0xFFFF0000, v0;
	[tilespmem:s1+$0x12CA0] =	vst v1  }
0xbe: {  	[tilespmem:s1+$0x12CB0] =	vst v0;
	v1 =	vadd.bf16 v2, v3;
	v0 =	vshll.u32 v4, $0x10  }
0xbf: {  	v2 =	vand.u32 $0xFFFF0000, v4;
	[tilespmem:s1+$0x12CC0] =	vst v0  }
0xc0: {  	[tilespmem:s1+$0x12CD0] =	vst v2;
	v0 =	vshll.u32 v1, $0x10  }
0xc1: {  	v1 =	vand.u32 $0xFFFF0000, v1;
	[tilespmem:s1+$0x12CE0] =	vst v0  }
0xc2: {  	s14 =	sadd.s32 $0x3E8, s0;
	[tilespmem:s1+$0x12CF0] =	vst v1  }
0xc3: {  	[tilespmem:s13], [sflag:$0x2] =	stream.indirect.gather [hbm4b:s3+s8], $0x40, s14, s8, $0xb8;
	[tilespmem:$0x16C00] =	vst v63  }
0xc4: {  	s14 =	sadd.s32 $0x450, s0  }
0xc5: {  	[tilespmem:s15], [sflag:$0x2] =	stream.indirect.gather [hbm4b:s3+s10], $0x40, s14, s10, $0xb8;
	[tilespmem:$0x16C00] =	vst v63  }
0xc6: {  	_ =	swait.ge [sflag:s26], $0x3200  }
0xc7: {  	[sflag:s26] =	ssyncset.done $0x0  }
0xc8: {  	s12 =	simm.s32 $0x0;
	[sflag:s26] =	ssyncadd.s32 $0xFFFFCE00  }
0xc9: {  	v1 =	vld [tilespmem:s12+$0xC9C0]  }
0xca: {  	v0 =	vld [tilespmem:s12+$0xC9D0]  }
0xcb: {  	v2 =	vld [tilespmem:s12+$0xC980]  }
0xcc: {  	v3 =	vld [tilespmem:s12+$0xC990]  }
0xcd: {  	v5 =	vld [tilespmem:s12+$0xC940]  }
0xce: {  	v4 =	vld [tilespmem:s12+$0xC950]  }
0xcf: {  	v7 =	vld [tilespmem:s12+$0xC900]  }
0xd0: {  	v6 =	vld [tilespmem:s12+$0xC910]  }
0xd1: {  	v9 =	vld [tilespmem:s12+$0xC8C0]  }
0xd2: {  	v8 =	vld [tilespmem:s12+$0xC8D0]  }
0xd3: {  	v11 =	vld [tilespmem:s12+$0xC880]  }
0xd4: {  	v10 =	vld [tilespmem:s12+$0xC890]  }
0xd5: {  	v17 =	vld [tilespmem:s12+$0xC840]  }
0xd6: {  	v16 =	vld [tilespmem:s12+$0xC850]  }
0xd7: {  	v19 =	vld [tilespmem:s12+$0xC800]  }
0xd8: {  	v13 =	vimm.bf16 $0.0e+00;
	v20 =	vld [tilespmem:s12+$0xC810]  }
0xd9: {  	v14 =	vimm.bf16 $0.0e+00;
	v15 =	vimm.bf16 $0.0e+00;
	v12 =	vimm.bf16 $0.0e+00;
	s14 =	simm.s32 $0x800;
	v18 =	vld [tilespmem:s12+$0xC820]  }
.LBB2_7:
0xda: {  	p0 =	sne.s32 s14, $0xC000;
	v21 =	vld [tilespmem:s12+$0xC830]  }
0xdb: {  	v22 =	vld [tilespmem:s12+$0xC860]  }
0xdc: {  	v23 =	vld [tilespmem:s12+$0xC870]  }
0xdd: {  	v24 =	vld [tilespmem:s12+$0xC8A0]  }
0xde: {  	v14 =	vadd.bf16 v19, v14;
	v15 =	vadd.bf16 v20, v15;
	v19 =	vld [tilespmem:s12+$0xC8B0]  }
0xdf: {  	v13 =	vadd.bf16 v18, v13;
	v12 =	vadd.bf16 v21, v12;
	v18 =	vld [tilespmem:s12+$0xC8E0]  }
0xe0: {  	v14 =	vadd.bf16 v17, v14;
	v15 =	vadd.bf16 v16, v15;
	v16 =	vld [tilespmem:s12+$0xC8F0]  }
0xe1: {  	v13 =	vadd.bf16 v22, v13;
	v12 =	vadd.bf16 v23, v12;
	v17 =	vld [tilespmem:s12+$0xC920]  }
0xe2: {  	v11 =	vadd.bf16 v11, v14;
	v10 =	vadd.bf16 v10, v15;
	v14 =	vld [tilespmem:s12+$0xC930]  }
0xe3: {  	v13 =	vadd.bf16 v24, v13;
	v12 =	vadd.bf16 v19, v12;
	v15 =	vld [tilespmem:s12+$0xC960]  }
0xe4: {  	v9 =	vadd.bf16 v9, v11;
	v8 =	vadd.bf16 v8, v10;
	v10 =	vld [tilespmem:s12+$0xC970]  }
0xe5: {  	v11 =	vadd.bf16 v18, v13;
	v12 =	vadd.bf16 v16, v12;
	v13 =	vld [tilespmem:s12+$0xC9A0]  }
0xe6: {  	v7 =	vadd.bf16 v7, v9;
	v6 =	vadd.bf16 v6, v8;
	v8 =	vld [tilespmem:s12+$0xC9B0]  }
0xe7: {  	v9 =	vadd.bf16 v17, v11;
	v11 =	vadd.bf16 v14, v12;
	v12 =	vld [tilespmem:s12+$0xC9E0]  }
0xe8: {  	v5 =	vadd.bf16 v5, v7;
	v4 =	vadd.bf16 v4, v6;
	v6 =	vld [tilespmem:s12+$0xC9F0];
	s12 =	sshra.s32 s14, $0x2  }
0xe9: {  	v9 =	vadd.bf16 v15, v9;
	v7 =	vld [tilespmem:s12+$0xC9C0];
	v10 =	vadd.bf16 v10, v11  }
0xea: {  	v5 =	vadd.bf16 v2, v5;
	v4 =	vadd.bf16 v3, v4;
	v11 =	vld [tilespmem:s12+$0xC9D0]  }
0xeb: {  	v9 =	vadd.bf16 v13, v9;
	v2 =	vld [tilespmem:s12+$0xC980];
	v8 =	vadd.bf16 v8, v10  }
0xec: {  	v14 =	vadd.bf16 v1, v5;
	v15 =	vadd.bf16 v0, v4;
	v3 =	vld [tilespmem:s12+$0xC990]  }
0xed: {  	v13 =	vadd.bf16 v12, v9;
	v5 =	vld [tilespmem:s12+$0xC940];
	v12 =	vadd.bf16 v6, v8  }
0xee: {  	v4 =	vld [tilespmem:s12+$0xC950];
	v1 =	vmov v7  }
0xef: {  	v7 =	vld [tilespmem:s12+$0xC900];
	v0 =	vmov v11  }
0xf0: {  	v6 =	vld [tilespmem:s12+$0xC910]  }
0xf1: {  	v9 =	vld [tilespmem:s12+$0xC8C0]  }
0xf2: {  	v8 =	vld [tilespmem:s12+$0xC8D0]  }
0xf3: {  	v11 =	vld [tilespmem:s12+$0xC880]  }
0xf4: {  	v10 =	vld [tilespmem:s12+$0xC890]  }
.Ltmp2:
0xf5: {  	v17 =	vld [tilespmem:s12+$0xC840];
	(pc) =	sbr.rel @p0 .LBB2_7-.Ltmp2, $4  }
0xf6: {  	v16 =	vld [tilespmem:s12+$0xC850]  }
0xf7: {  	v19 =	vld [tilespmem:s12+$0xC800]  }
0xf8: {  	v20 =	vld [tilespmem:s12+$0xC810]  }
0xf9: {  	s14 =	sadd.s32 $0x800, s14;
	v18 =	vld [tilespmem:s12+$0xC820]  }
0xfa: {  	_ = 	snop  }
0xfb: {  	v21 =	vld [tilespmem:s12+$0xC830]  }
0xfc: {  	v22 =	vld [tilespmem:s12+$0xC860];
	v14 =	vadd.bf16 v19, v14  }
0xfd: {  	v23 =	vld [tilespmem:s12+$0xC8A0]  }
0xfe: {  	v19 =	vld [tilespmem:s12+$0xC870];
	v15 =	vadd.bf16 v20, v15;
	v14 =	vadd.bf16 v17, v14  }
0xff: {  	v17 =	vld [tilespmem:s12+$0xC8B0];
	v13 =	vadd.bf16 v18, v13  }
0x100: {  	v18 =	vld [tilespmem:s12+$0xC8E0];
	v15 =	vadd.bf16 v16, v15;
	v11 =	vadd.bf16 v11, v14  }
0x101: {  	v12 =	vadd.bf16 v21, v12;
	v16 =	vld [tilespmem:s12+$0xC920];
	v13 =	vadd.bf16 v22, v13  }
0x102: {  	v14 =	vld [tilespmem:s12+$0xC8F0];
	v10 =	vadd.bf16 v10, v15;
	v9 =	vadd.bf16 v9, v11  }
0x103: {  	v15 =	vld [tilespmem:s12+$0xC960];
	v11 =	vadd.bf16 v19, v12;
	v13 =	vadd.bf16 v23, v13  }
0x104: {  	v12 =	vld [tilespmem:s12+$0xC930];
	v8 =	vadd.bf16 v8, v10;
	v7 =	vadd.bf16 v7, v9  }
0x105: {  	v9 =	vadd.bf16 v17, v11;
	v10 =	vadd.bf16 v18, v13  }
0x106: {  	v11 =	vld [tilespmem:s12+$0xC970];
	v6 =	vadd.bf16 v6, v8;
	v5 =	vadd.bf16 v5, v7  }
0x107: {  	v8 =	vld [tilespmem:s12+$0xC9A0];
	v7 =	vadd.bf16 v14, v9;
	v9 =	vadd.bf16 v16, v10  }
0x108: {  	v10 =	vld [tilespmem:s12+$0xC9B0];
	v4 =	vadd.bf16 v4, v6;
	v2 =	vadd.bf16 v2, v5  }
0x109: {  	v6 =	vld [tilespmem:s12+$0xC9E0];
	v5 =	vadd.bf16 v12, v7;
	v7 =	vadd.bf16 v15, v9  }
0x10a: {  	v3 =	vadd.bf16 v3, v4;
	v1 =	vadd.bf16 v1, v2  }
0x10b: {  	v2 =	vld [tilespmem:s12+$0xC9F0];
	v4 =	vadd.bf16 v11, v5  }
0x10c: {  	v5 =	vadd.bf16 v8, v7;
	v0 =	vadd.bf16 v0, v3;
	v3 =	vshll.u32 v1, $0x10  }
0x10d: {  	v1 =	vand.u32 $0xFFFF0000, v1;
	[tilespmem:s1+$0x12D00] =	vst v3  }
0x10e: {  	v3 =	vadd.bf16 v10, v4;
	v4 =	vadd.bf16 v6, v5;
	[tilespmem:s1+$0x12D10] =	vst v1;
	v1 =	vshll.u32 v0, $0x10  }
0x10f: {  	v0 =	vand.u32 $0xFFFF0000, v0;
	[tilespmem:s1+$0x12D20] =	vst v1  }
0x110: {  	[tilespmem:s1+$0x12D30] =	vst v0;
	v1 =	vadd.bf16 v2, v3;
	v0 =	vshll.u32 v4, $0x10  }
0x111: {  	v2 =	vand.u32 $0xFFFF0000, v4;
	[tilespmem:s1+$0x12D40] =	vst v0  }
0x112: {  	[tilespmem:s1+$0x12D50] =	vst v2;
	v0 =	vshll.u32 v1, $0x10  }
0x113: {  	v1 =	vand.u32 $0xFFFF0000, v1;
	[tilespmem:s1+$0x12D60] =	vst v0  }
0x114: {  	s14 =	sadd.s32 $0x4B0, s0;
	[tilespmem:s1+$0x12D70] =	vst v1  }
0x115: {  	[tilespmem:s17], [sflag:$0x3] =	stream.indirect.gather [hbm4b:s3+s8], $0x40, s14, s8, $0xb8;
	[tilespmem:$0x16C00] =	vst v63  }
0x116: {  	s14 =	sadd.s32 $0x518, s0  }
0x117: {  	[tilespmem:s19], [sflag:$0x3] =	stream.indirect.gather [hbm4b:s3+s10], $0x40, s14, s10, $0xb8;
	[tilespmem:$0x16C00] =	vst v63  }
0x118: {  	_ =	swait.ge [sflag:s28], $0x3200  }
0x119: {  	[sflag:s28] =	ssyncset.done $0x0  }
0x11a: {  	s12 =	simm.s32 $0x0;
	[sflag:s28] =	ssyncadd.s32 $0xFFFFCE00  }
0x11b: {  	v1 =	vld [tilespmem:s12+$0xFBC0]  }
0x11c: {  	v0 =	vld [tilespmem:s12+$0xFBD0]  }
0x11d: {  	v2 =	vld [tilespmem:s12+$0xFB80]  }
0x11e: {  	v3 =	vld [tilespmem:s12+$0xFB90]  }
0x11f: {  	v5 =	vld [tilespmem:s12+$0xFB40]  }
0x120: {  	v4 =	vld [tilespmem:s12+$0xFB50]  }
0x121: {  	v7 =	vld [tilespmem:s12+$0xFB00]  }
0x122: {  	v6 =	vld [tilespmem:s12+$0xFB10]  }
0x123: {  	v9 =	vld [tilespmem:s12+$0xFAC0]  }
0x124: {  	v8 =	vld [tilespmem:s12+$0xFAD0]  }
0x125: {  	v11 =	vld [tilespmem:s12+$0xFA80]  }
0x126: {  	v10 =	vld [tilespmem:s12+$0xFA90]  }
0x127: {  	v17 =	vld [tilespmem:s12+$0xFA40]  }
0x128: {  	v16 =	vld [tilespmem:s12+$0xFA50]  }
0x129: {  	v19 =	vld [tilespmem:s12+$0xFA00]  }
0x12a: {  	v13 =	vimm.bf16 $0.0e+00;
	v20 =	vld [tilespmem:s12+$0xFA10]  }
0x12b: {  	v14 =	vimm.bf16 $0.0e+00;
	v15 =	vimm.bf16 $0.0e+00;
	v12 =	vimm.bf16 $0.0e+00;
	s14 =	simm.s32 $0x800;
	v18 =	vld [tilespmem:s12+$0xFA20]  }
.LBB2_9:
0x12c: {  	p0 =	sne.s32 s14, $0xC000;
	v21 =	vld [tilespmem:s12+$0xFA30]  }
0x12d: {  	v22 =	vld [tilespmem:s12+$0xFA60]  }
0x12e: {  	v23 =	vld [tilespmem:s12+$0xFA70]  }
0x12f: {  	v24 =	vld [tilespmem:s12+$0xFAA0]  }
0x130: {  	v14 =	vadd.bf16 v19, v14;
	v15 =	vadd.bf16 v20, v15;
	v19 =	vld [tilespmem:s12+$0xFAB0]  }
0x131: {  	v13 =	vadd.bf16 v18, v13;
	v12 =	vadd.bf16 v21, v12;
	v18 =	vld [tilespmem:s12+$0xFAE0]  }
0x132: {  	v14 =	vadd.bf16 v17, v14;
	v15 =	vadd.bf16 v16, v15;
	v16 =	vld [tilespmem:s12+$0xFAF0]  }
0x133: {  	v13 =	vadd.bf16 v22, v13;
	v12 =	vadd.bf16 v23, v12;
	v17 =	vld [tilespmem:s12+$0xFB20]  }
0x134: {  	v11 =	vadd.bf16 v11, v14;
	v10 =	vadd.bf16 v10, v15;
	v14 =	vld [tilespmem:s12+$0xFB30]  }
0x135: {  	v13 =	vadd.bf16 v24, v13;
	v12 =	vadd.bf16 v19, v12;
	v15 =	vld [tilespmem:s12+$0xFB60]  }
0x136: {  	v9 =	vadd.bf16 v9, v11;
	v8 =	vadd.bf16 v8, v10;
	v10 =	vld [tilespmem:s12+$0xFB70]  }
0x137: {  	v11 =	vadd.bf16 v18, v13;
	v12 =	vadd.bf16 v16, v12;
	v13 =	vld [tilespmem:s12+$0xFBA0]  }
0x138: {  	v7 =	vadd.bf16 v7, v9;
	v6 =	vadd.bf16 v6, v8;
	v8 =	vld [tilespmem:s12+$0xFBB0]  }
0x139: {  	v9 =	vadd.bf16 v17, v11;
	v11 =	vadd.bf16 v14, v12;
	v12 =	vld [tilespmem:s12+$0xFBE0]  }
0x13a: {  	v5 =	vadd.bf16 v5, v7;
	v4 =	vadd.bf16 v4, v6;
	v6 =	vld [tilespmem:s12+$0xFBF0];
	s12 =	sshra.s32 s14, $0x2  }
0x13b: {  	v9 =	vadd.bf16 v15, v9;
	v7 =	vld [tilespmem:s12+$0xFBC0];
	v10 =	vadd.bf16 v10, v11  }
0x13c: {  	v5 =	vadd.bf16 v2, v5;
	v4 =	vadd.bf16 v3, v4;
	v11 =	vld [tilespmem:s12+$0xFBD0]  }
0x13d: {  	v9 =	vadd.bf16 v13, v9;
	v2 =	vld [tilespmem:s12+$0xFB80];
	v8 =	vadd.bf16 v8, v10  }
0x13e: {  	v14 =	vadd.bf16 v1, v5;
	v15 =	vadd.bf16 v0, v4;
	v3 =	vld [tilespmem:s12+$0xFB90]  }
0x13f: {  	v13 =	vadd.bf16 v12, v9;
	v5 =	vld [tilespmem:s12+$0xFB40];
	v12 =	vadd.bf16 v6, v8  }
0x140: {  	v4 =	vld [tilespmem:s12+$0xFB50];
	v1 =	vmov v7  }
0x141: {  	v7 =	vld [tilespmem:s12+$0xFB00];
	v0 =	vmov v11  }
0x142: {  	v6 =	vld [tilespmem:s12+$0xFB10]  }
0x143: {  	v9 =	vld [tilespmem:s12+$0xFAC0]  }
0x144: {  	v8 =	vld [tilespmem:s12+$0xFAD0]  }
0x145: {  	v11 =	vld [tilespmem:s12+$0xFA80]  }
0x146: {  	v10 =	vld [tilespmem:s12+$0xFA90]  }
.Ltmp3:
0x147: {  	v17 =	vld [tilespmem:s12+$0xFA40];
	(pc) =	sbr.rel @p0 .LBB2_9-.Ltmp3, $4  }
0x148: {  	v16 =	vld [tilespmem:s12+$0xFA50]  }
0x149: {  	v19 =	vld [tilespmem:s12+$0xFA00]  }
0x14a: {  	v20 =	vld [tilespmem:s12+$0xFA10]  }
0x14b: {  	s14 =	sadd.s32 $0x800, s14;
	v18 =	vld [tilespmem:s12+$0xFA20]  }
0x14c: {  	_ = 	snop  }
0x14d: {  	v21 =	vld [tilespmem:s12+$0xFA30]  }
0x14e: {  	v22 =	vld [tilespmem:s12+$0xFA60];
	v14 =	vadd.bf16 v19, v14  }
0x14f: {  	v35 =	vld [tilespmem:s12+$0xFA70]  }
0x150: {  	v23 =	vld [tilespmem:s12+$0xFAA0];
	v15 =	vadd.bf16 v20, v15;
	v14 =	vadd.bf16 v17, v14  }
0x151: {  	v36 =	vld [tilespmem:s12+$0xFAB0];
	v13 =	vadd.bf16 v18, v13  }
0x152: {  	v37 =	vld [tilespmem:s12+$0xFAE0];
	v15 =	vadd.bf16 v16, v15;
	v11 =	vadd.bf16 v11, v14  }
0x153: {  	v38 =	vld [tilespmem:s12+$0xFAF0];
	v12 =	vadd.bf16 v21, v12;
	v13 =	vadd.bf16 v22, v13  }
0x154: {  	v39 =	vld [tilespmem:s12+$0xFB20];
	v10 =	vadd.bf16 v10, v15;
	v9 =	vadd.bf16 v9, v11  }
0x155: {  	v41 =	vld [tilespmem:s12+$0xFB30];
	v40 =	vadd.bf16 v35, v12;
	v13 =	vadd.bf16 v23, v13  }
0x156: {  	v42 =	vld [tilespmem:s12+$0xFB60];
	v8 =	vadd.bf16 v8, v10;
	v7 =	vadd.bf16 v7, v9  }
0x157: {  	v43 =	vadd.bf16 v36, v40;
	v44 =	vadd.bf16 v37, v13  }
0x158: {  	v45 =	vld [tilespmem:s12+$0xFB70];
	v6 =	vadd.bf16 v6, v8;
	v5 =	vadd.bf16 v5, v7  }
0x159: {  	v47 =	vld [tilespmem:s12+$0xFBA0];
	v46 =	vadd.bf16 v38, v43;
	v48 =	vadd.bf16 v39, v44  }
0x15a: {  	v49 =	vld [tilespmem:s12+$0xFBB0];
	v4 =	vadd.bf16 v4, v6;
	v2 =	vadd.bf16 v2, v5  }
0x15b: {  	v51 =	vld [tilespmem:s12+$0xFBE0];
	v50 =	vadd.bf16 v41, v46;
	v52 =	vadd.bf16 v42, v48  }
0x15c: {  	v3 =	vadd.bf16 v3, v4;
	v1 =	vadd.bf16 v1, v2  }
0x15d: {  	v53 =	vld [tilespmem:s12+$0xFBF0];
	v54 =	vadd.bf16 v45, v50  }
0x15e: {  	v55 =	vadd.bf16 v47, v52;
	v0 =	vadd.bf16 v0, v3;
	v56 =	vshll.u32 v1, $0x10  }
0x15f: {  	v1 =	vand.u32 $0xFFFF0000, v1;
	[tilespmem:s1+$0x12D80] =	vst v56  }
0x160: {  	v57 =	vadd.bf16 v49, v54;
	v58 =	vadd.bf16 v51, v55;
	[tilespmem:s1+$0x12D90] =	vst v1;
	v59 =	vshll.u32 v0, $0x10  }
0x161: {  	v0 =	vand.u32 $0xFFFF0000, v0;
	[tilespmem:s1+$0x12DA0] =	vst v59  }
0x162: {  	v60 =	vadd.bf16 v53, v57;
	[tilespmem:s1+$0x12DB0] =	vst v0;
	v61 =	vshll.u32 v58, $0x10  }
0x163: {  	s31 =	sadd.s32 $0x1, s31;
	v62 =	vand.u32 $0xFFFF0000, v58;
	[tilespmem:s1+$0x12DC0] =	vst v61  }
0x164: {  	p0 =	sne.s32 s31, $0x1F;
	[tilespmem:s1+$0x12DD0] =	vst v62;
	v63 =	vshll.u32 v60, $0x10  }
.Ltmp4:
0x165: {  	v1 =	vand.u32 $0xFFFF0000, v60;
	[tilespmem:s1+$0x12DE0] =	vst v63;
	(pc) =	sbr.rel @p0 .LBB2_2-.Ltmp4, $4  }
0x166: {  	s12 =	sadd.s32 $0x578, s0;
	[tilespmem:s1+$0x12DF0] =	vst v1  }
0x167: {  	[tilespmem:s21], [sflag:$0x4] =	stream.indirect.gather [hbm4b:s3+s8], $0x40, s12, s8, $0xb8;
	[tilespmem:$0x16C00] =	vst v63  }
0x168: {  	s14 =	sadd.s32 $0x5E0, s0  }
0x169: {  	[tilespmem:s23], [sflag:$0x4] =	stream.indirect.gather [hbm4b:s3+s10], $0x40, s14, s10, $0xb8;
	[tilespmem:$0x16C00] =	vst v63  }
0x16a: {  	_ =	swait.ge [sflag:s24], $0x3200  }
0x16b: {  	[sflag:s24] =	ssyncset.done $0x0  }
0x16c: {  	s0 =	simm.s32 $0x0;
	[sflag:s24] =	ssyncadd.s32 $0xFFFFCE00  }
0x16d: {  	v1 =	vld [tilespmem:s0+$0x65C0]  }
0x16e: {  	v0 =	vld [tilespmem:s0+$0x65D0]  }
0x16f: {  	v2 =	vld [tilespmem:s0+$0x6580]  }
0x170: {  	v3 =	vld [tilespmem:s0+$0x6590]  }
0x171: {  	v5 =	vld [tilespmem:s0+$0x6540]  }
0x172: {  	v4 =	vld [tilespmem:s0+$0x6550]  }
0x173: {  	v7 =	vld [tilespmem:s0+$0x6500]  }
0x174: {  	v6 =	vld [tilespmem:s0+$0x6510]  }
0x175: {  	v9 =	vld [tilespmem:s0+$0x64C0]  }
0x176: {  	v8 =	vld [tilespmem:s0+$0x64D0]  }
0x177: {  	v11 =	vld [tilespmem:s0+$0x6480]  }
0x178: {  	v10 =	vld [tilespmem:s0+$0x6490]  }
0x179: {  	v17 =	vld [tilespmem:s0+$0x6440]  }
0x17a: {  	v16 =	vld [tilespmem:s0+$0x6450]  }
0x17b: {  	v19 =	vld [tilespmem:s0+$0x6400]  }
0x17c: {  	v14 =	vimm.bf16 $0.0e+00;
	v20 =	vld [tilespmem:s0+$0x6410]  }
0x17d: {  	s1 =	simm.s32 $0x800;
	v15 =	vimm.bf16 $0.0e+00;
	v13 =	vimm.bf16 $0.0e+00;
	v12 =	vimm.bf16 $0.0e+00;
	v18 =	vld [tilespmem:s0+$0x6420]  }
.LBB2_12:
0x17e: {  	p0 =	sne.s32 s1, $0xC000;
	v21 =	vld [tilespmem:s0+$0x6430]  }
0x17f: {  	v22 =	vld [tilespmem:s0+$0x6460]  }
0x180: {  	v23 =	vld [tilespmem:s0+$0x6470]  }
0x181: {  	v24 =	vld [tilespmem:s0+$0x64A0]  }
0x182: {  	v14 =	vadd.bf16 v19, v14;
	v15 =	vadd.bf16 v20, v15;
	v19 =	vld [tilespmem:s0+$0x64B0]  }
0x183: {  	v13 =	vadd.bf16 v18, v13;
	v12 =	vadd.bf16 v21, v12;
	v18 =	vld [tilespmem:s0+$0x64E0]  }
0x184: {  	v14 =	vadd.bf16 v17, v14;
	v15 =	vadd.bf16 v16, v15;
	v16 =	vld [tilespmem:s0+$0x64F0]  }
0x185: {  	v13 =	vadd.bf16 v22, v13;
	v12 =	vadd.bf16 v23, v12;
	v17 =	vld [tilespmem:s0+$0x6520]  }
0x186: {  	v11 =	vadd.bf16 v11, v14;
	v10 =	vadd.bf16 v10, v15;
	v14 =	vld [tilespmem:s0+$0x6530]  }
0x187: {  	v13 =	vadd.bf16 v24, v13;
	v12 =	vadd.bf16 v19, v12;
	v15 =	vld [tilespmem:s0+$0x6560]  }
0x188: {  	v9 =	vadd.bf16 v9, v11;
	v8 =	vadd.bf16 v8, v10;
	v10 =	vld [tilespmem:s0+$0x6570]  }
0x189: {  	v11 =	vadd.bf16 v18, v13;
	v12 =	vadd.bf16 v16, v12;
	v13 =	vld [tilespmem:s0+$0x65A0]  }
0x18a: {  	v7 =	vadd.bf16 v7, v9;
	v6 =	vadd.bf16 v6, v8;
	v8 =	vld [tilespmem:s0+$0x65B0]  }
0x18b: {  	v9 =	vadd.bf16 v17, v11;
	v11 =	vadd.bf16 v14, v12;
	v12 =	vld [tilespmem:s0+$0x65E0]  }
0x18c: {  	v5 =	vadd.bf16 v5, v7;
	v4 =	vadd.bf16 v4, v6;
	v6 =	vld [tilespmem:s0+$0x65F0];
	s0 =	sshra.s32 s1, $0x2  }
0x18d: {  	v9 =	vadd.bf16 v15, v9;
	v7 =	vld [tilespmem:s0+$0x65C0];
	v10 =	vadd.bf16 v10, v11  }
0x18e: {  	v5 =	vadd.bf16 v2, v5;
	v4 =	vadd.bf16 v3, v4;
	v11 =	vld [tilespmem:s0+$0x65D0]  }
0x18f: {  	v9 =	vadd.bf16 v13, v9;
	v2 =	vld [tilespmem:s0+$0x6580];
	v8 =	vadd.bf16 v8, v10  }
0x190: {  	v14 =	vadd.bf16 v1, v5;
	v15 =	vadd.bf16 v0, v4;
	v3 =	vld [tilespmem:s0+$0x6590]  }
0x191: {  	v13 =	vadd.bf16 v12, v9;
	v5 =	vld [tilespmem:s0+$0x6540];
	v12 =	vadd.bf16 v6, v8  }
0x192: {  	v4 =	vld [tilespmem:s0+$0x6550];
	v1 =	vmov v7  }
0x193: {  	v7 =	vld [tilespmem:s0+$0x6500];
	v0 =	vmov v11  }
0x194: {  	v6 =	vld [tilespmem:s0+$0x6510]  }
0x195: {  	v9 =	vld [tilespmem:s0+$0x64C0]  }
0x196: {  	v8 =	vld [tilespmem:s0+$0x64D0]  }
0x197: {  	v11 =	vld [tilespmem:s0+$0x6480]  }
0x198: {  	v10 =	vld [tilespmem:s0+$0x6490]  }
.Ltmp5:
0x199: {  	v17 =	vld [tilespmem:s0+$0x6440];
	(pc) =	sbr.rel @p0 .LBB2_12-.Ltmp5, $4  }
0x19a: {  	v16 =	vld [tilespmem:s0+$0x6450]  }
0x19b: {  	v19 =	vld [tilespmem:s0+$0x6400]  }
0x19c: {  	v20 =	vld [tilespmem:s0+$0x6410]  }
0x19d: {  	s1 =	sadd.s32 $0x800, s1;
	v18 =	vld [tilespmem:s0+$0x6420]  }
0x19e: {  	_ = 	snop  }
0x19f: {  	v21 =	vld [tilespmem:s0+$0x6430]  }
0x1a0: {  	v22 =	vld [tilespmem:s0+$0x6460];
	v14 =	vadd.bf16 v19, v14  }
0x1a1: {  	v23 =	vld [tilespmem:s0+$0x64A0]  }
0x1a2: {  	v19 =	vld [tilespmem:s0+$0x6470];
	v15 =	vadd.bf16 v20, v15;
	v14 =	vadd.bf16 v17, v14  }
0x1a3: {  	v17 =	vld [tilespmem:s0+$0x64B0];
	v13 =	vadd.bf16 v18, v13  }
0x1a4: {  	v18 =	vld [tilespmem:s0+$0x64E0];
	v15 =	vadd.bf16 v16, v15;
	v11 =	vadd.bf16 v11, v14  }
0x1a5: {  	v12 =	vadd.bf16 v21, v12;
	v16 =	vld [tilespmem:s0+$0x6520];
	v13 =	vadd.bf16 v22, v13  }
0x1a6: {  	v14 =	vld [tilespmem:s0+$0x64F0];
	v10 =	vadd.bf16 v10, v15;
	v9 =	vadd.bf16 v9, v11  }
0x1a7: {  	v15 =	vld [tilespmem:s0+$0x6560];
	v11 =	vadd.bf16 v19, v12;
	v13 =	vadd.bf16 v23, v13  }
0x1a8: {  	v12 =	vld [tilespmem:s0+$0x6530];
	v8 =	vadd.bf16 v8, v10;
	v7 =	vadd.bf16 v7, v9  }
0x1a9: {  	v9 =	vadd.bf16 v17, v11;
	v10 =	vadd.bf16 v18, v13  }
0x1aa: {  	v11 =	vld [tilespmem:s0+$0x6570];
	v6 =	vadd.bf16 v6, v8;
	v5 =	vadd.bf16 v5, v7  }
0x1ab: {  	v8 =	vld [tilespmem:s0+$0x65A0];
	v7 =	vadd.bf16 v14, v9;
	v9 =	vadd.bf16 v16, v10  }
0x1ac: {  	v10 =	vld [tilespmem:s0+$0x65B0];
	v4 =	vadd.bf16 v4, v6;
	v2 =	vadd.bf16 v2, v5  }
0x1ad: {  	v6 =	vld [tilespmem:s0+$0x65E0];
	v5 =	vadd.bf16 v12, v7;
	v7 =	vadd.bf16 v15, v9  }
0x1ae: {  	v3 =	vadd.bf16 v3, v4;
	v1 =	vadd.bf16 v1, v2  }
0x1af: {  	v2 =	vld [tilespmem:s0+$0x65F0];
	v4 =	vadd.bf16 v11, v5  }
0x1b0: {  	v5 =	vadd.bf16 v8, v7;
	v0 =	vadd.bf16 v0, v3;
	v3 =	vshll.u32 v1, $0x10  }
0x1b1: {  	v1 =	vand.u32 $0xFFFF0000, v1;
	[tilespmem:$0x16A00] =	vst v3  }
0x1b2: {  	v3 =	vadd.bf16 v10, v4;
	v4 =	vadd.bf16 v6, v5;
	[tilespmem:$0x16A10] =	vst v1;
	v1 =	vshll.u32 v0, $0x10  }
0x1b3: {  	v0 =	vand.u32 $0xFFFF0000, v0;
	[tilespmem:$0x16A20] =	vst v1  }
0x1b4: {  	[tilespmem:$0x16A30] =	vst v0;
	v1 =	vadd.bf16 v2, v3;
	v0 =	vshll.u32 v4, $0x10  }
0x1b5: {  	v2 =	vand.u32 $0xFFFF0000, v4;
	[tilespmem:$0x16A40] =	vst v0  }
0x1b6: {  	[tilespmem:$0x16A50] =	vst v2;
	v0 =	vshll.u32 v1, $0x10  }
0x1b7: {  	v1 =	vand.u32 $0xFFFF0000, v1;
	[tilespmem:$0x16A60] =	vst v0  }
0x1b8: {  	[tilespmem:$0x16A70] =	vst v1  }
0x1b9: {  	_ =	swait.ge [sflag:s25], $0x3200  }
0x1ba: {  	[sflag:s25] =	ssyncset.done $0x0  }
0x1bb: {  	s0 =	simm.s32 $0x0;
	[sflag:s25] =	ssyncadd.s32 $0xFFFFCE00  }
0x1bc: {  	v1 =	vld [tilespmem:s0+$0x97C0]  }
0x1bd: {  	v0 =	vld [tilespmem:s0+$0x97D0]  }
0x1be: {  	v2 =	vld [tilespmem:s0+$0x9780]  }
0x1bf: {  	v3 =	vld [tilespmem:s0+$0x9790]  }
0x1c0: {  	v5 =	vld [tilespmem:s0+$0x9740]  }
0x1c1: {  	v4 =	vld [tilespmem:s0+$0x9750]  }
0x1c2: {  	v7 =	vld [tilespmem:s0+$0x9700]  }
0x1c3: {  	v6 =	vld [tilespmem:s0+$0x9710]  }
0x1c4: {  	v9 =	vld [tilespmem:s0+$0x96C0]  }
0x1c5: {  	v8 =	vld [tilespmem:s0+$0x96D0]  }
0x1c6: {  	v11 =	vld [tilespmem:s0+$0x9680]  }
0x1c7: {  	v10 =	vld [tilespmem:s0+$0x9690]  }
0x1c8: {  	v17 =	vld [tilespmem:s0+$0x9640]  }
0x1c9: {  	v16 =	vld [tilespmem:s0+$0x9650]  }
0x1ca: {  	v19 =	vld [tilespmem:s0+$0x9600]  }
0x1cb: {  	v13 =	vimm.bf16 $0.0e+00;
	v20 =	vld [tilespmem:s0+$0x9610]  }
0x1cc: {  	s1 =	simm.s32 $0x800;
	v14 =	vimm.bf16 $0.0e+00;
	v15 =	vimm.bf16 $0.0e+00;
	v12 =	vimm.bf16 $0.0e+00;
	v18 =	vld [tilespmem:s0+$0x9620]  }
.LBB2_14:
0x1cd: {  	p0 =	sne.s32 s1, $0xC000;
	v21 =	vld [tilespmem:s0+$0x9630]  }
0x1ce: {  	v22 =	vld [tilespmem:s0+$0x9660]  }
0x1cf: {  	v23 =	vld [tilespmem:s0+$0x9670]  }
0x1d0: {  	v24 =	vld [tilespmem:s0+$0x96A0]  }
0x1d1: {  	v14 =	vadd.bf16 v19, v14;
	v15 =	vadd.bf16 v20, v15;
	v19 =	vld [tilespmem:s0+$0x96B0]  }
0x1d2: {  	v13 =	vadd.bf16 v18, v13;
	v12 =	vadd.bf16 v21, v12;
	v18 =	vld [tilespmem:s0+$0x96E0]  }
0x1d3: {  	v14 =	vadd.bf16 v17, v14;
	v15 =	vadd.bf16 v16, v15;
	v16 =	vld [tilespmem:s0+$0x96F0]  }
0x1d4: {  	v13 =	vadd.bf16 v22, v13;
	v12 =	vadd.bf16 v23, v12;
	v17 =	vld [tilespmem:s0+$0x9720]  }
0x1d5: {  	v11 =	vadd.bf16 v11, v14;
	v10 =	vadd.bf16 v10, v15;
	v14 =	vld [tilespmem:s0+$0x9730]  }
0x1d6: {  	v13 =	vadd.bf16 v24, v13;
	v12 =	vadd.bf16 v19, v12;
	v15 =	vld [tilespmem:s0+$0x9760]  }
0x1d7: {  	v9 =	vadd.bf16 v9, v11;
	v8 =	vadd.bf16 v8, v10;
	v10 =	vld [tilespmem:s0+$0x9770]  }
0x1d8: {  	v11 =	vadd.bf16 v18, v13;
	v12 =	vadd.bf16 v16, v12;
	v13 =	vld [tilespmem:s0+$0x97A0]  }
0x1d9: {  	v7 =	vadd.bf16 v7, v9;
	v6 =	vadd.bf16 v6, v8;
	v8 =	vld [tilespmem:s0+$0x97B0]  }
0x1da: {  	v9 =	vadd.bf16 v17, v11;
	v11 =	vadd.bf16 v14, v12;
	v12 =	vld [tilespmem:s0+$0x97E0]  }
0x1db: {  	v5 =	vadd.bf16 v5, v7;
	v4 =	vadd.bf16 v4, v6;
	v6 =	vld [tilespmem:s0+$0x97F0];
	s0 =	sshra.s32 s1, $0x2  }
0x1dc: {  	v9 =	vadd.bf16 v15, v9;
	v7 =	vld [tilespmem:s0+$0x97C0];
	v10 =	vadd.bf16 v10, v11  }
0x1dd: {  	v5 =	vadd.bf16 v2, v5;
	v4 =	vadd.bf16 v3, v4;
	v11 =	vld [tilespmem:s0+$0x97D0]  }
0x1de: {  	v9 =	vadd.bf16 v13, v9;
	v2 =	vld [tilespmem:s0+$0x9780];
	v8 =	vadd.bf16 v8, v10  }
0x1df: {  	v14 =	vadd.bf16 v1, v5;
	v15 =	vadd.bf16 v0, v4;
	v3 =	vld [tilespmem:s0+$0x9790]  }
0x1e0: {  	v13 =	vadd.bf16 v12, v9;
	v5 =	vld [tilespmem:s0+$0x9740];
	v12 =	vadd.bf16 v6, v8  }
0x1e1: {  	v4 =	vld [tilespmem:s0+$0x9750];
	v1 =	vmov v7  }
0x1e2: {  	v7 =	vld [tilespmem:s0+$0x9700];
	v0 =	vmov v11  }
0x1e3: {  	v6 =	vld [tilespmem:s0+$0x9710]  }
0x1e4: {  	v9 =	vld [tilespmem:s0+$0x96C0]  }
0x1e5: {  	v8 =	vld [tilespmem:s0+$0x96D0]  }
0x1e6: {  	v11 =	vld [tilespmem:s0+$0x9680]  }
0x1e7: {  	v10 =	vld [tilespmem:s0+$0x9690]  }
.Ltmp6:
0x1e8: {  	v17 =	vld [tilespmem:s0+$0x9640];
	(pc) =	sbr.rel @p0 .LBB2_14-.Ltmp6, $4  }
0x1e9: {  	v16 =	vld [tilespmem:s0+$0x9650]  }
0x1ea: {  	v19 =	vld [tilespmem:s0+$0x9600]  }
0x1eb: {  	v20 =	vld [tilespmem:s0+$0x9610]  }
0x1ec: {  	s1 =	sadd.s32 $0x800, s1;
	v18 =	vld [tilespmem:s0+$0x9620]  }
0x1ed: {  	_ = 	snop  }
0x1ee: {  	v21 =	vld [tilespmem:s0+$0x9630]  }
0x1ef: {  	v22 =	vld [tilespmem:s0+$0x9660];
	v14 =	vadd.bf16 v19, v14  }
0x1f0: {  	v23 =	vld [tilespmem:s0+$0x96A0]  }
0x1f1: {  	v19 =	vld [tilespmem:s0+$0x9670];
	v15 =	vadd.bf16 v20, v15;
	v14 =	vadd.bf16 v17, v14  }
0x1f2: {  	v17 =	vld [tilespmem:s0+$0x96B0];
	v13 =	vadd.bf16 v18, v13  }
0x1f3: {  	v18 =	vld [tilespmem:s0+$0x96E0];
	v15 =	vadd.bf16 v16, v15;
	v11 =	vadd.bf16 v11, v14  }
0x1f4: {  	v12 =	vadd.bf16 v21, v12;
	v16 =	vld [tilespmem:s0+$0x9720];
	v13 =	vadd.bf16 v22, v13  }
0x1f5: {  	v14 =	vld [tilespmem:s0+$0x96F0];
	v10 =	vadd.bf16 v10, v15;
	v9 =	vadd.bf16 v9, v11  }
0x1f6: {  	v15 =	vld [tilespmem:s0+$0x9760];
	v11 =	vadd.bf16 v19, v12;
	v13 =	vadd.bf16 v23, v13  }
0x1f7: {  	v12 =	vld [tilespmem:s0+$0x9730];
	v8 =	vadd.bf16 v8, v10;
	v7 =	vadd.bf16 v7, v9  }
0x1f8: {  	v9 =	vadd.bf16 v17, v11;
	v10 =	vadd.bf16 v18, v13  }
0x1f9: {  	v11 =	vld [tilespmem:s0+$0x9770];
	v6 =	vadd.bf16 v6, v8;
	v5 =	vadd.bf16 v5, v7  }
0x1fa: {  	v8 =	vld [tilespmem:s0+$0x97A0];
	v7 =	vadd.bf16 v14, v9;
	v9 =	vadd.bf16 v16, v10  }
0x1fb: {  	v10 =	vld [tilespmem:s0+$0x97B0];
	v4 =	vadd.bf16 v4, v6;
	v2 =	vadd.bf16 v2, v5  }
0x1fc: {  	v6 =	vld [tilespmem:s0+$0x97E0];
	v5 =	vadd.bf16 v12, v7;
	v7 =	vadd.bf16 v15, v9  }
0x1fd: {  	v3 =	vadd.bf16 v3, v4;
	v1 =	vadd.bf16 v1, v2  }
0x1fe: {  	v2 =	vld [tilespmem:s0+$0x97F0];
	v4 =	vadd.bf16 v11, v5  }
0x1ff: {  	v5 =	vadd.bf16 v8, v7;
	v0 =	vadd.bf16 v0, v3;
	v3 =	vshll.u32 v1, $0x10  }
0x200: {  	v1 =	vand.u32 $0xFFFF0000, v1;
	[tilespmem:$0x16A80] =	vst v3  }
0x201: {  	v3 =	vadd.bf16 v10, v4;
	v4 =	vadd.bf16 v6, v5;
	[tilespmem:$0x16A90] =	vst v1;
	v1 =	vshll.u32 v0, $0x10  }
0x202: {  	v0 =	vand.u32 $0xFFFF0000, v0;
	[tilespmem:$0x16AA0] =	vst v1  }
0x203: {  	[tilespmem:$0x16AB0] =	vst v0;
	v1 =	vadd.bf16 v2, v3;
	v0 =	vshll.u32 v4, $0x10  }
0x204: {  	v2 =	vand.u32 $0xFFFF0000, v4;
	[tilespmem:$0x16AC0] =	vst v0  }
0x205: {  	[tilespmem:$0x16AD0] =	vst v2;
	v0 =	vshll.u32 v1, $0x10  }
0x206: {  	v1 =	vand.u32 $0xFFFF0000, v1;
	[tilespmem:$0x16AE0] =	vst v0  }
0x207: {  	[tilespmem:$0x16AF0] =	vst v1  }
0x208: {  	_ =	swait.ge [sflag:s26], $0x3200  }
0x209: {  	[sflag:s26] =	ssyncset.done $0x0  }
0x20a: {  	s0 =	simm.s32 $0x0;
	[sflag:s26] =	ssyncadd.s32 $0xFFFFCE00  }
0x20b: {  	v1 =	vld [tilespmem:s0+$0xC9C0]  }
0x20c: {  	v0 =	vld [tilespmem:s0+$0xC9D0]  }
0x20d: {  	v2 =	vld [tilespmem:s0+$0xC980]  }
0x20e: {  	v3 =	vld [tilespmem:s0+$0xC990]  }
0x20f: {  	v5 =	vld [tilespmem:s0+$0xC940]  }
0x210: {  	v4 =	vld [tilespmem:s0+$0xC950]  }
0x211: {  	v7 =	vld [tilespmem:s0+$0xC900]  }
0x212: {  	v6 =	vld [tilespmem:s0+$0xC910]  }
0x213: {  	v9 =	vld [tilespmem:s0+$0xC8C0]  }
0x214: {  	v8 =	vld [tilespmem:s0+$0xC8D0]  }
0x215: {  	v11 =	vld [tilespmem:s0+$0xC880]  }
0x216: {  	v10 =	vld [tilespmem:s0+$0xC890]  }
0x217: {  	v17 =	vld [tilespmem:s0+$0xC840]  }
0x218: {  	v16 =	vld [tilespmem:s0+$0xC850]  }
0x219: {  	v19 =	vld [tilespmem:s0+$0xC800]  }
0x21a: {  	v13 =	vimm.bf16 $0.0e+00;
	v20 =	vld [tilespmem:s0+$0xC810]  }
0x21b: {  	s1 =	simm.s32 $0x800;
	v14 =	vimm.bf16 $0.0e+00;
	v15 =	vimm.bf16 $0.0e+00;
	v12 =	vimm.bf16 $0.0e+00;
	v18 =	vld [tilespmem:s0+$0xC820]  }
.LBB2_16:
0x21c: {  	p0 =	sne.s32 s1, $0xC000;
	v21 =	vld [tilespmem:s0+$0xC830]  }
0x21d: {  	v22 =	vld [tilespmem:s0+$0xC860]  }
0x21e: {  	v23 =	vld [tilespmem:s0+$0xC870]  }
0x21f: {  	v24 =	vld [tilespmem:s0+$0xC8A0]  }
0x220: {  	v14 =	vadd.bf16 v19, v14;
	v15 =	vadd.bf16 v20, v15;
	v19 =	vld [tilespmem:s0+$0xC8B0]  }
0x221: {  	v13 =	vadd.bf16 v18, v13;
	v12 =	vadd.bf16 v21, v12;
	v18 =	vld [tilespmem:s0+$0xC8E0]  }
0x222: {  	v14 =	vadd.bf16 v17, v14;
	v15 =	vadd.bf16 v16, v15;
	v16 =	vld [tilespmem:s0+$0xC8F0]  }
0x223: {  	v13 =	vadd.bf16 v22, v13;
	v12 =	vadd.bf16 v23, v12;
	v17 =	vld [tilespmem:s0+$0xC920]  }
0x224: {  	v11 =	vadd.bf16 v11, v14;
	v10 =	vadd.bf16 v10, v15;
	v14 =	vld [tilespmem:s0+$0xC930]  }
0x225: {  	v13 =	vadd.bf16 v24, v13;
	v12 =	vadd.bf16 v19, v12;
	v15 =	vld [tilespmem:s0+$0xC960]  }
0x226: {  	v9 =	vadd.bf16 v9, v11;
	v8 =	vadd.bf16 v8, v10;
	v10 =	vld [tilespmem:s0+$0xC970]  }
0x227: {  	v11 =	vadd.bf16 v18, v13;
	v12 =	vadd.bf16 v16, v12;
	v13 =	vld [tilespmem:s0+$0xC9A0]  }
0x228: {  	v7 =	vadd.bf16 v7, v9;
	v6 =	vadd.bf16 v6, v8;
	v8 =	vld [tilespmem:s0+$0xC9B0]  }
0x229: {  	v9 =	vadd.bf16 v17, v11;
	v11 =	vadd.bf16 v14, v12;
	v12 =	vld [tilespmem:s0+$0xC9E0]  }
0x22a: {  	v5 =	vadd.bf16 v5, v7;
	v4 =	vadd.bf16 v4, v6;
	v6 =	vld [tilespmem:s0+$0xC9F0];
	s0 =	sshra.s32 s1, $0x2  }
0x22b: {  	v9 =	vadd.bf16 v15, v9;
	v7 =	vld [tilespmem:s0+$0xC9C0];
	v10 =	vadd.bf16 v10, v11  }
0x22c: {  	v5 =	vadd.bf16 v2, v5;
	v4 =	vadd.bf16 v3, v4;
	v11 =	vld [tilespmem:s0+$0xC9D0]  }
0x22d: {  	v9 =	vadd.bf16 v13, v9;
	v2 =	vld [tilespmem:s0+$0xC980];
	v8 =	vadd.bf16 v8, v10  }
0x22e: {  	v14 =	vadd.bf16 v1, v5;
	v15 =	vadd.bf16 v0, v4;
	v3 =	vld [tilespmem:s0+$0xC990]  }
0x22f: {  	v13 =	vadd.bf16 v12, v9;
	v5 =	vld [tilespmem:s0+$0xC940];
	v12 =	vadd.bf16 v6, v8  }
0x230: {  	v4 =	vld [tilespmem:s0+$0xC950];
	v1 =	vmov v7  }
0x231: {  	v7 =	vld [tilespmem:s0+$0xC900];
	v0 =	vmov v11  }
0x232: {  	v6 =	vld [tilespmem:s0+$0xC910]  }
0x233: {  	v9 =	vld [tilespmem:s0+$0xC8C0]  }
0x234: {  	v8 =	vld [tilespmem:s0+$0xC8D0]  }
0x235: {  	v11 =	vld [tilespmem:s0+$0xC880]  }
0x236: {  	v10 =	vld [tilespmem:s0+$0xC890]  }
.Ltmp7:
0x237: {  	v17 =	vld [tilespmem:s0+$0xC840];
	(pc) =	sbr.rel @p0 .LBB2_16-.Ltmp7, $4  }
0x238: {  	v16 =	vld [tilespmem:s0+$0xC850]  }
0x239: {  	v19 =	vld [tilespmem:s0+$0xC800]  }
0x23a: {  	v20 =	vld [tilespmem:s0+$0xC810]  }
0x23b: {  	s1 =	sadd.s32 $0x800, s1;
	v18 =	vld [tilespmem:s0+$0xC820]  }
0x23c: {  	_ = 	snop  }
0x23d: {  	v21 =	vld [tilespmem:s0+$0xC830]  }
0x23e: {  	v22 =	vld [tilespmem:s0+$0xC860];
	v14 =	vadd.bf16 v19, v14  }
0x23f: {  	v23 =	vld [tilespmem:s0+$0xC8A0]  }
0x240: {  	v19 =	vld [tilespmem:s0+$0xC870];
	v15 =	vadd.bf16 v20, v15;
	v14 =	vadd.bf16 v17, v14  }
0x241: {  	v17 =	vld [tilespmem:s0+$0xC8B0];
	v13 =	vadd.bf16 v18, v13  }
0x242: {  	v18 =	vld [tilespmem:s0+$0xC8E0];
	v15 =	vadd.bf16 v16, v15;
	v11 =	vadd.bf16 v11, v14  }
0x243: {  	v12 =	vadd.bf16 v21, v12;
	v16 =	vld [tilespmem:s0+$0xC920];
	v13 =	vadd.bf16 v22, v13  }
0x244: {  	v14 =	vld [tilespmem:s0+$0xC8F0];
	v10 =	vadd.bf16 v10, v15;
	v9 =	vadd.bf16 v9, v11  }
0x245: {  	v15 =	vld [tilespmem:s0+$0xC960];
	v11 =	vadd.bf16 v19, v12;
	v13 =	vadd.bf16 v23, v13  }
0x246: {  	v12 =	vld [tilespmem:s0+$0xC930];
	v8 =	vadd.bf16 v8, v10;
	v7 =	vadd.bf16 v7, v9  }
0x247: {  	v9 =	vadd.bf16 v17, v11;
	v10 =	vadd.bf16 v18, v13  }
0x248: {  	v11 =	vld [tilespmem:s0+$0xC970];
	v6 =	vadd.bf16 v6, v8;
	v5 =	vadd.bf16 v5, v7  }
0x249: {  	v8 =	vld [tilespmem:s0+$0xC9A0];
	v7 =	vadd.bf16 v14, v9;
	v9 =	vadd.bf16 v16, v10  }
0x24a: {  	v10 =	vld [tilespmem:s0+$0xC9B0];
	v4 =	vadd.bf16 v4, v6;
	v2 =	vadd.bf16 v2, v5  }
0x24b: {  	v6 =	vld [tilespmem:s0+$0xC9E0];
	v5 =	vadd.bf16 v12, v7;
	v7 =	vadd.bf16 v15, v9  }
0x24c: {  	v3 =	vadd.bf16 v3, v4;
	v1 =	vadd.bf16 v1, v2  }
0x24d: {  	v2 =	vld [tilespmem:s0+$0xC9F0];
	v4 =	vadd.bf16 v11, v5  }
0x24e: {  	v5 =	vadd.bf16 v8, v7;
	v0 =	vadd.bf16 v0, v3;
	v3 =	vshll.u32 v1, $0x10  }
0x24f: {  	v1 =	vand.u32 $0xFFFF0000, v1;
	[tilespmem:$0x16B00] =	vst v3  }
0x250: {  	v3 =	vadd.bf16 v10, v4;
	v4 =	vadd.bf16 v6, v5;
	[tilespmem:$0x16B10] =	vst v1;
	v1 =	vshll.u32 v0, $0x10  }
0x251: {  	v0 =	vand.u32 $0xFFFF0000, v0;
	[tilespmem:$0x16B20] =	vst v1  }
0x252: {  	[tilespmem:$0x16B30] =	vst v0;
	v1 =	vadd.bf16 v2, v3;
	v0 =	vshll.u32 v4, $0x10  }
0x253: {  	v2 =	vand.u32 $0xFFFF0000, v4;
	[tilespmem:$0x16B40] =	vst v0  }
0x254: {  	[tilespmem:$0x16B50] =	vst v2;
	v0 =	vshll.u32 v1, $0x10  }
0x255: {  	v1 =	vand.u32 $0xFFFF0000, v1;
	[tilespmem:$0x16B60] =	vst v0  }
0x256: {  	[tilespmem:$0x16B70] =	vst v1  }
0x257: {  	_ =	swait.ge [sflag:s28], $0x3200  }
0x258: {  	[sflag:s28] =	ssyncset.done $0x0  }
0x259: {  	s0 =	simm.s32 $0x0;
	[sflag:s28] =	ssyncadd.s32 $0xFFFFCE00  }
0x25a: {  	v1 =	vld [tilespmem:s0+$0xFBC0]  }
0x25b: {  	v0 =	vld [tilespmem:s0+$0xFBD0]  }
0x25c: {  	v2 =	vld [tilespmem:s0+$0xFB80]  }
0x25d: {  	v3 =	vld [tilespmem:s0+$0xFB90]  }
0x25e: {  	v5 =	vld [tilespmem:s0+$0xFB40]  }
0x25f: {  	v4 =	vld [tilespmem:s0+$0xFB50]  }
0x260: {  	v7 =	vld [tilespmem:s0+$0xFB00]  }
0x261: {  	v6 =	vld [tilespmem:s0+$0xFB10]  }
0x262: {  	v9 =	vld [tilespmem:s0+$0xFAC0]  }
0x263: {  	v8 =	vld [tilespmem:s0+$0xFAD0]  }
0x264: {  	v11 =	vld [tilespmem:s0+$0xFA80]  }
0x265: {  	v10 =	vld [tilespmem:s0+$0xFA90]  }
0x266: {  	v17 =	vld [tilespmem:s0+$0xFA40]  }
0x267: {  	v16 =	vld [tilespmem:s0+$0xFA50]  }
0x268: {  	v19 =	vld [tilespmem:s0+$0xFA00]  }
0x269: {  	v13 =	vimm.bf16 $0.0e+00;
	v20 =	vld [tilespmem:s0+$0xFA10]  }
0x26a: {  	s1 =	simm.s32 $0x800;
	v14 =	vimm.bf16 $0.0e+00;
	v15 =	vimm.bf16 $0.0e+00;
	v12 =	vimm.bf16 $0.0e+00;
	v18 =	vld [tilespmem:s0+$0xFA20]  }
.LBB2_18:
0x26b: {  	p0 =	sne.s32 s1, $0xC000;
	v21 =	vld [tilespmem:s0+$0xFA30]  }
0x26c: {  	v22 =	vld [tilespmem:s0+$0xFA60]  }
0x26d: {  	v23 =	vld [tilespmem:s0+$0xFA70]  }
0x26e: {  	v24 =	vld [tilespmem:s0+$0xFAA0]  }
0x26f: {  	v14 =	vadd.bf16 v19, v14;
	v15 =	vadd.bf16 v20, v15;
	v19 =	vld [tilespmem:s0+$0xFAB0]  }
0x270: {  	v13 =	vadd.bf16 v18, v13;
	v12 =	vadd.bf16 v21, v12;
	v18 =	vld [tilespmem:s0+$0xFAE0]  }
0x271: {  	v14 =	vadd.bf16 v17, v14;
	v15 =	vadd.bf16 v16, v15;
	v16 =	vld [tilespmem:s0+$0xFAF0]  }
0x272: {  	v13 =	vadd.bf16 v22, v13;
	v12 =	vadd.bf16 v23, v12;
	v17 =	vld [tilespmem:s0+$0xFB20]  }
0x273: {  	v11 =	vadd.bf16 v11, v14;
	v10 =	vadd.bf16 v10, v15;
	v14 =	vld [tilespmem:s0+$0xFB30]  }
0x274: {  	v13 =	vadd.bf16 v24, v13;
	v12 =	vadd.bf16 v19, v12;
	v15 =	vld [tilespmem:s0+$0xFB60]  }
0x275: {  	v9 =	vadd.bf16 v9, v11;
	v8 =	vadd.bf16 v8, v10;
	v10 =	vld [tilespmem:s0+$0xFB70]  }
0x276: {  	v11 =	vadd.bf16 v18, v13;
	v12 =	vadd.bf16 v16, v12;
	v13 =	vld [tilespmem:s0+$0xFBA0]  }
0x277: {  	v7 =	vadd.bf16 v7, v9;
	v6 =	vadd.bf16 v6, v8;
	v8 =	vld [tilespmem:s0+$0xFBB0]  }
0x278: {  	v9 =	vadd.bf16 v17, v11;
	v11 =	vadd.bf16 v14, v12;
	v12 =	vld [tilespmem:s0+$0xFBE0]  }
0x279: {  	v5 =	vadd.bf16 v5, v7;
	v4 =	vadd.bf16 v4, v6;
	v6 =	vld [tilespmem:s0+$0xFBF0];
	s0 =	sshra.s32 s1, $0x2  }
0x27a: {  	v9 =	vadd.bf16 v15, v9;
	v7 =	vld [tilespmem:s0+$0xFBC0];
	v10 =	vadd.bf16 v10, v11  }
0x27b: {  	v5 =	vadd.bf16 v2, v5;
	v4 =	vadd.bf16 v3, v4;
	v11 =	vld [tilespmem:s0+$0xFBD0]  }
0x27c: {  	v9 =	vadd.bf16 v13, v9;
	v2 =	vld [tilespmem:s0+$0xFB80];
	v8 =	vadd.bf16 v8, v10  }
0x27d: {  	v14 =	vadd.bf16 v1, v5;
	v15 =	vadd.bf16 v0, v4;
	v3 =	vld [tilespmem:s0+$0xFB90]  }
0x27e: {  	v13 =	vadd.bf16 v12, v9;
	v5 =	vld [tilespmem:s0+$0xFB40];
	v12 =	vadd.bf16 v6, v8  }
0x27f: {  	v4 =	vld [tilespmem:s0+$0xFB50];
	v1 =	vmov v7  }
0x280: {  	v7 =	vld [tilespmem:s0+$0xFB00];
	v0 =	vmov v11  }
0x281: {  	v6 =	vld [tilespmem:s0+$0xFB10]  }
0x282: {  	v9 =	vld [tilespmem:s0+$0xFAC0]  }
0x283: {  	v8 =	vld [tilespmem:s0+$0xFAD0]  }
0x284: {  	v11 =	vld [tilespmem:s0+$0xFA80]  }
0x285: {  	v10 =	vld [tilespmem:s0+$0xFA90]  }
.Ltmp8:
0x286: {  	v17 =	vld [tilespmem:s0+$0xFA40];
	(pc) =	sbr.rel @p0 .LBB2_18-.Ltmp8, $4  }
0x287: {  	v16 =	vld [tilespmem:s0+$0xFA50]  }
0x288: {  	v19 =	vld [tilespmem:s0+$0xFA00]  }
0x289: {  	v20 =	vld [tilespmem:s0+$0xFA10]  }
0x28a: {  	s1 =	sadd.s32 $0x800, s1;
	v18 =	vld [tilespmem:s0+$0xFA20]  }
0x28b: {  	_ = 	snop  }
0x28c: {  	v21 =	vld [tilespmem:s0+$0xFA30]  }
0x28d: {  	v22 =	vld [tilespmem:s0+$0xFA60];
	v14 =	vadd.bf16 v19, v14  }
0x28e: {  	v35 =	vld [tilespmem:s0+$0xFA70]  }
0x28f: {  	v23 =	vld [tilespmem:s0+$0xFAA0];
	v15 =	vadd.bf16 v20, v15;
	v14 =	vadd.bf16 v17, v14  }
0x290: {  	v36 =	vld [tilespmem:s0+$0xFAB0];
	v13 =	vadd.bf16 v18, v13  }
0x291: {  	v37 =	vld [tilespmem:s0+$0xFAE0];
	v15 =	vadd.bf16 v16, v15;
	v11 =	vadd.bf16 v11, v14  }
0x292: {  	v38 =	vld [tilespmem:s0+$0xFAF0];
	v12 =	vadd.bf16 v21, v12;
	v13 =	vadd.bf16 v22, v13  }
0x293: {  	v39 =	vld [tilespmem:s0+$0xFB20];
	v10 =	vadd.bf16 v10, v15;
	v9 =	vadd.bf16 v9, v11  }
0x294: {  	v41 =	vld [tilespmem:s0+$0xFB30];
	v40 =	vadd.bf16 v35, v12;
	v13 =	vadd.bf16 v23, v13  }
0x295: {  	v42 =	vld [tilespmem:s0+$0xFB60];
	v8 =	vadd.bf16 v8, v10;
	v7 =	vadd.bf16 v7, v9  }
0x296: {  	v43 =	vadd.bf16 v36, v40;
	v44 =	vadd.bf16 v37, v13  }
0x297: {  	v45 =	vld [tilespmem:s0+$0xFB70];
	v6 =	vadd.bf16 v6, v8;
	v5 =	vadd.bf16 v5, v7  }
0x298: {  	v47 =	vld [tilespmem:s0+$0xFBA0];
	v46 =	vadd.bf16 v38, v43;
	v48 =	vadd.bf16 v39, v44  }
0x299: {  	v49 =	vld [tilespmem:s0+$0xFBB0];
	v4 =	vadd.bf16 v4, v6;
	v2 =	vadd.bf16 v2, v5  }
0x29a: {  	v51 =	vld [tilespmem:s0+$0xFBE0];
	v50 =	vadd.bf16 v41, v46;
	v52 =	vadd.bf16 v42, v48  }
0x29b: {  	v3 =	vadd.bf16 v3, v4;
	v1 =	vadd.bf16 v1, v2  }
0x29c: {  	v53 =	vld [tilespmem:s0+$0xFBF0];
	v54 =	vadd.bf16 v45, v50  }
0x29d: {  	v55 =	vadd.bf16 v47, v52;
	v0 =	vadd.bf16 v0, v3;
	v56 =	vshll.u32 v1, $0x10  }
0x29e: {  	v1 =	vand.u32 $0xFFFF0000, v1;
	[tilespmem:$0x16B80] =	vst v56  }
0x29f: {  	v57 =	vadd.bf16 v49, v54;
	v58 =	vadd.bf16 v51, v55;
	[tilespmem:$0x16B90] =	vst v1;
	v59 =	vshll.u32 v0, $0x10  }
0x2a0: {  	v0 =	vand.u32 $0xFFFF0000, v0;
	[tilespmem:$0x16BA0] =	vst v59  }
0x2a1: {  	v60 =	vadd.bf16 v53, v57;
	[tilespmem:$0x16BB0] =	vst v0;
	v61 =	vshll.u32 v58, $0x10  }
0x2a2: {  	v62 =	vand.u32 $0xFFFF0000, v58;
	[tilespmem:$0x16BC0] =	vst v61  }
0x2a3: {  	s30 =	sadd.s32 $0x1, s30;
	[tilespmem:$0x16BD0] =	vst v62;
	v63 =	vshll.u32 v60, $0x10  }
0x2a4: {  	p0 =	sne.s32 s30, s6;
	v1 =	vand.u32 $0xFFFF0000, v60;
	[tilespmem:$0x16BE0] =	vst v63  }
.Ltmp9:
0x2a5: {  	[tilespmem:$0x16BF0] =	vst v1;
	(pc) =	sbr.rel @p0 .LBB2_1-.Ltmp9, $4  }
0x2a6: {  	[hbm4b:s5+s2] =	stream.linear.scatter [tilespmem:s29], [sflag:$0x5], $0x4000, $0x38;
	[tilespmem:$0x16C00] =	vst v63  }
0x2a7: {  	_ =	swait.ge [sflag:s7], $0x4000  }
0x2a8: {  	[sflag:s7] =	ssyncset.done $0x0  }
0x2a9: {  	[sflag:s7] =	ssyncadd.s32 $0xFFFFC000  }
0x2aa: {  	_ =	sfence.sel $0x180000  }
0x2ab: {  	[bflag:$0x0] =	sbarrier.arrive $0xFFFF  }
0x2ac: {  	_ =	strace $0x90000047  }
0x2ad: {  	s0 =	stileid.u32;
	[bflag:$0x2] =	sbarrier.arrive $0xFFFF  }
0x2ae: {  	p0 =	sne.s32 s0, $0x0;
	s0 =	rddreg [dreg:$0x1]  }
0x2af: {  	s0 =	sadd.s32 @!p0 $0x100000, s0  }
0x2b0: {  	[sflag:s0] =	ssyncadd.tile.s32 @!p0 $0x1;
	_ =	shalt  }
.Lfunc_end2:
_tile_overlayer_lowered:
.L_overlay_start_2:
0x2b1: {  	(tag) =	ssettag $0x2  }
0x2b2: {  	s0 =	rddreg [dreg:$0x0];
	s2 =	stileid.u32  }
0x2b3: {  	s1 =	rddreg [dreg:$0x1];
	p0 =	sne.s32 s2, $0x0  }
0x2b4: {  	s3 =	rddreg [dreg:$0x2];
	[bflag:$0x3] =	sbarrier.arrive $0xFFFF;
	s2 =	simm.s32 @!p0 $0x1C05  }
0x2b5: {  	[timem:s3], [sflag:s2] =	dma.local @!p0 [hbm:s0], s1  }
0x2b6: {  	s0 =	simm.s32 @!p0 $0x5  }
0x2b7: {  	_ =	swait.ge @!p0 [sflag:s0], s1  }
0x2b8: {  	s1 =	ssub.s32 @!p0 $0x0, s1;
	[sflag:s0] =	ssyncset.done @!p0 $0x0  }
0x2b9: {  	[sflag:s0] =	ssyncadd.s32 @!p0 s1  }
0x2ba: {  	[bflag:$0x3] =	sbarrier.arrive $0xFFFF  }
0x2bb: {  	_ =	shalt  }

</sc_bundles>
